<compile_context>
chip_gen: v7x
topology: tpu7x:2x2x1
jax: 0.10.2.dev20260603
libtpu: 0.0.44.dev20260713+nightly
codegen_flags: <defaults>
</compile_context>

<pallas_src>
import functools

import jax
import jax.numpy as jnp
from jax import lax
from jax.experimental import pallas as pl
from jax.experimental.pallas import tpu as pltpu
from jax.experimental.pallas import tpu_sc as plsc

VOCAB = 1000000
DIM = 64
BATCH = 16384
X_MAX = 100.0
ALPHA = 0.75

NC = 2
NS = 16
NW = NC * NS
L = 16
BPW = BATCH // NW

RANGE = 31232
MAIN_END = 999936
SLAB_W = 512
NB = 62
TAIL_BI = NB
WLCAP = BATCH + L


def _scan_extract(wl, cnt, src, ring, semw, o_ref, tmp, dvbig, mtot, bi):
    lanes = lax.iota(jnp.int32, L)
    nvregs = (cnt + L - 1) >> 4

    def scanv(v, mtot):
        vals = wl[pl.ds(v * L, L)]
        mm = ((vals & 32767) >> 9) == bi
        mm = mm & ((lanes + v * L) < cnt)
        plsc.store_compressed(tmp.at[pl.ds(0, L)], vals, mask=mm)
        nv = plsc.all_reduce_population_count(mm)[0]

        def handle(e, mtot):
            packed = tmp[pl.ds(e, L)][0]
            kpair = packed >> 15
            cloc = (packed & 32767) - bi * SLAB_W
            colv = jnp.full((L,), 0, jnp.int32) + cloc
            slot = mtot & 15
            for r in range(DIM // L):
                ring[slot, pl.ds(r * L, L)] = plsc.load_gather(
                    src, [lanes + r * L, colv])
            pltpu.async_copy(
                ring.at[slot], o_ref.at[pl.ds(kpair * DIM, DIM)], semw)

            @pl.when(slot == 15)
            def _():
                pltpu.make_async_copy(
                    o_ref.at[pl.ds(0, 16 * DIM)], dvbig, semw).wait()

            return mtot + 1

        return lax.fori_loop(0, nv, handle, mtot)

    return lax.fori_loop(0, nvregs, scanv, mtot)


def _k1_body(pt_hbm, ptt_hbm, i_hbm, j_hbm, wtl_hbm, wttl_hbm,
             owi_hbm, owj_hbm,
             ivall, wli, wlj,
             bw0, bw1, wtv,
             ring1, ring2, tmp, dvbig, dv,
             semb0, semb1, sem1, sem2):
    wid = lax.axis_index("s") * NC + lax.axis_index("c")
    lo = wid * RANGE
    is_last = wid == NW - 1
    lanes = lax.iota(jnp.int32, L)

    ICH = 4096

    def build_wl(src_hbm, wl):
        hi = jnp.where(is_last, VOCAB, lo + RANGE)

        def chunk(ci, cnt):
            pltpu.sync_copy(src_hbm.at[pl.ds(ci * ICH, ICH)], ivall)

            def scan(v, cnt):
                vals = ivall[pl.ds(v * L, L)]
                m = (vals >= lo) & (vals < hi)
                packed = ((lanes + ci * ICH + v * L) << 15) | (vals - lo)
                plsc.store_compressed(wl.at[pl.ds(cnt, L)], packed, mask=m)
                return cnt + plsc.all_reduce_population_count(m)[0]

            return lax.fori_loop(0, ICH // L, scan, cnt)

        return lax.fori_loop(0, BATCH // ICH, chunk, 0)

    cnt_i = build_wl(i_hbm, wli)
    cnt_j = build_wl(j_hbm, wlj)

    bufs = ((bw0, semb0), (bw1, semb1))

    def stream_table(tbl_hbm, tl_hbm, wl, cnt, ring, semw, o_ref):
        pltpu.sync_copy(tl_hbm, wtv)

        def fire(bi, bw, semb):
            col = lo + bi * SLAB_W
            pltpu.async_copy(tbl_hbm.at[:, pl.ds(col, SLAB_W)], bw, semb)

        def drain_blk(bw, semb):
            pltpu.make_async_copy(
                tbl_hbm.at[:, pl.ds(0, SLAB_W)], bw, semb).wait()

        fire(0, *bufs[0])

        def block2(bi2, m):
            for b in (0, 1):
                bi = bi2 * 2 + b
                bw, semb = bufs[b]
                nbw, nsemb = bufs[1 - b]
                drain_blk(bw, semb)

                @pl.when(bi + 1 < NB)
                def _():
                    fire(bi + 1, nbw, nsemb)

                m = _scan_extract(wl, cnt, bw, ring, semw, o_ref,
                                  tmp, dvbig, m, bi)
            return m

        m = lax.fori_loop(0, NB // 2, block2, 0)
        m = _scan_extract(wl, cnt, wtv, ring, semw, o_ref,
                          tmp, dvbig, m, TAIL_BI)

        def one(e, _):
            pltpu.make_async_copy(o_ref.at[pl.ds(0, DIM)], dv, semw).wait()
            return 0

        lax.fori_loop(0, m & 15, one, 0)

    stream_table(pt_hbm, wtl_hbm, wli, cnt_i, ring1, sem1, owi_hbm)
    stream_table(ptt_hbm, wttl_hbm, wlj, cnt_j, ring2, sem2, owj_hbm)


_k1 = functools.partial(
    pl.kernel,
    out_type=(
        jax.ShapeDtypeStruct((BATCH * DIM,), jnp.float32),
        jax.ShapeDtypeStruct((BATCH * DIM,), jnp.float32),
    ),
    mesh=plsc.VectorSubcoreMesh(core_axis_name="c", subcore_axis_name="s"),
    compiler_params=pltpu.CompilerParams(
        needs_layout_passes=False, use_tc_tiling_on_sc=True
    ),
    scratch_types=[
        pltpu.VMEM((4096,), jnp.int32),
        pltpu.VMEM((WLCAP,), jnp.int32),
        pltpu.VMEM((WLCAP,), jnp.int32),
        pltpu.VMEM((DIM, SLAB_W), jnp.float32),
        pltpu.VMEM((DIM, SLAB_W), jnp.float32),
        pltpu.VMEM((DIM, 128), jnp.float32),
        pltpu.VMEM((16, DIM), jnp.float32),
        pltpu.VMEM((16, DIM), jnp.float32),
        pltpu.VMEM((2 * L,), jnp.int32),
        pltpu.VMEM((16 * DIM,), jnp.float32),
        pltpu.VMEM((DIM,), jnp.float32),
        pltpu.SemaphoreType.DMA,
        pltpu.SemaphoreType.DMA,
        pltpu.SemaphoreType.DMA,
        pltpu.SemaphoreType.DMA,
    ],
)(_k1_body)


def _k2_body(wif_hbm, wjf_hbm, i_hbm, j_hbm, b_hbm, bt_hbm, out_hbm,
             iv, jv, biv, bjv, wiv, wjv, pv, sem):
    wid = lax.axis_index("s") * NC + lax.axis_index("c")
    base = wid * BPW

    pltpu.sync_copy(i_hbm.at[pl.ds(base, BPW)], iv.at[pl.ds(0, BPW)])
    pltpu.sync_copy(j_hbm.at[pl.ds(base, BPW)], jv.at[pl.ds(0, BPW)])
    zeros16i = jnp.zeros((L,), jnp.int32)
    iv[pl.ds(BPW, L)] = zeros16i
    jv[pl.ds(BPW, L)] = zeros16i

    cb = pltpu.async_copy(b_hbm.at[iv], biv, sem)
    cb.wait()
    cbt = pltpu.async_copy(bt_hbm.at[jv], bjv, sem)
    cbt.wait()

    pltpu.sync_copy(wif_hbm.at[pl.ds(base * DIM, BPW * DIM)], wiv)
    pltpu.sync_copy(wjf_hbm.at[pl.ds(base * DIM, BPW * DIM)], wjv)

    lane = lax.iota(jnp.int32, L)

    def pair(p, _):
        acc = jnp.zeros((L,), jnp.float32)
        for r in range(DIM // L):
            a = wiv[pl.ds(p * DIM + r * L, L)]
            c = wjv[pl.ds(p * DIM + r * L, L)]
            acc = acc + a * c
        bsum = biv[pl.ds(p, L)][0] + bjv[pl.ds(p, L)][0]
        acc = jnp.where(lane == 0, acc + bsum, acc)
        pv[p >> 3, pl.ds((p & 7) * L, L)] = acc
        return 0

    lax.fori_loop(0, BPW, pair, 0)
    pltpu.sync_copy(pv, out_hbm.at[pl.ds(wid * (BPW // 8), BPW // 8)])


_k2 = functools.partial(
    pl.kernel,
    out_type=jax.ShapeDtypeStruct((BATCH // 8, 128), jnp.float32),
    mesh=plsc.VectorSubcoreMesh(core_axis_name="c", subcore_axis_name="s"),
    compiler_params=pltpu.CompilerParams(
        needs_layout_passes=False, use_tc_tiling_on_sc=False
    ),
    scratch_types=[
        pltpu.VMEM((BPW + L,), jnp.int32),
        pltpu.VMEM((BPW + L,), jnp.int32),
        pltpu.VMEM((BPW + L,), jnp.float32),
        pltpu.VMEM((BPW + L,), jnp.float32),
        pltpu.VMEM((BPW * DIM,), jnp.float32),
        pltpu.VMEM((BPW * DIM,), jnp.float32),
        pltpu.VMEM((BPW // 8, 128), jnp.float32),
        pltpu.SemaphoreType.DMA,
    ],
)(_k2_body)


def _tc_loss_body(p_ref, x_ref, o_ref):
    p = p_ref[...]
    xr = x_ref[...]
    cc = lax.broadcasted_iota(jnp.int32, (128, 8), 0)
    mm = lax.broadcasted_iota(jnp.int32, (128, 8), 1)
    blk = jnp.where(cc // 16 == mm, 1.0, 0.0).astype(jnp.float32)
    s = jax.lax.dot_general(
        p, blk, (((1,), (0,)), ((), ())),
        precision=jax.lax.Precision.HIGHEST,
        preferred_element_type=jnp.float32,
    )
    diff = s - jnp.log(xr)
    w = jnp.clip((xr * (1.0 / X_MAX)) ** ALPHA, 0.0, 1.0)
    o_ref[0, 0] = jnp.sum(w * diff * diff) * (1.0 / BATCH)


_tc_loss = pl.pallas_call(
    _tc_loss_body,
    out_shape=jax.ShapeDtypeStruct((1, 1), jnp.float32),
    out_specs=pl.BlockSpec(memory_space=pltpu.MemorySpace.SMEM),
)


def kernel(i, j, x, W, W_tilde, b, b_tilde):
    i = i.astype(jnp.int32)
    j = j.astype(jnp.int32)
    wtail = jnp.pad(W[MAIN_END:].T, ((0, 0), (0, 128 - (VOCAB - MAIN_END))))
    wttail = jnp.pad(W_tilde[MAIN_END:].T,
                     ((0, 0), (0, 128 - (VOCAB - MAIN_END))))
    wi_flat, wj_flat = _k1(W.T, W_tilde.T, i, j, wtail, wttail)
    partials = _k2(wi_flat, wj_flat, i, j, b, b_tilde)
    out = _tc_loss(partials, x.reshape(BATCH // 8, 8))
    return out[0, 0]

# --- scband reference (transcript-rebuilt; emitter-appended) ---
"""Pipeline reference for scband-my-glo-ve-72516227826260 (READ-ONLY COPY).

The authoritative reference and input builder live on the scoring server;
editing this copy changes nothing except your own understanding.
"""

import jax, jax.numpy as jnp
import numpy as np

VOCAB = 1000000
DIM = 64
BATCH = 16384
X_MAX = 100.0
ALPHA = 0.75

def setup_inputs(seed: int = 0) -> dict:
    key = jax.random.key(seed)
    k1, k2, k3, k4, k5, k6, k7 = jax.random.split(key, 7)
    i = jax.random.randint(k1, (BATCH,), 0, VOCAB, dtype=jnp.int64) if jax.config.jax_enable_x64 else jax.random.randint(k1, (BATCH,), 0, VOCAB, dtype=jnp.int32)
    j = jax.random.randint(k2, (BATCH,), 0, VOCAB, dtype=jnp.int32)
    x = jax.random.uniform(k3, (BATCH,), dtype=jnp.float32)
    initrange = 0.5 / DIM
    W = jax.random.uniform(k4, (VOCAB, DIM), dtype=jnp.float32, minval=-initrange, maxval=initrange)
    W_tilde = jax.random.uniform(k5, (VOCAB, DIM), dtype=jnp.float32, minval=-initrange, maxval=initrange)
    b = jax.random.normal(k6, (VOCAB,), dtype=jnp.float32)
    b_tilde = jax.random.normal(k7, (VOCAB,), dtype=jnp.float32)
    return {"i": i, "j": j, "x": x, "W": W, "W_tilde": W_tilde, "b": b, "b_tilde": b_tilde}

def reference(i, j, x, W, W_tilde, b, b_tilde):
    # embedding lookups (gather)
    wi = jnp.take(W, i, axis=0)
    wj = jnp.take(W_tilde, j, axis=0)
    dot = jnp.sum(wi * wj, axis=1)
    bi = jnp.take(b, i, axis=0)
    bj = jnp.take(b_tilde, j, axis=0)
    loss = jnp.square(dot + bi + bj - jnp.log(x))
    weighting = jnp.clip((x / X_MAX) ** ALPHA, 0.0, 1.0)
    return jnp.mean(weighting * loss)

if __name__ == "__main__":
    import jax
    _d = setup_inputs()
    print(jax.jit(kernel)(*tuple(_d.values())))

</pallas_src>

<mosaic_0001>
#map = affine_map<(d0, d1) -> (0, 0)>
#map1 = affine_map<(d0, d1) -> (0)>
module attributes {stable_mosaic.version = 14 : i64} {
  func.func @_k1_body(%arg0: i32, %arg1: i32, %arg2: memref<64x1000000xf32, #tpu.memory_space<hbm>>, %arg3: memref<64x1000000xf32, #tpu.memory_space<hbm>>, %arg4: memref<16384xi32, #tpu.memory_space<hbm>>, %arg5: memref<16384xi32, #tpu.memory_space<hbm>>, %arg6: memref<64x128xf32, #tpu.memory_space<hbm>>, %arg7: memref<64x128xf32, #tpu.memory_space<hbm>>, %arg8: memref<1048576xf32, #tpu.memory_space<hbm>>, %arg9: memref<1048576xf32, #tpu.memory_space<hbm>>, %arg10: memref<4096xi32, #tpu.memory_space<vmem>>, %arg11: memref<16400xi32, #tpu.memory_space<vmem>>, %arg12: memref<16400xi32, #tpu.memory_space<vmem>>, %arg13: memref<64x512xf32, #tpu.memory_space<vmem>>, %arg14: memref<64x512xf32, #tpu.memory_space<vmem>>, %arg15: memref<64x128xf32, #tpu.memory_space<vmem>>, %arg16: memref<16x64xf32, #tpu.memory_space<vmem>>, %arg17: memref<16x64xf32, #tpu.memory_space<vmem>>, %arg18: memref<32xi32, #tpu.memory_space<vmem>>, %arg19: memref<1024xf32, #tpu.memory_space<vmem>>, %arg20: memref<64xf32, #tpu.memory_space<vmem>>, %arg21: memref<!tpu.dma_semaphore, #tpu.memory_space<semaphore_mem>>, %arg22: memref<!tpu.dma_semaphore, #tpu.memory_space<semaphore_mem>>, %arg23: memref<!tpu.dma_semaphore, #tpu.memory_space<semaphore_mem>>, %arg24: memref<!tpu.dma_semaphore, #tpu.memory_space<semaphore_mem>>) attributes {dimension_semantics = [#tpu.dimension_semantics<core_parallel>, #tpu.dimension_semantics<subcore_parallel>], iteration_bounds = array<i64: 2, 16>, scalar_prefetch = 0 : i64, scratch_operands = 15 : i64, tpu.core_type = #tpu.core_type<sc_vector_subcore>, window_params = [{transform_indices = #map}, {transform_indices = #map}, {transform_indices = #map1}, {transform_indices = #map1}, {transform_indices = #map}, {transform_indices = #map}, {transform_indices = #map1}, {transform_indices = #map1}]} {
    %mul3A = arith.constant 2 : i32
    %mul3A_0 = arith.muli %arg1, %mul3A : i32
    %add3A = arith.addi %mul3A_0, %arg0 : i32
    %mul3A_1 = arith.constant 31232 : i32
    %mul3A_2 = arith.muli %add3A, %mul3A_1 : i32
    %eq3A = arith.constant 31 : i32
    %eq3A_3 = arith.cmpi eq, %add3A, %eq3A : i32
    %iota3A = tpu.iota {dimensions = array<i32: 0>} : vector<16xi32>
    %add3A_4 = arith.constant 31232 : i32
    %add3A_5 = arith.addi %mul3A_2, %add3A_4 : i32
    %jit3A = arith.constant 1000000 : i32
    %select_n3A = arith.select %eq3A_3, %jit3A, %add3A_5 : i32
    %scan3A = arith.constant 0 : i32
    %scan3A_6 = arith.constant 0 : i32
    %scan3A_7 = arith.constant 4 : i32
    %scan3A_8 = arith.addi %scan3A_6, %scan3A_7 : i32
    %scan3A_9 = arith.constant 1 : i32
    %scan3A_10 = scf.for %scan3A_108 = %scan3A_6 to %scan3A_8 step %scan3A_9 iter_args(%scan3A_109 = %scan3A) -> (i32)  : i32 {
      %mul3A_110 = arith.constant 4096 : i32
      %mul3A_111 = arith.muli %scan3A_108, %mul3A_110 : i32
      "tpu.region"() ({
        %run_scoped3A = tpu.sem_alloc : memref<!tpu.dma_semaphore, #tpu.memory_space<semaphore_mem>>
        %dma_start3A_118 = tpu.memref_slice %arg4[%mul3A_111] : memref<16384xi32, #tpu.memory_space<hbm>> -> memref<4096xi32, #tpu.memory_space<hbm>>
        %dma_start3A_119 = tpu.memref_slice %arg4[%mul3A_111] : memref<16384xi32, #tpu.memory_space<hbm>> -> memref<4096xi32, #tpu.memory_space<hbm>>
        tpu.enqueue_dma source(%dma_start3A_119 : memref<4096xi32, #tpu.memory_space<hbm>>) target(%arg10 : memref<4096xi32, #tpu.memory_space<vmem>>) target_semaphore(%run_scoped3A : memref<!tpu.dma_semaphore, #tpu.memory_space<semaphore_mem>>)
        %dma_wait3A = tpu.memref_slice %arg4[%mul3A_111] : memref<16384xi32, #tpu.memory_space<hbm>> -> memref<4096xi32, #tpu.memory_space<hbm>>
        %dma_wait3A_120 = tpu.memref_slice %arg4[%mul3A_111] : memref<16384xi32, #tpu.memory_space<hbm>> -> memref<4096xi32, #tpu.memory_space<hbm>>
        tpu.wait_dma2 semaphore(%run_scoped3A : memref<!tpu.dma_semaphore, #tpu.memory_space<semaphore_mem>>) src(%dma_wait3A_120 : memref<4096xi32, #tpu.memory_space<hbm>>) dst(%arg10 : memref<4096xi32, #tpu.memory_space<vmem>>)
        tpu.yield
      }) : () -> ()
      %scan3A_112 = arith.constant 0 : i32
      %scan3A_113 = arith.constant 256 : i32
      %scan3A_114 = arith.addi %scan3A_112, %scan3A_113 : i32
      %scan3A_115 = arith.constant 1 : i32
      %scan3A_116 = scf.for %scan3A_118 = %scan3A_112 to %scan3A_114 step %scan3A_115 iter_args(%scan3A_119 = %scan3A_109) -> (i32)  : i32 {
        %mul3A_120 = arith.constant 16 : i32
        %mul3A_121 = arith.muli %scan3A_118, %mul3A_120 : i32
        %get3A = arith.index_cast %mul3A_121 : i32 to index
        %get3A_122 = tpu.vector_load %arg10[%get3A] {strides = array<i32>} : memref<4096xi32, #tpu.memory_space<vmem>>, vector<16xi32>,
        %ge3A = vector.broadcast %mul3A_2 : i32 to vector<16xi32>
        %ge3A_123 = arith.cmpi sge, %get3A_122, %ge3A : vector<16xi32>
        %lt3A = vector.broadcast %select_n3A : i32 to vector<16xi32>
        %lt3A_124 = arith.cmpi slt, %get3A_122, %lt3A : vector<16xi32>
        %and3A_125 = arith.andi %ge3A_123, %lt3A_124 : vector<16xi1>
        %mul3A_126 = arith.constant 4096 : i32
        %mul3A_127 = arith.muli %scan3A_108, %mul3A_126 : i32
        %add3A_128 = vector.broadcast %mul3A_127 : i32 to vector<16xi32>
        %add3A_129 = arith.addi %iota3A, %add3A_128 : vector<16xi32>
        %mul3A_130 = arith.constant 16 : i32
        %mul3A_131 = arith.muli %scan3A_118, %mul3A_130 : i32
        %add3A_132 = vector.broadcast %mul3A_131 : i32 to vector<16xi32>
        %add3A_133 = arith.addi %add3A_129, %add3A_132 : vector<16xi32>
        %shift_left3A = arith.constant 15 : i32
        %shift_left3A_134 = vector.broadcast %shift_left3A : i32 to vector<16xi32>
        %shift_left3A_135 = arith.shli %add3A_133, %shift_left3A_134 : vector<16xi32>
        %sub3A_136 = vector.broadcast %mul3A_2 : i32 to vector<16xi32>
        %sub3A_137 = arith.subi %get3A_122, %sub3A_136 : vector<16xi32>
        %or3A = arith.ori %shift_left3A_135, %sub3A_137 : vector<16xi32>
        %swap3A = arith.index_cast %scan3A_119 : i32 to index
        %swap3A_138 = tpu.vector_load %arg11[%swap3A] masked %and3A_125 {strides = array<i32>} : memref<16400xi32, #tpu.memory_space<vmem>>, vector<16xi32>, vector<16xi1>
        tpu.vector_store %arg11[%swap3A], %or3A masked %and3A_125 {strides = array<i32>} : memref<16400xi32, #tpu.memory_space<vmem>>, vector<16xi32>, vector<16xi1>
        %all_reduce_population_count3A = tpu.all_reduce %and3A_125 {dim = 0 : i64, kind = #tpu.reduction_kind<sum>} : vector<16xi1> -> vector<16xi32>
        %slice3A = vector.extract_strided_slice %all_reduce_population_count3A {offsets = [0], sizes = [1], strides = [1]} : vector<16xi32> to vector<1xi32>
        %squeeze3A = vector.extract %slice3A[0] : i32 from vector<1xi32>
        %add3A_139 = arith.addi %scan3A_119, %squeeze3A : i32
        scf.yield %add3A_139 : i32
      }
      %scan3A_117 = arith.constant 256 : i32
      scf.yield %scan3A_116 : i32
    }
    %scan3A_11 = arith.constant 4 : i32
    %add3A_12 = arith.constant 31232 : i32
    %add3A_13 = arith.addi %mul3A_2, %add3A_12 : i32
    %jit3A_14 = arith.constant 1000000 : i32
    %select_n3A_15 = arith.select %eq3A_3, %jit3A_14, %add3A_13 : i32
    %scan3A_16 = arith.constant 0 : i32
    %scan3A_17 = arith.constant 0 : i32
    %scan3A_18 = arith.constant 4 : i32
    %scan3A_19 = arith.addi %scan3A_17, %scan3A_18 : i32
    %scan3A_20 = arith.constant 1 : i32
    %scan3A_21 = scf.for %scan3A_108 = %scan3A_17 to %scan3A_19 step %scan3A_20 iter_args(%scan3A_109 = %scan3A_16) -> (i32)  : i32 {
      %mul3A_110 = arith.constant 4096 : i32
      %mul3A_111 = arith.muli %scan3A_108, %mul3A_110 : i32
      "tpu.region"() ({
        %run_scoped3A = tpu.sem_alloc : memref<!tpu.dma_semaphore, #tpu.memory_space<semaphore_mem>>
        %dma_start3A_118 = tpu.memref_slice %arg5[%mul3A_111] : memref<16384xi32, #tpu.memory_space<hbm>> -> memref<4096xi32, #tpu.memory_space<hbm>>
        %dma_start3A_119 = tpu.memref_slice %arg5[%mul3A_111] : memref<16384xi32, #tpu.memory_space<hbm>> -> memref<4096xi32, #tpu.memory_space<hbm>>
        tpu.enqueue_dma source(%dma_start3A_119 : memref<4096xi32, #tpu.memory_space<hbm>>) target(%arg10 : memref<4096xi32, #tpu.memory_space<vmem>>) target_semaphore(%run_scoped3A : memref<!tpu.dma_semaphore, #tpu.memory_space<semaphore_mem>>)
        %dma_wait3A = tpu.memref_slice %arg5[%mul3A_111] : memref<16384xi32, #tpu.memory_space<hbm>> -> memref<4096xi32, #tpu.memory_space<hbm>>
        %dma_wait3A_120 = tpu.memref_slice %arg5[%mul3A_111] : memref<16384xi32, #tpu.memory_space<hbm>> -> memref<4096xi32, #tpu.memory_space<hbm>>
        tpu.wait_dma2 semaphore(%run_scoped3A : memref<!tpu.dma_semaphore, #tpu.memory_space<semaphore_mem>>) src(%dma_wait3A_120 : memref<4096xi32, #tpu.memory_space<hbm>>) dst(%arg10 : memref<4096xi32, #tpu.memory_space<vmem>>)
        tpu.yield
      }) : () -> ()
      %scan3A_112 = arith.constant 0 : i32
      %scan3A_113 = arith.constant 256 : i32
      %scan3A_114 = arith.addi %scan3A_112, %scan3A_113 : i32
      %scan3A_115 = arith.constant 1 : i32
      %scan3A_116 = scf.for %scan3A_118 = %scan3A_112 to %scan3A_114 step %scan3A_115 iter_args(%scan3A_119 = %scan3A_109) -> (i32)  : i32 {
        %mul3A_120 = arith.constant 16 : i32
        %mul3A_121 = arith.muli %scan3A_118, %mul3A_120 : i32
        %get3A = arith.index_cast %mul3A_121 : i32 to index
        %get3A_122 = tpu.vector_load %arg10[%get3A] {strides = array<i32>} : memref<4096xi32, #tpu.memory_space<vmem>>, vector<16xi32>,
        %ge3A = vector.broadcast %mul3A_2 : i32 to vector<16xi32>
        %ge3A_123 = arith.cmpi sge, %get3A_122, %ge3A : vector<16xi32>
        %lt3A = vector.broadcast %select_n3A_15 : i32 to vector<16xi32>
        %lt3A_124 = arith.cmpi slt, %get3A_122, %lt3A : vector<16xi32>
        %and3A_125 = arith.andi %ge3A_123, %lt3A_124 : vector<16xi1>
        %mul3A_126 = arith.constant 4096 : i32
        %mul3A_127 = arith.muli %scan3A_108, %mul3A_126 : i32
        %add3A_128 = vector.broadcast %mul3A_127 : i32 to vector<16xi32>
        %add3A_129 = arith.addi %iota3A, %add3A_128 : vector<16xi32>
        %mul3A_130 = arith.constant 16 : i32
        %mul3A_131 = arith.muli %scan3A_118, %mul3A_130 : i32
        %add3A_132 = vector.broadcast %mul3A_131 : i32 to vector<16xi32>
        %add3A_133 = arith.addi %add3A_129, %add3A_132 : vector<16xi32>
        %shift_left3A = arith.constant 15 : i32
        %shift_left3A_134 = vector.broadcast %shift_left3A : i32 to vector<16xi32>
        %shift_left3A_135 = arith.shli %add3A_133, %shift_left3A_134 : vector<16xi32>
        %sub3A_136 = vector.broadcast %mul3A_2 : i32 to vector<16xi32>
        %sub3A_137 = arith.subi %get3A_122, %sub3A_136 : vector<16xi32>
        %or3A = arith.ori %shift_left3A_135, %sub3A_137 : vector<16xi32>
        %swap3A = arith.index_cast %scan3A_119 : i32 to index
        %swap3A_138 = tpu.vector_load %arg12[%swap3A] masked %and3A_125 {strides = array<i32>} : memref<16400xi32, #tpu.memory_space<vmem>>, vector<16xi32>, vector<16xi1>
        tpu.vector_store %arg12[%swap3A], %or3A masked %and3A_125 {strides = array<i32>} : memref<16400xi32, #tpu.memory_space<vmem>>, vector<16xi32>, vector<16xi1>
        %all_reduce_population_count3A = tpu.all_reduce %and3A_125 {dim = 0 : i64, kind = #tpu.reduction_kind<sum>} : vector<16xi1> -> vector<16xi32>
        %slice3A = vector.extract_strided_slice %all_reduce_population_count3A {offsets = [0], sizes = [1], strides = [1]} : vector<16xi32> to vector<1xi32>
        %squeeze3A = vector.extract %slice3A[0] : i32 from vector<1xi32>
        %add3A_139 = arith.addi %scan3A_119, %squeeze3A : i32
        scf.yield %add3A_139 : i32
      }
      %scan3A_117 = arith.constant 256 : i32
      scf.yield %scan3A_116 : i32
    }
    %scan3A_22 = arith.constant 4 : i32
    "tpu.region"() ({
      %run_scoped3A = tpu.sem_alloc : memref<!tpu.dma_semaphore, #tpu.memory_space<semaphore_mem>>
      tpu.enqueue_dma source(%arg6 : memref<64x128xf32, #tpu.memory_space<hbm>>) target(%arg15 : memref<64x128xf32, #tpu.memory_space<vmem>>) target_semaphore(%run_scoped3A : memref<!tpu.dma_semaphore, #tpu.memory_space<semaphore_mem>>)
      tpu.wait_dma2 semaphore(%run_scoped3A : memref<!tpu.dma_semaphore, #tpu.memory_space<semaphore_mem>>) src(%arg6 : memref<64x128xf32, #tpu.memory_space<hbm>>) dst(%arg15 : memref<64x128xf32, #tpu.memory_space<vmem>>)
      tpu.yield
    }) : () -> ()
    %add3A_23 = arith.constant 0 : i32
    %add3A_24 = arith.addi %mul3A_2, %add3A_23 : i32
    %dma_start3A = arith.constant 0 : i32
    %dma_start3A_25 = tpu.memref_slice %arg2[%dma_start3A, %add3A_24] : memref<64x1000000xf32, #tpu.memory_space<hbm>> -> memref<64x512xf32, #tpu.memory_space<hbm>>
    %dma_start3A_26 = arith.constant 0 : i32
    %dma_start3A_27 = tpu.memref_slice %arg2[%dma_start3A_26, %add3A_24] : memref<64x1000000xf32, #tpu.memory_space<hbm>> -> memref<64x512xf32, #tpu.memory_space<hbm>>
    tpu.enqueue_dma source(%dma_start3A_27 : memref<64x512xf32, #tpu.memory_space<hbm>>) target(%arg13 : memref<64x512xf32, #tpu.memory_space<vmem>>) target_semaphore(%arg21 : memref<!tpu.dma_semaphore, #tpu.memory_space<semaphore_mem>>)
    %scan3A_28 = arith.constant 0 : i32
    %scan3A_29 = arith.constant 0 : i32
    %scan3A_30 = arith.constant 31 : i32
    %scan3A_31 = arith.addi %scan3A_29, %scan3A_30 : i32
    %scan3A_32 = arith.constant 1 : i32
    %scan3A_33 = scf.for %scan3A_108 = %scan3A_29 to %scan3A_31 step %scan3A_32 iter_args(%scan3A_109 = %scan3A_28) -> (i32)  : i32 {
      %mul3A_110 = arith.constant 2 : i32
      %mul3A_111 = arith.muli %scan3A_108, %mul3A_110 : i32
      %add3A_112 = arith.constant 0 : i32
      %add3A_113 = arith.addi %mul3A_111, %add3A_112 : i32
      %dma_wait3A = arith.constant 0 : i32
      %dma_wait3A_114 = arith.constant 0 : i32
      %dma_wait3A_115 = tpu.memref_slice %arg2[%dma_wait3A, %dma_wait3A_114] : memref<64x1000000xf32, #tpu.memory_space<hbm>> -> memref<64x512xf32, #tpu.memory_space<hbm>>
      %dma_wait3A_116 = arith.constant 0 : i32
      %dma_wait3A_117 = arith.constant 0 : i32
      %dma_wait3A_118 = tpu.memref_slice %arg2[%dma_wait3A_116, %dma_wait3A_117] : memref<64x1000000xf32, #tpu.memory_space<hbm>> -> memref<64x512xf32, #tpu.memory_space<hbm>>
      tpu.wait_dma2 semaphore(%arg21 : memref<!tpu.dma_semaphore, #tpu.memory_space<semaphore_mem>>) src(%dma_wait3A_118 : memref<64x512xf32, #tpu.memory_space<hbm>>) dst(%arg13 : memref<64x512xf32, #tpu.memory_space<vmem>>)
      %add3A_119 = arith.constant 1 : i32
      %add3A_120 = arith.addi %add3A_113, %add3A_119 : i32
      %lt3A = arith.constant 62 : i32
      %lt3A_121 = arith.cmpi slt, %add3A_120, %lt3A : i32
      %convert_element_type3A = arith.extui %lt3A_121 : i1 to i32
      %cond3A = arith.constant 0 : i32
      %cond3A_122 = arith.cmpi ne, %convert_element_type3A, %cond3A : i32
      scf.if %cond3A_122 {
        %add3A_176 = arith.constant 1 : i32
        %add3A_177 = arith.addi %add3A_113, %add3A_176 : i32
        %mul3A_178 = arith.constant 512 : i32
        %mul3A_179 = arith.muli %add3A_177, %mul3A_178 : i32
        %add3A_180 = arith.addi %mul3A_2, %mul3A_179 : i32
        %dma_start3A_181 = arith.constant 0 : i32
        %dma_start3A_182 = tpu.memref_slice %arg2[%dma_start3A_181, %add3A_180] : memref<64x1000000xf32, #tpu.memory_space<hbm>> -> memref<64x512xf32, #tpu.memory_space<hbm>>
        %dma_start3A_183 = arith.constant 0 : i32
        %dma_start3A_184 = tpu.memref_slice %arg2[%dma_start3A_183, %add3A_180] : memref<64x1000000xf32, #tpu.memory_space<hbm>> -> memref<64x512xf32, #tpu.memory_space<hbm>>
        tpu.enqueue_dma source(%dma_start3A_184 : memref<64x512xf32, #tpu.memory_space<hbm>>) target(%arg14 : memref<64x512xf32, #tpu.memory_space<vmem>>) target_semaphore(%arg22 : memref<!tpu.dma_semaphore, #tpu.memory_space<semaphore_mem>>)
      } else {
      }
      %iota3A_123 = tpu.iota {dimensions = array<i32: 0>} : vector<16xi32>
      %add3A_124 = arith.constant 16 : i32
      %add3A_125 = arith.addi %scan3A_10, %add3A_124 : i32
      %sub3A_126 = arith.constant 1 : i32
      %sub3A_127 = arith.subi %add3A_125, %sub3A_126 : i32
      %shift_right_arithmetic3A_128 = arith.constant 4 : i32
      %shift_right_arithmetic3A_129 = arith.shrsi %sub3A_127, %shift_right_arithmetic3A_128 : i32
      %while3A_130 = arith.constant 0 : i32
      %while3A_131 = arith.subi %shift_right_arithmetic3A_129, %while3A_130 : i32
      %while3A_132 = arith.addi %while3A_130, %while3A_131 : i32
      %while3A_133 = arith.constant 1 : i32
      %while3A_134 = arith.divsi %while3A_131, %while3A_133 : i32
      %while3A_135 = arith.muli %while3A_134, %while3A_133 : i32
      %while3A_136 = arith.addi %while3A_130, %while3A_135 : i32
      %while3A_137 = arith.constant 1 : i32
      %while3A_138 = scf.for %while3A_176 = %while3A_130 to %while3A_136 step %while3A_137 iter_args(%while3A_177 = %scan3A_109) -> (i32)  : i32 {
        %mul3A_178 = arith.constant 16 : i32
        %mul3A_179 = arith.muli %while3A_176, %mul3A_178 : i32
        %get3A = arith.index_cast %mul3A_179 : i32 to index
        %get3A_180 = tpu.vector_load %arg11[%get3A] {strides = array<i32>} : memref<16400xi32, #tpu.memory_space<vmem>>, vector<16xi32>,
        %and3A_181 = arith.constant 32767 : i32
        %and3A_182 = vector.broadcast %and3A_181 : i32 to vector<16xi32>
        %and3A_183 = arith.andi %get3A_180, %and3A_182 : vector<16xi32>
        %shift_right_arithmetic3A_184 = arith.constant 9 : i32
        %shift_right_arithmetic3A_185 = vector.broadcast %shift_right_arithmetic3A_184 : i32 to vector<16xi32>
        %shift_right_arithmetic3A_186 = arith.shrsi %and3A_183, %shift_right_arithmetic3A_185 : vector<16xi32>
        %eq3A_187 = vector.broadcast %add3A_113 : i32 to vector<16xi32>
        %eq3A_188 = arith.cmpi eq, %shift_right_arithmetic3A_186, %eq3A_187 : vector<16xi32>
        %mul3A_189 = arith.constant 16 : i32
        %mul3A_190 = arith.muli %while3A_176, %mul3A_189 : i32
        %add3A_191 = vector.broadcast %mul3A_190 : i32 to vector<16xi32>
        %add3A_192 = arith.addi %iota3A_123, %add3A_191 : vector<16xi32>
        %lt3A_193 = vector.broadcast %scan3A_10 : i32 to vector<16xi32>
        %lt3A_194 = arith.cmpi slt, %add3A_192, %lt3A_193 : vector<16xi32>
        %and3A_195 = arith.andi %eq3A_188, %lt3A_194 : vector<16xi1>
        %swap3A = arith.constant 0 : index
        %swap3A_196 = tpu.vector_load %arg18[%swap3A] masked %and3A_195 {strides = array<i32>} : memref<32xi32, #tpu.memory_space<vmem>>, vector<16xi32>, vector<16xi1>
        tpu.vector_store %arg18[%swap3A], %get3A_180 masked %and3A_195 {strides = array<i32>} : memref<32xi32, #tpu.memory_space<vmem>>, vector<16xi32>, vector<16xi1>
        %all_reduce_population_count3A = tpu.all_reduce %and3A_195 {dim = 0 : i64, kind = #tpu.reduction_kind<sum>} : vector<16xi1> -> vector<16xi32>
        %slice3A = vector.extract_strided_slice %all_reduce_population_count3A {offsets = [0], sizes = [1], strides = [1]} : vector<16xi32> to vector<1xi32>
        %squeeze3A = vector.extract %slice3A[0] : i32 from vector<1xi32>
        %while3A_197 = arith.constant 0 : i32
        %while3A_198 = arith.subi %squeeze3A, %while3A_197 : i32
        %while3A_199 = arith.addi %while3A_197, %while3A_198 : i32
        %while3A_200 = arith.constant 1 : i32
        %while3A_201 = arith.divsi %while3A_198, %while3A_200 : i32
        %while3A_202 = arith.muli %while3A_201, %while3A_200 : i32
        %while3A_203 = arith.addi %while3A_197, %while3A_202 : i32
        %while3A_204 = arith.constant 1 : i32
        %while3A_205 = scf.for %while3A_208 = %while3A_197 to %while3A_203 step %while3A_204 iter_args(%while3A_209 = %while3A_177) -> (i32)  : i32 {
          %get3A_210 = arith.index_cast %while3A_208 : i32 to index
          %get3A_211 = tpu.vector_load %arg18[%get3A_210] {strides = array<i32>} : memref<32xi32, #tpu.memory_space<vmem>>, vector<16xi32>,
          %slice3A_212 = vector.extract_strided_slice %get3A_211 {offsets = [0], sizes = [1], strides = [1]} : vector<16xi32> to vector<1xi32>
          %squeeze3A_213 = vector.extract %slice3A_212[0] : i32 from vector<1xi32>
          %shift_right_arithmetic3A_214 = arith.constant 15 : i32
          %shift_right_arithmetic3A_215 = arith.shrsi %squeeze3A_213, %shift_right_arithmetic3A_214 : i32
          %and3A_216 = arith.constant 32767 : i32
          %and3A_217 = arith.andi %squeeze3A_213, %and3A_216 : i32
          %mul3A_218 = arith.constant 512 : i32
          %mul3A_219 = arith.muli %add3A_113, %mul3A_218 : i32
          %sub3A_220 = arith.subi %and3A_217, %mul3A_219 : i32
          %broadcast_in_dim3A = arith.constant 0 : i32
          %broadcast_in_dim3A_221 = vector.broadcast %broadcast_in_dim3A : i32 to vector<16xi32>
          %add3A_222 = vector.broadcast %sub3A_220 : i32 to vector<16xi32>
          %add3A_223 = arith.addi %broadcast_in_dim3A_221, %add3A_222 : vector<16xi32>
          %and3A_224 = arith.constant 15 : i32
          %and3A_225 = arith.andi %while3A_209, %and3A_224 : i32
          %add3A_226 = arith.constant 0 : i32
          %add3A_227 = vector.broadcast %add3A_226 : i32 to vector<16xi32>
          %add3A_228 = arith.addi %iota3A_123, %add3A_227 : vector<16xi32>
          %gather3A = tpu.vector_load_idx %arg13[%add3A_228, %add3A_223] : memref<64x512xf32, #tpu.memory_space<vmem>>[vector<16xi32>, vector<16xi32>], vector<16xf32>,
          %swap3A_229 = arith.index_cast %and3A_225 : i32 to index
          %swap3A_230 = arith.constant 0 : index
          %swap3A_231 = tpu.vector_load %arg16[%swap3A_229, %swap3A_230] {strides = array<i32>} : memref<16x64xf32, #tpu.memory_space<vmem>>, vector<16xf32>,
          tpu.vector_store %arg16[%swap3A_229, %swap3A_230], %gather3A {strides = array<i32>} : memref<16x64xf32, #tpu.memory_space<vmem>>, vector<16xf32>,
          %add3A_232 = arith.constant 16 : i32
          %add3A_233 = vector.broadcast %add3A_232 : i32 to vector<16xi32>
          %add3A_234 = arith.addi %iota3A_123, %add3A_233 : vector<16xi32>
          %gather3A_235 = tpu.vector_load_idx %arg13[%add3A_234, %add3A_223] : memref<64x512xf32, #tpu.memory_space<vmem>>[vector<16xi32>, vector<16xi32>], vector<16xf32>,
          %swap3A_236 = arith.index_cast %and3A_225 : i32 to index
          %swap3A_237 = arith.constant 16 : index
          %swap3A_238 = tpu.vector_load %arg16[%swap3A_236, %swap3A_237] {strides = array<i32>} : memref<16x64xf32, #tpu.memory_space<vmem>>, vector<16xf32>,
          tpu.vector_store %arg16[%swap3A_236, %swap3A_237], %gather3A_235 {strides = array<i32>} : memref<16x64xf32, #tpu.memory_space<vmem>>, vector<16xf32>,
          %add3A_239 = arith.constant 32 : i32
          %add3A_240 = vector.broadcast %add3A_239 : i32 to vector<16xi32>
          %add3A_241 = arith.addi %iota3A_123, %add3A_240 : vector<16xi32>
          %gather3A_242 = tpu.vector_load_idx %arg13[%add3A_241, %add3A_223] : memref<64x512xf32, #tpu.memory_space<vmem>>[vector<16xi32>, vector<16xi32>], vector<16xf32>,
          %swap3A_243 = arith.index_cast %and3A_225 : i32 to index
          %swap3A_244 = arith.constant 32 : index
          %swap3A_245 = tpu.vector_load %arg16[%swap3A_243, %swap3A_244] {strides = array<i32>} : memref<16x64xf32, #tpu.memory_space<vmem>>, vector<16xf32>,
          tpu.vector_store %arg16[%swap3A_243, %swap3A_244], %gather3A_242 {strides = array<i32>} : memref<16x64xf32, #tpu.memory_space<vmem>>, vector<16xf32>,
          %add3A_246 = arith.constant 48 : i32
          %add3A_247 = vector.broadcast %add3A_246 : i32 to vector<16xi32>
          %add3A_248 = arith.addi %iota3A_123, %add3A_247 : vector<16xi32>
          %gather3A_249 = tpu.vector_load_idx %arg13[%add3A_248, %add3A_223] : memref<64x512xf32, #tpu.memory_space<vmem>>[vector<16xi32>, vector<16xi32>], vector<16xf32>,
          %swap3A_250 = arith.index_cast %and3A_225 : i32 to index
          %swap3A_251 = arith.constant 48 : index
          %swap3A_252 = tpu.vector_load %arg16[%swap3A_250, %swap3A_251] {strides = array<i32>} : memref<16x64xf32, #tpu.memory_space<vmem>>, vector<16xf32>,
          tpu.vector_store %arg16[%swap3A_250, %swap3A_251], %gather3A_249 {strides = array<i32>} : memref<16x64xf32, #tpu.memory_space<vmem>>, vector<16xf32>,
          %mul3A_253 = arith.constant 64 : i32
          %mul3A_254 = arith.muli %shift_right_arithmetic3A_215, %mul3A_253 : i32
          %dma_start3A_255 = arith.constant 0 : i32
          %dma_start3A_256 = tpu.memref_slice %arg16[%and3A_225, %dma_start3A_255] : memref<16x64xf32, #tpu.memory_space<vmem>> -> memref<1x64xf32, #tpu.memory_space<vmem>>
          %dma_start3A_257 = tpu.memref_squeeze %dma_start3A_256 : memref<1x64xf32, #tpu.memory_space<vmem>> -> memref<64xf32, #tpu.memory_space<vmem>>
          %dma_start3A_258 = tpu.memref_slice %arg8[%mul3A_254] : memref<1048576xf32, #tpu.memory_space<hbm>> -> memref<64xf32, #tpu.memory_space<hbm>>
          %dma_start3A_259 = tpu.memref_slice %arg8[%mul3A_254] : memref<1048576xf32, #tpu.memory_space<hbm>> -> memref<64xf32, #tpu.memory_space<hbm>>
          %dma_start3A_260 = arith.constant 0 : i32
          %dma_start3A_261 = tpu.memref_slice %arg16[%and3A_225, %dma_start3A_260] : memref<16x64xf32, #tpu.memory_space<vmem>> -> memref<1x64xf32, #tpu.memory_space<vmem>>
          %dma_start3A_262 = tpu.memref_squeeze %dma_start3A_261 : memref<1x64xf32, #tpu.memory_space<vmem>> -> memref<64xf32, #tpu.memory_space<vmem>>
          tpu.enqueue_dma source(%dma_start3A_262 : memref<64xf32, #tpu.memory_space<vmem>>) target(%dma_start3A_259 : memref<64xf32, #tpu.memory_space<hbm>>) target_semaphore(%arg23 : memref<!tpu.dma_semaphore, #tpu.memory_space<semaphore_mem>>)
          %eq3A_263 = arith.constant 15 : i32
          %eq3A_264 = arith.cmpi eq, %and3A_225, %eq3A_263 : i32
          %convert_element_type3A_265 = arith.extui %eq3A_264 : i1 to i32
          %cond3A_266 = arith.constant 0 : i32
          %cond3A_267 = arith.cmpi ne, %convert_element_type3A_265, %cond3A_266 : i32
          scf.if %cond3A_267 {
            %dma_wait3A_270 = arith.constant 0 : i32
            %dma_wait3A_271 = tpu.memref_slice %arg8[%dma_wait3A_270] : memref<1048576xf32, #tpu.memory_space<hbm>> -> memref<1024xf32, #tpu.memory_space<hbm>>
            %dma_wait3A_272 = arith.constant 0 : i32
            %dma_wait3A_273 = tpu.memref_slice %arg8[%dma_wait3A_272] : memref<1048576xf32, #tpu.memory_space<hbm>> -> memref<1024xf32, #tpu.memory_space<hbm>>
            tpu.wait_dma2 semaphore(%arg23 : memref<!tpu.dma_semaphore, #tpu.memory_space<semaphore_mem>>) src(%dma_wait3A_273 : memref<1024xf32, #tpu.memory_space<hbm>>) dst(%arg19 : memref<1024xf32, #tpu.memory_space<vmem>>)
          } else {
          }
          %add3A_268 = arith.constant 1 : i32
          %add3A_269 = arith.addi %while3A_209, %add3A_268 : i32
          scf.yield %add3A_269 : i32
        }
        %while3A_206 = arith.constant 1 : i32
        %while3A_207 = scf.for %while3A_208 = %while3A_203 to %while3A_199 step %while3A_206 iter_args(%while3A_209 = %while3A_205) -> (i32)  : i32 {
          %get3A_210 = arith.index_cast %while3A_208 : i32 to index
          %get3A_211 = tpu.vector_load %arg18[%get3A_210] {strides = array<i32>} : memref<32xi32, #tpu.memory_space<vmem>>, vector<16xi32>,
          %slice3A_212 = vector.extract_strided_slice %get3A_211 {offsets = [0], sizes = [1], strides = [1]} : vector<16xi32> to vector<1xi32>
          %squeeze3A_213 = vector.extract %slice3A_212[0] : i32 from vector<1xi32>
          %shift_right_arithmetic3A_214 = arith.constant 15 : i32
          %shift_right_arithmetic3A_215 = arith.shrsi %squeeze3A_213, %shift_right_arithmetic3A_214 : i32
          %and3A_216 = arith.constant 32767 : i32
          %and3A_217 = arith.andi %squeeze3A_213, %and3A_216 : i32
          %mul3A_218 = arith.constant 512 : i32
          %mul3A_219 = arith.muli %add3A_113, %mul3A_218 : i32
          %sub3A_220 = arith.subi %and3A_217, %mul3A_219 : i32
          %broadcast_in_dim3A = arith.constant 0 : i32
          %broadcast_in_dim3A_221 = vector.broadcast %broadcast_in_dim3A : i32 to vector<16xi32>
          %add3A_222 = vector.broadcast %sub3A_220 : i32 to vector<16xi32>
          %add3A_223 = arith.addi %broadcast_in_dim3A_221, %add3A_222 : vector<16xi32>
          %and3A_224 = arith.constant 15 : i32
          %and3A_225 = arith.andi %while3A_209, %and3A_224 : i32
          %add3A_226 = arith.constant 0 : i32
          %add3A_227 = vector.broadcast %add3A_226 : i32 to vector<16xi32>
          %add3A_228 = arith.addi %iota3A_123, %add3A_227 : vector<16xi32>
          %gather3A = tpu.vector_load_idx %arg13[%add3A_228, %add3A_223] : memref<64x512xf32, #tpu.memory_space<vmem>>[vector<16xi32>, vector<16xi32>], vector<16xf32>,
          %swap3A_229 = arith.index_cast %and3A_225 : i32 to index
          %swap3A_230 = arith.constant 0 : index
          %swap3A_231 = tpu.vector_load %arg16[%swap3A_229, %swap3A_230] {strides = array<i32>} : memref<16x64xf32, #tpu.memory_space<vmem>>, vector<16xf32>,
          tpu.vector_store %arg16[%swap3A_229, %swap3A_230], %gather3A {strides = array<i32>} : memref<16x64xf32, #tpu.memory_space<vmem>>, vector<16xf32>,
          %add3A_232 = arith.constant 16 : i32
          %add3A_233 = vector.broadcast %add3A_232 : i32 to vector<16xi32>
          %add3A_234 = arith.addi %iota3A_123, %add3A_233 : vector<16xi32>
          %gather3A_235 = tpu.vector_load_idx %arg13[%add3A_234, %add3A_223] : memref<64x512xf32, #tpu.memory_space<vmem>>[vector<16xi32>, vector<16xi32>], vector<16xf32>,
          %swap3A_236 = arith.index_cast %and3A_225 : i32 to index
          %swap3A_237 = arith.constant 16 : index
          %swap3A_238 = tpu.vector_load %arg16[%swap3A_236, %swap3A_237] {strides = array<i32>} : memref<16x64xf32, #tpu.memory_space<vmem>>, vector<16xf32>,
          tpu.vector_store %arg16[%swap3A_236, %swap3A_237], %gather3A_235 {strides = array<i32>} : memref<16x64xf32, #tpu.memory_space<vmem>>, vector<16xf32>,
          %add3A_239 = arith.constant 32 : i32
          %add3A_240 = vector.broadcast %add3A_239 : i32 to vector<16xi32>
          %add3A_241 = arith.addi %iota3A_123, %add3A_240 : vector<16xi32>
          %gather3A_242 = tpu.vector_load_idx %arg13[%add3A_241, %add3A_223] : memref<64x512xf32, #tpu.memory_space<vmem>>[vector<16xi32>, vector<16xi32>], vector<16xf32>,
          %swap3A_243 = arith.index_cast %and3A_225 : i32 to index
          %swap3A_244 = arith.constant 32 : index
          %swap3A_245 = tpu.vector_load %arg16[%swap3A_243, %swap3A_244] {strides = array<i32>} : memref<16x64xf32, #tpu.memory_space<vmem>>, vector<16xf32>,
          tpu.vector_store %arg16[%swap3A_243, %swap3A_244], %gather3A_242 {strides = array<i32>} : memref<16x64xf32, #tpu.memory_space<vmem>>, vector<16xf32>,
          %add3A_246 = arith.constant 48 : i32
          %add3A_247 = vector.broadcast %add3A_246 : i32 to vector<16xi32>
          %add3A_248 = arith.addi %iota3A_123, %add3A_247 : vector<16xi32>
          %gather3A_249 = tpu.vector_load_idx %arg13[%add3A_248, %add3A_223] : memref<64x512xf32, #tpu.memory_space<vmem>>[vector<16xi32>, vector<16xi32>], vector<16xf32>,
          %swap3A_250 = arith.index_cast %and3A_225 : i32 to index
          %swap3A_251 = arith.constant 48 : index
          %swap3A_252 = tpu.vector_load %arg16[%swap3A_250, %swap3A_251] {strides = array<i32>} : memref<16x64xf32, #tpu.memory_space<vmem>>, vector<16xf32>,
          tpu.vector_store %arg16[%swap3A_250, %swap3A_251], %gather3A_249 {strides = array<i32>} : memref<16x64xf32, #tpu.memory_space<vmem>>, vector<16xf32>,
          %mul3A_253 = arith.constant 64 : i32
          %mul3A_254 = arith.muli %shift_right_arithmetic3A_215, %mul3A_253 : i32
          %dma_start3A_255 = arith.constant 0 : i32
          %dma_start3A_256 = tpu.memref_slice %arg16[%and3A_225, %dma_start3A_255] : memref<16x64xf32, #tpu.memory_space<vmem>> -> memref<1x64xf32, #tpu.memory_space<vmem>>
          %dma_start3A_257 = tpu.memref_squeeze %dma_start3A_256 : memref<1x64xf32, #tpu.memory_space<vmem>> -> memref<64xf32, #tpu.memory_space<vmem>>
          %dma_start3A_258 = tpu.memref_slice %arg8[%mul3A_254] : memref<1048576xf32, #tpu.memory_space<hbm>> -> memref<64xf32, #tpu.memory_space<hbm>>
          %dma_start3A_259 = tpu.memref_slice %arg8[%mul3A_254] : memref<1048576xf32, #tpu.memory_space<hbm>> -> memref<64xf32, #tpu.memory_space<hbm>>
          %dma_start3A_260 = arith.constant 0 : i32
          %dma_start3A_261 = tpu.memref_slice %arg16[%and3A_225, %dma_start3A_260] : memref<16x64xf32, #tpu.memory_space<vmem>> -> memref<1x64xf32, #tpu.memory_space<vmem>>
          %dma_start3A_262 = tpu.memref_squeeze %dma_start3A_261 : memref<1x64xf32, #tpu.memory_space<vmem>> -> memref<64xf32, #tpu.memory_space<vmem>>
          tpu.enqueue_dma source(%dma_start3A_262 : memref<64xf32, #tpu.memory_space<vmem>>) target(%dma_start3A_259 : memref<64xf32, #tpu.memory_space<hbm>>) target_semaphore(%arg23 : memref<!tpu.dma_semaphore, #tpu.memory_space<semaphore_mem>>)
          %eq3A_263 = arith.constant 15 : i32
          %eq3A_264 = arith.cmpi eq, %and3A_225, %eq3A_263 : i32
          %convert_element_type3A_265 = arith.extui %eq3A_264 : i1 to i32
          %cond3A_266 = arith.constant 0 : i32
          %cond3A_267 = arith.cmpi ne, %convert_element_type3A_265, %cond3A_266 : i32
          scf.if %cond3A_267 {
            %dma_wait3A_270 = arith.constant 0 : i32
            %dma_wait3A_271 = tpu.memref_slice %arg8[%dma_wait3A_270] : memref<1048576xf32, #tpu.memory_space<hbm>> -> memref<1024xf32, #tpu.memory_space<hbm>>
            %dma_wait3A_272 = arith.constant 0 : i32
            %dma_wait3A_273 = tpu.memref_slice %arg8[%dma_wait3A_272] : memref<1048576xf32, #tpu.memory_space<hbm>> -> memref<1024xf32, #tpu.memory_space<hbm>>
            tpu.wait_dma2 semaphore(%arg23 : memref<!tpu.dma_semaphore, #tpu.memory_space<semaphore_mem>>) src(%dma_wait3A_273 : memref<1024xf32, #tpu.memory_space<hbm>>) dst(%arg19 : memref<1024xf32, #tpu.memory_space<vmem>>)
          } else {
          }
          %add3A_268 = arith.constant 1 : i32
          %add3A_269 = arith.addi %while3A_209, %add3A_268 : i32
          scf.yield %add3A_269 : i32
        }
        scf.yield %while3A_207 : i32
      }
      %while3A_139 = arith.constant 1 : i32
      %while3A_140 = scf.for %while3A_176 = %while3A_136 to %while3A_132 step %while3A_139 iter_args(%while3A_177 = %while3A_138) -> (i32)  : i32 {
        %mul3A_178 = arith.constant 16 : i32
        %mul3A_179 = arith.muli %while3A_176, %mul3A_178 : i32
        %get3A = arith.index_cast %mul3A_179 : i32 to index
        %get3A_180 = tpu.vector_load %arg11[%get3A] {strides = array<i32>} : memref<16400xi32, #tpu.memory_space<vmem>>, vector<16xi32>,
        %and3A_181 = arith.constant 32767 : i32
        %and3A_182 = vector.broadcast %and3A_181 : i32 to vector<16xi32>
        %and3A_183 = arith.andi %get3A_180, %and3A_182 : vector<16xi32>
        %shift_right_arithmetic3A_184 = arith.constant 9 : i32
        %shift_right_arithmetic3A_185 = vector.broadcast %shift_right_arithmetic3A_184 : i32 to vector<16xi32>
        %shift_right_arithmetic3A_186 = arith.shrsi %and3A_183, %shift_right_arithmetic3A_185 : vector<16xi32>
        %eq3A_187 = vector.broadcast %add3A_113 : i32 to vector<16xi32>
        %eq3A_188 = arith.cmpi eq, %shift_right_arithmetic3A_186, %eq3A_187 : vector<16xi32>
        %mul3A_189 = arith.constant 16 : i32
        %mul3A_190 = arith.muli %while3A_176, %mul3A_189 : i32
        %add3A_191 = vector.broadcast %mul3A_190 : i32 to vector<16xi32>
        %add3A_192 = arith.addi %iota3A_123, %add3A_191 : vector<16xi32>
        %lt3A_193 = vector.broadcast %scan3A_10 : i32 to vector<16xi32>
        %lt3A_194 = arith.cmpi slt, %add3A_192, %lt3A_193 : vector<16xi32>
        %and3A_195 = arith.andi %eq3A_188, %lt3A_194 : vector<16xi1>
        %swap3A = arith.constant 0 : index
        %swap3A_196 = tpu.vector_load %arg18[%swap3A] masked %and3A_195 {strides = array<i32>} : memref<32xi32, #tpu.memory_space<vmem>>, vector<16xi32>, vector<16xi1>
        tpu.vector_store %arg18[%swap3A], %get3A_180 masked %and3A_195 {strides = array<i32>} : memref<32xi32, #tpu.memory_space<vmem>>, vector<16xi32>, vector<16xi1>
        %all_reduce_population_count3A = tpu.all_reduce %and3A_195 {dim = 0 : i64, kind = #tpu.reduction_kind<sum>} : vector<16xi1> -> vector<16xi32>
        %slice3A = vector.extract_strided_slice %all_reduce_population_count3A {offsets = [0], sizes = [1], strides = [1]} : vector<16xi32> to vector<1xi32>
        %squeeze3A = vector.extract %slice3A[0] : i32 from vector<1xi32>
        %while3A_197 = arith.constant 0 : i32
        %while3A_198 = arith.subi %squeeze3A, %while3A_197 : i32
        %while3A_199 = arith.addi %while3A_197, %while3A_198 : i32
        %while3A_200 = arith.constant 1 : i32
        %while3A_201 = arith.divsi %while3A_198, %while3A_200 : i32
        %while3A_202 = arith.muli %while3A_201, %while3A_200 : i32
        %while3A_203 = arith.addi %while3A_197, %while3A_202 : i32
        %while3A_204 = arith.constant 1 : i32
        %while3A_205 = scf.for %while3A_208 = %while3A_197 to %while3A_203 step %while3A_204 iter_args(%while3A_209 = %while3A_177) -> (i32)  : i32 {
          %get3A_210 = arith.index_cast %while3A_208 : i32 to index
          %get3A_211 = tpu.vector_load %arg18[%get3A_210] {strides = array<i32>} : memref<32xi32, #tpu.memory_space<vmem>>, vector<16xi32>,
          %slice3A_212 = vector.extract_strided_slice %get3A_211 {offsets = [0], sizes = [1], strides = [1]} : vector<16xi32> to vector<1xi32>
          %squeeze3A_213 = vector.extract %slice3A_212[0] : i32 from vector<1xi32>
          %shift_right_arithmetic3A_214 = arith.constant 15 : i32
          %shift_right_arithmetic3A_215 = arith.shrsi %squeeze3A_213, %shift_right_arithmetic3A_214 : i32
          %and3A_216 = arith.constant 32767 : i32
          %and3A_217 = arith.andi %squeeze3A_213, %and3A_216 : i32
          %mul3A_218 = arith.constant 512 : i32
          %mul3A_219 = arith.muli %add3A_113, %mul3A_218 : i32
          %sub3A_220 = arith.subi %and3A_217, %mul3A_219 : i32
          %broadcast_in_dim3A = arith.constant 0 : i32
          %broadcast_in_dim3A_221 = vector.broadcast %broadcast_in_dim3A : i32 to vector<16xi32>
          %add3A_222 = vector.broadcast %sub3A_220 : i32 to vector<16xi32>
          %add3A_223 = arith.addi %broadcast_in_dim3A_221, %add3A_222 : vector<16xi32>
          %and3A_224 = arith.constant 15 : i32
          %and3A_225 = arith.andi %while3A_209, %and3A_224 : i32
          %add3A_226 = arith.constant 0 : i32
          %add3A_227 = vector.broadcast %add3A_226 : i32 to vector<16xi32>
          %add3A_228 = arith.addi %iota3A_123, %add3A_227 : vector<16xi32>
          %gather3A = tpu.vector_load_idx %arg13[%add3A_228, %add3A_223] : memref<64x512xf32, #tpu.memory_space<vmem>>[vector<16xi32>, vector<16xi32>], vector<16xf32>,
          %swap3A_229 = arith.index_cast %and3A_225 : i32 to index
          %swap3A_230 = arith.constant 0 : index
          %swap3A_231 = tpu.vector_load %arg16[%swap3A_229, %swap3A_230] {strides = array<i32>} : memref<16x64xf32, #tpu.memory_space<vmem>>, vector<16xf32>,
          tpu.vector_store %arg16[%swap3A_229, %swap3A_230], %gather3A {strides = array<i32>} : memref<16x64xf32, #tpu.memory_space<vmem>>, vector<16xf32>,
          %add3A_232 = arith.constant 16 : i32
          %add3A_233 = vector.broadcast %add3A_232 : i32 to vector<16xi32>
          %add3A_234 = arith.addi %iota3A_123, %add3A_233 : vector<16xi32>
          %gather3A_235 = tpu.vector_load_idx %arg13[%add3A_234, %add3A_223] : memref<64x512xf32, #tpu.memory_space<vmem>>[vector<16xi32>, vector<16xi32>], vector<16xf32>,
          %swap3A_236 = arith.index_cast %and3A_225 : i32 to index
          %swap3A_237 = arith.constant 16 : index
          %swap3A_238 = tpu.vector_load %arg16[%swap3A_236, %swap3A_237] {strides = array<i32>} : memref<16x64xf32, #tpu.memory_space<vmem>>, vector<16xf32>,
          tpu.vector_store %arg16[%swap3A_236, %swap3A_237], %gather3A_235 {strides = array<i32>} : memref<16x64xf32, #tpu.memory_space<vmem>>, vector<16xf32>,
          %add3A_239 = arith.constant 32 : i32
          %add3A_240 = vector.broadcast %add3A_239 : i32 to vector<16xi32>
          %add3A_241 = arith.addi %iota3A_123, %add3A_240 : vector<16xi32>
          %gather3A_242 = tpu.vector_load_idx %arg13[%add3A_241, %add3A_223] : memref<64x512xf32, #tpu.memory_space<vmem>>[vector<16xi32>, vector<16xi32>], vector<16xf32>,
          %swap3A_243 = arith.index_cast %and3A_225 : i32 to index
          %swap3A_244 = arith.constant 32 : index
          %swap3A_245 = tpu.vector_load %arg16[%swap3A_243, %swap3A_244] {strides = array<i32>} : memref<16x64xf32, #tpu.memory_space<vmem>>, vector<16xf32>,
          tpu.vector_store %arg16[%swap3A_243, %swap3A_244], %gather3A_242 {strides = array<i32>} : memref<16x64xf32, #tpu.memory_space<vmem>>, vector<16xf32>,
          %add3A_246 = arith.constant 48 : i32
          %add3A_247 = vector.broadcast %add3A_246 : i32 to vector<16xi32>
          %add3A_248 = arith.addi %iota3A_123, %add3A_247 : vector<16xi32>
          %gather3A_249 = tpu.vector_load_idx %arg13[%add3A_248, %add3A_223] : memref<64x512xf32, #tpu.memory_space<vmem>>[vector<16xi32>, vector<16xi32>], vector<16xf32>,
          %swap3A_250 = arith.index_cast %and3A_225 : i32 to index
          %swap3A_251 = arith.constant 48 : index
          %swap3A_252 = tpu.vector_load %arg16[%swap3A_250, %swap3A_251] {strides = array<i32>} : memref<16x64xf32, #tpu.memory_space<vmem>>, vector<16xf32>,
          tpu.vector_store %arg16[%swap3A_250, %swap3A_251], %gather3A_249 {strides = array<i32>} : memref<16x64xf32, #tpu.memory_space<vmem>>, vector<16xf32>,
          %mul3A_253 = arith.constant 64 : i32
          %mul3A_254 = arith.muli %shift_right_arithmetic3A_215, %mul3A_253 : i32
          %dma_start3A_255 = arith.constant 0 : i32
          %dma_start3A_256 = tpu.memref_slice %arg16[%and3A_225, %dma_start3A_255] : memref<16x64xf32, #tpu.memory_space<vmem>> -> memref<1x64xf32, #tpu.memory_space<vmem>>
          %dma_start3A_257 = tpu.memref_squeeze %dma_start3A_256 : memref<1x64xf32, #tpu.memory_space<vmem>> -> memref<64xf32, #tpu.memory_space<vmem>>
          %dma_start3A_258 = tpu.memref_slice %arg8[%mul3A_254] : memref<1048576xf32, #tpu.memory_space<hbm>> -> memref<64xf32, #tpu.memory_space<hbm>>
          %dma_start3A_259 = tpu.memref_slice %arg8[%mul3A_254] : memref<1048576xf32, #tpu.memory_space<hbm>> -> memref<64xf32, #tpu.memory_space<hbm>>
          %dma_start3A_260 = arith.constant 0 : i32
          %dma_start3A_261 = tpu.memref_slice %arg16[%and3A_225, %dma_start3A_260] : memref<16x64xf32, #tpu.memory_space<vmem>> -> memref<1x64xf32, #tpu.memory_space<vmem>>
          %dma_start3A_262 = tpu.memref_squeeze %dma_start3A_261 : memref<1x64xf32, #tpu.memory_space<vmem>> -> memref<64xf32, #tpu.memory_space<vmem>>
          tpu.enqueue_dma source(%dma_start3A_262 : memref<64xf32, #tpu.memory_space<vmem>>) target(%dma_start3A_259 : memref<64xf32, #tpu.memory_space<hbm>>) target_semaphore(%arg23 : memref<!tpu.dma_semaphore, #tpu.memory_space<semaphore_mem>>)
          %eq3A_263 = arith.constant 15 : i32
          %eq3A_264 = arith.cmpi eq, %and3A_225, %eq3A_263 : i32
          %convert_element_type3A_265 = arith.extui %eq3A_264 : i1 to i32
          %cond3A_266 = arith.constant 0 : i32
          %cond3A_267 = arith.cmpi ne, %convert_element_type3A_265, %cond3A_266 : i32
          scf.if %cond3A_267 {
            %dma_wait3A_270 = arith.constant 0 : i32
            %dma_wait3A_271 = tpu.memref_slice %arg8[%dma_wait3A_270] : memref<1048576xf32, #tpu.memory_space<hbm>> -> memref<1024xf32, #tpu.memory_space<hbm>>
            %dma_wait3A_272 = arith.constant 0 : i32
            %dma_wait3A_273 = tpu.memref_slice %arg8[%dma_wait3A_272] : memref<1048576xf32, #tpu.memory_space<hbm>> -> memref<1024xf32, #tpu.memory_space<hbm>>
            tpu.wait_dma2 semaphore(%arg23 : memref<!tpu.dma_semaphore, #tpu.memory_space<semaphore_mem>>) src(%dma_wait3A_273 : memref<1024xf32, #tpu.memory_space<hbm>>) dst(%arg19 : memref<1024xf32, #tpu.memory_space<vmem>>)
          } else {
          }
          %add3A_268 = arith.constant 1 : i32
          %add3A_269 = arith.addi %while3A_209, %add3A_268 : i32
          scf.yield %add3A_269 : i32
        }
        %while3A_206 = arith.constant 1 : i32
        %while3A_207 = scf.for %while3A_208 = %while3A_203 to %while3A_199 step %while3A_206 iter_args(%while3A_209 = %while3A_205) -> (i32)  : i32 {
          %get3A_210 = arith.index_cast %while3A_208 : i32 to index
          %get3A_211 = tpu.vector_load %arg18[%get3A_210] {strides = array<i32>} : memref<32xi32, #tpu.memory_space<vmem>>, vector<16xi32>,
          %slice3A_212 = vector.extract_strided_slice %get3A_211 {offsets = [0], sizes = [1], strides = [1]} : vector<16xi32> to vector<1xi32>
          %squeeze3A_213 = vector.extract %slice3A_212[0] : i32 from vector<1xi32>
          %shift_right_arithmetic3A_214 = arith.constant 15 : i32
          %shift_right_arithmetic3A_215 = arith.shrsi %squeeze3A_213, %shift_right_arithmetic3A_214 : i32
          %and3A_216 = arith.constant 32767 : i32
          %and3A_217 = arith.andi %squeeze3A_213, %and3A_216 : i32
          %mul3A_218 = arith.constant 512 : i32
          %mul3A_219 = arith.muli %add3A_113, %mul3A_218 : i32
          %sub3A_220 = arith.subi %and3A_217, %mul3A_219 : i32
          %broadcast_in_dim3A = arith.constant 0 : i32
          %broadcast_in_dim3A_221 = vector.broadcast %broadcast_in_dim3A : i32 to vector<16xi32>
          %add3A_222 = vector.broadcast %sub3A_220 : i32 to vector<16xi32>
          %add3A_223 = arith.addi %broadcast_in_dim3A_221, %add3A_222 : vector<16xi32>
          %and3A_224 = arith.constant 15 : i32
          %and3A_225 = arith.andi %while3A_209, %and3A_224 : i32
          %add3A_226 = arith.constant 0 : i32
          %add3A_227 = vector.broadcast %add3A_226 : i32 to vector<16xi32>
          %add3A_228 = arith.addi %iota3A_123, %add3A_227 : vector<16xi32>
          %gather3A = tpu.vector_load_idx %arg13[%add3A_228, %add3A_223] : memref<64x512xf32, #tpu.memory_space<vmem>>[vector<16xi32>, vector<16xi32>], vector<16xf32>,
          %swap3A_229 = arith.index_cast %and3A_225 : i32 to index
          %swap3A_230 = arith.constant 0 : index
          %swap3A_231 = tpu.vector_load %arg16[%swap3A_229, %swap3A_230] {strides = array<i32>} : memref<16x64xf32, #tpu.memory_space<vmem>>, vector<16xf32>,
          tpu.vector_store %arg16[%swap3A_229, %swap3A_230], %gather3A {strides = array<i32>} : memref<16x64xf32, #tpu.memory_space<vmem>>, vector<16xf32>,
          %add3A_232 = arith.constant 16 : i32
          %add3A_233 = vector.broadcast %add3A_232 : i32 to vector<16xi32>
          %add3A_234 = arith.addi %iota3A_123, %add3A_233 : vector<16xi32>
          %gather3A_235 = tpu.vector_load_idx %arg13[%add3A_234, %add3A_223] : memref<64x512xf32, #tpu.memory_space<vmem>>[vector<16xi32>, vector<16xi32>], vector<16xf32>,
          %swap3A_236 = arith.index_cast %and3A_225 : i32 to index
          %swap3A_237 = arith.constant 16 : index
          %swap3A_238 = tpu.vector_load %arg16[%swap3A_236, %swap3A_237] {strides = array<i32>} : memref<16x64xf32, #tpu.memory_space<vmem>>, vector<16xf32>,
          tpu.vector_store %arg16[%swap3A_236, %swap3A_237], %gather3A_235 {strides = array<i32>} : memref<16x64xf32, #tpu.memory_space<vmem>>, vector<16xf32>,
          %add3A_239 = arith.constant 32 : i32
          %add3A_240 = vector.broadcast %add3A_239 : i32 to vector<16xi32>
          %add3A_241 = arith.addi %iota3A_123, %add3A_240 : vector<16xi32>
          %gather3A_242 = tpu.vector_load_idx %arg13[%add3A_241, %add3A_223] : memref<64x512xf32, #tpu.memory_space<vmem>>[vector<16xi32>, vector<16xi32>], vector<16xf32>,
          %swap3A_243 = arith.index_cast %and3A_225 : i32 to index
          %swap3A_244 = arith.constant 32 : index
          %swap3A_245 = tpu.vector_load %arg16[%swap3A_243, %swap3A_244] {strides = array<i32>} : memref<16x64xf32, #tpu.memory_space<vmem>>, vector<16xf32>,
          tpu.vector_store %arg16[%swap3A_243, %swap3A_244], %gather3A_242 {strides = array<i32>} : memref<16x64xf32, #tpu.memory_space<vmem>>, vector<16xf32>,
          %add3A_246 = arith.constant 48 : i32
          %add3A_247 = vector.broadcast %add3A_246 : i32 to vector<16xi32>
          %add3A_248 = arith.addi %iota3A_123, %add3A_247 : vector<16xi32>
          %gather3A_249 = tpu.vector_load_idx %arg13[%add3A_248, %add3A_223] : memref<64x512xf32, #tpu.memory_space<vmem>>[vector<16xi32>, vector<16xi32>], vector<16xf32>,
          %swap3A_250 = arith.index_cast %and3A_225 : i32 to index
          %swap3A_251 = arith.constant 48 : index
          %swap3A_252 = tpu.vector_load %arg16[%swap3A_250, %swap3A_251] {strides = array<i32>} : memref<16x64xf32, #tpu.memory_space<vmem>>, vector<16xf32>,
          tpu.vector_store %arg16[%swap3A_250, %swap3A_251], %gather3A_249 {strides = array<i32>} : memref<16x64xf32, #tpu.memory_space<vmem>>, vector<16xf32>,
          %mul3A_253 = arith.constant 64 : i32
          %mul3A_254 = arith.muli %shift_right_arithmetic3A_215, %mul3A_253 : i32
          %dma_start3A_255 = arith.constant 0 : i32
          %dma_start3A_256 = tpu.memref_slice %arg16[%and3A_225, %dma_start3A_255] : memref<16x64xf32, #tpu.memory_space<vmem>> -> memref<1x64xf32, #tpu.memory_space<vmem>>
          %dma_start3A_257 = tpu.memref_squeeze %dma_start3A_256 : memref<1x64xf32, #tpu.memory_space<vmem>> -> memref<64xf32, #tpu.memory_space<vmem>>
          %dma_start3A_258 = tpu.memref_slice %arg8[%mul3A_254] : memref<1048576xf32, #tpu.memory_space<hbm>> -> memref<64xf32, #tpu.memory_space<hbm>>
          %dma_start3A_259 = tpu.memref_slice %arg8[%mul3A_254] : memref<1048576xf32, #tpu.memory_space<hbm>> -> memref<64xf32, #tpu.memory_space<hbm>>
          %dma_start3A_260 = arith.constant 0 : i32
          %dma_start3A_261 = tpu.memref_slice %arg16[%and3A_225, %dma_start3A_260] : memref<16x64xf32, #tpu.memory_space<vmem>> -> memref<1x64xf32, #tpu.memory_space<vmem>>
          %dma_start3A_262 = tpu.memref_squeeze %dma_start3A_261 : memref<1x64xf32, #tpu.memory_space<vmem>> -> memref<64xf32, #tpu.memory_space<vmem>>
          tpu.enqueue_dma source(%dma_start3A_262 : memref<64xf32, #tpu.memory_space<vmem>>) target(%dma_start3A_259 : memref<64xf32, #tpu.memory_space<hbm>>) target_semaphore(%arg23 : memref<!tpu.dma_semaphore, #tpu.memory_space<semaphore_mem>>)
          %eq3A_263 = arith.constant 15 : i32
          %eq3A_264 = arith.cmpi eq, %and3A_225, %eq3A_263 : i32
          %convert_element_type3A_265 = arith.extui %eq3A_264 : i1 to i32
          %cond3A_266 = arith.constant 0 : i32
          %cond3A_267 = arith.cmpi ne, %convert_element_type3A_265, %cond3A_266 : i32
          scf.if %cond3A_267 {
            %dma_wait3A_270 = arith.constant 0 : i32
            %dma_wait3A_271 = tpu.memref_slice %arg8[%dma_wait3A_270] : memref<1048576xf32, #tpu.memory_space<hbm>> -> memref<1024xf32, #tpu.memory_space<hbm>>
            %dma_wait3A_272 = arith.constant 0 : i32
            %dma_wait3A_273 = tpu.memref_slice %arg8[%dma_wait3A_272] : memref<1048576xf32, #tpu.memory_space<hbm>> -> memref<1024xf32, #tpu.memory_space<hbm>>
            tpu.wait_dma2 semaphore(%arg23 : memref<!tpu.dma_semaphore, #tpu.memory_space<semaphore_mem>>) src(%dma_wait3A_273 : memref<1024xf32, #tpu.memory_space<hbm>>) dst(%arg19 : memref<1024xf32, #tpu.memory_space<vmem>>)
          } else {
          }
          %add3A_268 = arith.constant 1 : i32
          %add3A_269 = arith.addi %while3A_209, %add3A_268 : i32
          scf.yield %add3A_269 : i32
        }
        scf.yield %while3A_207 : i32
      }
      %mul3A_141 = arith.constant 2 : i32
      %mul3A_142 = arith.muli %scan3A_108, %mul3A_141 : i32
      %add3A_143 = arith.constant 1 : i32
      %add3A_144 = arith.addi %mul3A_142, %add3A_143 : i32
      %dma_wait3A_145 = arith.constant 0 : i32
      %dma_wait3A_146 = arith.constant 0 : i32
      %dma_wait3A_147 = tpu.memref_slice %arg2[%dma_wait3A_145, %dma_wait3A_146] : memref<64x1000000xf32, #tpu.memory_space<hbm>> -> memref<64x512xf32, #tpu.memory_space<hbm>>
      %dma_wait3A_148 = arith.constant 0 : i32
      %dma_wait3A_149 = arith.constant 0 : i32
      %dma_wait3A_150 = tpu.memref_slice %arg2[%dma_wait3A_148, %dma_wait3A_149] : memref<64x1000000xf32, #tpu.memory_space<hbm>> -> memref<64x512xf32, #tpu.memory_space<hbm>>
      tpu.wait_dma2 semaphore(%arg22 : memref<!tpu.dma_semaphore, #tpu.memory_space<semaphore_mem>>) src(%dma_wait3A_150 : memref<64x512xf32, #tpu.memory_space<hbm>>) dst(%arg14 : memref<64x512xf32, #tpu.memory_space<vmem>>)
      %add3A_151 = arith.constant 1 : i32
      %add3A_152 = arith.addi %add3A_144, %add3A_151 : i32
      %lt3A_153 = arith.constant 62 : i32
      %lt3A_154 = arith.cmpi slt, %add3A_152, %lt3A_153 : i32
      %convert_element_type3A_155 = arith.extui %lt3A_154 : i1 to i32
      %cond3A_156 = arith.constant 0 : i32
      %cond3A_157 = arith.cmpi ne, %convert_element_type3A_155, %cond3A_156 : i32
      scf.if %cond3A_157 {
        %add3A_176 = arith.constant 1 : i32
        %add3A_177 = arith.addi %add3A_144, %add3A_176 : i32
        %mul3A_178 = arith.constant 512 : i32
        %mul3A_179 = arith.muli %add3A_177, %mul3A_178 : i32
        %add3A_180 = arith.addi %mul3A_2, %mul3A_179 : i32
        %dma_start3A_181 = arith.constant 0 : i32
        %dma_start3A_182 = tpu.memref_slice %arg2[%dma_start3A_181, %add3A_180] : memref<64x1000000xf32, #tpu.memory_space<hbm>> -> memref<64x512xf32, #tpu.memory_space<hbm>>
        %dma_start3A_183 = arith.constant 0 : i32
        %dma_start3A_184 = tpu.memref_slice %arg2[%dma_start3A_183, %add3A_180] : memref<64x1000000xf32, #tpu.memory_space<hbm>> -> memref<64x512xf32, #tpu.memory_space<hbm>>
        tpu.enqueue_dma source(%dma_start3A_184 : memref<64x512xf32, #tpu.memory_space<hbm>>) target(%arg13 : memref<64x512xf32, #tpu.memory_space<vmem>>) target_semaphore(%arg21 : memref<!tpu.dma_semaphore, #tpu.memory_space<semaphore_mem>>)
      } else {
      }
      %iota3A_158 = tpu.iota {dimensions = array<i32: 0>} : vector<16xi32>
      %add3A_159 = arith.constant 16 : i32
      %add3A_160 = arith.addi %scan3A_10, %add3A_159 : i32
      %sub3A_161 = arith.constant 1 : i32
      %sub3A_162 = arith.subi %add3A_160, %sub3A_161 : i32
      %shift_right_arithmetic3A_163 = arith.constant 4 : i32
      %shift_right_arithmetic3A_164 = arith.shrsi %sub3A_162, %shift_right_arithmetic3A_163 : i32
      %while3A_165 = arith.constant 0 : i32
      %while3A_166 = arith.subi %shift_right_arithmetic3A_164, %while3A_165 : i32
      %while3A_167 = arith.addi %while3A_165, %while3A_166 : i32
      %while3A_168 = arith.constant 1 : i32
      %while3A_169 = arith.divsi %while3A_166, %while3A_168 : i32
      %while3A_170 = arith.muli %while3A_169, %while3A_168 : i32
      %while3A_171 = arith.addi %while3A_165, %while3A_170 : i32
      %while3A_172 = arith.constant 1 : i32
      %while3A_173 = scf.for %while3A_176 = %while3A_165 to %while3A_171 step %while3A_172 iter_args(%while3A_177 = %while3A_140) -> (i32)  : i32 {
        %mul3A_178 = arith.constant 16 : i32
        %mul3A_179 = arith.muli %while3A_176, %mul3A_178 : i32
        %get3A = arith.index_cast %mul3A_179 : i32 to index
        %get3A_180 = tpu.vector_load %arg11[%get3A] {strides = array<i32>} : memref<16400xi32, #tpu.memory_space<vmem>>, vector<16xi32>,
        %and3A_181 = arith.constant 32767 : i32
        %and3A_182 = vector.broadcast %and3A_181 : i32 to vector<16xi32>
        %and3A_183 = arith.andi %get3A_180, %and3A_182 : vector<16xi32>
        %shift_right_arithmetic3A_184 = arith.constant 9 : i32
        %shift_right_arithmetic3A_185 = vector.broadcast %shift_right_arithmetic3A_184 : i32 to vector<16xi32>
        %shift_right_arithmetic3A_186 = arith.shrsi %and3A_183, %shift_right_arithmetic3A_185 : vector<16xi32>
        %eq3A_187 = vector.broadcast %add3A_144 : i32 to vector<16xi32>
        %eq3A_188 = arith.cmpi eq, %shift_right_arithmetic3A_186, %eq3A_187 : vector<16xi32>
        %mul3A_189 = arith.constant 16 : i32
        %mul3A_190 = arith.muli %while3A_176, %mul3A_189 : i32
        %add3A_191 = vector.broadcast %mul3A_190 : i32 to vector<16xi32>
        %add3A_192 = arith.addi %iota3A_158, %add3A_191 : vector<16xi32>
        %lt3A_193 = vector.broadcast %scan3A_10 : i32 to vector<16xi32>
        %lt3A_194 = arith.cmpi slt, %add3A_192, %lt3A_193 : vector<16xi32>
        %and3A_195 = arith.andi %eq3A_188, %lt3A_194 : vector<16xi1>
        %swap3A = arith.constant 0 : index
        %swap3A_196 = tpu.vector_load %arg18[%swap3A] masked %and3A_195 {strides = array<i32>} : memref<32xi32, #tpu.memory_space<vmem>>, vector<16xi32>, vector<16xi1>
        tpu.vector_store %arg18[%swap3A], %get3A_180 masked %and3A_195 {strides = array<i32>} : memref<32xi32, #tpu.memory_space<vmem>>, vector<16xi32>, vector<16xi1>
        %all_reduce_population_count3A = tpu.all_reduce %and3A_195 {dim = 0 : i64, kind = #tpu.reduction_kind<sum>} : vector<16xi1> -> vector<16xi32>
        %slice3A = vector.extract_strided_slice %all_reduce_population_count3A {offsets = [0], sizes = [1], strides = [1]} : vector<16xi32> to vector<1xi32>
        %squeeze3A = vector.extract %slice3A[0] : i32 from vector<1xi32>
        %while3A_197 = arith.constant 0 : i32
        %while3A_198 = arith.subi %squeeze3A, %while3A_197 : i32
        %while3A_199 = arith.addi %while3A_197, %while3A_198 : i32
        %while3A_200 = arith.constant 1 : i32
        %while3A_201 = arith.divsi %while3A_198, %while3A_200 : i32
        %while3A_202 = arith.muli %while3A_201, %while3A_200 : i32
        %while3A_203 = arith.addi %while3A_197, %while3A_202 : i32
        %while3A_204 = arith.constant 1 : i32
        %while3A_205 = scf.for %while3A_208 = %while3A_197 to %while3A_203 step %while3A_204 iter_args(%while3A_209 = %while3A_177) -> (i32)  : i32 {
          %get3A_210 = arith.index_cast %while3A_208 : i32 to index
          %get3A_211 = tpu.vector_load %arg18[%get3A_210] {strides = array<i32>} : memref<32xi32, #tpu.memory_space<vmem>>, vector<16xi32>,
          %slice3A_212 = vector.extract_strided_slice %get3A_211 {offsets = [0], sizes = [1], strides = [1]} : vector<16xi32> to vector<1xi32>
          %squeeze3A_213 = vector.extract %slice3A_212[0] : i32 from vector<1xi32>
          %shift_right_arithmetic3A_214 = arith.constant 15 : i32
          %shift_right_arithmetic3A_215 = arith.shrsi %squeeze3A_213, %shift_right_arithmetic3A_214 : i32
          %and3A_216 = arith.constant 32767 : i32
          %and3A_217 = arith.andi %squeeze3A_213, %and3A_216 : i32
          %mul3A_218 = arith.constant 512 : i32
          %mul3A_219 = arith.muli %add3A_144, %mul3A_218 : i32
          %sub3A_220 = arith.subi %and3A_217, %mul3A_219 : i32
          %broadcast_in_dim3A = arith.constant 0 : i32
          %broadcast_in_dim3A_221 = vector.broadcast %broadcast_in_dim3A : i32 to vector<16xi32>
          %add3A_222 = vector.broadcast %sub3A_220 : i32 to vector<16xi32>
          %add3A_223 = arith.addi %broadcast_in_dim3A_221, %add3A_222 : vector<16xi32>
          %and3A_224 = arith.constant 15 : i32
          %and3A_225 = arith.andi %while3A_209, %and3A_224 : i32
          %add3A_226 = arith.constant 0 : i32
          %add3A_227 = vector.broadcast %add3A_226 : i32 to vector<16xi32>
          %add3A_228 = arith.addi %iota3A_158, %add3A_227 : vector<16xi32>
          %gather3A = tpu.vector_load_idx %arg14[%add3A_228, %add3A_223] : memref<64x512xf32, #tpu.memory_space<vmem>>[vector<16xi32>, vector<16xi32>], vector<16xf32>,
          %swap3A_229 = arith.index_cast %and3A_225 : i32 to index
          %swap3A_230 = arith.constant 0 : index
          %swap3A_231 = tpu.vector_load %arg16[%swap3A_229, %swap3A_230] {strides = array<i32>} : memref<16x64xf32, #tpu.memory_space<vmem>>, vector<16xf32>,
          tpu.vector_store %arg16[%swap3A_229, %swap3A_230], %gather3A {strides = array<i32>} : memref<16x64xf32, #tpu.memory_space<vmem>>, vector<16xf32>,
          %add3A_232 = arith.constant 16 : i32
          %add3A_233 = vector.broadcast %add3A_232 : i32 to vector<16xi32>
          %add3A_234 = arith.addi %iota3A_158, %add3A_233 : vector<16xi32>
          %gather3A_235 = tpu.vector_load_idx %arg14[%add3A_234, %add3A_223] : memref<64x512xf32, #tpu.memory_space<vmem>>[vector<16xi32>, vector<16xi32>], vector<16xf32>,
          %swap3A_236 = arith.index_cast %and3A_225 : i32 to index
          %swap3A_237 = arith.constant 16 : index
          %swap3A_238 = tpu.vector_load %arg16[%swap3A_236, %swap3A_237] {strides = array<i32>} : memref<16x64xf32, #tpu.memory_space<vmem>>, vector<16xf32>,
          tpu.vector_store %arg16[%swap3A_236, %swap3A_237], %gather3A_235 {strides = array<i32>} : memref<16x64xf32, #tpu.memory_space<vmem>>, vector<16xf32>,
          %add3A_239 = arith.constant 32 : i32
          %add3A_240 = vector.broadcast %add3A_239 : i32 to vector<16xi32>
          %add3A_241 = arith.addi %iota3A_158, %add3A_240 : vector<16xi32>
          %gather3A_242 = tpu.vector_load_idx %arg14[%add3A_241, %add3A_223] : memref<64x512xf32, #tpu.memory_space<vmem>>[vector<16xi32>, vector<16xi32>], vector<16xf32>,
          %swap3A_243 = arith.index_cast %and3A_225 : i32 to index
          %swap3A_244 = arith.constant 32 : index
          %swap3A_245 = tpu.vector_load %arg16[%swap3A_243, %swap3A_244] {strides = array<i32>} : memref<16x64xf32, #tpu.memory_space<vmem>>, vector<16xf32>,
          tpu.vector_store %arg16[%swap3A_243, %swap3A_244], %gather3A_242 {strides = array<i32>} : memref<16x64xf32, #tpu.memory_space<vmem>>, vector<16xf32>,
          %add3A_246 = arith.constant 48 : i32
          %add3A_247 = vector.broadcast %add3A_246 : i32 to vector<16xi32>
          %add3A_248 = arith.addi %iota3A_158, %add3A_247 : vector<16xi32>
          %gather3A_249 = tpu.vector_load_idx %arg14[%add3A_248, %add3A_223] : memref<64x512xf32, #tpu.memory_space<vmem>>[vector<16xi32>, vector<16xi32>], vector<16xf32>,
          %swap3A_250 = arith.index_cast %and3A_225 : i32 to index
          %swap3A_251 = arith.constant 48 : index
          %swap3A_252 = tpu.vector_load %arg16[%swap3A_250, %swap3A_251] {strides = array<i32>} : memref<16x64xf32, #tpu.memory_space<vmem>>, vector<16xf32>,
          tpu.vector_store %arg16[%swap3A_250, %swap3A_251], %gather3A_249 {strides = array<i32>} : memref<16x64xf32, #tpu.memory_space<vmem>>, vector<16xf32>,
          %mul3A_253 = arith.constant 64 : i32
          %mul3A_254 = arith.muli %shift_right_arithmetic3A_215, %mul3A_253 : i32
          %dma_start3A_255 = arith.constant 0 : i32
          %dma_start3A_256 = tpu.memref_slice %arg16[%and3A_225, %dma_start3A_255] : memref<16x64xf32, #tpu.memory_space<vmem>> -> memref<1x64xf32, #tpu.memory_space<vmem>>
          %dma_start3A_257 = tpu.memref_squeeze %dma_start3A_256 : memref<1x64xf32, #tpu.memory_space<vmem>> -> memref<64xf32, #tpu.memory_space<vmem>>
          %dma_start3A_258 = tpu.memref_slice %arg8[%mul3A_254] : memref<1048576xf32, #tpu.memory_space<hbm>> -> memref<64xf32, #tpu.memory_space<hbm>>
          %dma_start3A_259 = tpu.memref_slice %arg8[%mul3A_254] : memref<1048576xf32, #tpu.memory_space<hbm>> -> memref<64xf32, #tpu.memory_space<hbm>>
          %dma_start3A_260 = arith.constant 0 : i32
          %dma_start3A_261 = tpu.memref_slice %arg16[%and3A_225, %dma_start3A_260] : memref<16x64xf32, #tpu.memory_space<vmem>> -> memref<1x64xf32, #tpu.memory_space<vmem>>
          %dma_start3A_262 = tpu.memref_squeeze %dma_start3A_261 : memref<1x64xf32, #tpu.memory_space<vmem>> -> memref<64xf32, #tpu.memory_space<vmem>>
          tpu.enqueue_dma source(%dma_start3A_262 : memref<64xf32, #tpu.memory_space<vmem>>) target(%dma_start3A_259 : memref<64xf32, #tpu.memory_space<hbm>>) target_semaphore(%arg23 : memref<!tpu.dma_semaphore, #tpu.memory_space<semaphore_mem>>)
          %eq3A_263 = arith.constant 15 : i32
          %eq3A_264 = arith.cmpi eq, %and3A_225, %eq3A_263 : i32
          %convert_element_type3A_265 = arith.extui %eq3A_264 : i1 to i32
          %cond3A_266 = arith.constant 0 : i32
          %cond3A_267 = arith.cmpi ne, %convert_element_type3A_265, %cond3A_266 : i32
          scf.if %cond3A_267 {
            %dma_wait3A_270 = arith.constant 0 : i32
            %dma_wait3A_271 = tpu.memref_slice %arg8[%dma_wait3A_270] : memref<1048576xf32, #tpu.memory_space<hbm>> -> memref<1024xf32, #tpu.memory_space<hbm>>
            %dma_wait3A_272 = arith.constant 0 : i32
            %dma_wait3A_273 = tpu.memref_slice %arg8[%dma_wait3A_272] : memref<1048576xf32, #tpu.memory_space<hbm>> -> memref<1024xf32, #tpu.memory_space<hbm>>
            tpu.wait_dma2 semaphore(%arg23 : memref<!tpu.dma_semaphore, #tpu.memory_space<semaphore_mem>>) src(%dma_wait3A_273 : memref<1024xf32, #tpu.memory_space<hbm>>) dst(%arg19 : memref<1024xf32, #tpu.memory_space<vmem>>)
          } else {
          }
          %add3A_268 = arith.constant 1 : i32
          %add3A_269 = arith.addi %while3A_209, %add3A_268 : i32
          scf.yield %add3A_269 : i32
        }
        %while3A_206 = arith.constant 1 : i32
        %while3A_207 = scf.for %while3A_208 = %while3A_203 to %while3A_199 step %while3A_206 iter_args(%while3A_209 = %while3A_205) -> (i32)  : i32 {
          %get3A_210 = arith.index_cast %while3A_208 : i32 to index
          %get3A_211 = tpu.vector_load %arg18[%get3A_210] {strides = array<i32>} : memref<32xi32, #tpu.memory_space<vmem>>, vector<16xi32>,
          %slice3A_212 = vector.extract_strided_slice %get3A_211 {offsets = [0], sizes = [1], strides = [1]} : vector<16xi32> to vector<1xi32>
          %squeeze3A_213 = vector.extract %slice3A_212[0] : i32 from vector<1xi32>
          %shift_right_arithmetic3A_214 = arith.constant 15 : i32
          %shift_right_arithmetic3A_215 = arith.shrsi %squeeze3A_213, %shift_right_arithmetic3A_214 : i32
          %and3A_216 = arith.constant 32767 : i32
          %and3A_217 = arith.andi %squeeze3A_213, %and3A_216 : i32
          %mul3A_218 = arith.constant 512 : i32
          %mul3A_219 = arith.muli %add3A_144, %mul3A_218 : i32
          %sub3A_220 = arith.subi %and3A_217, %mul3A_219 : i32
          %broadcast_in_dim3A = arith.constant 0 : i32
          %broadcast_in_dim3A_221 = vector.broadcast %broadcast_in_dim3A : i32 to vector<16xi32>
          %add3A_222 = vector.broadcast %sub3A_220 : i32 to vector<16xi32>
          %add3A_223 = arith.addi %broadcast_in_dim3A_221, %add3A_222 : vector<16xi32>
          %and3A_224 = arith.constant 15 : i32
          %and3A_225 = arith.andi %while3A_209, %and3A_224 : i32
          %add3A_226 = arith.constant 0 : i32
          %add3A_227 = vector.broadcast %add3A_226 : i32 to vector<16xi32>
          %add3A_228 = arith.addi %iota3A_158, %add3A_227 : vector<16xi32>
          %gather3A = tpu.vector_load_idx %arg14[%add3A_228, %add3A_223] : memref<64x512xf32, #tpu.memory_space<vmem>>[vector<16xi32>, vector<16xi32>], vector<16xf32>,
          %swap3A_229 = arith.index_cast %and3A_225 : i32 to index
          %swap3A_230 = arith.constant 0 : index
          %swap3A_231 = tpu.vector_load %arg16[%swap3A_229, %swap3A_230] {strides = array<i32>} : memref<16x64xf32, #tpu.memory_space<vmem>>, vector<16xf32>,
          tpu.vector_store %arg16[%swap3A_229, %swap3A_230], %gather3A {strides = array<i32>} : memref<16x64xf32, #tpu.memory_space<vmem>>, vector<16xf32>,
          %add3A_232 = arith.constant 16 : i32
          %add3A_233 = vector.broadcast %add3A_232 : i32 to vector<16xi32>
          %add3A_234 = arith.addi %iota3A_158, %add3A_233 : vector<16xi32>
          %gather3A_235 = tpu.vector_load_idx %arg14[%add3A_234, %add3A_223] : memref<64x512xf32, #tpu.memory_space<vmem>>[vector<16xi32>, vector<16xi32>], vector<16xf32>,
          %swap3A_236 = arith.index_cast %and3A_225 : i32 to index
          %swap3A_237 = arith.constant 16 : index
          %swap3A_238 = tpu.vector_load %arg16[%swap3A_236, %swap3A_237] {strides = array<i32>} : memref<16x64xf32, #tpu.memory_space<vmem>>, vector<16xf32>,
          tpu.vector_store %arg16[%swap3A_236, %swap3A_237], %gather3A_235 {strides = array<i32>} : memref<16x64xf32, #tpu.memory_space<vmem>>, vector<16xf32>,
          %add3A_239 = arith.constant 32 : i32
          %add3A_240 = vector.broadcast %add3A_239 : i32 to vector<16xi32>
          %add3A_241 = arith.addi %iota3A_158, %add3A_240 : vector<16xi32>
          %gather3A_242 = tpu.vector_load_idx %arg14[%add3A_241, %add3A_223] : memref<64x512xf32, #tpu.memory_space<vmem>>[vector<16xi32>, vector<16xi32>], vector<16xf32>,
          %swap3A_243 = arith.index_cast %and3A_225 : i32 to index
          %swap3A_244 = arith.constant 32 : index
          %swap3A_245 = tpu.vector_load %arg16[%swap3A_243, %swap3A_244] {strides = array<i32>} : memref<16x64xf32, #tpu.memory_space<vmem>>, vector<16xf32>,
          tpu.vector_store %arg16[%swap3A_243, %swap3A_244], %gather3A_242 {strides = array<i32>} : memref<16x64xf32, #tpu.memory_space<vmem>>, vector<16xf32>,
          %add3A_246 = arith.constant 48 : i32
          %add3A_247 = vector.broadcast %add3A_246 : i32 to vector<16xi32>
          %add3A_248 = arith.addi %iota3A_158, %add3A_247 : vector<16xi32>
          %gather3A_249 = tpu.vector_load_idx %arg14[%add3A_248, %add3A_223] : memref<64x512xf32, #tpu.memory_space<vmem>>[vector<16xi32>, vector<16xi32>], vector<16xf32>,
          %swap3A_250 = arith.index_cast %and3A_225 : i32 to index
          %swap3A_251 = arith.constant 48 : index
          %swap3A_252 = tpu.vector_load %arg16[%swap3A_250, %swap3A_251] {strides = array<i32>} : memref<16x64xf32, #tpu.memory_space<vmem>>, vector<16xf32>,
          tpu.vector_store %arg16[%swap3A_250, %swap3A_251], %gather3A_249 {strides = array<i32>} : memref<16x64xf32, #tpu.memory_space<vmem>>, vector<16xf32>,
          %mul3A_253 = arith.constant 64 : i32
          %mul3A_254 = arith.muli %shift_right_arithmetic3A_215, %mul3A_253 : i32
          %dma_start3A_255 = arith.constant 0 : i32
          %dma_start3A_256 = tpu.memref_slice %arg16[%and3A_225, %dma_start3A_255] : memref<16x64xf32, #tpu.memory_space<vmem>> -> memref<1x64xf32, #tpu.memory_space<vmem>>
          %dma_start3A_257 = tpu.memref_squeeze %dma_start3A_256 : memref<1x64xf32, #tpu.memory_space<vmem>> -> memref<64xf32, #tpu.memory_space<vmem>>
          %dma_start3A_258 = tpu.memref_slice %arg8[%mul3A_254] : memref<1048576xf32, #tpu.memory_space<hbm>> -> memref<64xf32, #tpu.memory_space<hbm>>
          %dma_start3A_259 = tpu.memref_slice %arg8[%mul3A_254] : memref<1048576xf32, #tpu.memory_space<hbm>> -> memref<64xf32, #tpu.memory_space<hbm>>
          %dma_start3A_260 = arith.constant 0 : i32
          %dma_start3A_261 = tpu.memref_slice %arg16[%and3A_225, %dma_start3A_260] : memref<16x64xf32, #tpu.memory_space<vmem>> -> memref<1x64xf32, #tpu.memory_space<vmem>>
          %dma_start3A_262 = tpu.memref_squeeze %dma_start3A_261 : memref<1x64xf32, #tpu.memory_space<vmem>> -> memref<64xf32, #tpu.memory_space<vmem>>
          tpu.enqueue_dma source(%dma_start3A_262 : memref<64xf32, #tpu.memory_space<vmem>>) target(%dma_start3A_259 : memref<64xf32, #tpu.memory_space<hbm>>) target_semaphore(%arg23 : memref<!tpu.dma_semaphore, #tpu.memory_space<semaphore_mem>>)
          %eq3A_263 = arith.constant 15 : i32
          %eq3A_264 = arith.cmpi eq, %and3A_225, %eq3A_263 : i32
          %convert_element_type3A_265 = arith.extui %eq3A_264 : i1 to i32
          %cond3A_266 = arith.constant 0 : i32
          %cond3A_267 = arith.cmpi ne, %convert_element_type3A_265, %cond3A_266 : i32
          scf.if %cond3A_267 {
            %dma_wait3A_270 = arith.constant 0 : i32
            %dma_wait3A_271 = tpu.memref_slice %arg8[%dma_wait3A_270] : memref<1048576xf32, #tpu.memory_space<hbm>> -> memref<1024xf32, #tpu.memory_space<hbm>>
            %dma_wait3A_272 = arith.constant 0 : i32
            %dma_wait3A_273 = tpu.memref_slice %arg8[%dma_wait3A_272] : memref<1048576xf32, #tpu.memory_space<hbm>> -> memref<1024xf32, #tpu.memory_space<hbm>>
            tpu.wait_dma2 semaphore(%arg23 : memref<!tpu.dma_semaphore, #tpu.memory_space<semaphore_mem>>) src(%dma_wait3A_273 : memref<1024xf32, #tpu.memory_space<hbm>>) dst(%arg19 : memref<1024xf32, #tpu.memory_space<vmem>>)
          } else {
          }
          %add3A_268 = arith.constant 1 : i32
          %add3A_269 = arith.addi %while3A_209, %add3A_268 : i32
          scf.yield %add3A_269 : i32
        }
        scf.yield %while3A_207 : i32
      }
      %while3A_174 = arith.constant 1 : i32
      %while3A_175 = scf.for %while3A_176 = %while3A_171 to %while3A_167 step %while3A_174 iter_args(%while3A_177 = %while3A_173) -> (i32)  : i32 {
        %mul3A_178 = arith.constant 16 : i32
        %mul3A_179 = arith.muli %while3A_176, %mul3A_178 : i32
        %get3A = arith.index_cast %mul3A_179 : i32 to index
        %get3A_180 = tpu.vector_load %arg11[%get3A] {strides = array<i32>} : memref<16400xi32, #tpu.memory_space<vmem>>, vector<16xi32>,
        %and3A_181 = arith.constant 32767 : i32
        %and3A_182 = vector.broadcast %and3A_181 : i32 to vector<16xi32>
        %and3A_183 = arith.andi %get3A_180, %and3A_182 : vector<16xi32>
        %shift_right_arithmetic3A_184 = arith.constant 9 : i32
        %shift_right_arithmetic3A_185 = vector.broadcast %shift_right_arithmetic3A_184 : i32 to vector<16xi32>
        %shift_right_arithmetic3A_186 = arith.shrsi %and3A_183, %shift_right_arithmetic3A_185 : vector<16xi32>
        %eq3A_187 = vector.broadcast %add3A_144 : i32 to vector<16xi32>
        %eq3A_188 = arith.cmpi eq, %shift_right_arithmetic3A_186, %eq3A_187 : vector<16xi32>
        %mul3A_189 = arith.constant 16 : i32
        %mul3A_190 = arith.muli %while3A_176, %mul3A_189 : i32
        %add3A_191 = vector.broadcast %mul3A_190 : i32 to vector<16xi32>
        %add3A_192 = arith.addi %iota3A_158, %add3A_191 : vector<16xi32>
        %lt3A_193 = vector.broadcast %scan3A_10 : i32 to vector<16xi32>
        %lt3A_194 = arith.cmpi slt, %add3A_192, %lt3A_193 : vector<16xi32>
        %and3A_195 = arith.andi %eq3A_188, %lt3A_194 : vector<16xi1>
        %swap3A = arith.constant 0 : index
        %swap3A_196 = tpu.vector_load %arg18[%swap3A] masked %and3A_195 {strides = array<i32>} : memref<32xi32, #tpu.memory_space<vmem>>, vector<16xi32>, vector<16xi1>
        tpu.vector_store %arg18[%swap3A], %get3A_180 masked %and3A_195 {strides = array<i32>} : memref<32xi32, #tpu.memory_space<vmem>>, vector<16xi32>, vector<16xi1>
        %all_reduce_population_count3A = tpu.all_reduce %and3A_195 {dim = 0 : i64, kind = #tpu.reduction_kind<sum>} : vector<16xi1> -> vector<16xi32>
        %slice3A = vector.extract_strided_slice %all_reduce_population_count3A {offsets = [0], sizes = [1], strides = [1]} : vector<16xi32> to vector<1xi32>
        %squeeze3A = vector.extract %slice3A[0] : i32 from vector<1xi32>
        %while3A_197 = arith.constant 0 : i32
        %while3A_198 = arith.subi %squeeze3A, %while3A_197 : i32
        %while3A_199 = arith.addi %while3A_197, %while3A_198 : i32
        %while3A_200 = arith.constant 1 : i32
        %while3A_201 = arith.divsi %while3A_198, %while3A_200 : i32
        %while3A_202 = arith.muli %while3A_201, %while3A_200 : i32
        %while3A_203 = arith.addi %while3A_197, %while3A_202 : i32
        %while3A_204 = arith.constant 1 : i32
        %while3A_205 = scf.for %while3A_208 = %while3A_197 to %while3A_203 step %while3A_204 iter_args(%while3A_209 = %while3A_177) -> (i32)  : i32 {
          %get3A_210 = arith.index_cast %while3A_208 : i32 to index
          %get3A_211 = tpu.vector_load %arg18[%get3A_210] {strides = array<i32>} : memref<32xi32, #tpu.memory_space<vmem>>, vector<16xi32>,
          %slice3A_212 = vector.extract_strided_slice %get3A_211 {offsets = [0], sizes = [1], strides = [1]} : vector<16xi32> to vector<1xi32>
          %squeeze3A_213 = vector.extract %slice3A_212[0] : i32 from vector<1xi32>
          %shift_right_arithmetic3A_214 = arith.constant 15 : i32
          %shift_right_arithmetic3A_215 = arith.shrsi %squeeze3A_213, %shift_right_arithmetic3A_214 : i32
          %and3A_216 = arith.constant 32767 : i32
          %and3A_217 = arith.andi %squeeze3A_213, %and3A_216 : i32
          %mul3A_218 = arith.constant 512 : i32
          %mul3A_219 = arith.muli %add3A_144, %mul3A_218 : i32
          %sub3A_220 = arith.subi %and3A_217, %mul3A_219 : i32
          %broadcast_in_dim3A = arith.constant 0 : i32
          %broadcast_in_dim3A_221 = vector.broadcast %broadcast_in_dim3A : i32 to vector<16xi32>
          %add3A_222 = vector.broadcast %sub3A_220 : i32 to vector<16xi32>
          %add3A_223 = arith.addi %broadcast_in_dim3A_221, %add3A_222 : vector<16xi32>
          %and3A_224 = arith.constant 15 : i32
          %and3A_225 = arith.andi %while3A_209, %and3A_224 : i32
          %add3A_226 = arith.constant 0 : i32
          %add3A_227 = vector.broadcast %add3A_226 : i32 to vector<16xi32>
          %add3A_228 = arith.addi %iota3A_158, %add3A_227 : vector<16xi32>
          %gather3A = tpu.vector_load_idx %arg14[%add3A_228, %add3A_223] : memref<64x512xf32, #tpu.memory_space<vmem>>[vector<16xi32>, vector<16xi32>], vector<16xf32>,
          %swap3A_229 = arith.index_cast %and3A_225 : i32 to index
          %swap3A_230 = arith.constant 0 : index
          %swap3A_231 = tpu.vector_load %arg16[%swap3A_229, %swap3A_230] {strides = array<i32>} : memref<16x64xf32, #tpu.memory_space<vmem>>, vector<16xf32>,
          tpu.vector_store %arg16[%swap3A_229, %swap3A_230], %gather3A {strides = array<i32>} : memref<16x64xf32, #tpu.memory_space<vmem>>, vector<16xf32>,
          %add3A_232 = arith.constant 16 : i32
          %add3A_233 = vector.broadcast %add3A_232 : i32 to vector<16xi32>
          %add3A_234 = arith.addi %iota3A_158, %add3A_233 : vector<16xi32>
          %gather3A_235 = tpu.vector_load_idx %arg14[%add3A_234, %add3A_223] : memref<64x512xf32, #tpu.memory_space<vmem>>[vector<16xi32>, vector<16xi32>], vector<16xf32>,
          %swap3A_236 = arith.index_cast %and3A_225 : i32 to index
          %swap3A_237 = arith.constant 16 : index
          %swap3A_238 = tpu.vector_load %arg16[%swap3A_236, %swap3A_237] {strides = array<i32>} : memref<16x64xf32, #tpu.memory_space<vmem>>, vector<16xf32>,
          tpu.vector_store %arg16[%swap3A_236, %swap3A_237], %gather3A_235 {strides = array<i32>} : memref<16x64xf32, #tpu.memory_space<vmem>>, vector<16xf32>,
          %add3A_239 = arith.constant 32 : i32
          %add3A_240 = vector.broadcast %add3A_239 : i32 to vector<16xi32>
          %add3A_241 = arith.addi %iota3A_158, %add3A_240 : vector<16xi32>
          %gather3A_242 = tpu.vector_load_idx %arg14[%add3A_241, %add3A_223] : memref<64x512xf32, #tpu.memory_space<vmem>>[vector<16xi32>, vector<16xi32>], vector<16xf32>,
          %swap3A_243 = arith.index_cast %and3A_225 : i32 to index
          %swap3A_244 = arith.constant 32 : index
          %swap3A_245 = tpu.vector_load %arg16[%swap3A_243, %swap3A_244] {strides = array<i32>} : memref<16x64xf32, #tpu.memory_space<vmem>>, vector<16xf32>,
          tpu.vector_store %arg16[%swap3A_243, %swap3A_244], %gather3A_242 {strides = array<i32>} : memref<16x64xf32, #tpu.memory_space<vmem>>, vector<16xf32>,
          %add3A_246 = arith.constant 48 : i32
          %add3A_247 = vector.broadcast %add3A_246 : i32 to vector<16xi32>
          %add3A_248 = arith.addi %iota3A_158, %add3A_247 : vector<16xi32>
          %gather3A_249 = tpu.vector_load_idx %arg14[%add3A_248, %add3A_223] : memref<64x512xf32, #tpu.memory_space<vmem>>[vector<16xi32>, vector<16xi32>], vector<16xf32>,
          %swap3A_250 = arith.index_cast %and3A_225 : i32 to index
          %swap3A_251 = arith.constant 48 : index
          %swap3A_252 = tpu.vector_load %arg16[%swap3A_250, %swap3A_251] {strides = array<i32>} : memref<16x64xf32, #tpu.memory_space<vmem>>, vector<16xf32>,
          tpu.vector_store %arg16[%swap3A_250, %swap3A_251], %gather3A_249 {strides = array<i32>} : memref<16x64xf32, #tpu.memory_space<vmem>>, vector<16xf32>,
          %mul3A_253 = arith.constant 64 : i32
          %mul3A_254 = arith.muli %shift_right_arithmetic3A_215, %mul3A_253 : i32
          %dma_start3A_255 = arith.constant 0 : i32
          %dma_start3A_256 = tpu.memref_slice %arg16[%and3A_225, %dma_start3A_255] : memref<16x64xf32, #tpu.memory_space<vmem>> -> memref<1x64xf32, #tpu.memory_space<vmem>>
          %dma_start3A_257 = tpu.memref_squeeze %dma_start3A_256 : memref<1x64xf32, #tpu.memory_space<vmem>> -> memref<64xf32, #tpu.memory_space<vmem>>
          %dma_start3A_258 = tpu.memref_slice %arg8[%mul3A_254] : memref<1048576xf32, #tpu.memory_space<hbm>> -> memref<64xf32, #tpu.memory_space<hbm>>
          %dma_start3A_259 = tpu.memref_slice %arg8[%mul3A_254] : memref<1048576xf32, #tpu.memory_space<hbm>> -> memref<64xf32, #tpu.memory_space<hbm>>
          %dma_start3A_260 = arith.constant 0 : i32
          %dma_start3A_261 = tpu.memref_slice %arg16[%and3A_225, %dma_start3A_260] : memref<16x64xf32, #tpu.memory_space<vmem>> -> memref<1x64xf32, #tpu.memory_space<vmem>>
          %dma_start3A_262 = tpu.memref_squeeze %dma_start3A_261 : memref<1x64xf32, #tpu.memory_space<vmem>> -> memref<64xf32, #tpu.memory_space<vmem>>
          tpu.enqueue_dma source(%dma_start3A_262 : memref<64xf32, #tpu.memory_space<vmem>>) target(%dma_start3A_259 : memref<64xf32, #tpu.memory_space<hbm>>) target_semaphore(%arg23 : memref<!tpu.dma_semaphore, #tpu.memory_space<semaphore_mem>>)
          %eq3A_263 = arith.constant 15 : i32
          %eq3A_264 = arith.cmpi eq, %and3A_225, %eq3A_263 : i32
          %convert_element_type3A_265 = arith.extui %eq3A_264 : i1 to i32
          %cond3A_266 = arith.constant 0 : i32
          %cond3A_267 = arith.cmpi ne, %convert_element_type3A_265, %cond3A_266 : i32
          scf.if %cond3A_267 {
            %dma_wait3A_270 = arith.constant 0 : i32
            %dma_wait3A_271 = tpu.memref_slice %arg8[%dma_wait3A_270] : memref<1048576xf32, #tpu.memory_space<hbm>> -> memref<1024xf32, #tpu.memory_space<hbm>>
            %dma_wait3A_272 = arith.constant 0 : i32
            %dma_wait3A_273 = tpu.memref_slice %arg8[%dma_wait3A_272] : memref<1048576xf32, #tpu.memory_space<hbm>> -> memref<1024xf32, #tpu.memory_space<hbm>>
            tpu.wait_dma2 semaphore(%arg23 : memref<!tpu.dma_semaphore, #tpu.memory_space<semaphore_mem>>) src(%dma_wait3A_273 : memref<1024xf32, #tpu.memory_space<hbm>>) dst(%arg19 : memref<1024xf32, #tpu.memory_space<vmem>>)
          } else {
          }
          %add3A_268 = arith.constant 1 : i32
          %add3A_269 = arith.addi %while3A_209, %add3A_268 : i32
          scf.yield %add3A_269 : i32
        }
        %while3A_206 = arith.constant 1 : i32
        %while3A_207 = scf.for %while3A_208 = %while3A_203 to %while3A_199 step %while3A_206 iter_args(%while3A_209 = %while3A_205) -> (i32)  : i32 {
          %get3A_210 = arith.index_cast %while3A_208 : i32 to index
          %get3A_211 = tpu.vector_load %arg18[%get3A_210] {strides = array<i32>} : memref<32xi32, #tpu.memory_space<vmem>>, vector<16xi32>,
          %slice3A_212 = vector.extract_strided_slice %get3A_211 {offsets = [0], sizes = [1], strides = [1]} : vector<16xi32> to vector<1xi32>
          %squeeze3A_213 = vector.extract %slice3A_212[0] : i32 from vector<1xi32>
          %shift_right_arithmetic3A_214 = arith.constant 15 : i32
          %shift_right_arithmetic3A_215 = arith.shrsi %squeeze3A_213, %shift_right_arithmetic3A_214 : i32
          %and3A_216 = arith.constant 32767 : i32
          %and3A_217 = arith.andi %squeeze3A_213, %and3A_216 : i32
          %mul3A_218 = arith.constant 512 : i32
          %mul3A_219 = arith.muli %add3A_144, %mul3A_218 : i32
          %sub3A_220 = arith.subi %and3A_217, %mul3A_219 : i32
          %broadcast_in_dim3A = arith.constant 0 : i32
          %broadcast_in_dim3A_221 = vector.broadcast %broadcast_in_dim3A : i32 to vector<16xi32>
          %add3A_222 = vector.broadcast %sub3A_220 : i32 to vector<16xi32>
          %add3A_223 = arith.addi %broadcast_in_dim3A_221, %add3A_222 : vector<16xi32>
          %and3A_224 = arith.constant 15 : i32
          %and3A_225 = arith.andi %while3A_209, %and3A_224 : i32
          %add3A_226 = arith.constant 0 : i32
          %add3A_227 = vector.broadcast %add3A_226 : i32 to vector<16xi32>
          %add3A_228 = arith.addi %iota3A_158, %add3A_227 : vector<16xi32>
          %gather3A = tpu.vector_load_idx %arg14[%add3A_228, %add3A_223] : memref<64x512xf32, #tpu.memory_space<vmem>>[vector<16xi32>, vector<16xi32>], vector<16xf32>,
          %swap3A_229 = arith.index_cast %and3A_225 : i32 to index
          %swap3A_230 = arith.constant 0 : index
          %swap3A_231 = tpu.vector_load %arg16[%swap3A_229, %swap3A_230] {strides = array<i32>} : memref<16x64xf32, #tpu.memory_space<vmem>>, vector<16xf32>,
          tpu.vector_store %arg16[%swap3A_229, %swap3A_230], %gather3A {strides = array<i32>} : memref<16x64xf32, #tpu.memory_space<vmem>>, vector<16xf32>,
          %add3A_232 = arith.constant 16 : i32
          %add3A_233 = vector.broadcast %add3A_232 : i32 to vector<16xi32>
          %add3A_234 = arith.addi %iota3A_158, %add3A_233 : vector<16xi32>
          %gather3A_235 = tpu.vector_load_idx %arg14[%add3A_234, %add3A_223] : memref<64x512xf32, #tpu.memory_space<vmem>>[vector<16xi32>, vector<16xi32>], vector<16xf32>,
          %swap3A_236 = arith.index_cast %and3A_225 : i32 to index
          %swap3A_237 = arith.constant 16 : index
          %swap3A_238 = tpu.vector_load %arg16[%swap3A_236, %swap3A_237] {strides = array<i32>} : memref<16x64xf32, #tpu.memory_space<vmem>>, vector<16xf32>,
          tpu.vector_store %arg16[%swap3A_236, %swap3A_237], %gather3A_235 {strides = array<i32>} : memref<16x64xf32, #tpu.memory_space<vmem>>, vector<16xf32>,
          %add3A_239 = arith.constant 32 : i32
          %add3A_240 = vector.broadcast %add3A_239 : i32 to vector<16xi32>
          %add3A_241 = arith.addi %iota3A_158, %add3A_240 : vector<16xi32>
          %gather3A_242 = tpu.vector_load_idx %arg14[%add3A_241, %add3A_223] : memref<64x512xf32, #tpu.memory_space<vmem>>[vector<16xi32>, vector<16xi32>], vector<16xf32>,
          %swap3A_243 = arith.index_cast %and3A_225 : i32 to index
          %swap3A_244 = arith.constant 32 : index
          %swap3A_245 = tpu.vector_load %arg16[%swap3A_243, %swap3A_244] {strides = array<i32>} : memref<16x64xf32, #tpu.memory_space<vmem>>, vector<16xf32>,
          tpu.vector_store %arg16[%swap3A_243, %swap3A_244], %gather3A_242 {strides = array<i32>} : memref<16x64xf32, #tpu.memory_space<vmem>>, vector<16xf32>,
          %add3A_246 = arith.constant 48 : i32
          %add3A_247 = vector.broadcast %add3A_246 : i32 to vector<16xi32>
          %add3A_248 = arith.addi %iota3A_158, %add3A_247 : vector<16xi32>
          %gather3A_249 = tpu.vector_load_idx %arg14[%add3A_248, %add3A_223] : memref<64x512xf32, #tpu.memory_space<vmem>>[vector<16xi32>, vector<16xi32>], vector<16xf32>,
          %swap3A_250 = arith.index_cast %and3A_225 : i32 to index
          %swap3A_251 = arith.constant 48 : index
          %swap3A_252 = tpu.vector_load %arg16[%swap3A_250, %swap3A_251] {strides = array<i32>} : memref<16x64xf32, #tpu.memory_space<vmem>>, vector<16xf32>,
          tpu.vector_store %arg16[%swap3A_250, %swap3A_251], %gather3A_249 {strides = array<i32>} : memref<16x64xf32, #tpu.memory_space<vmem>>, vector<16xf32>,
          %mul3A_253 = arith.constant 64 : i32
          %mul3A_254 = arith.muli %shift_right_arithmetic3A_215, %mul3A_253 : i32
          %dma_start3A_255 = arith.constant 0 : i32
          %dma_start3A_256 = tpu.memref_slice %arg16[%and3A_225, %dma_start3A_255] : memref<16x64xf32, #tpu.memory_space<vmem>> -> memref<1x64xf32, #tpu.memory_space<vmem>>
          %dma_start3A_257 = tpu.memref_squeeze %dma_start3A_256 : memref<1x64xf32, #tpu.memory_space<vmem>> -> memref<64xf32, #tpu.memory_space<vmem>>
          %dma_start3A_258 = tpu.memref_slice %arg8[%mul3A_254] : memref<1048576xf32, #tpu.memory_space<hbm>> -> memref<64xf32, #tpu.memory_space<hbm>>
          %dma_start3A_259 = tpu.memref_slice %arg8[%mul3A_254] : memref<1048576xf32, #tpu.memory_space<hbm>> -> memref<64xf32, #tpu.memory_space<hbm>>
          %dma_start3A_260 = arith.constant 0 : i32
          %dma_start3A_261 = tpu.memref_slice %arg16[%and3A_225, %dma_start3A_260] : memref<16x64xf32, #tpu.memory_space<vmem>> -> memref<1x64xf32, #tpu.memory_space<vmem>>
          %dma_start3A_262 = tpu.memref_squeeze %dma_start3A_261 : memref<1x64xf32, #tpu.memory_space<vmem>> -> memref<64xf32, #tpu.memory_space<vmem>>
          tpu.enqueue_dma source(%dma_start3A_262 : memref<64xf32, #tpu.memory_space<vmem>>) target(%dma_start3A_259 : memref<64xf32, #tpu.memory_space<hbm>>) target_semaphore(%arg23 : memref<!tpu.dma_semaphore, #tpu.memory_space<semaphore_mem>>)
          %eq3A_263 = arith.constant 15 : i32
          %eq3A_264 = arith.cmpi eq, %and3A_225, %eq3A_263 : i32
          %convert_element_type3A_265 = arith.extui %eq3A_264 : i1 to i32
          %cond3A_266 = arith.constant 0 : i32
          %cond3A_267 = arith.cmpi ne, %convert_element_type3A_265, %cond3A_266 : i32
          scf.if %cond3A_267 {
            %dma_wait3A_270 = arith.constant 0 : i32
            %dma_wait3A_271 = tpu.memref_slice %arg8[%dma_wait3A_270] : memref<1048576xf32, #tpu.memory_space<hbm>> -> memref<1024xf32, #tpu.memory_space<hbm>>
            %dma_wait3A_272 = arith.constant 0 : i32
            %dma_wait3A_273 = tpu.memref_slice %arg8[%dma_wait3A_272] : memref<1048576xf32, #tpu.memory_space<hbm>> -> memref<1024xf32, #tpu.memory_space<hbm>>
            tpu.wait_dma2 semaphore(%arg23 : memref<!tpu.dma_semaphore, #tpu.memory_space<semaphore_mem>>) src(%dma_wait3A_273 : memref<1024xf32, #tpu.memory_space<hbm>>) dst(%arg19 : memref<1024xf32, #tpu.memory_space<vmem>>)
          } else {
          }
          %add3A_268 = arith.constant 1 : i32
          %add3A_269 = arith.addi %while3A_209, %add3A_268 : i32
          scf.yield %add3A_269 : i32
        }
        scf.yield %while3A_207 : i32
      }
      scf.yield %while3A_175 : i32
    }
    %scan3A_34 = arith.constant 31 : i32
    %iota3A_35 = tpu.iota {dimensions = array<i32: 0>} : vector<16xi32>
    %add3A_36 = arith.constant 16 : i32
    %add3A_37 = arith.addi %scan3A_10, %add3A_36 : i32
    %sub3A = arith.constant 1 : i32
    %sub3A_38 = arith.subi %add3A_37, %sub3A : i32
    %shift_right_arithmetic3A = arith.constant 4 : i32
    %shift_right_arithmetic3A_39 = arith.shrsi %sub3A_38, %shift_right_arithmetic3A : i32
    %while3A = arith.constant 0 : i32
    %while3A_40 = arith.subi %shift_right_arithmetic3A_39, %while3A : i32
    %while3A_41 = arith.addi %while3A, %while3A_40 : i32
    %while3A_42 = arith.constant 1 : i32
    %while3A_43 = arith.divsi %while3A_40, %while3A_42 : i32
    %while3A_44 = arith.muli %while3A_43, %while3A_42 : i32
    %while3A_45 = arith.addi %while3A, %while3A_44 : i32
    %while3A_46 = arith.constant 1 : i32
    %while3A_47 = scf.for %while3A_108 = %while3A to %while3A_45 step %while3A_46 iter_args(%while3A_109 = %scan3A_33) -> (i32)  : i32 {
      %mul3A_110 = arith.constant 16 : i32
      %mul3A_111 = arith.muli %while3A_108, %mul3A_110 : i32
      %get3A = arith.index_cast %mul3A_111 : i32 to index
      %get3A_112 = tpu.vector_load %arg11[%get3A] {strides = array<i32>} : memref<16400xi32, #tpu.memory_space<vmem>>, vector<16xi32>,
      %and3A_113 = arith.constant 32767 : i32
      %and3A_114 = vector.broadcast %and3A_113 : i32 to vector<16xi32>
      %and3A_115 = arith.andi %get3A_112, %and3A_114 : vector<16xi32>
      %shift_right_arithmetic3A_116 = arith.constant 9 : i32
      %shift_right_arithmetic3A_117 = vector.broadcast %shift_right_arithmetic3A_116 : i32 to vector<16xi32>
      %shift_right_arithmetic3A_118 = arith.shrsi %and3A_115, %shift_right_arithmetic3A_117 : vector<16xi32>
      %eq3A_119 = arith.constant 62 : i32
      %eq3A_120 = vector.broadcast %eq3A_119 : i32 to vector<16xi32>
      %eq3A_121 = arith.cmpi eq, %shift_right_arithmetic3A_118, %eq3A_120 : vector<16xi32>
      %mul3A_122 = arith.constant 16 : i32
      %mul3A_123 = arith.muli %while3A_108, %mul3A_122 : i32
      %add3A_124 = vector.broadcast %mul3A_123 : i32 to vector<16xi32>
      %add3A_125 = arith.addi %iota3A_35, %add3A_124 : vector<16xi32>
      %lt3A = vector.broadcast %scan3A_10 : i32 to vector<16xi32>
      %lt3A_126 = arith.cmpi slt, %add3A_125, %lt3A : vector<16xi32>
      %and3A_127 = arith.andi %eq3A_121, %lt3A_126 : vector<16xi1>
      %swap3A = arith.constant 0 : index
      %swap3A_128 = tpu.vector_load %arg18[%swap3A] masked %and3A_127 {strides = array<i32>} : memref<32xi32, #tpu.memory_space<vmem>>, vector<16xi32>, vector<16xi1>
      tpu.vector_store %arg18[%swap3A], %get3A_112 masked %and3A_127 {strides = array<i32>} : memref<32xi32, #tpu.memory_space<vmem>>, vector<16xi32>, vector<16xi1>
      %all_reduce_population_count3A = tpu.all_reduce %and3A_127 {dim = 0 : i64, kind = #tpu.reduction_kind<sum>} : vector<16xi1> -> vector<16xi32>
      %slice3A = vector.extract_strided_slice %all_reduce_population_count3A {offsets = [0], sizes = [1], strides = [1]} : vector<16xi32> to vector<1xi32>
      %squeeze3A = vector.extract %slice3A[0] : i32 from vector<1xi32>
      %while3A_129 = arith.constant 0 : i32
      %while3A_130 = arith.subi %squeeze3A, %while3A_129 : i32
      %while3A_131 = arith.addi %while3A_129, %while3A_130 : i32
      %while3A_132 = arith.constant 1 : i32
      %while3A_133 = arith.divsi %while3A_130, %while3A_132 : i32
      %while3A_134 = arith.muli %while3A_133, %while3A_132 : i32
      %while3A_135 = arith.addi %while3A_129, %while3A_134 : i32
      %while3A_136 = arith.constant 1 : i32
      %while3A_137 = scf.for %while3A_140 = %while3A_129 to %while3A_135 step %while3A_136 iter_args(%while3A_141 = %while3A_109) -> (i32)  : i32 {
        %get3A_142 = arith.index_cast %while3A_140 : i32 to index
        %get3A_143 = tpu.vector_load %arg18[%get3A_142] {strides = array<i32>} : memref<32xi32, #tpu.memory_space<vmem>>, vector<16xi32>,
        %slice3A_144 = vector.extract_strided_slice %get3A_143 {offsets = [0], sizes = [1], strides = [1]} : vector<16xi32> to vector<1xi32>
        %squeeze3A_145 = vector.extract %slice3A_144[0] : i32 from vector<1xi32>
        %shift_right_arithmetic3A_146 = arith.constant 15 : i32
        %shift_right_arithmetic3A_147 = arith.shrsi %squeeze3A_145, %shift_right_arithmetic3A_146 : i32
        %and3A_148 = arith.constant 32767 : i32
        %and3A_149 = arith.andi %squeeze3A_145, %and3A_148 : i32
        %sub3A_150 = arith.constant 31744 : i32
        %sub3A_151 = arith.subi %and3A_149, %sub3A_150 : i32
        %broadcast_in_dim3A = arith.constant 0 : i32
        %broadcast_in_dim3A_152 = vector.broadcast %broadcast_in_dim3A : i32 to vector<16xi32>
        %add3A_153 = vector.broadcast %sub3A_151 : i32 to vector<16xi32>
        %add3A_154 = arith.addi %broadcast_in_dim3A_152, %add3A_153 : vector<16xi32>
        %and3A_155 = arith.constant 15 : i32
        %and3A_156 = arith.andi %while3A_141, %and3A_155 : i32
        %add3A_157 = arith.constant 0 : i32
        %add3A_158 = vector.broadcast %add3A_157 : i32 to vector<16xi32>
        %add3A_159 = arith.addi %iota3A_35, %add3A_158 : vector<16xi32>
        %gather3A = tpu.vector_load_idx %arg15[%add3A_159, %add3A_154] : memref<64x128xf32, #tpu.memory_space<vmem>>[vector<16xi32>, vector<16xi32>], vector<16xf32>,
        %swap3A_160 = arith.index_cast %and3A_156 : i32 to index
        %swap3A_161 = arith.constant 0 : index
        %swap3A_162 = tpu.vector_load %arg16[%swap3A_160, %swap3A_161] {strides = array<i32>} : memref<16x64xf32, #tpu.memory_space<vmem>>, vector<16xf32>,
        tpu.vector_store %arg16[%swap3A_160, %swap3A_161], %gather3A {strides = array<i32>} : memref<16x64xf32, #tpu.memory_space<vmem>>, vector<16xf32>,
        %add3A_163 = arith.constant 16 : i32
        %add3A_164 = vector.broadcast %add3A_163 : i32 to vector<16xi32>
        %add3A_165 = arith.addi %iota3A_35, %add3A_164 : vector<16xi32>
        %gather3A_166 = tpu.vector_load_idx %arg15[%add3A_165, %add3A_154] : memref<64x128xf32, #tpu.memory_space<vmem>>[vector<16xi32>, vector<16xi32>], vector<16xf32>,
        %swap3A_167 = arith.index_cast %and3A_156 : i32 to index
        %swap3A_168 = arith.constant 16 : index
        %swap3A_169 = tpu.vector_load %arg16[%swap3A_167, %swap3A_168] {strides = array<i32>} : memref<16x64xf32, #tpu.memory_space<vmem>>, vector<16xf32>,
        tpu.vector_store %arg16[%swap3A_167, %swap3A_168], %gather3A_166 {strides = array<i32>} : memref<16x64xf32, #tpu.memory_space<vmem>>, vector<16xf32>,
        %add3A_170 = arith.constant 32 : i32
        %add3A_171 = vector.broadcast %add3A_170 : i32 to vector<16xi32>
        %add3A_172 = arith.addi %iota3A_35, %add3A_171 : vector<16xi32>
        %gather3A_173 = tpu.vector_load_idx %arg15[%add3A_172, %add3A_154] : memref<64x128xf32, #tpu.memory_space<vmem>>[vector<16xi32>, vector<16xi32>], vector<16xf32>,
        %swap3A_174 = arith.index_cast %and3A_156 : i32 to index
        %swap3A_175 = arith.constant 32 : index
        %swap3A_176 = tpu.vector_load %arg16[%swap3A_174, %swap3A_175] {strides = array<i32>} : memref<16x64xf32, #tpu.memory_space<vmem>>, vector<16xf32>,
        tpu.vector_store %arg16[%swap3A_174, %swap3A_175], %gather3A_173 {strides = array<i32>} : memref<16x64xf32, #tpu.memory_space<vmem>>, vector<16xf32>,
        %add3A_177 = arith.constant 48 : i32
        %add3A_178 = vector.broadcast %add3A_177 : i32 to vector<16xi32>
        %add3A_179 = arith.addi %iota3A_35, %add3A_178 : vector<16xi32>
        %gather3A_180 = tpu.vector_load_idx %arg15[%add3A_179, %add3A_154] : memref<64x128xf32, #tpu.memory_space<vmem>>[vector<16xi32>, vector<16xi32>], vector<16xf32>,
        %swap3A_181 = arith.index_cast %and3A_156 : i32 to index
        %swap3A_182 = arith.constant 48 : index
        %swap3A_183 = tpu.vector_load %arg16[%swap3A_181, %swap3A_182] {strides = array<i32>} : memref<16x64xf32, #tpu.memory_space<vmem>>, vector<16xf32>,
        tpu.vector_store %arg16[%swap3A_181, %swap3A_182], %gather3A_180 {strides = array<i32>} : memref<16x64xf32, #tpu.memory_space<vmem>>, vector<16xf32>,
        %mul3A_184 = arith.constant 64 : i32
        %mul3A_185 = arith.muli %shift_right_arithmetic3A_147, %mul3A_184 : i32
        %dma_start3A_186 = arith.constant 0 : i32
        %dma_start3A_187 = tpu.memref_slice %arg16[%and3A_156, %dma_start3A_186] : memref<16x64xf32, #tpu.memory_space<vmem>> -> memref<1x64xf32, #tpu.memory_space<vmem>>
        %dma_start3A_188 = tpu.memref_squeeze %dma_start3A_187 : memref<1x64xf32, #tpu.memory_space<vmem>> -> memref<64xf32, #tpu.memory_space<vmem>>
        %dma_start3A_189 = tpu.memref_slice %arg8[%mul3A_185] : memref<1048576xf32, #tpu.memory_space<hbm>> -> memref<64xf32, #tpu.memory_space<hbm>>
        %dma_start3A_190 = tpu.memref_slice %arg8[%mul3A_185] : memref<1048576xf32, #tpu.memory_space<hbm>> -> memref<64xf32, #tpu.memory_space<hbm>>
        %dma_start3A_191 = arith.constant 0 : i32
        %dma_start3A_192 = tpu.memref_slice %arg16[%and3A_156, %dma_start3A_191] : memref<16x64xf32, #tpu.memory_space<vmem>> -> memref<1x64xf32, #tpu.memory_space<vmem>>
        %dma_start3A_193 = tpu.memref_squeeze %dma_start3A_192 : memref<1x64xf32, #tpu.memory_space<vmem>> -> memref<64xf32, #tpu.memory_space<vmem>>
        tpu.enqueue_dma source(%dma_start3A_193 : memref<64xf32, #tpu.memory_space<vmem>>) target(%dma_start3A_190 : memref<64xf32, #tpu.memory_space<hbm>>) target_semaphore(%arg23 : memref<!tpu.dma_semaphore, #tpu.memory_space<semaphore_mem>>)
        %eq3A_194 = arith.constant 15 : i32
        %eq3A_195 = arith.cmpi eq, %and3A_156, %eq3A_194 : i32
        %convert_element_type3A = arith.extui %eq3A_195 : i1 to i32
        %cond3A = arith.constant 0 : i32
        %cond3A_196 = arith.cmpi ne, %convert_element_type3A, %cond3A : i32
        scf.if %cond3A_196 {
          %dma_wait3A = arith.constant 0 : i32
          %dma_wait3A_199 = tpu.memref_slice %arg8[%dma_wait3A] : memref<1048576xf32, #tpu.memory_space<hbm>> -> memref<1024xf32, #tpu.memory_space<hbm>>
          %dma_wait3A_200 = arith.constant 0 : i32
          %dma_wait3A_201 = tpu.memref_slice %arg8[%dma_wait3A_200] : memref<1048576xf32, #tpu.memory_space<hbm>> -> memref<1024xf32, #tpu.memory_space<hbm>>
          tpu.wait_dma2 semaphore(%arg23 : memref<!tpu.dma_semaphore, #tpu.memory_space<semaphore_mem>>) src(%dma_wait3A_201 : memref<1024xf32, #tpu.memory_space<hbm>>) dst(%arg19 : memref<1024xf32, #tpu.memory_space<vmem>>)
        } else {
        }
        %add3A_197 = arith.constant 1 : i32
        %add3A_198 = arith.addi %while3A_141, %add3A_197 : i32
        scf.yield %add3A_198 : i32
      }
      %while3A_138 = arith.constant 1 : i32
      %while3A_139 = scf.for %while3A_140 = %while3A_135 to %while3A_131 step %while3A_138 iter_args(%while3A_141 = %while3A_137) -> (i32)  : i32 {
        %get3A_142 = arith.index_cast %while3A_140 : i32 to index
        %get3A_143 = tpu.vector_load %arg18[%get3A_142] {strides = array<i32>} : memref<32xi32, #tpu.memory_space<vmem>>, vector<16xi32>,
        %slice3A_144 = vector.extract_strided_slice %get3A_143 {offsets = [0], sizes = [1], strides = [1]} : vector<16xi32> to vector<1xi32>
        %squeeze3A_145 = vector.extract %slice3A_144[0] : i32 from vector<1xi32>
        %shift_right_arithmetic3A_146 = arith.constant 15 : i32
        %shift_right_arithmetic3A_147 = arith.shrsi %squeeze3A_145, %shift_right_arithmetic3A_146 : i32
        %and3A_148 = arith.constant 32767 : i32
        %and3A_149 = arith.andi %squeeze3A_145, %and3A_148 : i32
        %sub3A_150 = arith.constant 31744 : i32
        %sub3A_151 = arith.subi %and3A_149, %sub3A_150 : i32
        %broadcast_in_dim3A = arith.constant 0 : i32
        %broadcast_in_dim3A_152 = vector.broadcast %broadcast_in_dim3A : i32 to vector<16xi32>
        %add3A_153 = vector.broadcast %sub3A_151 : i32 to vector<16xi32>
        %add3A_154 = arith.addi %broadcast_in_dim3A_152, %add3A_153 : vector<16xi32>
        %and3A_155 = arith.constant 15 : i32
        %and3A_156 = arith.andi %while3A_141, %and3A_155 : i32
        %add3A_157 = arith.constant 0 : i32
        %add3A_158 = vector.broadcast %add3A_157 : i32 to vector<16xi32>
        %add3A_159 = arith.addi %iota3A_35, %add3A_158 : vector<16xi32>
        %gather3A = tpu.vector_load_idx %arg15[%add3A_159, %add3A_154] : memref<64x128xf32, #tpu.memory_space<vmem>>[vector<16xi32>, vector<16xi32>], vector<16xf32>,
        %swap3A_160 = arith.index_cast %and3A_156 : i32 to index
        %swap3A_161 = arith.constant 0 : index
        %swap3A_162 = tpu.vector_load %arg16[%swap3A_160, %swap3A_161] {strides = array<i32>} : memref<16x64xf32, #tpu.memory_space<vmem>>, vector<16xf32>,
        tpu.vector_store %arg16[%swap3A_160, %swap3A_161], %gather3A {strides = array<i32>} : memref<16x64xf32, #tpu.memory_space<vmem>>, vector<16xf32>,
        %add3A_163 = arith.constant 16 : i32
        %add3A_164 = vector.broadcast %add3A_163 : i32 to vector<16xi32>
        %add3A_165 = arith.addi %iota3A_35, %add3A_164 : vector<16xi32>
        %gather3A_166 = tpu.vector_load_idx %arg15[%add3A_165, %add3A_154] : memref<64x128xf32, #tpu.memory_space<vmem>>[vector<16xi32>, vector<16xi32>], vector<16xf32>,
        %swap3A_167 = arith.index_cast %and3A_156 : i32 to index
        %swap3A_168 = arith.constant 16 : index
        %swap3A_169 = tpu.vector_load %arg16[%swap3A_167, %swap3A_168] {strides = array<i32>} : memref<16x64xf32, #tpu.memory_space<vmem>>, vector<16xf32>,
        tpu.vector_store %arg16[%swap3A_167, %swap3A_168], %gather3A_166 {strides = array<i32>} : memref<16x64xf32, #tpu.memory_space<vmem>>, vector<16xf32>,
        %add3A_170 = arith.constant 32 : i32
        %add3A_171 = vector.broadcast %add3A_170 : i32 to vector<16xi32>
        %add3A_172 = arith.addi %iota3A_35, %add3A_171 : vector<16xi32>
        %gather3A_173 = tpu.vector_load_idx %arg15[%add3A_172, %add3A_154] : memref<64x128xf32, #tpu.memory_space<vmem>>[vector<16xi32>, vector<16xi32>], vector<16xf32>,
        %swap3A_174 = arith.index_cast %and3A_156 : i32 to index
        %swap3A_175 = arith.constant 32 : index
        %swap3A_176 = tpu.vector_load %arg16[%swap3A_174, %swap3A_175] {strides = array<i32>} : memref<16x64xf32, #tpu.memory_space<vmem>>, vector<16xf32>,
        tpu.vector_store %arg16[%swap3A_174, %swap3A_175], %gather3A_173 {strides = array<i32>} : memref<16x64xf32, #tpu.memory_space<vmem>>, vector<16xf32>,
        %add3A_177 = arith.constant 48 : i32
        %add3A_178 = vector.broadcast %add3A_177 : i32 to vector<16xi32>
        %add3A_179 = arith.addi %iota3A_35, %add3A_178 : vector<16xi32>
        %gather3A_180 = tpu.vector_load_idx %arg15[%add3A_179, %add3A_154] : memref<64x128xf32, #tpu.memory_space<vmem>>[vector<16xi32>, vector<16xi32>], vector<16xf32>,
        %swap3A_181 = arith.index_cast %and3A_156 : i32 to index
        %swap3A_182 = arith.constant 48 : index
        %swap3A_183 = tpu.vector_load %arg16[%swap3A_181, %swap3A_182] {strides = array<i32>} : memref<16x64xf32, #tpu.memory_space<vmem>>, vector<16xf32>,
        tpu.vector_store %arg16[%swap3A_181, %swap3A_182], %gather3A_180 {strides = array<i32>} : memref<16x64xf32, #tpu.memory_space<vmem>>, vector<16xf32>,
        %mul3A_184 = arith.constant 64 : i32
        %mul3A_185 = arith.muli %shift_right_arithmetic3A_147, %mul3A_184 : i32
        %dma_start3A_186 = arith.constant 0 : i32
        %dma_start3A_187 = tpu.memref_slice %arg16[%and3A_156, %dma_start3A_186] : memref<16x64xf32, #tpu.memory_space<vmem>> -> memref<1x64xf32, #tpu.memory_space<vmem>>
        %dma_start3A_188 = tpu.memref_squeeze %dma_start3A_187 : memref<1x64xf32, #tpu.memory_space<vmem>> -> memref<64xf32, #tpu.memory_space<vmem>>
        %dma_start3A_189 = tpu.memref_slice %arg8[%mul3A_185] : memref<1048576xf32, #tpu.memory_space<hbm>> -> memref<64xf32, #tpu.memory_space<hbm>>
        %dma_start3A_190 = tpu.memref_slice %arg8[%mul3A_185] : memref<1048576xf32, #tpu.memory_space<hbm>> -> memref<64xf32, #tpu.memory_space<hbm>>
        %dma_start3A_191 = arith.constant 0 : i32
        %dma_start3A_192 = tpu.memref_slice %arg16[%and3A_156, %dma_start3A_191] : memref<16x64xf32, #tpu.memory_space<vmem>> -> memref<1x64xf32, #tpu.memory_space<vmem>>
        %dma_start3A_193 = tpu.memref_squeeze %dma_start3A_192 : memref<1x64xf32, #tpu.memory_space<vmem>> -> memref<64xf32, #tpu.memory_space<vmem>>
        tpu.enqueue_dma source(%dma_start3A_193 : memref<64xf32, #tpu.memory_space<vmem>>) target(%dma_start3A_190 : memref<64xf32, #tpu.memory_space<hbm>>) target_semaphore(%arg23 : memref<!tpu.dma_semaphore, #tpu.memory_space<semaphore_mem>>)
        %eq3A_194 = arith.constant 15 : i32
        %eq3A_195 = arith.cmpi eq, %and3A_156, %eq3A_194 : i32
        %convert_element_type3A = arith.extui %eq3A_195 : i1 to i32
        %cond3A = arith.constant 0 : i32
        %cond3A_196 = arith.cmpi ne, %convert_element_type3A, %cond3A : i32
        scf.if %cond3A_196 {
          %dma_wait3A = arith.constant 0 : i32
          %dma_wait3A_199 = tpu.memref_slice %arg8[%dma_wait3A] : memref<1048576xf32, #tpu.memory_space<hbm>> -> memref<1024xf32, #tpu.memory_space<hbm>>
          %dma_wait3A_200 = arith.constant 0 : i32
          %dma_wait3A_201 = tpu.memref_slice %arg8[%dma_wait3A_200] : memref<1048576xf32, #tpu.memory_space<hbm>> -> memref<1024xf32, #tpu.memory_space<hbm>>
          tpu.wait_dma2 semaphore(%arg23 : memref<!tpu.dma_semaphore, #tpu.memory_space<semaphore_mem>>) src(%dma_wait3A_201 : memref<1024xf32, #tpu.memory_space<hbm>>) dst(%arg19 : memref<1024xf32, #tpu.memory_space<vmem>>)
        } else {
        }
        %add3A_197 = arith.constant 1 : i32
        %add3A_198 = arith.addi %while3A_141, %add3A_197 : i32
        scf.yield %add3A_198 : i32
      }
      scf.yield %while3A_139 : i32
    }
    %while3A_48 = arith.constant 1 : i32
    %while3A_49 = scf.for %while3A_108 = %while3A_45 to %while3A_41 step %while3A_48 iter_args(%while3A_109 = %while3A_47) -> (i32)  : i32 {
      %mul3A_110 = arith.constant 16 : i32
      %mul3A_111 = arith.muli %while3A_108, %mul3A_110 : i32
      %get3A = arith.index_cast %mul3A_111 : i32 to index
      %get3A_112 = tpu.vector_load %arg11[%get3A] {strides = array<i32>} : memref<16400xi32, #tpu.memory_space<vmem>>, vector<16xi32>,
      %and3A_113 = arith.constant 32767 : i32
      %and3A_114 = vector.broadcast %and3A_113 : i32 to vector<16xi32>
      %and3A_115 = arith.andi %get3A_112, %and3A_114 : vector<16xi32>
      %shift_right_arithmetic3A_116 = arith.constant 9 : i32
      %shift_right_arithmetic3A_117 = vector.broadcast %shift_right_arithmetic3A_116 : i32 to vector<16xi32>
      %shift_right_arithmetic3A_118 = arith.shrsi %and3A_115, %shift_right_arithmetic3A_117 : vector<16xi32>
      %eq3A_119 = arith.constant 62 : i32
      %eq3A_120 = vector.broadcast %eq3A_119 : i32 to vector<16xi32>
      %eq3A_121 = arith.cmpi eq, %shift_right_arithmetic3A_118, %eq3A_120 : vector<16xi32>
      %mul3A_122 = arith.constant 16 : i32
      %mul3A_123 = arith.muli %while3A_108, %mul3A_122 : i32
      %add3A_124 = vector.broadcast %mul3A_123 : i32 to vector<16xi32>
      %add3A_125 = arith.addi %iota3A_35, %add3A_124 : vector<16xi32>
      %lt3A = vector.broadcast %scan3A_10 : i32 to vector<16xi32>
      %lt3A_126 = arith.cmpi slt, %add3A_125, %lt3A : vector<16xi32>
      %and3A_127 = arith.andi %eq3A_121, %lt3A_126 : vector<16xi1>
      %swap3A = arith.constant 0 : index
      %swap3A_128 = tpu.vector_load %arg18[%swap3A] masked %and3A_127 {strides = array<i32>} : memref<32xi32, #tpu.memory_space<vmem>>, vector<16xi32>, vector<16xi1>
      tpu.vector_store %arg18[%swap3A], %get3A_112 masked %and3A_127 {strides = array<i32>} : memref<32xi32, #tpu.memory_space<vmem>>, vector<16xi32>, vector<16xi1>
      %all_reduce_population_count3A = tpu.all_reduce %and3A_127 {dim = 0 : i64, kind = #tpu.reduction_kind<sum>} : vector<16xi1> -> vector<16xi32>
      %slice3A = vector.extract_strided_slice %all_reduce_population_count3A {offsets = [0], sizes = [1], strides = [1]} : vector<16xi32> to vector<1xi32>
      %squeeze3A = vector.extract %slice3A[0] : i32 from vector<1xi32>
      %while3A_129 = arith.constant 0 : i32
      %while3A_130 = arith.subi %squeeze3A, %while3A_129 : i32
      %while3A_131 = arith.addi %while3A_129, %while3A_130 : i32
      %while3A_132 = arith.constant 1 : i32
      %while3A_133 = arith.divsi %while3A_130, %while3A_132 : i32
      %while3A_134 = arith.muli %while3A_133, %while3A_132 : i32
      %while3A_135 = arith.addi %while3A_129, %while3A_134 : i32
      %while3A_136 = arith.constant 1 : i32
      %while3A_137 = scf.for %while3A_140 = %while3A_129 to %while3A_135 step %while3A_136 iter_args(%while3A_141 = %while3A_109) -> (i32)  : i32 {
        %get3A_142 = arith.index_cast %while3A_140 : i32 to index
        %get3A_143 = tpu.vector_load %arg18[%get3A_142] {strides = array<i32>} : memref<32xi32, #tpu.memory_space<vmem>>, vector<16xi32>,
        %slice3A_144 = vector.extract_strided_slice %get3A_143 {offsets = [0], sizes = [1], strides = [1]} : vector<16xi32> to vector<1xi32>
        %squeeze3A_145 = vector.extract %slice3A_144[0] : i32 from vector<1xi32>
        %shift_right_arithmetic3A_146 = arith.constant 15 : i32
        %shift_right_arithmetic3A_147 = arith.shrsi %squeeze3A_145, %shift_right_arithmetic3A_146 : i32
        %and3A_148 = arith.constant 32767 : i32
        %and3A_149 = arith.andi %squeeze3A_145, %and3A_148 : i32
        %sub3A_150 = arith.constant 31744 : i32
        %sub3A_151 = arith.subi %and3A_149, %sub3A_150 : i32
        %broadcast_in_dim3A = arith.constant 0 : i32
        %broadcast_in_dim3A_152 = vector.broadcast %broadcast_in_dim3A : i32 to vector<16xi32>
        %add3A_153 = vector.broadcast %sub3A_151 : i32 to vector<16xi32>
        %add3A_154 = arith.addi %broadcast_in_dim3A_152, %add3A_153 : vector<16xi32>
        %and3A_155 = arith.constant 15 : i32
        %and3A_156 = arith.andi %while3A_141, %and3A_155 : i32
        %add3A_157 = arith.constant 0 : i32
        %add3A_158 = vector.broadcast %add3A_157 : i32 to vector<16xi32>
        %add3A_159 = arith.addi %iota3A_35, %add3A_158 : vector<16xi32>
        %gather3A = tpu.vector_load_idx %arg15[%add3A_159, %add3A_154] : memref<64x128xf32, #tpu.memory_space<vmem>>[vector<16xi32>, vector<16xi32>], vector<16xf32>,
        %swap3A_160 = arith.index_cast %and3A_156 : i32 to index
        %swap3A_161 = arith.constant 0 : index
        %swap3A_162 = tpu.vector_load %arg16[%swap3A_160, %swap3A_161] {strides = array<i32>} : memref<16x64xf32, #tpu.memory_space<vmem>>, vector<16xf32>,
        tpu.vector_store %arg16[%swap3A_160, %swap3A_161], %gather3A {strides = array<i32>} : memref<16x64xf32, #tpu.memory_space<vmem>>, vector<16xf32>,
        %add3A_163 = arith.constant 16 : i32
        %add3A_164 = vector.broadcast %add3A_163 : i32 to vector<16xi32>
        %add3A_165 = arith.addi %iota3A_35, %add3A_164 : vector<16xi32>
        %gather3A_166 = tpu.vector_load_idx %arg15[%add3A_165, %add3A_154] : memref<64x128xf32, #tpu.memory_space<vmem>>[vector<16xi32>, vector<16xi32>], vector<16xf32>,
        %swap3A_167 = arith.index_cast %and3A_156 : i32 to index
        %swap3A_168 = arith.constant 16 : index
        %swap3A_169 = tpu.vector_load %arg16[%swap3A_167, %swap3A_168] {strides = array<i32>} : memref<16x64xf32, #tpu.memory_space<vmem>>, vector<16xf32>,
        tpu.vector_store %arg16[%swap3A_167, %swap3A_168], %gather3A_166 {strides = array<i32>} : memref<16x64xf32, #tpu.memory_space<vmem>>, vector<16xf32>,
        %add3A_170 = arith.constant 32 : i32
        %add3A_171 = vector.broadcast %add3A_170 : i32 to vector<16xi32>
        %add3A_172 = arith.addi %iota3A_35, %add3A_171 : vector<16xi32>
        %gather3A_173 = tpu.vector_load_idx %arg15[%add3A_172, %add3A_154] : memref<64x128xf32, #tpu.memory_space<vmem>>[vector<16xi32>, vector<16xi32>], vector<16xf32>,
        %swap3A_174 = arith.index_cast %and3A_156 : i32 to index
        %swap3A_175 = arith.constant 32 : index
        %swap3A_176 = tpu.vector_load %arg16[%swap3A_174, %swap3A_175] {strides = array<i32>} : memref<16x64xf32, #tpu.memory_space<vmem>>, vector<16xf32>,
        tpu.vector_store %arg16[%swap3A_174, %swap3A_175], %gather3A_173 {strides = array<i32>} : memref<16x64xf32, #tpu.memory_space<vmem>>, vector<16xf32>,
        %add3A_177 = arith.constant 48 : i32
        %add3A_178 = vector.broadcast %add3A_177 : i32 to vector<16xi32>
        %add3A_179 = arith.addi %iota3A_35, %add3A_178 : vector<16xi32>
        %gather3A_180 = tpu.vector_load_idx %arg15[%add3A_179, %add3A_154] : memref<64x128xf32, #tpu.memory_space<vmem>>[vector<16xi32>, vector<16xi32>], vector<16xf32>,
        %swap3A_181 = arith.index_cast %and3A_156 : i32 to index
        %swap3A_182 = arith.constant 48 : index
        %swap3A_183 = tpu.vector_load %arg16[%swap3A_181, %swap3A_182] {strides = array<i32>} : memref<16x64xf32, #tpu.memory_space<vmem>>, vector<16xf32>,
        tpu.vector_store %arg16[%swap3A_181, %swap3A_182], %gather3A_180 {strides = array<i32>} : memref<16x64xf32, #tpu.memory_space<vmem>>, vector<16xf32>,
        %mul3A_184 = arith.constant 64 : i32
        %mul3A_185 = arith.muli %shift_right_arithmetic3A_147, %mul3A_184 : i32
        %dma_start3A_186 = arith.constant 0 : i32
        %dma_start3A_187 = tpu.memref_slice %arg16[%and3A_156, %dma_start3A_186] : memref<16x64xf32, #tpu.memory_space<vmem>> -> memref<1x64xf32, #tpu.memory_space<vmem>>
        %dma_start3A_188 = tpu.memref_squeeze %dma_start3A_187 : memref<1x64xf32, #tpu.memory_space<vmem>> -> memref<64xf32, #tpu.memory_space<vmem>>
        %dma_start3A_189 = tpu.memref_slice %arg8[%mul3A_185] : memref<1048576xf32, #tpu.memory_space<hbm>> -> memref<64xf32, #tpu.memory_space<hbm>>
        %dma_start3A_190 = tpu.memref_slice %arg8[%mul3A_185] : memref<1048576xf32, #tpu.memory_space<hbm>> -> memref<64xf32, #tpu.memory_space<hbm>>
        %dma_start3A_191 = arith.constant 0 : i32
        %dma_start3A_192 = tpu.memref_slice %arg16[%and3A_156, %dma_start3A_191] : memref<16x64xf32, #tpu.memory_space<vmem>> -> memref<1x64xf32, #tpu.memory_space<vmem>>
        %dma_start3A_193 = tpu.memref_squeeze %dma_start3A_192 : memref<1x64xf32, #tpu.memory_space<vmem>> -> memref<64xf32, #tpu.memory_space<vmem>>
        tpu.enqueue_dma source(%dma_start3A_193 : memref<64xf32, #tpu.memory_space<vmem>>) target(%dma_start3A_190 : memref<64xf32, #tpu.memory_space<hbm>>) target_semaphore(%arg23 : memref<!tpu.dma_semaphore, #tpu.memory_space<semaphore_mem>>)
        %eq3A_194 = arith.constant 15 : i32
        %eq3A_195 = arith.cmpi eq, %and3A_156, %eq3A_194 : i32
        %convert_element_type3A = arith.extui %eq3A_195 : i1 to i32
        %cond3A = arith.constant 0 : i32
        %cond3A_196 = arith.cmpi ne, %convert_element_type3A, %cond3A : i32
        scf.if %cond3A_196 {
          %dma_wait3A = arith.constant 0 : i32
          %dma_wait3A_199 = tpu.memref_slice %arg8[%dma_wait3A] : memref<1048576xf32, #tpu.memory_space<hbm>> -> memref<1024xf32, #tpu.memory_space<hbm>>
          %dma_wait3A_200 = arith.constant 0 : i32
          %dma_wait3A_201 = tpu.memref_slice %arg8[%dma_wait3A_200] : memref<1048576xf32, #tpu.memory_space<hbm>> -> memref<1024xf32, #tpu.memory_space<hbm>>
          tpu.wait_dma2 semaphore(%arg23 : memref<!tpu.dma_semaphore, #tpu.memory_space<semaphore_mem>>) src(%dma_wait3A_201 : memref<1024xf32, #tpu.memory_space<hbm>>) dst(%arg19 : memref<1024xf32, #tpu.memory_space<vmem>>)
        } else {
        }
        %add3A_197 = arith.constant 1 : i32
        %add3A_198 = arith.addi %while3A_141, %add3A_197 : i32
        scf.yield %add3A_198 : i32
      }
      %while3A_138 = arith.constant 1 : i32
      %while3A_139 = scf.for %while3A_140 = %while3A_135 to %while3A_131 step %while3A_138 iter_args(%while3A_141 = %while3A_137) -> (i32)  : i32 {
        %get3A_142 = arith.index_cast %while3A_140 : i32 to index
        %get3A_143 = tpu.vector_load %arg18[%get3A_142] {strides = array<i32>} : memref<32xi32, #tpu.memory_space<vmem>>, vector<16xi32>,
        %slice3A_144 = vector.extract_strided_slice %get3A_143 {offsets = [0], sizes = [1], strides = [1]} : vector<16xi32> to vector<1xi32>
        %squeeze3A_145 = vector.extract %slice3A_144[0] : i32 from vector<1xi32>
        %shift_right_arithmetic3A_146 = arith.constant 15 : i32
        %shift_right_arithmetic3A_147 = arith.shrsi %squeeze3A_145, %shift_right_arithmetic3A_146 : i32
        %and3A_148 = arith.constant 32767 : i32
        %and3A_149 = arith.andi %squeeze3A_145, %and3A_148 : i32
        %sub3A_150 = arith.constant 31744 : i32
        %sub3A_151 = arith.subi %and3A_149, %sub3A_150 : i32
        %broadcast_in_dim3A = arith.constant 0 : i32
        %broadcast_in_dim3A_152 = vector.broadcast %broadcast_in_dim3A : i32 to vector<16xi32>
        %add3A_153 = vector.broadcast %sub3A_151 : i32 to vector<16xi32>
        %add3A_154 = arith.addi %broadcast_in_dim3A_152, %add3A_153 : vector<16xi32>
        %and3A_155 = arith.constant 15 : i32
        %and3A_156 = arith.andi %while3A_141, %and3A_155 : i32
        %add3A_157 = arith.constant 0 : i32
        %add3A_158 = vector.broadcast %add3A_157 : i32 to vector<16xi32>
        %add3A_159 = arith.addi %iota3A_35, %add3A_158 : vector<16xi32>
        %gather3A = tpu.vector_load_idx %arg15[%add3A_159, %add3A_154] : memref<64x128xf32, #tpu.memory_space<vmem>>[vector<16xi32>, vector<16xi32>], vector<16xf32>,
        %swap3A_160 = arith.index_cast %and3A_156 : i32 to index
        %swap3A_161 = arith.constant 0 : index
        %swap3A_162 = tpu.vector_load %arg16[%swap3A_160, %swap3A_161] {strides = array<i32>} : memref<16x64xf32, #tpu.memory_space<vmem>>, vector<16xf32>,
        tpu.vector_store %arg16[%swap3A_160, %swap3A_161], %gather3A {strides = array<i32>} : memref<16x64xf32, #tpu.memory_space<vmem>>, vector<16xf32>,
        %add3A_163 = arith.constant 16 : i32
        %add3A_164 = vector.broadcast %add3A_163 : i32 to vector<16xi32>
        %add3A_165 = arith.addi %iota3A_35, %add3A_164 : vector<16xi32>
        %gather3A_166 = tpu.vector_load_idx %arg15[%add3A_165, %add3A_154] : memref<64x128xf32, #tpu.memory_space<vmem>>[vector<16xi32>, vector<16xi32>], vector<16xf32>,
        %swap3A_167 = arith.index_cast %and3A_156 : i32 to index
        %swap3A_168 = arith.constant 16 : index
        %swap3A_169 = tpu.vector_load %arg16[%swap3A_167, %swap3A_168] {strides = array<i32>} : memref<16x64xf32, #tpu.memory_space<vmem>>, vector<16xf32>,
        tpu.vector_store %arg16[%swap3A_167, %swap3A_168], %gather3A_166 {strides = array<i32>} : memref<16x64xf32, #tpu.memory_space<vmem>>, vector<16xf32>,
        %add3A_170 = arith.constant 32 : i32
        %add3A_171 = vector.broadcast %add3A_170 : i32 to vector<16xi32>
        %add3A_172 = arith.addi %iota3A_35, %add3A_171 : vector<16xi32>
        %gather3A_173 = tpu.vector_load_idx %arg15[%add3A_172, %add3A_154] : memref<64x128xf32, #tpu.memory_space<vmem>>[vector<16xi32>, vector<16xi32>], vector<16xf32>,
        %swap3A_174 = arith.index_cast %and3A_156 : i32 to index
        %swap3A_175 = arith.constant 32 : index
        %swap3A_176 = tpu.vector_load %arg16[%swap3A_174, %swap3A_175] {strides = array<i32>} : memref<16x64xf32, #tpu.memory_space<vmem>>, vector<16xf32>,
        tpu.vector_store %arg16[%swap3A_174, %swap3A_175], %gather3A_173 {strides = array<i32>} : memref<16x64xf32, #tpu.memory_space<vmem>>, vector<16xf32>,
        %add3A_177 = arith.constant 48 : i32
        %add3A_178 = vector.broadcast %add3A_177 : i32 to vector<16xi32>
        %add3A_179 = arith.addi %iota3A_35, %add3A_178 : vector<16xi32>
        %gather3A_180 = tpu.vector_load_idx %arg15[%add3A_179, %add3A_154] : memref<64x128xf32, #tpu.memory_space<vmem>>[vector<16xi32>, vector<16xi32>], vector<16xf32>,
        %swap3A_181 = arith.index_cast %and3A_156 : i32 to index
        %swap3A_182 = arith.constant 48 : index
        %swap3A_183 = tpu.vector_load %arg16[%swap3A_181, %swap3A_182] {strides = array<i32>} : memref<16x64xf32, #tpu.memory_space<vmem>>, vector<16xf32>,
        tpu.vector_store %arg16[%swap3A_181, %swap3A_182], %gather3A_180 {strides = array<i32>} : memref<16x64xf32, #tpu.memory_space<vmem>>, vector<16xf32>,
        %mul3A_184 = arith.constant 64 : i32
        %mul3A_185 = arith.muli %shift_right_arithmetic3A_147, %mul3A_184 : i32
        %dma_start3A_186 = arith.constant 0 : i32
        %dma_start3A_187 = tpu.memref_slice %arg16[%and3A_156, %dma_start3A_186] : memref<16x64xf32, #tpu.memory_space<vmem>> -> memref<1x64xf32, #tpu.memory_space<vmem>>
        %dma_start3A_188 = tpu.memref_squeeze %dma_start3A_187 : memref<1x64xf32, #tpu.memory_space<vmem>> -> memref<64xf32, #tpu.memory_space<vmem>>
        %dma_start3A_189 = tpu.memref_slice %arg8[%mul3A_185] : memref<1048576xf32, #tpu.memory_space<hbm>> -> memref<64xf32, #tpu.memory_space<hbm>>
        %dma_start3A_190 = tpu.memref_slice %arg8[%mul3A_185] : memref<1048576xf32, #tpu.memory_space<hbm>> -> memref<64xf32, #tpu.memory_space<hbm>>
        %dma_start3A_191 = arith.constant 0 : i32
        %dma_start3A_192 = tpu.memref_slice %arg16[%and3A_156, %dma_start3A_191] : memref<16x64xf32, #tpu.memory_space<vmem>> -> memref<1x64xf32, #tpu.memory_space<vmem>>
        %dma_start3A_193 = tpu.memref_squeeze %dma_start3A_192 : memref<1x64xf32, #tpu.memory_space<vmem>> -> memref<64xf32, #tpu.memory_space<vmem>>
        tpu.enqueue_dma source(%dma_start3A_193 : memref<64xf32, #tpu.memory_space<vmem>>) target(%dma_start3A_190 : memref<64xf32, #tpu.memory_space<hbm>>) target_semaphore(%arg23 : memref<!tpu.dma_semaphore, #tpu.memory_space<semaphore_mem>>)
        %eq3A_194 = arith.constant 15 : i32
        %eq3A_195 = arith.cmpi eq, %and3A_156, %eq3A_194 : i32
        %convert_element_type3A = arith.extui %eq3A_195 : i1 to i32
        %cond3A = arith.constant 0 : i32
        %cond3A_196 = arith.cmpi ne, %convert_element_type3A, %cond3A : i32
        scf.if %cond3A_196 {
          %dma_wait3A = arith.constant 0 : i32
          %dma_wait3A_199 = tpu.memref_slice %arg8[%dma_wait3A] : memref<1048576xf32, #tpu.memory_space<hbm>> -> memref<1024xf32, #tpu.memory_space<hbm>>
          %dma_wait3A_200 = arith.constant 0 : i32
          %dma_wait3A_201 = tpu.memref_slice %arg8[%dma_wait3A_200] : memref<1048576xf32, #tpu.memory_space<hbm>> -> memref<1024xf32, #tpu.memory_space<hbm>>
          tpu.wait_dma2 semaphore(%arg23 : memref<!tpu.dma_semaphore, #tpu.memory_space<semaphore_mem>>) src(%dma_wait3A_201 : memref<1024xf32, #tpu.memory_space<hbm>>) dst(%arg19 : memref<1024xf32, #tpu.memory_space<vmem>>)
        } else {
        }
        %add3A_197 = arith.constant 1 : i32
        %add3A_198 = arith.addi %while3A_141, %add3A_197 : i32
        scf.yield %add3A_198 : i32
      }
      scf.yield %while3A_139 : i32
    }
    %and3A = arith.constant 15 : i32
    %and3A_50 = arith.andi %while3A_49, %and3A : i32
    %while3A_51 = arith.constant 0 : i32
    %while3A_52 = arith.constant 0 : i32
    %while3A_53 = arith.subi %and3A_50, %while3A_51 : i32
    %while3A_54 = arith.addi %while3A_51, %while3A_53 : i32
    %while3A_55 = arith.constant 1 : i32
    %while3A_56 = arith.divsi %while3A_53, %while3A_55 : i32
    %while3A_57 = arith.muli %while3A_56, %while3A_55 : i32
    %while3A_58 = arith.addi %while3A_51, %while3A_57 : i32
    %while3A_59 = arith.constant 1 : i32
    %while3A_60 = scf.for %while3A_108 = %while3A_51 to %while3A_58 step %while3A_59 iter_args(%while3A_109 = %while3A_52) -> (i32)  : i32 {
      %dma_wait3A = arith.constant 0 : i32
      %dma_wait3A_110 = tpu.memref_slice %arg8[%dma_wait3A] : memref<1048576xf32, #tpu.memory_space<hbm>> -> memref<64xf32, #tpu.memory_space<hbm>>
      %dma_wait3A_111 = arith.constant 0 : i32
      %dma_wait3A_112 = tpu.memref_slice %arg8[%dma_wait3A_111] : memref<1048576xf32, #tpu.memory_space<hbm>> -> memref<64xf32, #tpu.memory_space<hbm>>
      tpu.wait_dma2 semaphore(%arg23 : memref<!tpu.dma_semaphore, #tpu.memory_space<semaphore_mem>>) src(%dma_wait3A_112 : memref<64xf32, #tpu.memory_space<hbm>>) dst(%arg20 : memref<64xf32, #tpu.memory_space<vmem>>)
      %while3A_113 = arith.constant 0 : i32
      scf.yield %while3A_113 : i32
    }
    %while3A_61 = arith.constant 1 : i32
    %while3A_62 = scf.for %while3A_108 = %while3A_58 to %while3A_54 step %while3A_61 iter_args(%while3A_109 = %while3A_60) -> (i32)  : i32 {
      %dma_wait3A = arith.constant 0 : i32
      %dma_wait3A_110 = tpu.memref_slice %arg8[%dma_wait3A] : memref<1048576xf32, #tpu.memory_space<hbm>> -> memref<64xf32, #tpu.memory_space<hbm>>
      %dma_wait3A_111 = arith.constant 0 : i32
      %dma_wait3A_112 = tpu.memref_slice %arg8[%dma_wait3A_111] : memref<1048576xf32, #tpu.memory_space<hbm>> -> memref<64xf32, #tpu.memory_space<hbm>>
      tpu.wait_dma2 semaphore(%arg23 : memref<!tpu.dma_semaphore, #tpu.memory_space<semaphore_mem>>) src(%dma_wait3A_112 : memref<64xf32, #tpu.memory_space<hbm>>) dst(%arg20 : memref<64xf32, #tpu.memory_space<vmem>>)
      %while3A_113 = arith.constant 0 : i32
      scf.yield %while3A_113 : i32
    }
    "tpu.region"() ({
      %run_scoped3A = tpu.sem_alloc : memref<!tpu.dma_semaphore, #tpu.memory_space<semaphore_mem>>
      tpu.enqueue_dma source(%arg7 : memref<64x128xf32, #tpu.memory_space<hbm>>) target(%arg15 : memref<64x128xf32, #tpu.memory_space<vmem>>) target_semaphore(%run_scoped3A : memref<!tpu.dma_semaphore, #tpu.memory_space<semaphore_mem>>)
      tpu.wait_dma2 semaphore(%run_scoped3A : memref<!tpu.dma_semaphore, #tpu.memory_space<semaphore_mem>>) src(%arg7 : memref<64x128xf32, #tpu.memory_space<hbm>>) dst(%arg15 : memref<64x128xf32, #tpu.memory_space<vmem>>)
      tpu.yield
    }) : () -> ()
    %add3A_63 = arith.constant 0 : i32
    %add3A_64 = arith.addi %mul3A_2, %add3A_63 : i32
    %dma_start3A_65 = arith.constant 0 : i32
    %dma_start3A_66 = tpu.memref_slice %arg3[%dma_start3A_65, %add3A_64] : memref<64x1000000xf32, #tpu.memory_space<hbm>> -> memref<64x512xf32, #tpu.memory_space<hbm>>
    %dma_start3A_67 = arith.constant 0 : i32
    %dma_start3A_68 = tpu.memref_slice %arg3[%dma_start3A_67, %add3A_64] : memref<64x1000000xf32, #tpu.memory_space<hbm>> -> memref<64x512xf32, #tpu.memory_space<hbm>>
    tpu.enqueue_dma source(%dma_start3A_68 : memref<64x512xf32, #tpu.memory_space<hbm>>) target(%arg13 : memref<64x512xf32, #tpu.memory_space<vmem>>) target_semaphore(%arg21 : memref<!tpu.dma_semaphore, #tpu.memory_space<semaphore_mem>>)
    %scan3A_69 = arith.constant 0 : i32
    %scan3A_70 = arith.constant 0 : i32
    %scan3A_71 = arith.constant 31 : i32
    %scan3A_72 = arith.addi %scan3A_70, %scan3A_71 : i32
    %scan3A_73 = arith.constant 1 : i32
    %scan3A_74 = scf.for %scan3A_108 = %scan3A_70 to %scan3A_72 step %scan3A_73 iter_args(%scan3A_109 = %scan3A_69) -> (i32)  : i32 {
      %mul3A_110 = arith.constant 2 : i32
      %mul3A_111 = arith.muli %scan3A_108, %mul3A_110 : i32
      %add3A_112 = arith.constant 0 : i32
      %add3A_113 = arith.addi %mul3A_111, %add3A_112 : i32
      %dma_wait3A = arith.constant 0 : i32
      %dma_wait3A_114 = arith.constant 0 : i32
      %dma_wait3A_115 = tpu.memref_slice %arg3[%dma_wait3A, %dma_wait3A_114] : memref<64x1000000xf32, #tpu.memory_space<hbm>> -> memref<64x512xf32, #tpu.memory_space<hbm>>
      %dma_wait3A_116 = arith.constant 0 : i32
      %dma_wait3A_117 = arith.constant 0 : i32
      %dma_wait3A_118 = tpu.memref_slice %arg3[%dma_wait3A_116, %dma_wait3A_117] : memref<64x1000000xf32, #tpu.memory_space<hbm>> -> memref<64x512xf32, #tpu.memory_space<hbm>>
      tpu.wait_dma2 semaphore(%arg21 : memref<!tpu.dma_semaphore, #tpu.memory_space<semaphore_mem>>) src(%dma_wait3A_118 : memref<64x512xf32, #tpu.memory_space<hbm>>) dst(%arg13 : memref<64x512xf32, #tpu.memory_space<vmem>>)
      %add3A_119 = arith.constant 1 : i32
      %add3A_120 = arith.addi %add3A_113, %add3A_119 : i32
      %lt3A = arith.constant 62 : i32
      %lt3A_121 = arith.cmpi slt, %add3A_120, %lt3A : i32
      %convert_element_type3A = arith.extui %lt3A_121 : i1 to i32
      %cond3A = arith.constant 0 : i32
      %cond3A_122 = arith.cmpi ne, %convert_element_type3A, %cond3A : i32
      scf.if %cond3A_122 {
        %add3A_176 = arith.constant 1 : i32
        %add3A_177 = arith.addi %add3A_113, %add3A_176 : i32
        %mul3A_178 = arith.constant 512 : i32
        %mul3A_179 = arith.muli %add3A_177, %mul3A_178 : i32
        %add3A_180 = arith.addi %mul3A_2, %mul3A_179 : i32
        %dma_start3A_181 = arith.constant 0 : i32
        %dma_start3A_182 = tpu.memref_slice %arg3[%dma_start3A_181, %add3A_180] : memref<64x1000000xf32, #tpu.memory_space<hbm>> -> memref<64x512xf32, #tpu.memory_space<hbm>>
        %dma_start3A_183 = arith.constant 0 : i32
        %dma_start3A_184 = tpu.memref_slice %arg3[%dma_start3A_183, %add3A_180] : memref<64x1000000xf32, #tpu.memory_space<hbm>> -> memref<64x512xf32, #tpu.memory_space<hbm>>
        tpu.enqueue_dma source(%dma_start3A_184 : memref<64x512xf32, #tpu.memory_space<hbm>>) target(%arg14 : memref<64x512xf32, #tpu.memory_space<vmem>>) target_semaphore(%arg22 : memref<!tpu.dma_semaphore, #tpu.memory_space<semaphore_mem>>)
      } else {
      }
      %iota3A_123 = tpu.iota {dimensions = array<i32: 0>} : vector<16xi32>
      %add3A_124 = arith.constant 16 : i32
      %add3A_125 = arith.addi %scan3A_21, %add3A_124 : i32
      %sub3A_126 = arith.constant 1 : i32
      %sub3A_127 = arith.subi %add3A_125, %sub3A_126 : i32
      %shift_right_arithmetic3A_128 = arith.constant 4 : i32
      %shift_right_arithmetic3A_129 = arith.shrsi %sub3A_127, %shift_right_arithmetic3A_128 : i32
      %while3A_130 = arith.constant 0 : i32
      %while3A_131 = arith.subi %shift_right_arithmetic3A_129, %while3A_130 : i32
      %while3A_132 = arith.addi %while3A_130, %while3A_131 : i32
      %while3A_133 = arith.constant 1 : i32
      %while3A_134 = arith.divsi %while3A_131, %while3A_133 : i32
      %while3A_135 = arith.muli %while3A_134, %while3A_133 : i32
      %while3A_136 = arith.addi %while3A_130, %while3A_135 : i32
      %while3A_137 = arith.constant 1 : i32
      %while3A_138 = scf.for %while3A_176 = %while3A_130 to %while3A_136 step %while3A_137 iter_args(%while3A_177 = %scan3A_109) -> (i32)  : i32 {
        %mul3A_178 = arith.constant 16 : i32
        %mul3A_179 = arith.muli %while3A_176, %mul3A_178 : i32
        %get3A = arith.index_cast %mul3A_179 : i32 to index
        %get3A_180 = tpu.vector_load %arg12[%get3A] {strides = array<i32>} : memref<16400xi32, #tpu.memory_space<vmem>>, vector<16xi32>,
        %and3A_181 = arith.constant 32767 : i32
        %and3A_182 = vector.broadcast %and3A_181 : i32 to vector<16xi32>
        %and3A_183 = arith.andi %get3A_180, %and3A_182 : vector<16xi32>
        %shift_right_arithmetic3A_184 = arith.constant 9 : i32
        %shift_right_arithmetic3A_185 = vector.broadcast %shift_right_arithmetic3A_184 : i32 to vector<16xi32>
        %shift_right_arithmetic3A_186 = arith.shrsi %and3A_183, %shift_right_arithmetic3A_185 : vector<16xi32>
        %eq3A_187 = vector.broadcast %add3A_113 : i32 to vector<16xi32>
        %eq3A_188 = arith.cmpi eq, %shift_right_arithmetic3A_186, %eq3A_187 : vector<16xi32>
        %mul3A_189 = arith.constant 16 : i32
        %mul3A_190 = arith.muli %while3A_176, %mul3A_189 : i32
        %add3A_191 = vector.broadcast %mul3A_190 : i32 to vector<16xi32>
        %add3A_192 = arith.addi %iota3A_123, %add3A_191 : vector<16xi32>
        %lt3A_193 = vector.broadcast %scan3A_21 : i32 to vector<16xi32>
        %lt3A_194 = arith.cmpi slt, %add3A_192, %lt3A_193 : vector<16xi32>
        %and3A_195 = arith.andi %eq3A_188, %lt3A_194 : vector<16xi1>
        %swap3A = arith.constant 0 : index
        %swap3A_196 = tpu.vector_load %arg18[%swap3A] masked %and3A_195 {strides = array<i32>} : memref<32xi32, #tpu.memory_space<vmem>>, vector<16xi32>, vector<16xi1>
        tpu.vector_store %arg18[%swap3A], %get3A_180 masked %and3A_195 {strides = array<i32>} : memref<32xi32, #tpu.memory_space<vmem>>, vector<16xi32>, vector<16xi1>
        %all_reduce_population_count3A = tpu.all_reduce %and3A_195 {dim = 0 : i64, kind = #tpu.reduction_kind<sum>} : vector<16xi1> -> vector<16xi32>
        %slice3A = vector.extract_strided_slice %all_reduce_population_count3A {offsets = [0], sizes = [1], strides = [1]} : vector<16xi32> to vector<1xi32>
        %squeeze3A = vector.extract %slice3A[0] : i32 from vector<1xi32>
        %while3A_197 = arith.constant 0 : i32
        %while3A_198 = arith.subi %squeeze3A, %while3A_197 : i32
        %while3A_199 = arith.addi %while3A_197, %while3A_198 : i32
        %while3A_200 = arith.constant 1 : i32
        %while3A_201 = arith.divsi %while3A_198, %while3A_200 : i32
        %while3A_202 = arith.muli %while3A_201, %while3A_200 : i32
        %while3A_203 = arith.addi %while3A_197, %while3A_202 : i32
        %while3A_204 = arith.constant 1 : i32
        %while3A_205 = scf.for %while3A_208 = %while3A_197 to %while3A_203 step %while3A_204 iter_args(%while3A_209 = %while3A_177) -> (i32)  : i32 {
          %get3A_210 = arith.index_cast %while3A_208 : i32 to index
          %get3A_211 = tpu.vector_load %arg18[%get3A_210] {strides = array<i32>} : memref<32xi32, #tpu.memory_space<vmem>>, vector<16xi32>,
          %slice3A_212 = vector.extract_strided_slice %get3A_211 {offsets = [0], sizes = [1], strides = [1]} : vector<16xi32> to vector<1xi32>
          %squeeze3A_213 = vector.extract %slice3A_212[0] : i32 from vector<1xi32>
          %shift_right_arithmetic3A_214 = arith.constant 15 : i32
          %shift_right_arithmetic3A_215 = arith.shrsi %squeeze3A_213, %shift_right_arithmetic3A_214 : i32
          %and3A_216 = arith.constant 32767 : i32
          %and3A_217 = arith.andi %squeeze3A_213, %and3A_216 : i32
          %mul3A_218 = arith.constant 512 : i32
          %mul3A_219 = arith.muli %add3A_113, %mul3A_218 : i32
          %sub3A_220 = arith.subi %and3A_217, %mul3A_219 : i32
          %broadcast_in_dim3A = arith.constant 0 : i32
          %broadcast_in_dim3A_221 = vector.broadcast %broadcast_in_dim3A : i32 to vector<16xi32>
          %add3A_222 = vector.broadcast %sub3A_220 : i32 to vector<16xi32>
          %add3A_223 = arith.addi %broadcast_in_dim3A_221, %add3A_222 : vector<16xi32>
          %and3A_224 = arith.constant 15 : i32
          %and3A_225 = arith.andi %while3A_209, %and3A_224 : i32
          %add3A_226 = arith.constant 0 : i32
          %add3A_227 = vector.broadcast %add3A_226 : i32 to vector<16xi32>
          %add3A_228 = arith.addi %iota3A_123, %add3A_227 : vector<16xi32>
          %gather3A = tpu.vector_load_idx %arg13[%add3A_228, %add3A_223] : memref<64x512xf32, #tpu.memory_space<vmem>>[vector<16xi32>, vector<16xi32>], vector<16xf32>,
          %swap3A_229 = arith.index_cast %and3A_225 : i32 to index
          %swap3A_230 = arith.constant 0 : index
          %swap3A_231 = tpu.vector_load %arg17[%swap3A_229, %swap3A_230] {strides = array<i32>} : memref<16x64xf32, #tpu.memory_space<vmem>>, vector<16xf32>,
          tpu.vector_store %arg17[%swap3A_229, %swap3A_230], %gather3A {strides = array<i32>} : memref<16x64xf32, #tpu.memory_space<vmem>>, vector<16xf32>,
          %add3A_232 = arith.constant 16 : i32
          %add3A_233 = vector.broadcast %add3A_232 : i32 to vector<16xi32>
          %add3A_234 = arith.addi %iota3A_123, %add3A_233 : vector<16xi32>
          %gather3A_235 = tpu.vector_load_idx %arg13[%add3A_234, %add3A_223] : memref<64x512xf32, #tpu.memory_space<vmem>>[vector<16xi32>, vector<16xi32>], vector<16xf32>,
          %swap3A_236 = arith.index_cast %and3A_225 : i32 to index
          %swap3A_237 = arith.constant 16 : index
          %swap3A_238 = tpu.vector_load %arg17[%swap3A_236, %swap3A_237] {strides = array<i32>} : memref<16x64xf32, #tpu.memory_space<vmem>>, vector<16xf32>,
          tpu.vector_store %arg17[%swap3A_236, %swap3A_237], %gather3A_235 {strides = array<i32>} : memref<16x64xf32, #tpu.memory_space<vmem>>, vector<16xf32>,
          %add3A_239 = arith.constant 32 : i32
          %add3A_240 = vector.broadcast %add3A_239 : i32 to vector<16xi32>
          %add3A_241 = arith.addi %iota3A_123, %add3A_240 : vector<16xi32>
          %gather3A_242 = tpu.vector_load_idx %arg13[%add3A_241, %add3A_223] : memref<64x512xf32, #tpu.memory_space<vmem>>[vector<16xi32>, vector<16xi32>], vector<16xf32>,
          %swap3A_243 = arith.index_cast %and3A_225 : i32 to index
          %swap3A_244 = arith.constant 32 : index
          %swap3A_245 = tpu.vector_load %arg17[%swap3A_243, %swap3A_244] {strides = array<i32>} : memref<16x64xf32, #tpu.memory_space<vmem>>, vector<16xf32>,
          tpu.vector_store %arg17[%swap3A_243, %swap3A_244], %gather3A_242 {strides = array<i32>} : memref<16x64xf32, #tpu.memory_space<vmem>>, vector<16xf32>,
          %add3A_246 = arith.constant 48 : i32
          %add3A_247 = vector.broadcast %add3A_246 : i32 to vector<16xi32>
          %add3A_248 = arith.addi %iota3A_123, %add3A_247 : vector<16xi32>
          %gather3A_249 = tpu.vector_load_idx %arg13[%add3A_248, %add3A_223] : memref<64x512xf32, #tpu.memory_space<vmem>>[vector<16xi32>, vector<16xi32>], vector<16xf32>,
          %swap3A_250 = arith.index_cast %and3A_225 : i32 to index
          %swap3A_251 = arith.constant 48 : index
          %swap3A_252 = tpu.vector_load %arg17[%swap3A_250, %swap3A_251] {strides = array<i32>} : memref<16x64xf32, #tpu.memory_space<vmem>>, vector<16xf32>,
          tpu.vector_store %arg17[%swap3A_250, %swap3A_251], %gather3A_249 {strides = array<i32>} : memref<16x64xf32, #tpu.memory_space<vmem>>, vector<16xf32>,
          %mul3A_253 = arith.constant 64 : i32
          %mul3A_254 = arith.muli %shift_right_arithmetic3A_215, %mul3A_253 : i32
          %dma_start3A_255 = arith.constant 0 : i32
          %dma_start3A_256 = tpu.memref_slice %arg17[%and3A_225, %dma_start3A_255] : memref<16x64xf32, #tpu.memory_space<vmem>> -> memref<1x64xf32, #tpu.memory_space<vmem>>
          %dma_start3A_257 = tpu.memref_squeeze %dma_start3A_256 : memref<1x64xf32, #tpu.memory_space<vmem>> -> memref<64xf32, #tpu.memory_space<vmem>>
          %dma_start3A_258 = tpu.memref_slice %arg9[%mul3A_254] : memref<1048576xf32, #tpu.memory_space<hbm>> -> memref<64xf32, #tpu.memory_space<hbm>>
          %dma_start3A_259 = tpu.memref_slice %arg9[%mul3A_254] : memref<1048576xf32, #tpu.memory_space<hbm>> -> memref<64xf32, #tpu.memory_space<hbm>>
          %dma_start3A_260 = arith.constant 0 : i32
          %dma_start3A_261 = tpu.memref_slice %arg17[%and3A_225, %dma_start3A_260] : memref<16x64xf32, #tpu.memory_space<vmem>> -> memref<1x64xf32, #tpu.memory_space<vmem>>
          %dma_start3A_262 = tpu.memref_squeeze %dma_start3A_261 : memref<1x64xf32, #tpu.memory_space<vmem>> -> memref<64xf32, #tpu.memory_space<vmem>>
          tpu.enqueue_dma source(%dma_start3A_262 : memref<64xf32, #tpu.memory_space<vmem>>) target(%dma_start3A_259 : memref<64xf32, #tpu.memory_space<hbm>>) target_semaphore(%arg24 : memref<!tpu.dma_semaphore, #tpu.memory_space<semaphore_mem>>)
          %eq3A_263 = arith.constant 15 : i32
          %eq3A_264 = arith.cmpi eq, %and3A_225, %eq3A_263 : i32
          %convert_element_type3A_265 = arith.extui %eq3A_264 : i1 to i32
          %cond3A_266 = arith.constant 0 : i32
          %cond3A_267 = arith.cmpi ne, %convert_element_type3A_265, %cond3A_266 : i32
          scf.if %cond3A_267 {
            %dma_wait3A_270 = arith.constant 0 : i32
            %dma_wait3A_271 = tpu.memref_slice %arg9[%dma_wait3A_270] : memref<1048576xf32, #tpu.memory_space<hbm>> -> memref<1024xf32, #tpu.memory_space<hbm>>
            %dma_wait3A_272 = arith.constant 0 : i32
            %dma_wait3A_273 = tpu.memref_slice %arg9[%dma_wait3A_272] : memref<1048576xf32, #tpu.memory_space<hbm>> -> memref<1024xf32, #tpu.memory_space<hbm>>
            tpu.wait_dma2 semaphore(%arg24 : memref<!tpu.dma_semaphore, #tpu.memory_space<semaphore_mem>>) src(%dma_wait3A_273 : memref<1024xf32, #tpu.memory_space<hbm>>) dst(%arg19 : memref<1024xf32, #tpu.memory_space<vmem>>)
          } else {
          }
          %add3A_268 = arith.constant 1 : i32
          %add3A_269 = arith.addi %while3A_209, %add3A_268 : i32
          scf.yield %add3A_269 : i32
        }
        %while3A_206 = arith.constant 1 : i32
        %while3A_207 = scf.for %while3A_208 = %while3A_203 to %while3A_199 step %while3A_206 iter_args(%while3A_209 = %while3A_205) -> (i32)  : i32 {
          %get3A_210 = arith.index_cast %while3A_208 : i32 to index
          %get3A_211 = tpu.vector_load %arg18[%get3A_210] {strides = array<i32>} : memref<32xi32, #tpu.memory_space<vmem>>, vector<16xi32>,
          %slice3A_212 = vector.extract_strided_slice %get3A_211 {offsets = [0], sizes = [1], strides = [1]} : vector<16xi32> to vector<1xi32>
          %squeeze3A_213 = vector.extract %slice3A_212[0] : i32 from vector<1xi32>
          %shift_right_arithmetic3A_214 = arith.constant 15 : i32
          %shift_right_arithmetic3A_215 = arith.shrsi %squeeze3A_213, %shift_right_arithmetic3A_214 : i32
          %and3A_216 = arith.constant 32767 : i32
          %and3A_217 = arith.andi %squeeze3A_213, %and3A_216 : i32
          %mul3A_218 = arith.constant 512 : i32
          %mul3A_219 = arith.muli %add3A_113, %mul3A_218 : i32
          %sub3A_220 = arith.subi %and3A_217, %mul3A_219 : i32
          %broadcast_in_dim3A = arith.constant 0 : i32
          %broadcast_in_dim3A_221 = vector.broadcast %broadcast_in_dim3A : i32 to vector<16xi32>
          %add3A_222 = vector.broadcast %sub3A_220 : i32 to vector<16xi32>
          %add3A_223 = arith.addi %broadcast_in_dim3A_221, %add3A_222 : vector<16xi32>
          %and3A_224 = arith.constant 15 : i32
          %and3A_225 = arith.andi %while3A_209, %and3A_224 : i32
          %add3A_226 = arith.constant 0 : i32
          %add3A_227 = vector.broadcast %add3A_226 : i32 to vector<16xi32>
          %add3A_228 = arith.addi %iota3A_123, %add3A_227 : vector<16xi32>
          %gather3A = tpu.vector_load_idx %arg13[%add3A_228, %add3A_223] : memref<64x512xf32, #tpu.memory_space<vmem>>[vector<16xi32>, vector<16xi32>], vector<16xf32>,
          %swap3A_229 = arith.index_cast %and3A_225 : i32 to index
          %swap3A_230 = arith.constant 0 : index
          %swap3A_231 = tpu.vector_load %arg17[%swap3A_229, %swap3A_230] {strides = array<i32>} : memref<16x64xf32, #tpu.memory_space<vmem>>, vector<16xf32>,
          tpu.vector_store %arg17[%swap3A_229, %swap3A_230], %gather3A {strides = array<i32>} : memref<16x64xf32, #tpu.memory_space<vmem>>, vector<16xf32>,
          %add3A_232 = arith.constant 16 : i32
          %add3A_233 = vector.broadcast %add3A_232 : i32 to vector<16xi32>
          %add3A_234 = arith.addi %iota3A_123, %add3A_233 : vector<16xi32>
          %gather3A_235 = tpu.vector_load_idx %arg13[%add3A_234, %add3A_223] : memref<64x512xf32, #tpu.memory_space<vmem>>[vector<16xi32>, vector<16xi32>], vector<16xf32>,
          %swap3A_236 = arith.index_cast %and3A_225 : i32 to index
          %swap3A_237 = arith.constant 16 : index
          %swap3A_238 = tpu.vector_load %arg17[%swap3A_236, %swap3A_237] {strides = array<i32>} : memref<16x64xf32, #tpu.memory_space<vmem>>, vector<16xf32>,
          tpu.vector_store %arg17[%swap3A_236, %swap3A_237], %gather3A_235 {strides = array<i32>} : memref<16x64xf32, #tpu.memory_space<vmem>>, vector<16xf32>,
          %add3A_239 = arith.constant 32 : i32
          %add3A_240 = vector.broadcast %add3A_239 : i32 to vector<16xi32>
          %add3A_241 = arith.addi %iota3A_123, %add3A_240 : vector<16xi32>
          %gather3A_242 = tpu.vector_load_idx %arg13[%add3A_241, %add3A_223] : memref<64x512xf32, #tpu.memory_space<vmem>>[vector<16xi32>, vector<16xi32>], vector<16xf32>,
          %swap3A_243 = arith.index_cast %and3A_225 : i32 to index
          %swap3A_244 = arith.constant 32 : index
          %swap3A_245 = tpu.vector_load %arg17[%swap3A_243, %swap3A_244] {strides = array<i32>} : memref<16x64xf32, #tpu.memory_space<vmem>>, vector<16xf32>,
          tpu.vector_store %arg17[%swap3A_243, %swap3A_244], %gather3A_242 {strides = array<i32>} : memref<16x64xf32, #tpu.memory_space<vmem>>, vector<16xf32>,
          %add3A_246 = arith.constant 48 : i32
          %add3A_247 = vector.broadcast %add3A_246 : i32 to vector<16xi32>
          %add3A_248 = arith.addi %iota3A_123, %add3A_247 : vector<16xi32>
          %gather3A_249 = tpu.vector_load_idx %arg13[%add3A_248, %add3A_223] : memref<64x512xf32, #tpu.memory_space<vmem>>[vector<16xi32>, vector<16xi32>], vector<16xf32>,
          %swap3A_250 = arith.index_cast %and3A_225 : i32 to index
          %swap3A_251 = arith.constant 48 : index
          %swap3A_252 = tpu.vector_load %arg17[%swap3A_250, %swap3A_251] {strides = array<i32>} : memref<16x64xf32, #tpu.memory_space<vmem>>, vector<16xf32>,
          tpu.vector_store %arg17[%swap3A_250, %swap3A_251], %gather3A_249 {strides = array<i32>} : memref<16x64xf32, #tpu.memory_space<vmem>>, vector<16xf32>,
          %mul3A_253 = arith.constant 64 : i32
          %mul3A_254 = arith.muli %shift_right_arithmetic3A_215, %mul3A_253 : i32
          %dma_start3A_255 = arith.constant 0 : i32
          %dma_start3A_256 = tpu.memref_slice %arg17[%and3A_225, %dma_start3A_255] : memref<16x64xf32, #tpu.memory_space<vmem>> -> memref<1x64xf32, #tpu.memory_space<vmem>>
          %dma_start3A_257 = tpu.memref_squeeze %dma_start3A_256 : memref<1x64xf32, #tpu.memory_space<vmem>> -> memref<64xf32, #tpu.memory_space<vmem>>
          %dma_start3A_258 = tpu.memref_slice %arg9[%mul3A_254] : memref<1048576xf32, #tpu.memory_space<hbm>> -> memref<64xf32, #tpu.memory_space<hbm>>
          %dma_start3A_259 = tpu.memref_slice %arg9[%mul3A_254] : memref<1048576xf32, #tpu.memory_space<hbm>> -> memref<64xf32, #tpu.memory_space<hbm>>
          %dma_start3A_260 = arith.constant 0 : i32
          %dma_start3A_261 = tpu.memref_slice %arg17[%and3A_225, %dma_start3A_260] : memref<16x64xf32, #tpu.memory_space<vmem>> -> memref<1x64xf32, #tpu.memory_space<vmem>>
          %dma_start3A_262 = tpu.memref_squeeze %dma_start3A_261 : memref<1x64xf32, #tpu.memory_space<vmem>> -> memref<64xf32, #tpu.memory_space<vmem>>
          tpu.enqueue_dma source(%dma_start3A_262 : memref<64xf32, #tpu.memory_space<vmem>>) target(%dma_start3A_259 : memref<64xf32, #tpu.memory_space<hbm>>) target_semaphore(%arg24 : memref<!tpu.dma_semaphore, #tpu.memory_space<semaphore_mem>>)
          %eq3A_263 = arith.constant 15 : i32
          %eq3A_264 = arith.cmpi eq, %and3A_225, %eq3A_263 : i32
          %convert_element_type3A_265 = arith.extui %eq3A_264 : i1 to i32
          %cond3A_266 = arith.constant 0 : i32
          %cond3A_267 = arith.cmpi ne, %convert_element_type3A_265, %cond3A_266 : i32
          scf.if %cond3A_267 {
            %dma_wait3A_270 = arith.constant 0 : i32
            %dma_wait3A_271 = tpu.memref_slice %arg9[%dma_wait3A_270] : memref<1048576xf32, #tpu.memory_space<hbm>> -> memref<1024xf32, #tpu.memory_space<hbm>>
            %dma_wait3A_272 = arith.constant 0 : i32
            %dma_wait3A_273 = tpu.memref_slice %arg9[%dma_wait3A_272] : memref<1048576xf32, #tpu.memory_space<hbm>> -> memref<1024xf32, #tpu.memory_space<hbm>>
            tpu.wait_dma2 semaphore(%arg24 : memref<!tpu.dma_semaphore, #tpu.memory_space<semaphore_mem>>) src(%dma_wait3A_273 : memref<1024xf32, #tpu.memory_space<hbm>>) dst(%arg19 : memref<1024xf32, #tpu.memory_space<vmem>>)
          } else {
          }
          %add3A_268 = arith.constant 1 : i32
          %add3A_269 = arith.addi %while3A_209, %add3A_268 : i32
          scf.yield %add3A_269 : i32
        }
        scf.yield %while3A_207 : i32
      }
      %while3A_139 = arith.constant 1 : i32
      %while3A_140 = scf.for %while3A_176 = %while3A_136 to %while3A_132 step %while3A_139 iter_args(%while3A_177 = %while3A_138) -> (i32)  : i32 {
        %mul3A_178 = arith.constant 16 : i32
        %mul3A_179 = arith.muli %while3A_176, %mul3A_178 : i32
        %get3A = arith.index_cast %mul3A_179 : i32 to index
        %get3A_180 = tpu.vector_load %arg12[%get3A] {strides = array<i32>} : memref<16400xi32, #tpu.memory_space<vmem>>, vector<16xi32>,
        %and3A_181 = arith.constant 32767 : i32
        %and3A_182 = vector.broadcast %and3A_181 : i32 to vector<16xi32>
        %and3A_183 = arith.andi %get3A_180, %and3A_182 : vector<16xi32>
        %shift_right_arithmetic3A_184 = arith.constant 9 : i32
        %shift_right_arithmetic3A_185 = vector.broadcast %shift_right_arithmetic3A_184 : i32 to vector<16xi32>
        %shift_right_arithmetic3A_186 = arith.shrsi %and3A_183, %shift_right_arithmetic3A_185 : vector<16xi32>
        %eq3A_187 = vector.broadcast %add3A_113 : i32 to vector<16xi32>
        %eq3A_188 = arith.cmpi eq, %shift_right_arithmetic3A_186, %eq3A_187 : vector<16xi32>
        %mul3A_189 = arith.constant 16 : i32
        %mul3A_190 = arith.muli %while3A_176, %mul3A_189 : i32
        %add3A_191 = vector.broadcast %mul3A_190 : i32 to vector<16xi32>
        %add3A_192 = arith.addi %iota3A_123, %add3A_191 : vector<16xi32>
        %lt3A_193 = vector.broadcast %scan3A_21 : i32 to vector<16xi32>
        %lt3A_194 = arith.cmpi slt, %add3A_192, %lt3A_193 : vector<16xi32>
        %and3A_195 = arith.andi %eq3A_188, %lt3A_194 : vector<16xi1>
        %swap3A = arith.constant 0 : index
        %swap3A_196 = tpu.vector_load %arg18[%swap3A] masked %and3A_195 {strides = array<i32>} : memref<32xi32, #tpu.memory_space<vmem>>, vector<16xi32>, vector<16xi1>
        tpu.vector_store %arg18[%swap3A], %get3A_180 masked %and3A_195 {strides = array<i32>} : memref<32xi32, #tpu.memory_space<vmem>>, vector<16xi32>, vector<16xi1>
        %all_reduce_population_count3A = tpu.all_reduce %and3A_195 {dim = 0 : i64, kind = #tpu.reduction_kind<sum>} : vector<16xi1> -> vector<16xi32>
        %slice3A = vector.extract_strided_slice %all_reduce_population_count3A {offsets = [0], sizes = [1], strides = [1]} : vector<16xi32> to vector<1xi32>
        %squeeze3A = vector.extract %slice3A[0] : i32 from vector<1xi32>
        %while3A_197 = arith.constant 0 : i32
        %while3A_198 = arith.subi %squeeze3A, %while3A_197 : i32
        %while3A_199 = arith.addi %while3A_197, %while3A_198 : i32
        %while3A_200 = arith.constant 1 : i32
        %while3A_201 = arith.divsi %while3A_198, %while3A_200 : i32
        %while3A_202 = arith.muli %while3A_201, %while3A_200 : i32
        %while3A_203 = arith.addi %while3A_197, %while3A_202 : i32
        %while3A_204 = arith.constant 1 : i32
        %while3A_205 = scf.for %while3A_208 = %while3A_197 to %while3A_203 step %while3A_204 iter_args(%while3A_209 = %while3A_177) -> (i32)  : i32 {
          %get3A_210 = arith.index_cast %while3A_208 : i32 to index
          %get3A_211 = tpu.vector_load %arg18[%get3A_210] {strides = array<i32>} : memref<32xi32, #tpu.memory_space<vmem>>, vector<16xi32>,
          %slice3A_212 = vector.extract_strided_slice %get3A_211 {offsets = [0], sizes = [1], strides = [1]} : vector<16xi32> to vector<1xi32>
          %squeeze3A_213 = vector.extract %slice3A_212[0] : i32 from vector<1xi32>
          %shift_right_arithmetic3A_214 = arith.constant 15 : i32
          %shift_right_arithmetic3A_215 = arith.shrsi %squeeze3A_213, %shift_right_arithmetic3A_214 : i32
          %and3A_216 = arith.constant 32767 : i32
          %and3A_217 = arith.andi %squeeze3A_213, %and3A_216 : i32
          %mul3A_218 = arith.constant 512 : i32
          %mul3A_219 = arith.muli %add3A_113, %mul3A_218 : i32
          %sub3A_220 = arith.subi %and3A_217, %mul3A_219 : i32
          %broadcast_in_dim3A = arith.constant 0 : i32
          %broadcast_in_dim3A_221 = vector.broadcast %broadcast_in_dim3A : i32 to vector<16xi32>
          %add3A_222 = vector.broadcast %sub3A_220 : i32 to vector<16xi32>
          %add3A_223 = arith.addi %broadcast_in_dim3A_221, %add3A_222 : vector<16xi32>
          %and3A_224 = arith.constant 15 : i32
          %and3A_225 = arith.andi %while3A_209, %and3A_224 : i32
          %add3A_226 = arith.constant 0 : i32
          %add3A_227 = vector.broadcast %add3A_226 : i32 to vector<16xi32>
          %add3A_228 = arith.addi %iota3A_123, %add3A_227 : vector<16xi32>
          %gather3A = tpu.vector_load_idx %arg13[%add3A_228, %add3A_223] : memref<64x512xf32, #tpu.memory_space<vmem>>[vector<16xi32>, vector<16xi32>], vector<16xf32>,
          %swap3A_229 = arith.index_cast %and3A_225 : i32 to index
          %swap3A_230 = arith.constant 0 : index
          %swap3A_231 = tpu.vector_load %arg17[%swap3A_229, %swap3A_230] {strides = array<i32>} : memref<16x64xf32, #tpu.memory_space<vmem>>, vector<16xf32>,
          tpu.vector_store %arg17[%swap3A_229, %swap3A_230], %gather3A {strides = array<i32>} : memref<16x64xf32, #tpu.memory_space<vmem>>, vector<16xf32>,
          %add3A_232 = arith.constant 16 : i32
          %add3A_233 = vector.broadcast %add3A_232 : i32 to vector<16xi32>
          %add3A_234 = arith.addi %iota3A_123, %add3A_233 : vector<16xi32>
          %gather3A_235 = tpu.vector_load_idx %arg13[%add3A_234, %add3A_223] : memref<64x512xf32, #tpu.memory_space<vmem>>[vector<16xi32>, vector<16xi32>], vector<16xf32>,
          %swap3A_236 = arith.index_cast %and3A_225 : i32 to index
          %swap3A_237 = arith.constant 16 : index
          %swap3A_238 = tpu.vector_load %arg17[%swap3A_236, %swap3A_237] {strides = array<i32>} : memref<16x64xf32, #tpu.memory_space<vmem>>, vector<16xf32>,
          tpu.vector_store %arg17[%swap3A_236, %swap3A_237], %gather3A_235 {strides = array<i32>} : memref<16x64xf32, #tpu.memory_space<vmem>>, vector<16xf32>,
          %add3A_239 = arith.constant 32 : i32
          %add3A_240 = vector.broadcast %add3A_239 : i32 to vector<16xi32>
          %add3A_241 = arith.addi %iota3A_123, %add3A_240 : vector<16xi32>
          %gather3A_242 = tpu.vector_load_idx %arg13[%add3A_241, %add3A_223] : memref<64x512xf32, #tpu.memory_space<vmem>>[vector<16xi32>, vector<16xi32>], vector<16xf32>,
          %swap3A_243 = arith.index_cast %and3A_225 : i32 to index
          %swap3A_244 = arith.constant 32 : index
          %swap3A_245 = tpu.vector_load %arg17[%swap3A_243, %swap3A_244] {strides = array<i32>} : memref<16x64xf32, #tpu.memory_space<vmem>>, vector<16xf32>,
          tpu.vector_store %arg17[%swap3A_243, %swap3A_244], %gather3A_242 {strides = array<i32>} : memref<16x64xf32, #tpu.memory_space<vmem>>, vector<16xf32>,
          %add3A_246 = arith.constant 48 : i32
          %add3A_247 = vector.broadcast %add3A_246 : i32 to vector<16xi32>
          %add3A_248 = arith.addi %iota3A_123, %add3A_247 : vector<16xi32>
          %gather3A_249 = tpu.vector_load_idx %arg13[%add3A_248, %add3A_223] : memref<64x512xf32, #tpu.memory_space<vmem>>[vector<16xi32>, vector<16xi32>], vector<16xf32>,
          %swap3A_250 = arith.index_cast %and3A_225 : i32 to index
          %swap3A_251 = arith.constant 48 : index
          %swap3A_252 = tpu.vector_load %arg17[%swap3A_250, %swap3A_251] {strides = array<i32>} : memref<16x64xf32, #tpu.memory_space<vmem>>, vector<16xf32>,
          tpu.vector_store %arg17[%swap3A_250, %swap3A_251], %gather3A_249 {strides = array<i32>} : memref<16x64xf32, #tpu.memory_space<vmem>>, vector<16xf32>,
          %mul3A_253 = arith.constant 64 : i32
          %mul3A_254 = arith.muli %shift_right_arithmetic3A_215, %mul3A_253 : i32
          %dma_start3A_255 = arith.constant 0 : i32
          %dma_start3A_256 = tpu.memref_slice %arg17[%and3A_225, %dma_start3A_255] : memref<16x64xf32, #tpu.memory_space<vmem>> -> memref<1x64xf32, #tpu.memory_space<vmem>>
          %dma_start3A_257 = tpu.memref_squeeze %dma_start3A_256 : memref<1x64xf32, #tpu.memory_space<vmem>> -> memref<64xf32, #tpu.memory_space<vmem>>
          %dma_start3A_258 = tpu.memref_slice %arg9[%mul3A_254] : memref<1048576xf32, #tpu.memory_space<hbm>> -> memref<64xf32, #tpu.memory_space<hbm>>
          %dma_start3A_259 = tpu.memref_slice %arg9[%mul3A_254] : memref<1048576xf32, #tpu.memory_space<hbm>> -> memref<64xf32, #tpu.memory_space<hbm>>
          %dma_start3A_260 = arith.constant 0 : i32
          %dma_start3A_261 = tpu.memref_slice %arg17[%and3A_225, %dma_start3A_260] : memref<16x64xf32, #tpu.memory_space<vmem>> -> memref<1x64xf32, #tpu.memory_space<vmem>>
          %dma_start3A_262 = tpu.memref_squeeze %dma_start3A_261 : memref<1x64xf32, #tpu.memory_space<vmem>> -> memref<64xf32, #tpu.memory_space<vmem>>
          tpu.enqueue_dma source(%dma_start3A_262 : memref<64xf32, #tpu.memory_space<vmem>>) target(%dma_start3A_259 : memref<64xf32, #tpu.memory_space<hbm>>) target_semaphore(%arg24 : memref<!tpu.dma_semaphore, #tpu.memory_space<semaphore_mem>>)
          %eq3A_263 = arith.constant 15 : i32
          %eq3A_264 = arith.cmpi eq, %and3A_225, %eq3A_263 : i32
          %convert_element_type3A_265 = arith.extui %eq3A_264 : i1 to i32
          %cond3A_266 = arith.constant 0 : i32
          %cond3A_267 = arith.cmpi ne, %convert_element_type3A_265, %cond3A_266 : i32
          scf.if %cond3A_267 {
            %dma_wait3A_270 = arith.constant 0 : i32
            %dma_wait3A_271 = tpu.memref_slice %arg9[%dma_wait3A_270] : memref<1048576xf32, #tpu.memory_space<hbm>> -> memref<1024xf32, #tpu.memory_space<hbm>>
            %dma_wait3A_272 = arith.constant 0 : i32
            %dma_wait3A_273 = tpu.memref_slice %arg9[%dma_wait3A_272] : memref<1048576xf32, #tpu.memory_space<hbm>> -> memref<1024xf32, #tpu.memory_space<hbm>>
            tpu.wait_dma2 semaphore(%arg24 : memref<!tpu.dma_semaphore, #tpu.memory_space<semaphore_mem>>) src(%dma_wait3A_273 : memref<1024xf32, #tpu.memory_space<hbm>>) dst(%arg19 : memref<1024xf32, #tpu.memory_space<vmem>>)
          } else {
          }
          %add3A_268 = arith.constant 1 : i32
          %add3A_269 = arith.addi %while3A_209, %add3A_268 : i32
          scf.yield %add3A_269 : i32
        }
        %while3A_206 = arith.constant 1 : i32
        %while3A_207 = scf.for %while3A_208 = %while3A_203 to %while3A_199 step %while3A_206 iter_args(%while3A_209 = %while3A_205) -> (i32)  : i32 {
          %get3A_210 = arith.index_cast %while3A_208 : i32 to index
          %get3A_211 = tpu.vector_load %arg18[%get3A_210] {strides = array<i32>} : memref<32xi32, #tpu.memory_space<vmem>>, vector<16xi32>,
          %slice3A_212 = vector.extract_strided_slice %get3A_211 {offsets = [0], sizes = [1], strides = [1]} : vector<16xi32> to vector<1xi32>
          %squeeze3A_213 = vector.extract %slice3A_212[0] : i32 from vector<1xi32>
          %shift_right_arithmetic3A_214 = arith.constant 15 : i32
          %shift_right_arithmetic3A_215 = arith.shrsi %squeeze3A_213, %shift_right_arithmetic3A_214 : i32
          %and3A_216 = arith.constant 32767 : i32
          %and3A_217 = arith.andi %squeeze3A_213, %and3A_216 : i32
          %mul3A_218 = arith.constant 512 : i32
          %mul3A_219 = arith.muli %add3A_113, %mul3A_218 : i32
          %sub3A_220 = arith.subi %and3A_217, %mul3A_219 : i32
          %broadcast_in_dim3A = arith.constant 0 : i32
          %broadcast_in_dim3A_221 = vector.broadcast %broadcast_in_dim3A : i32 to vector<16xi32>
          %add3A_222 = vector.broadcast %sub3A_220 : i32 to vector<16xi32>
          %add3A_223 = arith.addi %broadcast_in_dim3A_221, %add3A_222 : vector<16xi32>
          %and3A_224 = arith.constant 15 : i32
          %and3A_225 = arith.andi %while3A_209, %and3A_224 : i32
          %add3A_226 = arith.constant 0 : i32
          %add3A_227 = vector.broadcast %add3A_226 : i32 to vector<16xi32>
          %add3A_228 = arith.addi %iota3A_123, %add3A_227 : vector<16xi32>
          %gather3A = tpu.vector_load_idx %arg13[%add3A_228, %add3A_223] : memref<64x512xf32, #tpu.memory_space<vmem>>[vector<16xi32>, vector<16xi32>], vector<16xf32>,
          %swap3A_229 = arith.index_cast %and3A_225 : i32 to index
          %swap3A_230 = arith.constant 0 : index
          %swap3A_231 = tpu.vector_load %arg17[%swap3A_229, %swap3A_230] {strides = array<i32>} : memref<16x64xf32, #tpu.memory_space<vmem>>, vector<16xf32>,
          tpu.vector_store %arg17[%swap3A_229, %swap3A_230], %gather3A {strides = array<i32>} : memref<16x64xf32, #tpu.memory_space<vmem>>, vector<16xf32>,
          %add3A_232 = arith.constant 16 : i32
          %add3A_233 = vector.broadcast %add3A_232 : i32 to vector<16xi32>
          %add3A_234 = arith.addi %iota3A_123, %add3A_233 : vector<16xi32>
          %gather3A_235 = tpu.vector_load_idx %arg13[%add3A_234, %add3A_223] : memref<64x512xf32, #tpu.memory_space<vmem>>[vector<16xi32>, vector<16xi32>], vector<16xf32>,
          %swap3A_236 = arith.index_cast %and3A_225 : i32 to index
          %swap3A_237 = arith.constant 16 : index
          %swap3A_238 = tpu.vector_load %arg17[%swap3A_236, %swap3A_237] {strides = array<i32>} : memref<16x64xf32, #tpu.memory_space<vmem>>, vector<16xf32>,
          tpu.vector_store %arg17[%swap3A_236, %swap3A_237], %gather3A_235 {strides = array<i32>} : memref<16x64xf32, #tpu.memory_space<vmem>>, vector<16xf32>,
          %add3A_239 = arith.constant 32 : i32
          %add3A_240 = vector.broadcast %add3A_239 : i32 to vector<16xi32>
          %add3A_241 = arith.addi %iota3A_123, %add3A_240 : vector<16xi32>
          %gather3A_242 = tpu.vector_load_idx %arg13[%add3A_241, %add3A_223] : memref<64x512xf32, #tpu.memory_space<vmem>>[vector<16xi32>, vector<16xi32>], vector<16xf32>,
          %swap3A_243 = arith.index_cast %and3A_225 : i32 to index
          %swap3A_244 = arith.constant 32 : index
          %swap3A_245 = tpu.vector_load %arg17[%swap3A_243, %swap3A_244] {strides = array<i32>} : memref<16x64xf32, #tpu.memory_space<vmem>>, vector<16xf32>,
          tpu.vector_store %arg17[%swap3A_243, %swap3A_244], %gather3A_242 {strides = array<i32>} : memref<16x64xf32, #tpu.memory_space<vmem>>, vector<16xf32>,
          %add3A_246 = arith.constant 48 : i32
          %add3A_247 = vector.broadcast %add3A_246 : i32 to vector<16xi32>
          %add3A_248 = arith.addi %iota3A_123, %add3A_247 : vector<16xi32>
          %gather3A_249 = tpu.vector_load_idx %arg13[%add3A_248, %add3A_223] : memref<64x512xf32, #tpu.memory_space<vmem>>[vector<16xi32>, vector<16xi32>], vector<16xf32>,
          %swap3A_250 = arith.index_cast %and3A_225 : i32 to index
          %swap3A_251 = arith.constant 48 : index
          %swap3A_252 = tpu.vector_load %arg17[%swap3A_250, %swap3A_251] {strides = array<i32>} : memref<16x64xf32, #tpu.memory_space<vmem>>, vector<16xf32>,
          tpu.vector_store %arg17[%swap3A_250, %swap3A_251], %gather3A_249 {strides = array<i32>} : memref<16x64xf32, #tpu.memory_space<vmem>>, vector<16xf32>,
          %mul3A_253 = arith.constant 64 : i32
          %mul3A_254 = arith.muli %shift_right_arithmetic3A_215, %mul3A_253 : i32
          %dma_start3A_255 = arith.constant 0 : i32
          %dma_start3A_256 = tpu.memref_slice %arg17[%and3A_225, %dma_start3A_255] : memref<16x64xf32, #tpu.memory_space<vmem>> -> memref<1x64xf32, #tpu.memory_space<vmem>>
          %dma_start3A_257 = tpu.memref_squeeze %dma_start3A_256 : memref<1x64xf32, #tpu.memory_space<vmem>> -> memref<64xf32, #tpu.memory_space<vmem>>
          %dma_start3A_258 = tpu.memref_slice %arg9[%mul3A_254] : memref<1048576xf32, #tpu.memory_space<hbm>> -> memref<64xf32, #tpu.memory_space<hbm>>
          %dma_start3A_259 = tpu.memref_slice %arg9[%mul3A_254] : memref<1048576xf32, #tpu.memory_space<hbm>> -> memref<64xf32, #tpu.memory_space<hbm>>
          %dma_start3A_260 = arith.constant 0 : i32
          %dma_start3A_261 = tpu.memref_slice %arg17[%and3A_225, %dma_start3A_260] : memref<16x64xf32, #tpu.memory_space<vmem>> -> memref<1x64xf32, #tpu.memory_space<vmem>>
          %dma_start3A_262 = tpu.memref_squeeze %dma_start3A_261 : memref<1x64xf32, #tpu.memory_space<vmem>> -> memref<64xf32, #tpu.memory_space<vmem>>
          tpu.enqueue_dma source(%dma_start3A_262 : memref<64xf32, #tpu.memory_space<vmem>>) target(%dma_start3A_259 : memref<64xf32, #tpu.memory_space<hbm>>) target_semaphore(%arg24 : memref<!tpu.dma_semaphore, #tpu.memory_space<semaphore_mem>>)
          %eq3A_263 = arith.constant 15 : i32
          %eq3A_264 = arith.cmpi eq, %and3A_225, %eq3A_263 : i32
          %convert_element_type3A_265 = arith.extui %eq3A_264 : i1 to i32
          %cond3A_266 = arith.constant 0 : i32
          %cond3A_267 = arith.cmpi ne, %convert_element_type3A_265, %cond3A_266 : i32
          scf.if %cond3A_267 {
            %dma_wait3A_270 = arith.constant 0 : i32
            %dma_wait3A_271 = tpu.memref_slice %arg9[%dma_wait3A_270] : memref<1048576xf32, #tpu.memory_space<hbm>> -> memref<1024xf32, #tpu.memory_space<hbm>>
            %dma_wait3A_272 = arith.constant 0 : i32
            %dma_wait3A_273 = tpu.memref_slice %arg9[%dma_wait3A_272] : memref<1048576xf32, #tpu.memory_space<hbm>> -> memref<1024xf32, #tpu.memory_space<hbm>>
            tpu.wait_dma2 semaphore(%arg24 : memref<!tpu.dma_semaphore, #tpu.memory_space<semaphore_mem>>) src(%dma_wait3A_273 : memref<1024xf32, #tpu.memory_space<hbm>>) dst(%arg19 : memref<1024xf32, #tpu.memory_space<vmem>>)
          } else {
          }
          %add3A_268 = arith.constant 1 : i32
          %add3A_269 = arith.addi %while3A_209, %add3A_268 : i32
          scf.yield %add3A_269 : i32
        }
        scf.yield %while3A_207 : i32
      }
      %mul3A_141 = arith.constant 2 : i32
      %mul3A_142 = arith.muli %scan3A_108, %mul3A_141 : i32
      %add3A_143 = arith.constant 1 : i32
      %add3A_144 = arith.addi %mul3A_142, %add3A_143 : i32
      %dma_wait3A_145 = arith.constant 0 : i32
      %dma_wait3A_146 = arith.constant 0 : i32
      %dma_wait3A_147 = tpu.memref_slice %arg3[%dma_wait3A_145, %dma_wait3A_146] : memref<64x1000000xf32, #tpu.memory_space<hbm>> -> memref<64x512xf32, #tpu.memory_space<hbm>>
      %dma_wait3A_148 = arith.constant 0 : i32
      %dma_wait3A_149 = arith.constant 0 : i32
      %dma_wait3A_150 = tpu.memref_slice %arg3[%dma_wait3A_148, %dma_wait3A_149] : memref<64x1000000xf32, #tpu.memory_space<hbm>> -> memref<64x512xf32, #tpu.memory_space<hbm>>
      tpu.wait_dma2 semaphore(%arg22 : memref<!tpu.dma_semaphore, #tpu.memory_space<semaphore_mem>>) src(%dma_wait3A_150 : memref<64x512xf32, #tpu.memory_space<hbm>>) dst(%arg14 : memref<64x512xf32, #tpu.memory_space<vmem>>)
      %add3A_151 = arith.constant 1 : i32
      %add3A_152 = arith.addi %add3A_144, %add3A_151 : i32
      %lt3A_153 = arith.constant 62 : i32
      %lt3A_154 = arith.cmpi slt, %add3A_152, %lt3A_153 : i32
      %convert_element_type3A_155 = arith.extui %lt3A_154 : i1 to i32
      %cond3A_156 = arith.constant 0 : i32
      %cond3A_157 = arith.cmpi ne, %convert_element_type3A_155, %cond3A_156 : i32
      scf.if %cond3A_157 {
        %add3A_176 = arith.constant 1 : i32
        %add3A_177 = arith.addi %add3A_144, %add3A_176 : i32
        %mul3A_178 = arith.constant 512 : i32
        %mul3A_179 = arith.muli %add3A_177, %mul3A_178 : i32
        %add3A_180 = arith.addi %mul3A_2, %mul3A_179 : i32
        %dma_start3A_181 = arith.constant 0 : i32
        %dma_start3A_182 = tpu.memref_slice %arg3[%dma_start3A_181, %add3A_180] : memref<64x1000000xf32, #tpu.memory_space<hbm>> -> memref<64x512xf32, #tpu.memory_space<hbm>>
        %dma_start3A_183 = arith.constant 0 : i32
        %dma_start3A_184 = tpu.memref_slice %arg3[%dma_start3A_183, %add3A_180] : memref<64x1000000xf32, #tpu.memory_space<hbm>> -> memref<64x512xf32, #tpu.memory_space<hbm>>
        tpu.enqueue_dma source(%dma_start3A_184 : memref<64x512xf32, #tpu.memory_space<hbm>>) target(%arg13 : memref<64x512xf32, #tpu.memory_space<vmem>>) target_semaphore(%arg21 : memref<!tpu.dma_semaphore, #tpu.memory_space<semaphore_mem>>)
      } else {
      }
      %iota3A_158 = tpu.iota {dimensions = array<i32: 0>} : vector<16xi32>
      %add3A_159 = arith.constant 16 : i32
      %add3A_160 = arith.addi %scan3A_21, %add3A_159 : i32
      %sub3A_161 = arith.constant 1 : i32
      %sub3A_162 = arith.subi %add3A_160, %sub3A_161 : i32
      %shift_right_arithmetic3A_163 = arith.constant 4 : i32
      %shift_right_arithmetic3A_164 = arith.shrsi %sub3A_162, %shift_right_arithmetic3A_163 : i32
      %while3A_165 = arith.constant 0 : i32
      %while3A_166 = arith.subi %shift_right_arithmetic3A_164, %while3A_165 : i32
      %while3A_167 = arith.addi %while3A_165, %while3A_166 : i32
      %while3A_168 = arith.constant 1 : i32
      %while3A_169 = arith.divsi %while3A_166, %while3A_168 : i32
      %while3A_170 = arith.muli %while3A_169, %while3A_168 : i32
      %while3A_171 = arith.addi %while3A_165, %while3A_170 : i32
      %while3A_172 = arith.constant 1 : i32
      %while3A_173 = scf.for %while3A_176 = %while3A_165 to %while3A_171 step %while3A_172 iter_args(%while3A_177 = %while3A_140) -> (i32)  : i32 {
        %mul3A_178 = arith.constant 16 : i32
        %mul3A_179 = arith.muli %while3A_176, %mul3A_178 : i32
        %get3A = arith.index_cast %mul3A_179 : i32 to index
        %get3A_180 = tpu.vector_load %arg12[%get3A] {strides = array<i32>} : memref<16400xi32, #tpu.memory_space<vmem>>, vector<16xi32>,
        %and3A_181 = arith.constant 32767 : i32
        %and3A_182 = vector.broadcast %and3A_181 : i32 to vector<16xi32>
        %and3A_183 = arith.andi %get3A_180, %and3A_182 : vector<16xi32>
        %shift_right_arithmetic3A_184 = arith.constant 9 : i32
        %shift_right_arithmetic3A_185 = vector.broadcast %shift_right_arithmetic3A_184 : i32 to vector<16xi32>
        %shift_right_arithmetic3A_186 = arith.shrsi %and3A_183, %shift_right_arithmetic3A_185 : vector<16xi32>
        %eq3A_187 = vector.broadcast %add3A_144 : i32 to vector<16xi32>
        %eq3A_188 = arith.cmpi eq, %shift_right_arithmetic3A_186, %eq3A_187 : vector<16xi32>
        %mul3A_189 = arith.constant 16 : i32
        %mul3A_190 = arith.muli %while3A_176, %mul3A_189 : i32
        %add3A_191 = vector.broadcast %mul3A_190 : i32 to vector<16xi32>
        %add3A_192 = arith.addi %iota3A_158, %add3A_191 : vector<16xi32>
        %lt3A_193 = vector.broadcast %scan3A_21 : i32 to vector<16xi32>
        %lt3A_194 = arith.cmpi slt, %add3A_192, %lt3A_193 : vector<16xi32>
        %and3A_195 = arith.andi %eq3A_188, %lt3A_194 : vector<16xi1>
        %swap3A = arith.constant 0 : index
        %swap3A_196 = tpu.vector_load %arg18[%swap3A] masked %and3A_195 {strides = array<i32>} : memref<32xi32, #tpu.memory_space<vmem>>, vector<16xi32>, vector<16xi1>
        tpu.vector_store %arg18[%swap3A], %get3A_180 masked %and3A_195 {strides = array<i32>} : memref<32xi32, #tpu.memory_space<vmem>>, vector<16xi32>, vector<16xi1>
        %all_reduce_population_count3A = tpu.all_reduce %and3A_195 {dim = 0 : i64, kind = #tpu.reduction_kind<sum>} : vector<16xi1> -> vector<16xi32>
        %slice3A = vector.extract_strided_slice %all_reduce_population_count3A {offsets = [0], sizes = [1], strides = [1]} : vector<16xi32> to vector<1xi32>
        %squeeze3A = vector.extract %slice3A[0] : i32 from vector<1xi32>
        %while3A_197 = arith.constant 0 : i32
        %while3A_198 = arith.subi %squeeze3A, %while3A_197 : i32
        %while3A_199 = arith.addi %while3A_197, %while3A_198 : i32
        %while3A_200 = arith.constant 1 : i32
        %while3A_201 = arith.divsi %while3A_198, %while3A_200 : i32
        %while3A_202 = arith.muli %while3A_201, %while3A_200 : i32
        %while3A_203 = arith.addi %while3A_197, %while3A_202 : i32
        %while3A_204 = arith.constant 1 : i32
        %while3A_205 = scf.for %while3A_208 = %while3A_197 to %while3A_203 step %while3A_204 iter_args(%while3A_209 = %while3A_177) -> (i32)  : i32 {
          %get3A_210 = arith.index_cast %while3A_208 : i32 to index
          %get3A_211 = tpu.vector_load %arg18[%get3A_210] {strides = array<i32>} : memref<32xi32, #tpu.memory_space<vmem>>, vector<16xi32>,
          %slice3A_212 = vector.extract_strided_slice %get3A_211 {offsets = [0], sizes = [1], strides = [1]} : vector<16xi32> to vector<1xi32>
          %squeeze3A_213 = vector.extract %slice3A_212[0] : i32 from vector<1xi32>
          %shift_right_arithmetic3A_214 = arith.constant 15 : i32
          %shift_right_arithmetic3A_215 = arith.shrsi %squeeze3A_213, %shift_right_arithmetic3A_214 : i32
          %and3A_216 = arith.constant 32767 : i32
          %and3A_217 = arith.andi %squeeze3A_213, %and3A_216 : i32
          %mul3A_218 = arith.constant 512 : i32
          %mul3A_219 = arith.muli %add3A_144, %mul3A_218 : i32
          %sub3A_220 = arith.subi %and3A_217, %mul3A_219 : i32
          %broadcast_in_dim3A = arith.constant 0 : i32
          %broadcast_in_dim3A_221 = vector.broadcast %broadcast_in_dim3A : i32 to vector<16xi32>
          %add3A_222 = vector.broadcast %sub3A_220 : i32 to vector<16xi32>
          %add3A_223 = arith.addi %broadcast_in_dim3A_221, %add3A_222 : vector<16xi32>
          %and3A_224 = arith.constant 15 : i32
          %and3A_225 = arith.andi %while3A_209, %and3A_224 : i32
          %add3A_226 = arith.constant 0 : i32
          %add3A_227 = vector.broadcast %add3A_226 : i32 to vector<16xi32>
          %add3A_228 = arith.addi %iota3A_158, %add3A_227 : vector<16xi32>
          %gather3A = tpu.vector_load_idx %arg14[%add3A_228, %add3A_223] : memref<64x512xf32, #tpu.memory_space<vmem>>[vector<16xi32>, vector<16xi32>], vector<16xf32>,
          %swap3A_229 = arith.index_cast %and3A_225 : i32 to index
          %swap3A_230 = arith.constant 0 : index
          %swap3A_231 = tpu.vector_load %arg17[%swap3A_229, %swap3A_230] {strides = array<i32>} : memref<16x64xf32, #tpu.memory_space<vmem>>, vector<16xf32>,
          tpu.vector_store %arg17[%swap3A_229, %swap3A_230], %gather3A {strides = array<i32>} : memref<16x64xf32, #tpu.memory_space<vmem>>, vector<16xf32>,
          %add3A_232 = arith.constant 16 : i32
          %add3A_233 = vector.broadcast %add3A_232 : i32 to vector<16xi32>
          %add3A_234 = arith.addi %iota3A_158, %add3A_233 : vector<16xi32>
          %gather3A_235 = tpu.vector_load_idx %arg14[%add3A_234, %add3A_223] : memref<64x512xf32, #tpu.memory_space<vmem>>[vector<16xi32>, vector<16xi32>], vector<16xf32>,
          %swap3A_236 = arith.index_cast %and3A_225 : i32 to index
          %swap3A_237 = arith.constant 16 : index
          %swap3A_238 = tpu.vector_load %arg17[%swap3A_236, %swap3A_237] {strides = array<i32>} : memref<16x64xf32, #tpu.memory_space<vmem>>, vector<16xf32>,
          tpu.vector_store %arg17[%swap3A_236, %swap3A_237], %gather3A_235 {strides = array<i32>} : memref<16x64xf32, #tpu.memory_space<vmem>>, vector<16xf32>,
          %add3A_239 = arith.constant 32 : i32
          %add3A_240 = vector.broadcast %add3A_239 : i32 to vector<16xi32>
          %add3A_241 = arith.addi %iota3A_158, %add3A_240 : vector<16xi32>
          %gather3A_242 = tpu.vector_load_idx %arg14[%add3A_241, %add3A_223] : memref<64x512xf32, #tpu.memory_space<vmem>>[vector<16xi32>, vector<16xi32>], vector<16xf32>,
          %swap3A_243 = arith.index_cast %and3A_225 : i32 to index
          %swap3A_244 = arith.constant 32 : index
          %swap3A_245 = tpu.vector_load %arg17[%swap3A_243, %swap3A_244] {strides = array<i32>} : memref<16x64xf32, #tpu.memory_space<vmem>>, vector<16xf32>,
          tpu.vector_store %arg17[%swap3A_243, %swap3A_244], %gather3A_242 {strides = array<i32>} : memref<16x64xf32, #tpu.memory_space<vmem>>, vector<16xf32>,
          %add3A_246 = arith.constant 48 : i32
          %add3A_247 = vector.broadcast %add3A_246 : i32 to vector<16xi32>
          %add3A_248 = arith.addi %iota3A_158, %add3A_247 : vector<16xi32>
          %gather3A_249 = tpu.vector_load_idx %arg14[%add3A_248, %add3A_223] : memref<64x512xf32, #tpu.memory_space<vmem>>[vector<16xi32>, vector<16xi32>], vector<16xf32>,
          %swap3A_250 = arith.index_cast %and3A_225 : i32 to index
          %swap3A_251 = arith.constant 48 : index
          %swap3A_252 = tpu.vector_load %arg17[%swap3A_250, %swap3A_251] {strides = array<i32>} : memref<16x64xf32, #tpu.memory_space<vmem>>, vector<16xf32>,
          tpu.vector_store %arg17[%swap3A_250, %swap3A_251], %gather3A_249 {strides = array<i32>} : memref<16x64xf32, #tpu.memory_space<vmem>>, vector<16xf32>,
          %mul3A_253 = arith.constant 64 : i32
          %mul3A_254 = arith.muli %shift_right_arithmetic3A_215, %mul3A_253 : i32
          %dma_start3A_255 = arith.constant 0 : i32
          %dma_start3A_256 = tpu.memref_slice %arg17[%and3A_225, %dma_start3A_255] : memref<16x64xf32, #tpu.memory_space<vmem>> -> memref<1x64xf32, #tpu.memory_space<vmem>>
          %dma_start3A_257 = tpu.memref_squeeze %dma_start3A_256 : memref<1x64xf32, #tpu.memory_space<vmem>> -> memref<64xf32, #tpu.memory_space<vmem>>
          %dma_start3A_258 = tpu.memref_slice %arg9[%mul3A_254] : memref<1048576xf32, #tpu.memory_space<hbm>> -> memref<64xf32, #tpu.memory_space<hbm>>
          %dma_start3A_259 = tpu.memref_slice %arg9[%mul3A_254] : memref<1048576xf32, #tpu.memory_space<hbm>> -> memref<64xf32, #tpu.memory_space<hbm>>
          %dma_start3A_260 = arith.constant 0 : i32
          %dma_start3A_261 = tpu.memref_slice %arg17[%and3A_225, %dma_start3A_260] : memref<16x64xf32, #tpu.memory_space<vmem>> -> memref<1x64xf32, #tpu.memory_space<vmem>>
          %dma_start3A_262 = tpu.memref_squeeze %dma_start3A_261 : memref<1x64xf32, #tpu.memory_space<vmem>> -> memref<64xf32, #tpu.memory_space<vmem>>
          tpu.enqueue_dma source(%dma_start3A_262 : memref<64xf32, #tpu.memory_space<vmem>>) target(%dma_start3A_259 : memref<64xf32, #tpu.memory_space<hbm>>) target_semaphore(%arg24 : memref<!tpu.dma_semaphore, #tpu.memory_space<semaphore_mem>>)
          %eq3A_263 = arith.constant 15 : i32
          %eq3A_264 = arith.cmpi eq, %and3A_225, %eq3A_263 : i32
          %convert_element_type3A_265 = arith.extui %eq3A_264 : i1 to i32
          %cond3A_266 = arith.constant 0 : i32
          %cond3A_267 = arith.cmpi ne, %convert_element_type3A_265, %cond3A_266 : i32
          scf.if %cond3A_267 {
            %dma_wait3A_270 = arith.constant 0 : i32
            %dma_wait3A_271 = tpu.memref_slice %arg9[%dma_wait3A_270] : memref<1048576xf32, #tpu.memory_space<hbm>> -> memref<1024xf32, #tpu.memory_space<hbm>>
            %dma_wait3A_272 = arith.constant 0 : i32
            %dma_wait3A_273 = tpu.memref_slice %arg9[%dma_wait3A_272] : memref<1048576xf32, #tpu.memory_space<hbm>> -> memref<1024xf32, #tpu.memory_space<hbm>>
            tpu.wait_dma2 semaphore(%arg24 : memref<!tpu.dma_semaphore, #tpu.memory_space<semaphore_mem>>) src(%dma_wait3A_273 : memref<1024xf32, #tpu.memory_space<hbm>>) dst(%arg19 : memref<1024xf32, #tpu.memory_space<vmem>>)
          } else {
          }
          %add3A_268 = arith.constant 1 : i32
          %add3A_269 = arith.addi %while3A_209, %add3A_268 : i32
          scf.yield %add3A_269 : i32
        }
        %while3A_206 = arith.constant 1 : i32
        %while3A_207 = scf.for %while3A_208 = %while3A_203 to %while3A_199 step %while3A_206 iter_args(%while3A_209 = %while3A_205) -> (i32)  : i32 {
          %get3A_210 = arith.index_cast %while3A_208 : i32 to index
          %get3A_211 = tpu.vector_load %arg18[%get3A_210] {strides = array<i32>} : memref<32xi32, #tpu.memory_space<vmem>>, vector<16xi32>,
          %slice3A_212 = vector.extract_strided_slice %get3A_211 {offsets = [0], sizes = [1], strides = [1]} : vector<16xi32> to vector<1xi32>
          %squeeze3A_213 = vector.extract %slice3A_212[0] : i32 from vector<1xi32>
          %shift_right_arithmetic3A_214 = arith.constant 15 : i32
          %shift_right_arithmetic3A_215 = arith.shrsi %squeeze3A_213, %shift_right_arithmetic3A_214 : i32
          %and3A_216 = arith.constant 32767 : i32
          %and3A_217 = arith.andi %squeeze3A_213, %and3A_216 : i32
          %mul3A_218 = arith.constant 512 : i32
          %mul3A_219 = arith.muli %add3A_144, %mul3A_218 : i32
          %sub3A_220 = arith.subi %and3A_217, %mul3A_219 : i32
          %broadcast_in_dim3A = arith.constant 0 : i32
          %broadcast_in_dim3A_221 = vector.broadcast %broadcast_in_dim3A : i32 to vector<16xi32>
          %add3A_222 = vector.broadcast %sub3A_220 : i32 to vector<16xi32>
          %add3A_223 = arith.addi %broadcast_in_dim3A_221, %add3A_222 : vector<16xi32>
          %and3A_224 = arith.constant 15 : i32
          %and3A_225 = arith.andi %while3A_209, %and3A_224 : i32
          %add3A_226 = arith.constant 0 : i32
          %add3A_227 = vector.broadcast %add3A_226 : i32 to vector<16xi32>
          %add3A_228 = arith.addi %iota3A_158, %add3A_227 : vector<16xi32>
          %gather3A = tpu.vector_load_idx %arg14[%add3A_228, %add3A_223] : memref<64x512xf32, #tpu.memory_space<vmem>>[vector<16xi32>, vector<16xi32>], vector<16xf32>,
          %swap3A_229 = arith.index_cast %and3A_225 : i32 to index
          %swap3A_230 = arith.constant 0 : index
          %swap3A_231 = tpu.vector_load %arg17[%swap3A_229, %swap3A_230] {strides = array<i32>} : memref<16x64xf32, #tpu.memory_space<vmem>>, vector<16xf32>,
          tpu.vector_store %arg17[%swap3A_229, %swap3A_230], %gather3A {strides = array<i32>} : memref<16x64xf32, #tpu.memory_space<vmem>>, vector<16xf32>,
          %add3A_232 = arith.constant 16 : i32
          %add3A_233 = vector.broadcast %add3A_232 : i32 to vector<16xi32>
          %add3A_234 = arith.addi %iota3A_158, %add3A_233 : vector<16xi32>
          %gather3A_235 = tpu.vector_load_idx %arg14[%add3A_234, %add3A_223] : memref<64x512xf32, #tpu.memory_space<vmem>>[vector<16xi32>, vector<16xi32>], vector<16xf32>,
          %swap3A_236 = arith.index_cast %and3A_225 : i32 to index
          %swap3A_237 = arith.constant 16 : index
          %swap3A_238 = tpu.vector_load %arg17[%swap3A_236, %swap3A_237] {strides = array<i32>} : memref<16x64xf32, #tpu.memory_space<vmem>>, vector<16xf32>,
          tpu.vector_store %arg17[%swap3A_236, %swap3A_237], %gather3A_235 {strides = array<i32>} : memref<16x64xf32, #tpu.memory_space<vmem>>, vector<16xf32>,
          %add3A_239 = arith.constant 32 : i32
          %add3A_240 = vector.broadcast %add3A_239 : i32 to vector<16xi32>
          %add3A_241 = arith.addi %iota3A_158, %add3A_240 : vector<16xi32>
          %gather3A_242 = tpu.vector_load_idx %arg14[%add3A_241, %add3A_223] : memref<64x512xf32, #tpu.memory_space<vmem>>[vector<16xi32>, vector<16xi32>], vector<16xf32>,
          %swap3A_243 = arith.index_cast %and3A_225 : i32 to index
          %swap3A_244 = arith.constant 32 : index
          %swap3A_245 = tpu.vector_load %arg17[%swap3A_243, %swap3A_244] {strides = array<i32>} : memref<16x64xf32, #tpu.memory_space<vmem>>, vector<16xf32>,
          tpu.vector_store %arg17[%swap3A_243, %swap3A_244], %gather3A_242 {strides = array<i32>} : memref<16x64xf32, #tpu.memory_space<vmem>>, vector<16xf32>,
          %add3A_246 = arith.constant 48 : i32
          %add3A_247 = vector.broadcast %add3A_246 : i32 to vector<16xi32>
          %add3A_248 = arith.addi %iota3A_158, %add3A_247 : vector<16xi32>
          %gather3A_249 = tpu.vector_load_idx %arg14[%add3A_248, %add3A_223] : memref<64x512xf32, #tpu.memory_space<vmem>>[vector<16xi32>, vector<16xi32>], vector<16xf32>,
          %swap3A_250 = arith.index_cast %and3A_225 : i32 to index
          %swap3A_251 = arith.constant 48 : index
          %swap3A_252 = tpu.vector_load %arg17[%swap3A_250, %swap3A_251] {strides = array<i32>} : memref<16x64xf32, #tpu.memory_space<vmem>>, vector<16xf32>,
          tpu.vector_store %arg17[%swap3A_250, %swap3A_251], %gather3A_249 {strides = array<i32>} : memref<16x64xf32, #tpu.memory_space<vmem>>, vector<16xf32>,
          %mul3A_253 = arith.constant 64 : i32
          %mul3A_254 = arith.muli %shift_right_arithmetic3A_215, %mul3A_253 : i32
          %dma_start3A_255 = arith.constant 0 : i32
          %dma_start3A_256 = tpu.memref_slice %arg17[%and3A_225, %dma_start3A_255] : memref<16x64xf32, #tpu.memory_space<vmem>> -> memref<1x64xf32, #tpu.memory_space<vmem>>
          %dma_start3A_257 = tpu.memref_squeeze %dma_start3A_256 : memref<1x64xf32, #tpu.memory_space<vmem>> -> memref<64xf32, #tpu.memory_space<vmem>>
          %dma_start3A_258 = tpu.memref_slice %arg9[%mul3A_254] : memref<1048576xf32, #tpu.memory_space<hbm>> -> memref<64xf32, #tpu.memory_space<hbm>>
          %dma_start3A_259 = tpu.memref_slice %arg9[%mul3A_254] : memref<1048576xf32, #tpu.memory_space<hbm>> -> memref<64xf32, #tpu.memory_space<hbm>>
          %dma_start3A_260 = arith.constant 0 : i32
          %dma_start3A_261 = tpu.memref_slice %arg17[%and3A_225, %dma_start3A_260] : memref<16x64xf32, #tpu.memory_space<vmem>> -> memref<1x64xf32, #tpu.memory_space<vmem>>
          %dma_start3A_262 = tpu.memref_squeeze %dma_start3A_261 : memref<1x64xf32, #tpu.memory_space<vmem>> -> memref<64xf32, #tpu.memory_space<vmem>>
          tpu.enqueue_dma source(%dma_start3A_262 : memref<64xf32, #tpu.memory_space<vmem>>) target(%dma_start3A_259 : memref<64xf32, #tpu.memory_space<hbm>>) target_semaphore(%arg24 : memref<!tpu.dma_semaphore, #tpu.memory_space<semaphore_mem>>)
          %eq3A_263 = arith.constant 15 : i32
          %eq3A_264 = arith.cmpi eq, %and3A_225, %eq3A_263 : i32
          %convert_element_type3A_265 = arith.extui %eq3A_264 : i1 to i32
          %cond3A_266 = arith.constant 0 : i32
          %cond3A_267 = arith.cmpi ne, %convert_element_type3A_265, %cond3A_266 : i32
          scf.if %cond3A_267 {
            %dma_wait3A_270 = arith.constant 0 : i32
            %dma_wait3A_271 = tpu.memref_slice %arg9[%dma_wait3A_270] : memref<1048576xf32, #tpu.memory_space<hbm>> -> memref<1024xf32, #tpu.memory_space<hbm>>
            %dma_wait3A_272 = arith.constant 0 : i32
            %dma_wait3A_273 = tpu.memref_slice %arg9[%dma_wait3A_272] : memref<1048576xf32, #tpu.memory_space<hbm>> -> memref<1024xf32, #tpu.memory_space<hbm>>
            tpu.wait_dma2 semaphore(%arg24 : memref<!tpu.dma_semaphore, #tpu.memory_space<semaphore_mem>>) src(%dma_wait3A_273 : memref<1024xf32, #tpu.memory_space<hbm>>) dst(%arg19 : memref<1024xf32, #tpu.memory_space<vmem>>)
          } else {
          }
          %add3A_268 = arith.constant 1 : i32
          %add3A_269 = arith.addi %while3A_209, %add3A_268 : i32
          scf.yield %add3A_269 : i32
        }
        scf.yield %while3A_207 : i32
      }
      %while3A_174 = arith.constant 1 : i32
      %while3A_175 = scf.for %while3A_176 = %while3A_171 to %while3A_167 step %while3A_174 iter_args(%while3A_177 = %while3A_173) -> (i32)  : i32 {
        %mul3A_178 = arith.constant 16 : i32
        %mul3A_179 = arith.muli %while3A_176, %mul3A_178 : i32
        %get3A = arith.index_cast %mul3A_179 : i32 to index
        %get3A_180 = tpu.vector_load %arg12[%get3A] {strides = array<i32>} : memref<16400xi32, #tpu.memory_space<vmem>>, vector<16xi32>,
        %and3A_181 = arith.constant 32767 : i32
        %and3A_182 = vector.broadcast %and3A_181 : i32 to vector<16xi32>
        %and3A_183 = arith.andi %get3A_180, %and3A_182 : vector<16xi32>
        %shift_right_arithmetic3A_184 = arith.constant 9 : i32
        %shift_right_arithmetic3A_185 = vector.broadcast %shift_right_arithmetic3A_184 : i32 to vector<16xi32>
        %shift_right_arithmetic3A_186 = arith.shrsi %and3A_183, %shift_right_arithmetic3A_185 : vector<16xi32>
        %eq3A_187 = vector.broadcast %add3A_144 : i32 to vector<16xi32>
        %eq3A_188 = arith.cmpi eq, %shift_right_arithmetic3A_186, %eq3A_187 : vector<16xi32>
        %mul3A_189 = arith.constant 16 : i32
        %mul3A_190 = arith.muli %while3A_176, %mul3A_189 : i32
        %add3A_191 = vector.broadcast %mul3A_190 : i32 to vector<16xi32>
        %add3A_192 = arith.addi %iota3A_158, %add3A_191 : vector<16xi32>
        %lt3A_193 = vector.broadcast %scan3A_21 : i32 to vector<16xi32>
        %lt3A_194 = arith.cmpi slt, %add3A_192, %lt3A_193 : vector<16xi32>
        %and3A_195 = arith.andi %eq3A_188, %lt3A_194 : vector<16xi1>
        %swap3A = arith.constant 0 : index
        %swap3A_196 = tpu.vector_load %arg18[%swap3A] masked %and3A_195 {strides = array<i32>} : memref<32xi32, #tpu.memory_space<vmem>>, vector<16xi32>, vector<16xi1>
        tpu.vector_store %arg18[%swap3A], %get3A_180 masked %and3A_195 {strides = array<i32>} : memref<32xi32, #tpu.memory_space<vmem>>, vector<16xi32>, vector<16xi1>
        %all_reduce_population_count3A = tpu.all_reduce %and3A_195 {dim = 0 : i64, kind = #tpu.reduction_kind<sum>} : vector<16xi1> -> vector<16xi32>
        %slice3A = vector.extract_strided_slice %all_reduce_population_count3A {offsets = [0], sizes = [1], strides = [1]} : vector<16xi32> to vector<1xi32>
        %squeeze3A = vector.extract %slice3A[0] : i32 from vector<1xi32>
        %while3A_197 = arith.constant 0 : i32
        %while3A_198 = arith.subi %squeeze3A, %while3A_197 : i32
        %while3A_199 = arith.addi %while3A_197, %while3A_198 : i32
        %while3A_200 = arith.constant 1 : i32
        %while3A_201 = arith.divsi %while3A_198, %while3A_200 : i32
        %while3A_202 = arith.muli %while3A_201, %while3A_200 : i32
        %while3A_203 = arith.addi %while3A_197, %while3A_202 : i32
        %while3A_204 = arith.constant 1 : i32
        %while3A_205 = scf.for %while3A_208 = %while3A_197 to %while3A_203 step %while3A_204 iter_args(%while3A_209 = %while3A_177) -> (i32)  : i32 {
          %get3A_210 = arith.index_cast %while3A_208 : i32 to index
          %get3A_211 = tpu.vector_load %arg18[%get3A_210] {strides = array<i32>} : memref<32xi32, #tpu.memory_space<vmem>>, vector<16xi32>,
          %slice3A_212 = vector.extract_strided_slice %get3A_211 {offsets = [0], sizes = [1], strides = [1]} : vector<16xi32> to vector<1xi32>
          %squeeze3A_213 = vector.extract %slice3A_212[0] : i32 from vector<1xi32>
          %shift_right_arithmetic3A_214 = arith.constant 15 : i32
          %shift_right_arithmetic3A_215 = arith.shrsi %squeeze3A_213, %shift_right_arithmetic3A_214 : i32
          %and3A_216 = arith.constant 32767 : i32
          %and3A_217 = arith.andi %squeeze3A_213, %and3A_216 : i32
          %mul3A_218 = arith.constant 512 : i32
          %mul3A_219 = arith.muli %add3A_144, %mul3A_218 : i32
          %sub3A_220 = arith.subi %and3A_217, %mul3A_219 : i32
          %broadcast_in_dim3A = arith.constant 0 : i32
          %broadcast_in_dim3A_221 = vector.broadcast %broadcast_in_dim3A : i32 to vector<16xi32>
          %add3A_222 = vector.broadcast %sub3A_220 : i32 to vector<16xi32>
          %add3A_223 = arith.addi %broadcast_in_dim3A_221, %add3A_222 : vector<16xi32>
          %and3A_224 = arith.constant 15 : i32
          %and3A_225 = arith.andi %while3A_209, %and3A_224 : i32
          %add3A_226 = arith.constant 0 : i32
          %add3A_227 = vector.broadcast %add3A_226 : i32 to vector<16xi32>
          %add3A_228 = arith.addi %iota3A_158, %add3A_227 : vector<16xi32>
          %gather3A = tpu.vector_load_idx %arg14[%add3A_228, %add3A_223] : memref<64x512xf32, #tpu.memory_space<vmem>>[vector<16xi32>, vector<16xi32>], vector<16xf32>,
          %swap3A_229 = arith.index_cast %and3A_225 : i32 to index
          %swap3A_230 = arith.constant 0 : index
          %swap3A_231 = tpu.vector_load %arg17[%swap3A_229, %swap3A_230] {strides = array<i32>} : memref<16x64xf32, #tpu.memory_space<vmem>>, vector<16xf32>,
          tpu.vector_store %arg17[%swap3A_229, %swap3A_230], %gather3A {strides = array<i32>} : memref<16x64xf32, #tpu.memory_space<vmem>>, vector<16xf32>,
          %add3A_232 = arith.constant 16 : i32
          %add3A_233 = vector.broadcast %add3A_232 : i32 to vector<16xi32>
          %add3A_234 = arith.addi %iota3A_158, %add3A_233 : vector<16xi32>
          %gather3A_235 = tpu.vector_load_idx %arg14[%add3A_234, %add3A_223] : memref<64x512xf32, #tpu.memory_space<vmem>>[vector<16xi32>, vector<16xi32>], vector<16xf32>,
          %swap3A_236 = arith.index_cast %and3A_225 : i32 to index
          %swap3A_237 = arith.constant 16 : index
          %swap3A_238 = tpu.vector_load %arg17[%swap3A_236, %swap3A_237] {strides = array<i32>} : memref<16x64xf32, #tpu.memory_space<vmem>>, vector<16xf32>,
          tpu.vector_store %arg17[%swap3A_236, %swap3A_237], %gather3A_235 {strides = array<i32>} : memref<16x64xf32, #tpu.memory_space<vmem>>, vector<16xf32>,
          %add3A_239 = arith.constant 32 : i32
          %add3A_240 = vector.broadcast %add3A_239 : i32 to vector<16xi32>
          %add3A_241 = arith.addi %iota3A_158, %add3A_240 : vector<16xi32>
          %gather3A_242 = tpu.vector_load_idx %arg14[%add3A_241, %add3A_223] : memref<64x512xf32, #tpu.memory_space<vmem>>[vector<16xi32>, vector<16xi32>], vector<16xf32>,
          %swap3A_243 = arith.index_cast %and3A_225 : i32 to index
          %swap3A_244 = arith.constant 32 : index
          %swap3A_245 = tpu.vector_load %arg17[%swap3A_243, %swap3A_244] {strides = array<i32>} : memref<16x64xf32, #tpu.memory_space<vmem>>, vector<16xf32>,
          tpu.vector_store %arg17[%swap3A_243, %swap3A_244], %gather3A_242 {strides = array<i32>} : memref<16x64xf32, #tpu.memory_space<vmem>>, vector<16xf32>,
          %add3A_246 = arith.constant 48 : i32
          %add3A_247 = vector.broadcast %add3A_246 : i32 to vector<16xi32>
          %add3A_248 = arith.addi %iota3A_158, %add3A_247 : vector<16xi32>
          %gather3A_249 = tpu.vector_load_idx %arg14[%add3A_248, %add3A_223] : memref<64x512xf32, #tpu.memory_space<vmem>>[vector<16xi32>, vector<16xi32>], vector<16xf32>,
          %swap3A_250 = arith.index_cast %and3A_225 : i32 to index
          %swap3A_251 = arith.constant 48 : index
          %swap3A_252 = tpu.vector_load %arg17[%swap3A_250, %swap3A_251] {strides = array<i32>} : memref<16x64xf32, #tpu.memory_space<vmem>>, vector<16xf32>,
          tpu.vector_store %arg17[%swap3A_250, %swap3A_251], %gather3A_249 {strides = array<i32>} : memref<16x64xf32, #tpu.memory_space<vmem>>, vector<16xf32>,
          %mul3A_253 = arith.constant 64 : i32
          %mul3A_254 = arith.muli %shift_right_arithmetic3A_215, %mul3A_253 : i32
          %dma_start3A_255 = arith.constant 0 : i32
          %dma_start3A_256 = tpu.memref_slice %arg17[%and3A_225, %dma_start3A_255] : memref<16x64xf32, #tpu.memory_space<vmem>> -> memref<1x64xf32, #tpu.memory_space<vmem>>
          %dma_start3A_257 = tpu.memref_squeeze %dma_start3A_256 : memref<1x64xf32, #tpu.memory_space<vmem>> -> memref<64xf32, #tpu.memory_space<vmem>>
          %dma_start3A_258 = tpu.memref_slice %arg9[%mul3A_254] : memref<1048576xf32, #tpu.memory_space<hbm>> -> memref<64xf32, #tpu.memory_space<hbm>>
          %dma_start3A_259 = tpu.memref_slice %arg9[%mul3A_254] : memref<1048576xf32, #tpu.memory_space<hbm>> -> memref<64xf32, #tpu.memory_space<hbm>>
          %dma_start3A_260 = arith.constant 0 : i32
          %dma_start3A_261 = tpu.memref_slice %arg17[%and3A_225, %dma_start3A_260] : memref<16x64xf32, #tpu.memory_space<vmem>> -> memref<1x64xf32, #tpu.memory_space<vmem>>
          %dma_start3A_262 = tpu.memref_squeeze %dma_start3A_261 : memref<1x64xf32, #tpu.memory_space<vmem>> -> memref<64xf32, #tpu.memory_space<vmem>>
          tpu.enqueue_dma source(%dma_start3A_262 : memref<64xf32, #tpu.memory_space<vmem>>) target(%dma_start3A_259 : memref<64xf32, #tpu.memory_space<hbm>>) target_semaphore(%arg24 : memref<!tpu.dma_semaphore, #tpu.memory_space<semaphore_mem>>)
          %eq3A_263 = arith.constant 15 : i32
          %eq3A_264 = arith.cmpi eq, %and3A_225, %eq3A_263 : i32
          %convert_element_type3A_265 = arith.extui %eq3A_264 : i1 to i32
          %cond3A_266 = arith.constant 0 : i32
          %cond3A_267 = arith.cmpi ne, %convert_element_type3A_265, %cond3A_266 : i32
          scf.if %cond3A_267 {
            %dma_wait3A_270 = arith.constant 0 : i32
            %dma_wait3A_271 = tpu.memref_slice %arg9[%dma_wait3A_270] : memref<1048576xf32, #tpu.memory_space<hbm>> -> memref<1024xf32, #tpu.memory_space<hbm>>
            %dma_wait3A_272 = arith.constant 0 : i32
            %dma_wait3A_273 = tpu.memref_slice %arg9[%dma_wait3A_272] : memref<1048576xf32, #tpu.memory_space<hbm>> -> memref<1024xf32, #tpu.memory_space<hbm>>
            tpu.wait_dma2 semaphore(%arg24 : memref<!tpu.dma_semaphore, #tpu.memory_space<semaphore_mem>>) src(%dma_wait3A_273 : memref<1024xf32, #tpu.memory_space<hbm>>) dst(%arg19 : memref<1024xf32, #tpu.memory_space<vmem>>)
          } else {
          }
          %add3A_268 = arith.constant 1 : i32
          %add3A_269 = arith.addi %while3A_209, %add3A_268 : i32
          scf.yield %add3A_269 : i32
        }
        %while3A_206 = arith.constant 1 : i32
        %while3A_207 = scf.for %while3A_208 = %while3A_203 to %while3A_199 step %while3A_206 iter_args(%while3A_209 = %while3A_205) -> (i32)  : i32 {
          %get3A_210 = arith.index_cast %while3A_208 : i32 to index
          %get3A_211 = tpu.vector_load %arg18[%get3A_210] {strides = array<i32>} : memref<32xi32, #tpu.memory_space<vmem>>, vector<16xi32>,
          %slice3A_212 = vector.extract_strided_slice %get3A_211 {offsets = [0], sizes = [1], strides = [1]} : vector<16xi32> to vector<1xi32>
          %squeeze3A_213 = vector.extract %slice3A_212[0] : i32 from vector<1xi32>
          %shift_right_arithmetic3A_214 = arith.constant 15 : i32
          %shift_right_arithmetic3A_215 = arith.shrsi %squeeze3A_213, %shift_right_arithmetic3A_214 : i32
          %and3A_216 = arith.constant 32767 : i32
          %and3A_217 = arith.andi %squeeze3A_213, %and3A_216 : i32
          %mul3A_218 = arith.constant 512 : i32
          %mul3A_219 = arith.muli %add3A_144, %mul3A_218 : i32
          %sub3A_220 = arith.subi %and3A_217, %mul3A_219 : i32
          %broadcast_in_dim3A = arith.constant 0 : i32
          %broadcast_in_dim3A_221 = vector.broadcast %broadcast_in_dim3A : i32 to vector<16xi32>
          %add3A_222 = vector.broadcast %sub3A_220 : i32 to vector<16xi32>
          %add3A_223 = arith.addi %broadcast_in_dim3A_221, %add3A_222 : vector<16xi32>
          %and3A_224 = arith.constant 15 : i32
          %and3A_225 = arith.andi %while3A_209, %and3A_224 : i32
          %add3A_226 = arith.constant 0 : i32
          %add3A_227 = vector.broadcast %add3A_226 : i32 to vector<16xi32>
          %add3A_228 = arith.addi %iota3A_158, %add3A_227 : vector<16xi32>
          %gather3A = tpu.vector_load_idx %arg14[%add3A_228, %add3A_223] : memref<64x512xf32, #tpu.memory_space<vmem>>[vector<16xi32>, vector<16xi32>], vector<16xf32>,
          %swap3A_229 = arith.index_cast %and3A_225 : i32 to index
          %swap3A_230 = arith.constant 0 : index
          %swap3A_231 = tpu.vector_load %arg17[%swap3A_229, %swap3A_230] {strides = array<i32>} : memref<16x64xf32, #tpu.memory_space<vmem>>, vector<16xf32>,
          tpu.vector_store %arg17[%swap3A_229, %swap3A_230], %gather3A {strides = array<i32>} : memref<16x64xf32, #tpu.memory_space<vmem>>, vector<16xf32>,
          %add3A_232 = arith.constant 16 : i32
          %add3A_233 = vector.broadcast %add3A_232 : i32 to vector<16xi32>
          %add3A_234 = arith.addi %iota3A_158, %add3A_233 : vector<16xi32>
          %gather3A_235 = tpu.vector_load_idx %arg14[%add3A_234, %add3A_223] : memref<64x512xf32, #tpu.memory_space<vmem>>[vector<16xi32>, vector<16xi32>], vector<16xf32>,
          %swap3A_236 = arith.index_cast %and3A_225 : i32 to index
          %swap3A_237 = arith.constant 16 : index
          %swap3A_238 = tpu.vector_load %arg17[%swap3A_236, %swap3A_237] {strides = array<i32>} : memref<16x64xf32, #tpu.memory_space<vmem>>, vector<16xf32>,
          tpu.vector_store %arg17[%swap3A_236, %swap3A_237], %gather3A_235 {strides = array<i32>} : memref<16x64xf32, #tpu.memory_space<vmem>>, vector<16xf32>,
          %add3A_239 = arith.constant 32 : i32
          %add3A_240 = vector.broadcast %add3A_239 : i32 to vector<16xi32>
          %add3A_241 = arith.addi %iota3A_158, %add3A_240 : vector<16xi32>
          %gather3A_242 = tpu.vector_load_idx %arg14[%add3A_241, %add3A_223] : memref<64x512xf32, #tpu.memory_space<vmem>>[vector<16xi32>, vector<16xi32>], vector<16xf32>,
          %swap3A_243 = arith.index_cast %and3A_225 : i32 to index
          %swap3A_244 = arith.constant 32 : index
          %swap3A_245 = tpu.vector_load %arg17[%swap3A_243, %swap3A_244] {strides = array<i32>} : memref<16x64xf32, #tpu.memory_space<vmem>>, vector<16xf32>,
          tpu.vector_store %arg17[%swap3A_243, %swap3A_244], %gather3A_242 {strides = array<i32>} : memref<16x64xf32, #tpu.memory_space<vmem>>, vector<16xf32>,
          %add3A_246 = arith.constant 48 : i32
          %add3A_247 = vector.broadcast %add3A_246 : i32 to vector<16xi32>
          %add3A_248 = arith.addi %iota3A_158, %add3A_247 : vector<16xi32>
          %gather3A_249 = tpu.vector_load_idx %arg14[%add3A_248, %add3A_223] : memref<64x512xf32, #tpu.memory_space<vmem>>[vector<16xi32>, vector<16xi32>], vector<16xf32>,
          %swap3A_250 = arith.index_cast %and3A_225 : i32 to index
          %swap3A_251 = arith.constant 48 : index
          %swap3A_252 = tpu.vector_load %arg17[%swap3A_250, %swap3A_251] {strides = array<i32>} : memref<16x64xf32, #tpu.memory_space<vmem>>, vector<16xf32>,
          tpu.vector_store %arg17[%swap3A_250, %swap3A_251], %gather3A_249 {strides = array<i32>} : memref<16x64xf32, #tpu.memory_space<vmem>>, vector<16xf32>,
          %mul3A_253 = arith.constant 64 : i32
          %mul3A_254 = arith.muli %shift_right_arithmetic3A_215, %mul3A_253 : i32
          %dma_start3A_255 = arith.constant 0 : i32
          %dma_start3A_256 = tpu.memref_slice %arg17[%and3A_225, %dma_start3A_255] : memref<16x64xf32, #tpu.memory_space<vmem>> -> memref<1x64xf32, #tpu.memory_space<vmem>>
          %dma_start3A_257 = tpu.memref_squeeze %dma_start3A_256 : memref<1x64xf32, #tpu.memory_space<vmem>> -> memref<64xf32, #tpu.memory_space<vmem>>
          %dma_start3A_258 = tpu.memref_slice %arg9[%mul3A_254] : memref<1048576xf32, #tpu.memory_space<hbm>> -> memref<64xf32, #tpu.memory_space<hbm>>
          %dma_start3A_259 = tpu.memref_slice %arg9[%mul3A_254] : memref<1048576xf32, #tpu.memory_space<hbm>> -> memref<64xf32, #tpu.memory_space<hbm>>
          %dma_start3A_260 = arith.constant 0 : i32
          %dma_start3A_261 = tpu.memref_slice %arg17[%and3A_225, %dma_start3A_260] : memref<16x64xf32, #tpu.memory_space<vmem>> -> memref<1x64xf32, #tpu.memory_space<vmem>>
          %dma_start3A_262 = tpu.memref_squeeze %dma_start3A_261 : memref<1x64xf32, #tpu.memory_space<vmem>> -> memref<64xf32, #tpu.memory_space<vmem>>
          tpu.enqueue_dma source(%dma_start3A_262 : memref<64xf32, #tpu.memory_space<vmem>>) target(%dma_start3A_259 : memref<64xf32, #tpu.memory_space<hbm>>) target_semaphore(%arg24 : memref<!tpu.dma_semaphore, #tpu.memory_space<semaphore_mem>>)
          %eq3A_263 = arith.constant 15 : i32
          %eq3A_264 = arith.cmpi eq, %and3A_225, %eq3A_263 : i32
          %convert_element_type3A_265 = arith.extui %eq3A_264 : i1 to i32
          %cond3A_266 = arith.constant 0 : i32
          %cond3A_267 = arith.cmpi ne, %convert_element_type3A_265, %cond3A_266 : i32
          scf.if %cond3A_267 {
            %dma_wait3A_270 = arith.constant 0 : i32
            %dma_wait3A_271 = tpu.memref_slice %arg9[%dma_wait3A_270] : memref<1048576xf32, #tpu.memory_space<hbm>> -> memref<1024xf32, #tpu.memory_space<hbm>>
            %dma_wait3A_272 = arith.constant 0 : i32
            %dma_wait3A_273 = tpu.memref_slice %arg9[%dma_wait3A_272] : memref<1048576xf32, #tpu.memory_space<hbm>> -> memref<1024xf32, #tpu.memory_space<hbm>>
            tpu.wait_dma2 semaphore(%arg24 : memref<!tpu.dma_semaphore, #tpu.memory_space<semaphore_mem>>) src(%dma_wait3A_273 : memref<1024xf32, #tpu.memory_space<hbm>>) dst(%arg19 : memref<1024xf32, #tpu.memory_space<vmem>>)
          } else {
          }
          %add3A_268 = arith.constant 1 : i32
          %add3A_269 = arith.addi %while3A_209, %add3A_268 : i32
          scf.yield %add3A_269 : i32
        }
        scf.yield %while3A_207 : i32
      }
      scf.yield %while3A_175 : i32
    }
    %scan3A_75 = arith.constant 31 : i32
    %iota3A_76 = tpu.iota {dimensions = array<i32: 0>} : vector<16xi32>
    %add3A_77 = arith.constant 16 : i32
    %add3A_78 = arith.addi %scan3A_21, %add3A_77 : i32
    %sub3A_79 = arith.constant 1 : i32
    %sub3A_80 = arith.subi %add3A_78, %sub3A_79 : i32
    %shift_right_arithmetic3A_81 = arith.constant 4 : i32
    %shift_right_arithmetic3A_82 = arith.shrsi %sub3A_80, %shift_right_arithmetic3A_81 : i32
    %while3A_83 = arith.constant 0 : i32
    %while3A_84 = arith.subi %shift_right_arithmetic3A_82, %while3A_83 : i32
    %while3A_85 = arith.addi %while3A_83, %while3A_84 : i32
    %while3A_86 = arith.constant 1 : i32
    %while3A_87 = arith.divsi %while3A_84, %while3A_86 : i32
    %while3A_88 = arith.muli %while3A_87, %while3A_86 : i32
    %while3A_89 = arith.addi %while3A_83, %while3A_88 : i32
    %while3A_90 = arith.constant 1 : i32
    %while3A_91 = scf.for %while3A_108 = %while3A_83 to %while3A_89 step %while3A_90 iter_args(%while3A_109 = %scan3A_74) -> (i32)  : i32 {
      %mul3A_110 = arith.constant 16 : i32
      %mul3A_111 = arith.muli %while3A_108, %mul3A_110 : i32
      %get3A = arith.index_cast %mul3A_111 : i32 to index
      %get3A_112 = tpu.vector_load %arg12[%get3A] {strides = array<i32>} : memref<16400xi32, #tpu.memory_space<vmem>>, vector<16xi32>,
      %and3A_113 = arith.constant 32767 : i32
      %and3A_114 = vector.broadcast %and3A_113 : i32 to vector<16xi32>
      %and3A_115 = arith.andi %get3A_112, %and3A_114 : vector<16xi32>
      %shift_right_arithmetic3A_116 = arith.constant 9 : i32
      %shift_right_arithmetic3A_117 = vector.broadcast %shift_right_arithmetic3A_116 : i32 to vector<16xi32>
      %shift_right_arithmetic3A_118 = arith.shrsi %and3A_115, %shift_right_arithmetic3A_117 : vector<16xi32>
      %eq3A_119 = arith.constant 62 : i32
      %eq3A_120 = vector.broadcast %eq3A_119 : i32 to vector<16xi32>
      %eq3A_121 = arith.cmpi eq, %shift_right_arithmetic3A_118, %eq3A_120 : vector<16xi32>
      %mul3A_122 = arith.constant 16 : i32
      %mul3A_123 = arith.muli %while3A_108, %mul3A_122 : i32
      %add3A_124 = vector.broadcast %mul3A_123 : i32 to vector<16xi32>
      %add3A_125 = arith.addi %iota3A_76, %add3A_124 : vector<16xi32>
      %lt3A = vector.broadcast %scan3A_21 : i32 to vector<16xi32>
      %lt3A_126 = arith.cmpi slt, %add3A_125, %lt3A : vector<16xi32>
      %and3A_127 = arith.andi %eq3A_121, %lt3A_126 : vector<16xi1>
      %swap3A = arith.constant 0 : index
      %swap3A_128 = tpu.vector_load %arg18[%swap3A] masked %and3A_127 {strides = array<i32>} : memref<32xi32, #tpu.memory_space<vmem>>, vector<16xi32>, vector<16xi1>
      tpu.vector_store %arg18[%swap3A], %get3A_112 masked %and3A_127 {strides = array<i32>} : memref<32xi32, #tpu.memory_space<vmem>>, vector<16xi32>, vector<16xi1>
      %all_reduce_population_count3A = tpu.all_reduce %and3A_127 {dim = 0 : i64, kind = #tpu.reduction_kind<sum>} : vector<16xi1> -> vector<16xi32>
      %slice3A = vector.extract_strided_slice %all_reduce_population_count3A {offsets = [0], sizes = [1], strides = [1]} : vector<16xi32> to vector<1xi32>
      %squeeze3A = vector.extract %slice3A[0] : i32 from vector<1xi32>
      %while3A_129 = arith.constant 0 : i32
      %while3A_130 = arith.subi %squeeze3A, %while3A_129 : i32
      %while3A_131 = arith.addi %while3A_129, %while3A_130 : i32
      %while3A_132 = arith.constant 1 : i32
      %while3A_133 = arith.divsi %while3A_130, %while3A_132 : i32
      %while3A_134 = arith.muli %while3A_133, %while3A_132 : i32
      %while3A_135 = arith.addi %while3A_129, %while3A_134 : i32
      %while3A_136 = arith.constant 1 : i32
      %while3A_137 = scf.for %while3A_140 = %while3A_129 to %while3A_135 step %while3A_136 iter_args(%while3A_141 = %while3A_109) -> (i32)  : i32 {
        %get3A_142 = arith.index_cast %while3A_140 : i32 to index
        %get3A_143 = tpu.vector_load %arg18[%get3A_142] {strides = array<i32>} : memref<32xi32, #tpu.memory_space<vmem>>, vector<16xi32>,
        %slice3A_144 = vector.extract_strided_slice %get3A_143 {offsets = [0], sizes = [1], strides = [1]} : vector<16xi32> to vector<1xi32>
        %squeeze3A_145 = vector.extract %slice3A_144[0] : i32 from vector<1xi32>
        %shift_right_arithmetic3A_146 = arith.constant 15 : i32
        %shift_right_arithmetic3A_147 = arith.shrsi %squeeze3A_145, %shift_right_arithmetic3A_146 : i32
        %and3A_148 = arith.constant 32767 : i32
        %and3A_149 = arith.andi %squeeze3A_145, %and3A_148 : i32
        %sub3A_150 = arith.constant 31744 : i32
        %sub3A_151 = arith.subi %and3A_149, %sub3A_150 : i32
        %broadcast_in_dim3A = arith.constant 0 : i32
        %broadcast_in_dim3A_152 = vector.broadcast %broadcast_in_dim3A : i32 to vector<16xi32>
        %add3A_153 = vector.broadcast %sub3A_151 : i32 to vector<16xi32>
        %add3A_154 = arith.addi %broadcast_in_dim3A_152, %add3A_153 : vector<16xi32>
        %and3A_155 = arith.constant 15 : i32
        %and3A_156 = arith.andi %while3A_141, %and3A_155 : i32
        %add3A_157 = arith.constant 0 : i32
        %add3A_158 = vector.broadcast %add3A_157 : i32 to vector<16xi32>
        %add3A_159 = arith.addi %iota3A_76, %add3A_158 : vector<16xi32>
        %gather3A = tpu.vector_load_idx %arg15[%add3A_159, %add3A_154] : memref<64x128xf32, #tpu.memory_space<vmem>>[vector<16xi32>, vector<16xi32>], vector<16xf32>,
        %swap3A_160 = arith.index_cast %and3A_156 : i32 to index
        %swap3A_161 = arith.constant 0 : index
        %swap3A_162 = tpu.vector_load %arg17[%swap3A_160, %swap3A_161] {strides = array<i32>} : memref<16x64xf32, #tpu.memory_space<vmem>>, vector<16xf32>,
        tpu.vector_store %arg17[%swap3A_160, %swap3A_161], %gather3A {strides = array<i32>} : memref<16x64xf32, #tpu.memory_space<vmem>>, vector<16xf32>,
        %add3A_163 = arith.constant 16 : i32
        %add3A_164 = vector.broadcast %add3A_163 : i32 to vector<16xi32>
        %add3A_165 = arith.addi %iota3A_76, %add3A_164 : vector<16xi32>
        %gather3A_166 = tpu.vector_load_idx %arg15[%add3A_165, %add3A_154] : memref<64x128xf32, #tpu.memory_space<vmem>>[vector<16xi32>, vector<16xi32>], vector<16xf32>,
        %swap3A_167 = arith.index_cast %and3A_156 : i32 to index
        %swap3A_168 = arith.constant 16 : index
        %swap3A_169 = tpu.vector_load %arg17[%swap3A_167, %swap3A_168] {strides = array<i32>} : memref<16x64xf32, #tpu.memory_space<vmem>>, vector<16xf32>,
        tpu.vector_store %arg17[%swap3A_167, %swap3A_168], %gather3A_166 {strides = array<i32>} : memref<16x64xf32, #tpu.memory_space<vmem>>, vector<16xf32>,
        %add3A_170 = arith.constant 32 : i32
        %add3A_171 = vector.broadcast %add3A_170 : i32 to vector<16xi32>
        %add3A_172 = arith.addi %iota3A_76, %add3A_171 : vector<16xi32>
        %gather3A_173 = tpu.vector_load_idx %arg15[%add3A_172, %add3A_154] : memref<64x128xf32, #tpu.memory_space<vmem>>[vector<16xi32>, vector<16xi32>], vector<16xf32>,
        %swap3A_174 = arith.index_cast %and3A_156 : i32 to index
        %swap3A_175 = arith.constant 32 : index
        %swap3A_176 = tpu.vector_load %arg17[%swap3A_174, %swap3A_175] {strides = array<i32>} : memref<16x64xf32, #tpu.memory_space<vmem>>, vector<16xf32>,
        tpu.vector_store %arg17[%swap3A_174, %swap3A_175], %gather3A_173 {strides = array<i32>} : memref<16x64xf32, #tpu.memory_space<vmem>>, vector<16xf32>,
        %add3A_177 = arith.constant 48 : i32
        %add3A_178 = vector.broadcast %add3A_177 : i32 to vector<16xi32>
        %add3A_179 = arith.addi %iota3A_76, %add3A_178 : vector<16xi32>
        %gather3A_180 = tpu.vector_load_idx %arg15[%add3A_179, %add3A_154] : memref<64x128xf32, #tpu.memory_space<vmem>>[vector<16xi32>, vector<16xi32>], vector<16xf32>,
        %swap3A_181 = arith.index_cast %and3A_156 : i32 to index
        %swap3A_182 = arith.constant 48 : index
        %swap3A_183 = tpu.vector_load %arg17[%swap3A_181, %swap3A_182] {strides = array<i32>} : memref<16x64xf32, #tpu.memory_space<vmem>>, vector<16xf32>,
        tpu.vector_store %arg17[%swap3A_181, %swap3A_182], %gather3A_180 {strides = array<i32>} : memref<16x64xf32, #tpu.memory_space<vmem>>, vector<16xf32>,
        %mul3A_184 = arith.constant 64 : i32
        %mul3A_185 = arith.muli %shift_right_arithmetic3A_147, %mul3A_184 : i32
        %dma_start3A_186 = arith.constant 0 : i32
        %dma_start3A_187 = tpu.memref_slice %arg17[%and3A_156, %dma_start3A_186] : memref<16x64xf32, #tpu.memory_space<vmem>> -> memref<1x64xf32, #tpu.memory_space<vmem>>
        %dma_start3A_188 = tpu.memref_squeeze %dma_start3A_187 : memref<1x64xf32, #tpu.memory_space<vmem>> -> memref<64xf32, #tpu.memory_space<vmem>>
        %dma_start3A_189 = tpu.memref_slice %arg9[%mul3A_185] : memref<1048576xf32, #tpu.memory_space<hbm>> -> memref<64xf32, #tpu.memory_space<hbm>>
        %dma_start3A_190 = tpu.memref_slice %arg9[%mul3A_185] : memref<1048576xf32, #tpu.memory_space<hbm>> -> memref<64xf32, #tpu.memory_space<hbm>>
        %dma_start3A_191 = arith.constant 0 : i32
        %dma_start3A_192 = tpu.memref_slice %arg17[%and3A_156, %dma_start3A_191] : memref<16x64xf32, #tpu.memory_space<vmem>> -> memref<1x64xf32, #tpu.memory_space<vmem>>
        %dma_start3A_193 = tpu.memref_squeeze %dma_start3A_192 : memref<1x64xf32, #tpu.memory_space<vmem>> -> memref<64xf32, #tpu.memory_space<vmem>>
        tpu.enqueue_dma source(%dma_start3A_193 : memref<64xf32, #tpu.memory_space<vmem>>) target(%dma_start3A_190 : memref<64xf32, #tpu.memory_space<hbm>>) target_semaphore(%arg24 : memref<!tpu.dma_semaphore, #tpu.memory_space<semaphore_mem>>)
        %eq3A_194 = arith.constant 15 : i32
        %eq3A_195 = arith.cmpi eq, %and3A_156, %eq3A_194 : i32
        %convert_element_type3A = arith.extui %eq3A_195 : i1 to i32
        %cond3A = arith.constant 0 : i32
        %cond3A_196 = arith.cmpi ne, %convert_element_type3A, %cond3A : i32
        scf.if %cond3A_196 {
          %dma_wait3A = arith.constant 0 : i32
          %dma_wait3A_199 = tpu.memref_slice %arg9[%dma_wait3A] : memref<1048576xf32, #tpu.memory_space<hbm>> -> memref<1024xf32, #tpu.memory_space<hbm>>
          %dma_wait3A_200 = arith.constant 0 : i32
          %dma_wait3A_201 = tpu.memref_slice %arg9[%dma_wait3A_200] : memref<1048576xf32, #tpu.memory_space<hbm>> -> memref<1024xf32, #tpu.memory_space<hbm>>
          tpu.wait_dma2 semaphore(%arg24 : memref<!tpu.dma_semaphore, #tpu.memory_space<semaphore_mem>>) src(%dma_wait3A_201 : memref<1024xf32, #tpu.memory_space<hbm>>) dst(%arg19 : memref<1024xf32, #tpu.memory_space<vmem>>)
        } else {
        }
        %add3A_197 = arith.constant 1 : i32
        %add3A_198 = arith.addi %while3A_141, %add3A_197 : i32
        scf.yield %add3A_198 : i32
      }
      %while3A_138 = arith.constant 1 : i32
      %while3A_139 = scf.for %while3A_140 = %while3A_135 to %while3A_131 step %while3A_138 iter_args(%while3A_141 = %while3A_137) -> (i32)  : i32 {
        %get3A_142 = arith.index_cast %while3A_140 : i32 to index
        %get3A_143 = tpu.vector_load %arg18[%get3A_142] {strides = array<i32>} : memref<32xi32, #tpu.memory_space<vmem>>, vector<16xi32>,
        %slice3A_144 = vector.extract_strided_slice %get3A_143 {offsets = [0], sizes = [1], strides = [1]} : vector<16xi32> to vector<1xi32>
        %squeeze3A_145 = vector.extract %slice3A_144[0] : i32 from vector<1xi32>
        %shift_right_arithmetic3A_146 = arith.constant 15 : i32
        %shift_right_arithmetic3A_147 = arith.shrsi %squeeze3A_145, %shift_right_arithmetic3A_146 : i32
        %and3A_148 = arith.constant 32767 : i32
        %and3A_149 = arith.andi %squeeze3A_145, %and3A_148 : i32
        %sub3A_150 = arith.constant 31744 : i32
        %sub3A_151 = arith.subi %and3A_149, %sub3A_150 : i32
        %broadcast_in_dim3A = arith.constant 0 : i32
        %broadcast_in_dim3A_152 = vector.broadcast %broadcast_in_dim3A : i32 to vector<16xi32>
        %add3A_153 = vector.broadcast %sub3A_151 : i32 to vector<16xi32>
        %add3A_154 = arith.addi %broadcast_in_dim3A_152, %add3A_153 : vector<16xi32>
        %and3A_155 = arith.constant 15 : i32
        %and3A_156 = arith.andi %while3A_141, %and3A_155 : i32
        %add3A_157 = arith.constant 0 : i32
        %add3A_158 = vector.broadcast %add3A_157 : i32 to vector<16xi32>
        %add3A_159 = arith.addi %iota3A_76, %add3A_158 : vector<16xi32>
        %gather3A = tpu.vector_load_idx %arg15[%add3A_159, %add3A_154] : memref<64x128xf32, #tpu.memory_space<vmem>>[vector<16xi32>, vector<16xi32>], vector<16xf32>,
        %swap3A_160 = arith.index_cast %and3A_156 : i32 to index
        %swap3A_161 = arith.constant 0 : index
        %swap3A_162 = tpu.vector_load %arg17[%swap3A_160, %swap3A_161] {strides = array<i32>} : memref<16x64xf32, #tpu.memory_space<vmem>>, vector<16xf32>,
        tpu.vector_store %arg17[%swap3A_160, %swap3A_161], %gather3A {strides = array<i32>} : memref<16x64xf32, #tpu.memory_space<vmem>>, vector<16xf32>,
        %add3A_163 = arith.constant 16 : i32
        %add3A_164 = vector.broadcast %add3A_163 : i32 to vector<16xi32>
        %add3A_165 = arith.addi %iota3A_76, %add3A_164 : vector<16xi32>
        %gather3A_166 = tpu.vector_load_idx %arg15[%add3A_165, %add3A_154] : memref<64x128xf32, #tpu.memory_space<vmem>>[vector<16xi32>, vector<16xi32>], vector<16xf32>,
        %swap3A_167 = arith.index_cast %and3A_156 : i32 to index
        %swap3A_168 = arith.constant 16 : index
        %swap3A_169 = tpu.vector_load %arg17[%swap3A_167, %swap3A_168] {strides = array<i32>} : memref<16x64xf32, #tpu.memory_space<vmem>>, vector<16xf32>,
        tpu.vector_store %arg17[%swap3A_167, %swap3A_168], %gather3A_166 {strides = array<i32>} : memref<16x64xf32, #tpu.memory_space<vmem>>, vector<16xf32>,
        %add3A_170 = arith.constant 32 : i32
        %add3A_171 = vector.broadcast %add3A_170 : i32 to vector<16xi32>
        %add3A_172 = arith.addi %iota3A_76, %add3A_171 : vector<16xi32>
        %gather3A_173 = tpu.vector_load_idx %arg15[%add3A_172, %add3A_154] : memref<64x128xf32, #tpu.memory_space<vmem>>[vector<16xi32>, vector<16xi32>], vector<16xf32>,
        %swap3A_174 = arith.index_cast %and3A_156 : i32 to index
        %swap3A_175 = arith.constant 32 : index
        %swap3A_176 = tpu.vector_load %arg17[%swap3A_174, %swap3A_175] {strides = array<i32>} : memref<16x64xf32, #tpu.memory_space<vmem>>, vector<16xf32>,
        tpu.vector_store %arg17[%swap3A_174, %swap3A_175], %gather3A_173 {strides = array<i32>} : memref<16x64xf32, #tpu.memory_space<vmem>>, vector<16xf32>,
        %add3A_177 = arith.constant 48 : i32
        %add3A_178 = vector.broadcast %add3A_177 : i32 to vector<16xi32>
        %add3A_179 = arith.addi %iota3A_76, %add3A_178 : vector<16xi32>
        %gather3A_180 = tpu.vector_load_idx %arg15[%add3A_179, %add3A_154] : memref<64x128xf32, #tpu.memory_space<vmem>>[vector<16xi32>, vector<16xi32>], vector<16xf32>,
        %swap3A_181 = arith.index_cast %and3A_156 : i32 to index
        %swap3A_182 = arith.constant 48 : index
        %swap3A_183 = tpu.vector_load %arg17[%swap3A_181, %swap3A_182] {strides = array<i32>} : memref<16x64xf32, #tpu.memory_space<vmem>>, vector<16xf32>,
        tpu.vector_store %arg17[%swap3A_181, %swap3A_182], %gather3A_180 {strides = array<i32>} : memref<16x64xf32, #tpu.memory_space<vmem>>, vector<16xf32>,
        %mul3A_184 = arith.constant 64 : i32
        %mul3A_185 = arith.muli %shift_right_arithmetic3A_147, %mul3A_184 : i32
        %dma_start3A_186 = arith.constant 0 : i32
        %dma_start3A_187 = tpu.memref_slice %arg17[%and3A_156, %dma_start3A_186] : memref<16x64xf32, #tpu.memory_space<vmem>> -> memref<1x64xf32, #tpu.memory_space<vmem>>
        %dma_start3A_188 = tpu.memref_squeeze %dma_start3A_187 : memref<1x64xf32, #tpu.memory_space<vmem>> -> memref<64xf32, #tpu.memory_space<vmem>>
        %dma_start3A_189 = tpu.memref_slice %arg9[%mul3A_185] : memref<1048576xf32, #tpu.memory_space<hbm>> -> memref<64xf32, #tpu.memory_space<hbm>>
        %dma_start3A_190 = tpu.memref_slice %arg9[%mul3A_185] : memref<1048576xf32, #tpu.memory_space<hbm>> -> memref<64xf32, #tpu.memory_space<hbm>>
        %dma_start3A_191 = arith.constant 0 : i32
        %dma_start3A_192 = tpu.memref_slice %arg17[%and3A_156, %dma_start3A_191] : memref<16x64xf32, #tpu.memory_space<vmem>> -> memref<1x64xf32, #tpu.memory_space<vmem>>
        %dma_start3A_193 = tpu.memref_squeeze %dma_start3A_192 : memref<1x64xf32, #tpu.memory_space<vmem>> -> memref<64xf32, #tpu.memory_space<vmem>>
        tpu.enqueue_dma source(%dma_start3A_193 : memref<64xf32, #tpu.memory_space<vmem>>) target(%dma_start3A_190 : memref<64xf32, #tpu.memory_space<hbm>>) target_semaphore(%arg24 : memref<!tpu.dma_semaphore, #tpu.memory_space<semaphore_mem>>)
        %eq3A_194 = arith.constant 15 : i32
        %eq3A_195 = arith.cmpi eq, %and3A_156, %eq3A_194 : i32
        %convert_element_type3A = arith.extui %eq3A_195 : i1 to i32
        %cond3A = arith.constant 0 : i32
        %cond3A_196 = arith.cmpi ne, %convert_element_type3A, %cond3A : i32
        scf.if %cond3A_196 {
          %dma_wait3A = arith.constant 0 : i32
          %dma_wait3A_199 = tpu.memref_slice %arg9[%dma_wait3A] : memref<1048576xf32, #tpu.memory_space<hbm>> -> memref<1024xf32, #tpu.memory_space<hbm>>
          %dma_wait3A_200 = arith.constant 0 : i32
          %dma_wait3A_201 = tpu.memref_slice %arg9[%dma_wait3A_200] : memref<1048576xf32, #tpu.memory_space<hbm>> -> memref<1024xf32, #tpu.memory_space<hbm>>
          tpu.wait_dma2 semaphore(%arg24 : memref<!tpu.dma_semaphore, #tpu.memory_space<semaphore_mem>>) src(%dma_wait3A_201 : memref<1024xf32, #tpu.memory_space<hbm>>) dst(%arg19 : memref<1024xf32, #tpu.memory_space<vmem>>)
        } else {
        }
        %add3A_197 = arith.constant 1 : i32
        %add3A_198 = arith.addi %while3A_141, %add3A_197 : i32
        scf.yield %add3A_198 : i32
      }
      scf.yield %while3A_139 : i32
    }
    %while3A_92 = arith.constant 1 : i32
    %while3A_93 = scf.for %while3A_108 = %while3A_89 to %while3A_85 step %while3A_92 iter_args(%while3A_109 = %while3A_91) -> (i32)  : i32 {
      %mul3A_110 = arith.constant 16 : i32
      %mul3A_111 = arith.muli %while3A_108, %mul3A_110 : i32
      %get3A = arith.index_cast %mul3A_111 : i32 to index
      %get3A_112 = tpu.vector_load %arg12[%get3A] {strides = array<i32>} : memref<16400xi32, #tpu.memory_space<vmem>>, vector<16xi32>,
      %and3A_113 = arith.constant 32767 : i32
      %and3A_114 = vector.broadcast %and3A_113 : i32 to vector<16xi32>
      %and3A_115 = arith.andi %get3A_112, %and3A_114 : vector<16xi32>
      %shift_right_arithmetic3A_116 = arith.constant 9 : i32
      %shift_right_arithmetic3A_117 = vector.broadcast %shift_right_arithmetic3A_116 : i32 to vector<16xi32>
      %shift_right_arithmetic3A_118 = arith.shrsi %and3A_115, %shift_right_arithmetic3A_117 : vector<16xi32>
      %eq3A_119 = arith.constant 62 : i32
      %eq3A_120 = vector.broadcast %eq3A_119 : i32 to vector<16xi32>
      %eq3A_121 = arith.cmpi eq, %shift_right_arithmetic3A_118, %eq3A_120 : vector<16xi32>
      %mul3A_122 = arith.constant 16 : i32
      %mul3A_123 = arith.muli %while3A_108, %mul3A_122 : i32
      %add3A_124 = vector.broadcast %mul3A_123 : i32 to vector<16xi32>
      %add3A_125 = arith.addi %iota3A_76, %add3A_124 : vector<16xi32>
      %lt3A = vector.broadcast %scan3A_21 : i32 to vector<16xi32>
      %lt3A_126 = arith.cmpi slt, %add3A_125, %lt3A : vector<16xi32>
      %and3A_127 = arith.andi %eq3A_121, %lt3A_126 : vector<16xi1>
      %swap3A = arith.constant 0 : index
      %swap3A_128 = tpu.vector_load %arg18[%swap3A] masked %and3A_127 {strides = array<i32>} : memref<32xi32, #tpu.memory_space<vmem>>, vector<16xi32>, vector<16xi1>
      tpu.vector_store %arg18[%swap3A], %get3A_112 masked %and3A_127 {strides = array<i32>} : memref<32xi32, #tpu.memory_space<vmem>>, vector<16xi32>, vector<16xi1>
      %all_reduce_population_count3A = tpu.all_reduce %and3A_127 {dim = 0 : i64, kind = #tpu.reduction_kind<sum>} : vector<16xi1> -> vector<16xi32>
      %slice3A = vector.extract_strided_slice %all_reduce_population_count3A {offsets = [0], sizes = [1], strides = [1]} : vector<16xi32> to vector<1xi32>
      %squeeze3A = vector.extract %slice3A[0] : i32 from vector<1xi32>
      %while3A_129 = arith.constant 0 : i32
      %while3A_130 = arith.subi %squeeze3A, %while3A_129 : i32
      %while3A_131 = arith.addi %while3A_129, %while3A_130 : i32
      %while3A_132 = arith.constant 1 : i32
      %while3A_133 = arith.divsi %while3A_130, %while3A_132 : i32
      %while3A_134 = arith.muli %while3A_133, %while3A_132 : i32
      %while3A_135 = arith.addi %while3A_129, %while3A_134 : i32
      %while3A_136 = arith.constant 1 : i32
      %while3A_137 = scf.for %while3A_140 = %while3A_129 to %while3A_135 step %while3A_136 iter_args(%while3A_141 = %while3A_109) -> (i32)  : i32 {
        %get3A_142 = arith.index_cast %while3A_140 : i32 to index
        %get3A_143 = tpu.vector_load %arg18[%get3A_142] {strides = array<i32>} : memref<32xi32, #tpu.memory_space<vmem>>, vector<16xi32>,
        %slice3A_144 = vector.extract_strided_slice %get3A_143 {offsets = [0], sizes = [1], strides = [1]} : vector<16xi32> to vector<1xi32>
        %squeeze3A_145 = vector.extract %slice3A_144[0] : i32 from vector<1xi32>
        %shift_right_arithmetic3A_146 = arith.constant 15 : i32
        %shift_right_arithmetic3A_147 = arith.shrsi %squeeze3A_145, %shift_right_arithmetic3A_146 : i32
        %and3A_148 = arith.constant 32767 : i32
        %and3A_149 = arith.andi %squeeze3A_145, %and3A_148 : i32
        %sub3A_150 = arith.constant 31744 : i32
        %sub3A_151 = arith.subi %and3A_149, %sub3A_150 : i32
        %broadcast_in_dim3A = arith.constant 0 : i32
        %broadcast_in_dim3A_152 = vector.broadcast %broadcast_in_dim3A : i32 to vector<16xi32>
        %add3A_153 = vector.broadcast %sub3A_151 : i32 to vector<16xi32>
        %add3A_154 = arith.addi %broadcast_in_dim3A_152, %add3A_153 : vector<16xi32>
        %and3A_155 = arith.constant 15 : i32
        %and3A_156 = arith.andi %while3A_141, %and3A_155 : i32
        %add3A_157 = arith.constant 0 : i32
        %add3A_158 = vector.broadcast %add3A_157 : i32 to vector<16xi32>
        %add3A_159 = arith.addi %iota3A_76, %add3A_158 : vector<16xi32>
        %gather3A = tpu.vector_load_idx %arg15[%add3A_159, %add3A_154] : memref<64x128xf32, #tpu.memory_space<vmem>>[vector<16xi32>, vector<16xi32>], vector<16xf32>,
        %swap3A_160 = arith.index_cast %and3A_156 : i32 to index
        %swap3A_161 = arith.constant 0 : index
        %swap3A_162 = tpu.vector_load %arg17[%swap3A_160, %swap3A_161] {strides = array<i32>} : memref<16x64xf32, #tpu.memory_space<vmem>>, vector<16xf32>,
        tpu.vector_store %arg17[%swap3A_160, %swap3A_161], %gather3A {strides = array<i32>} : memref<16x64xf32, #tpu.memory_space<vmem>>, vector<16xf32>,
        %add3A_163 = arith.constant 16 : i32
        %add3A_164 = vector.broadcast %add3A_163 : i32 to vector<16xi32>
        %add3A_165 = arith.addi %iota3A_76, %add3A_164 : vector<16xi32>
        %gather3A_166 = tpu.vector_load_idx %arg15[%add3A_165, %add3A_154] : memref<64x128xf32, #tpu.memory_space<vmem>>[vector<16xi32>, vector<16xi32>], vector<16xf32>,
        %swap3A_167 = arith.index_cast %and3A_156 : i32 to index
        %swap3A_168 = arith.constant 16 : index
        %swap3A_169 = tpu.vector_load %arg17[%swap3A_167, %swap3A_168] {strides = array<i32>} : memref<16x64xf32, #tpu.memory_space<vmem>>, vector<16xf32>,
        tpu.vector_store %arg17[%swap3A_167, %swap3A_168], %gather3A_166 {strides = array<i32>} : memref<16x64xf32, #tpu.memory_space<vmem>>, vector<16xf32>,
        %add3A_170 = arith.constant 32 : i32
        %add3A_171 = vector.broadcast %add3A_170 : i32 to vector<16xi32>
        %add3A_172 = arith.addi %iota3A_76, %add3A_171 : vector<16xi32>
        %gather3A_173 = tpu.vector_load_idx %arg15[%add3A_172, %add3A_154] : memref<64x128xf32, #tpu.memory_space<vmem>>[vector<16xi32>, vector<16xi32>], vector<16xf32>,
        %swap3A_174 = arith.index_cast %and3A_156 : i32 to index
        %swap3A_175 = arith.constant 32 : index
        %swap3A_176 = tpu.vector_load %arg17[%swap3A_174, %swap3A_175] {strides = array<i32>} : memref<16x64xf32, #tpu.memory_space<vmem>>, vector<16xf32>,
        tpu.vector_store %arg17[%swap3A_174, %swap3A_175], %gather3A_173 {strides = array<i32>} : memref<16x64xf32, #tpu.memory_space<vmem>>, vector<16xf32>,
        %add3A_177 = arith.constant 48 : i32
        %add3A_178 = vector.broadcast %add3A_177 : i32 to vector<16xi32>
        %add3A_179 = arith.addi %iota3A_76, %add3A_178 : vector<16xi32>
        %gather3A_180 = tpu.vector_load_idx %arg15[%add3A_179, %add3A_154] : memref<64x128xf32, #tpu.memory_space<vmem>>[vector<16xi32>, vector<16xi32>], vector<16xf32>,
        %swap3A_181 = arith.index_cast %and3A_156 : i32 to index
        %swap3A_182 = arith.constant 48 : index
        %swap3A_183 = tpu.vector_load %arg17[%swap3A_181, %swap3A_182] {strides = array<i32>} : memref<16x64xf32, #tpu.memory_space<vmem>>, vector<16xf32>,
        tpu.vector_store %arg17[%swap3A_181, %swap3A_182], %gather3A_180 {strides = array<i32>} : memref<16x64xf32, #tpu.memory_space<vmem>>, vector<16xf32>,
        %mul3A_184 = arith.constant 64 : i32
        %mul3A_185 = arith.muli %shift_right_arithmetic3A_147, %mul3A_184 : i32
        %dma_start3A_186 = arith.constant 0 : i32
        %dma_start3A_187 = tpu.memref_slice %arg17[%and3A_156, %dma_start3A_186] : memref<16x64xf32, #tpu.memory_space<vmem>> -> memref<1x64xf32, #tpu.memory_space<vmem>>
        %dma_start3A_188 = tpu.memref_squeeze %dma_start3A_187 : memref<1x64xf32, #tpu.memory_space<vmem>> -> memref<64xf32, #tpu.memory_space<vmem>>
        %dma_start3A_189 = tpu.memref_slice %arg9[%mul3A_185] : memref<1048576xf32, #tpu.memory_space<hbm>> -> memref<64xf32, #tpu.memory_space<hbm>>
        %dma_start3A_190 = tpu.memref_slice %arg9[%mul3A_185] : memref<1048576xf32, #tpu.memory_space<hbm>> -> memref<64xf32, #tpu.memory_space<hbm>>
        %dma_start3A_191 = arith.constant 0 : i32
        %dma_start3A_192 = tpu.memref_slice %arg17[%and3A_156, %dma_start3A_191] : memref<16x64xf32, #tpu.memory_space<vmem>> -> memref<1x64xf32, #tpu.memory_space<vmem>>
        %dma_start3A_193 = tpu.memref_squeeze %dma_start3A_192 : memref<1x64xf32, #tpu.memory_space<vmem>> -> memref<64xf32, #tpu.memory_space<vmem>>
        tpu.enqueue_dma source(%dma_start3A_193 : memref<64xf32, #tpu.memory_space<vmem>>) target(%dma_start3A_190 : memref<64xf32, #tpu.memory_space<hbm>>) target_semaphore(%arg24 : memref<!tpu.dma_semaphore, #tpu.memory_space<semaphore_mem>>)
        %eq3A_194 = arith.constant 15 : i32
        %eq3A_195 = arith.cmpi eq, %and3A_156, %eq3A_194 : i32
        %convert_element_type3A = arith.extui %eq3A_195 : i1 to i32
        %cond3A = arith.constant 0 : i32
        %cond3A_196 = arith.cmpi ne, %convert_element_type3A, %cond3A : i32
        scf.if %cond3A_196 {
          %dma_wait3A = arith.constant 0 : i32
          %dma_wait3A_199 = tpu.memref_slice %arg9[%dma_wait3A] : memref<1048576xf32, #tpu.memory_space<hbm>> -> memref<1024xf32, #tpu.memory_space<hbm>>
          %dma_wait3A_200 = arith.constant 0 : i32
          %dma_wait3A_201 = tpu.memref_slice %arg9[%dma_wait3A_200] : memref<1048576xf32, #tpu.memory_space<hbm>> -> memref<1024xf32, #tpu.memory_space<hbm>>
          tpu.wait_dma2 semaphore(%arg24 : memref<!tpu.dma_semaphore, #tpu.memory_space<semaphore_mem>>) src(%dma_wait3A_201 : memref<1024xf32, #tpu.memory_space<hbm>>) dst(%arg19 : memref<1024xf32, #tpu.memory_space<vmem>>)
        } else {
        }
        %add3A_197 = arith.constant 1 : i32
        %add3A_198 = arith.addi %while3A_141, %add3A_197 : i32
        scf.yield %add3A_198 : i32
      }
      %while3A_138 = arith.constant 1 : i32
      %while3A_139 = scf.for %while3A_140 = %while3A_135 to %while3A_131 step %while3A_138 iter_args(%while3A_141 = %while3A_137) -> (i32)  : i32 {
        %get3A_142 = arith.index_cast %while3A_140 : i32 to index
        %get3A_143 = tpu.vector_load %arg18[%get3A_142] {strides = array<i32>} : memref<32xi32, #tpu.memory_space<vmem>>, vector<16xi32>,
        %slice3A_144 = vector.extract_strided_slice %get3A_143 {offsets = [0], sizes = [1], strides = [1]} : vector<16xi32> to vector<1xi32>
        %squeeze3A_145 = vector.extract %slice3A_144[0] : i32 from vector<1xi32>
        %shift_right_arithmetic3A_146 = arith.constant 15 : i32
        %shift_right_arithmetic3A_147 = arith.shrsi %squeeze3A_145, %shift_right_arithmetic3A_146 : i32
        %and3A_148 = arith.constant 32767 : i32
        %and3A_149 = arith.andi %squeeze3A_145, %and3A_148 : i32
        %sub3A_150 = arith.constant 31744 : i32
        %sub3A_151 = arith.subi %and3A_149, %sub3A_150 : i32
        %broadcast_in_dim3A = arith.constant 0 : i32
        %broadcast_in_dim3A_152 = vector.broadcast %broadcast_in_dim3A : i32 to vector<16xi32>
        %add3A_153 = vector.broadcast %sub3A_151 : i32 to vector<16xi32>
        %add3A_154 = arith.addi %broadcast_in_dim3A_152, %add3A_153 : vector<16xi32>
        %and3A_155 = arith.constant 15 : i32
        %and3A_156 = arith.andi %while3A_141, %and3A_155 : i32
        %add3A_157 = arith.constant 0 : i32
        %add3A_158 = vector.broadcast %add3A_157 : i32 to vector<16xi32>
        %add3A_159 = arith.addi %iota3A_76, %add3A_158 : vector<16xi32>
        %gather3A = tpu.vector_load_idx %arg15[%add3A_159, %add3A_154] : memref<64x128xf32, #tpu.memory_space<vmem>>[vector<16xi32>, vector<16xi32>], vector<16xf32>,
        %swap3A_160 = arith.index_cast %and3A_156 : i32 to index
        %swap3A_161 = arith.constant 0 : index
        %swap3A_162 = tpu.vector_load %arg17[%swap3A_160, %swap3A_161] {strides = array<i32>} : memref<16x64xf32, #tpu.memory_space<vmem>>, vector<16xf32>,
        tpu.vector_store %arg17[%swap3A_160, %swap3A_161], %gather3A {strides = array<i32>} : memref<16x64xf32, #tpu.memory_space<vmem>>, vector<16xf32>,
        %add3A_163 = arith.constant 16 : i32
        %add3A_164 = vector.broadcast %add3A_163 : i32 to vector<16xi32>
        %add3A_165 = arith.addi %iota3A_76, %add3A_164 : vector<16xi32>
        %gather3A_166 = tpu.vector_load_idx %arg15[%add3A_165, %add3A_154] : memref<64x128xf32, #tpu.memory_space<vmem>>[vector<16xi32>, vector<16xi32>], vector<16xf32>,
        %swap3A_167 = arith.index_cast %and3A_156 : i32 to index
        %swap3A_168 = arith.constant 16 : index
        %swap3A_169 = tpu.vector_load %arg17[%swap3A_167, %swap3A_168] {strides = array<i32>} : memref<16x64xf32, #tpu.memory_space<vmem>>, vector<16xf32>,
        tpu.vector_store %arg17[%swap3A_167, %swap3A_168], %gather3A_166 {strides = array<i32>} : memref<16x64xf32, #tpu.memory_space<vmem>>, vector<16xf32>,
        %add3A_170 = arith.constant 32 : i32
        %add3A_171 = vector.broadcast %add3A_170 : i32 to vector<16xi32>
        %add3A_172 = arith.addi %iota3A_76, %add3A_171 : vector<16xi32>
        %gather3A_173 = tpu.vector_load_idx %arg15[%add3A_172, %add3A_154] : memref<64x128xf32, #tpu.memory_space<vmem>>[vector<16xi32>, vector<16xi32>], vector<16xf32>,
        %swap3A_174 = arith.index_cast %and3A_156 : i32 to index
        %swap3A_175 = arith.constant 32 : index
        %swap3A_176 = tpu.vector_load %arg17[%swap3A_174, %swap3A_175] {strides = array<i32>} : memref<16x64xf32, #tpu.memory_space<vmem>>, vector<16xf32>,
        tpu.vector_store %arg17[%swap3A_174, %swap3A_175], %gather3A_173 {strides = array<i32>} : memref<16x64xf32, #tpu.memory_space<vmem>>, vector<16xf32>,
        %add3A_177 = arith.constant 48 : i32
        %add3A_178 = vector.broadcast %add3A_177 : i32 to vector<16xi32>
        %add3A_179 = arith.addi %iota3A_76, %add3A_178 : vector<16xi32>
        %gather3A_180 = tpu.vector_load_idx %arg15[%add3A_179, %add3A_154] : memref<64x128xf32, #tpu.memory_space<vmem>>[vector<16xi32>, vector<16xi32>], vector<16xf32>,
        %swap3A_181 = arith.index_cast %and3A_156 : i32 to index
        %swap3A_182 = arith.constant 48 : index
        %swap3A_183 = tpu.vector_load %arg17[%swap3A_181, %swap3A_182] {strides = array<i32>} : memref<16x64xf32, #tpu.memory_space<vmem>>, vector<16xf32>,
        tpu.vector_store %arg17[%swap3A_181, %swap3A_182], %gather3A_180 {strides = array<i32>} : memref<16x64xf32, #tpu.memory_space<vmem>>, vector<16xf32>,
        %mul3A_184 = arith.constant 64 : i32
        %mul3A_185 = arith.muli %shift_right_arithmetic3A_147, %mul3A_184 : i32
        %dma_start3A_186 = arith.constant 0 : i32
        %dma_start3A_187 = tpu.memref_slice %arg17[%and3A_156, %dma_start3A_186] : memref<16x64xf32, #tpu.memory_space<vmem>> -> memref<1x64xf32, #tpu.memory_space<vmem>>
        %dma_start3A_188 = tpu.memref_squeeze %dma_start3A_187 : memref<1x64xf32, #tpu.memory_space<vmem>> -> memref<64xf32, #tpu.memory_space<vmem>>
        %dma_start3A_189 = tpu.memref_slice %arg9[%mul3A_185] : memref<1048576xf32, #tpu.memory_space<hbm>> -> memref<64xf32, #tpu.memory_space<hbm>>
        %dma_start3A_190 = tpu.memref_slice %arg9[%mul3A_185] : memref<1048576xf32, #tpu.memory_space<hbm>> -> memref<64xf32, #tpu.memory_space<hbm>>
        %dma_start3A_191 = arith.constant 0 : i32
        %dma_start3A_192 = tpu.memref_slice %arg17[%and3A_156, %dma_start3A_191] : memref<16x64xf32, #tpu.memory_space<vmem>> -> memref<1x64xf32, #tpu.memory_space<vmem>>
        %dma_start3A_193 = tpu.memref_squeeze %dma_start3A_192 : memref<1x64xf32, #tpu.memory_space<vmem>> -> memref<64xf32, #tpu.memory_space<vmem>>
        tpu.enqueue_dma source(%dma_start3A_193 : memref<64xf32, #tpu.memory_space<vmem>>) target(%dma_start3A_190 : memref<64xf32, #tpu.memory_space<hbm>>) target_semaphore(%arg24 : memref<!tpu.dma_semaphore, #tpu.memory_space<semaphore_mem>>)
        %eq3A_194 = arith.constant 15 : i32
        %eq3A_195 = arith.cmpi eq, %and3A_156, %eq3A_194 : i32
        %convert_element_type3A = arith.extui %eq3A_195 : i1 to i32
        %cond3A = arith.constant 0 : i32
        %cond3A_196 = arith.cmpi ne, %convert_element_type3A, %cond3A : i32
        scf.if %cond3A_196 {
          %dma_wait3A = arith.constant 0 : i32
          %dma_wait3A_199 = tpu.memref_slice %arg9[%dma_wait3A] : memref<1048576xf32, #tpu.memory_space<hbm>> -> memref<1024xf32, #tpu.memory_space<hbm>>
          %dma_wait3A_200 = arith.constant 0 : i32
          %dma_wait3A_201 = tpu.memref_slice %arg9[%dma_wait3A_200] : memref<1048576xf32, #tpu.memory_space<hbm>> -> memref<1024xf32, #tpu.memory_space<hbm>>
          tpu.wait_dma2 semaphore(%arg24 : memref<!tpu.dma_semaphore, #tpu.memory_space<semaphore_mem>>) src(%dma_wait3A_201 : memref<1024xf32, #tpu.memory_space<hbm>>) dst(%arg19 : memref<1024xf32, #tpu.memory_space<vmem>>)
        } else {
        }
        %add3A_197 = arith.constant 1 : i32
        %add3A_198 = arith.addi %while3A_141, %add3A_197 : i32
        scf.yield %add3A_198 : i32
      }
      scf.yield %while3A_139 : i32
    }
    %and3A_94 = arith.constant 15 : i32
    %and3A_95 = arith.andi %while3A_93, %and3A_94 : i32
    %while3A_96 = arith.constant 0 : i32
    %while3A_97 = arith.constant 0 : i32
    %while3A_98 = arith.subi %and3A_95, %while3A_96 : i32
    %while3A_99 = arith.addi %while3A_96, %while3A_98 : i32
    %while3A_100 = arith.constant 1 : i32
    %while3A_101 = arith.divsi %while3A_98, %while3A_100 : i32
    %while3A_102 = arith.muli %while3A_101, %while3A_100 : i32
    %while3A_103 = arith.addi %while3A_96, %while3A_102 : i32
    %while3A_104 = arith.constant 1 : i32
    %while3A_105 = scf.for %while3A_108 = %while3A_96 to %while3A_103 step %while3A_104 iter_args(%while3A_109 = %while3A_97) -> (i32)  : i32 {
      %dma_wait3A = arith.constant 0 : i32
      %dma_wait3A_110 = tpu.memref_slice %arg9[%dma_wait3A] : memref<1048576xf32, #tpu.memory_space<hbm>> -> memref<64xf32, #tpu.memory_space<hbm>>
      %dma_wait3A_111 = arith.constant 0 : i32
      %dma_wait3A_112 = tpu.memref_slice %arg9[%dma_wait3A_111] : memref<1048576xf32, #tpu.memory_space<hbm>> -> memref<64xf32, #tpu.memory_space<hbm>>
      tpu.wait_dma2 semaphore(%arg24 : memref<!tpu.dma_semaphore, #tpu.memory_space<semaphore_mem>>) src(%dma_wait3A_112 : memref<64xf32, #tpu.memory_space<hbm>>) dst(%arg20 : memref<64xf32, #tpu.memory_space<vmem>>)
      %while3A_113 = arith.constant 0 : i32
      scf.yield %while3A_113 : i32
    }
    %while3A_106 = arith.constant 1 : i32
    %while3A_107 = scf.for %while3A_108 = %while3A_103 to %while3A_99 step %while3A_106 iter_args(%while3A_109 = %while3A_105) -> (i32)  : i32 {
      %dma_wait3A = arith.constant 0 : i32
      %dma_wait3A_110 = tpu.memref_slice %arg9[%dma_wait3A] : memref<1048576xf32, #tpu.memory_space<hbm>> -> memref<64xf32, #tpu.memory_space<hbm>>
      %dma_wait3A_111 = arith.constant 0 : i32
      %dma_wait3A_112 = tpu.memref_slice %arg9[%dma_wait3A_111] : memref<1048576xf32, #tpu.memory_space<hbm>> -> memref<64xf32, #tpu.memory_space<hbm>>
      tpu.wait_dma2 semaphore(%arg24 : memref<!tpu.dma_semaphore, #tpu.memory_space<semaphore_mem>>) src(%dma_wait3A_112 : memref<64xf32, #tpu.memory_space<hbm>>) dst(%arg20 : memref<64xf32, #tpu.memory_space<vmem>>)
      %while3A_113 = arith.constant 0 : i32
      scf.yield %while3A_113 : i32
    }
    return
  }
}

#map = affine_map<(d0, d1) -> (0)>
#map1 = affine_map<(d0, d1) -> (0, 0)>
module attributes {stable_mosaic.version = 14 : i64} {
  func.func @_k2_body(%arg0: i32, %arg1: i32, %arg2: memref<1048576xf32, #tpu.memory_space<hbm>>, %arg3: memref<1048576xf32, #tpu.memory_space<hbm>>, %arg4: memref<16384xi32, #tpu.memory_space<hbm>>, %arg5: memref<16384xi32, #tpu.memory_space<hbm>>, %arg6: memref<1000000xf32, #tpu.memory_space<hbm>>, %arg7: memref<1000000xf32, #tpu.memory_space<hbm>>, %arg8: memref<2048x128xf32, #tpu.memory_space<hbm>>, %arg9: memref<528xi32, #tpu.memory_space<vmem>>, %arg10: memref<528xi32, #tpu.memory_space<vmem>>, %arg11: memref<528xf32, #tpu.memory_space<vmem>>, %arg12: memref<528xf32, #tpu.memory_space<vmem>>, %arg13: memref<32768xf32, #tpu.memory_space<vmem>>, %arg14: memref<32768xf32, #tpu.memory_space<vmem>>, %arg15: memref<64x128xf32, #tpu.memory_space<vmem>>, %arg16: memref<!tpu.dma_semaphore, #tpu.memory_space<semaphore_mem>>) attributes {dimension_semantics = [#tpu.dimension_semantics<core_parallel>, #tpu.dimension_semantics<subcore_parallel>], iteration_bounds = array<i64: 2, 16>, scalar_prefetch = 0 : i64, scratch_operands = 8 : i64, tpu.core_type = #tpu.core_type<sc_vector_subcore>, window_params = [{transform_indices = #map}, {transform_indices = #map}, {transform_indices = #map}, {transform_indices = #map}, {transform_indices = #map}, {transform_indices = #map}, {transform_indices = #map1}]} {
    %mul3A = arith.constant 2 : i32
    %mul3A_0 = arith.muli %arg1, %mul3A : i32
    %add3A = arith.addi %mul3A_0, %arg0 : i32
    %mul3A_1 = arith.constant 512 : i32
    %mul3A_2 = arith.muli %add3A, %mul3A_1 : i32
    "tpu.region"() ({
      %run_scoped3A = tpu.sem_alloc : memref<!tpu.dma_semaphore, #tpu.memory_space<semaphore_mem>>
      %dma_start3A_25 = arith.constant 0 : i32
      %dma_start3A_26 = tpu.memref_slice %arg9[%dma_start3A_25] : memref<528xi32, #tpu.memory_space<vmem>> -> memref<512xi32, #tpu.memory_space<vmem>>
      %dma_start3A_27 = tpu.memref_slice %arg4[%mul3A_2] : memref<16384xi32, #tpu.memory_space<hbm>> -> memref<512xi32, #tpu.memory_space<hbm>>
      %dma_start3A_28 = arith.constant 0 : i32
      %dma_start3A_29 = tpu.memref_slice %arg9[%dma_start3A_28] : memref<528xi32, #tpu.memory_space<vmem>> -> memref<512xi32, #tpu.memory_space<vmem>>
      %dma_start3A_30 = tpu.memref_slice %arg4[%mul3A_2] : memref<16384xi32, #tpu.memory_space<hbm>> -> memref<512xi32, #tpu.memory_space<hbm>>
      tpu.enqueue_dma source(%dma_start3A_30 : memref<512xi32, #tpu.memory_space<hbm>>) target(%dma_start3A_29 : memref<512xi32, #tpu.memory_space<vmem>>) target_semaphore(%run_scoped3A : memref<!tpu.dma_semaphore, #tpu.memory_space<semaphore_mem>>)
      %dma_wait3A_31 = arith.constant 0 : i32
      %dma_wait3A_32 = tpu.memref_slice %arg9[%dma_wait3A_31] : memref<528xi32, #tpu.memory_space<vmem>> -> memref<512xi32, #tpu.memory_space<vmem>>
      %dma_wait3A_33 = tpu.memref_slice %arg4[%mul3A_2] : memref<16384xi32, #tpu.memory_space<hbm>> -> memref<512xi32, #tpu.memory_space<hbm>>
      %dma_wait3A_34 = arith.constant 0 : i32
      %dma_wait3A_35 = tpu.memref_slice %arg9[%dma_wait3A_34] : memref<528xi32, #tpu.memory_space<vmem>> -> memref<512xi32, #tpu.memory_space<vmem>>
      %dma_wait3A_36 = tpu.memref_slice %arg4[%mul3A_2] : memref<16384xi32, #tpu.memory_space<hbm>> -> memref<512xi32, #tpu.memory_space<hbm>>
      tpu.wait_dma2 semaphore(%run_scoped3A : memref<!tpu.dma_semaphore, #tpu.memory_space<semaphore_mem>>) src(%dma_wait3A_36 : memref<512xi32, #tpu.memory_space<hbm>>) dst(%dma_wait3A_35 : memref<512xi32, #tpu.memory_space<vmem>>)
      tpu.yield
    }) : () -> ()
    "tpu.region"() ({
      %run_scoped3A = tpu.sem_alloc : memref<!tpu.dma_semaphore, #tpu.memory_space<semaphore_mem>>
      %dma_start3A_25 = arith.constant 0 : i32
      %dma_start3A_26 = tpu.memref_slice %arg10[%dma_start3A_25] : memref<528xi32, #tpu.memory_space<vmem>> -> memref<512xi32, #tpu.memory_space<vmem>>
      %dma_start3A_27 = tpu.memref_slice %arg5[%mul3A_2] : memref<16384xi32, #tpu.memory_space<hbm>> -> memref<512xi32, #tpu.memory_space<hbm>>
      %dma_start3A_28 = arith.constant 0 : i32
      %dma_start3A_29 = tpu.memref_slice %arg10[%dma_start3A_28] : memref<528xi32, #tpu.memory_space<vmem>> -> memref<512xi32, #tpu.memory_space<vmem>>
      %dma_start3A_30 = tpu.memref_slice %arg5[%mul3A_2] : memref<16384xi32, #tpu.memory_space<hbm>> -> memref<512xi32, #tpu.memory_space<hbm>>
      tpu.enqueue_dma source(%dma_start3A_30 : memref<512xi32, #tpu.memory_space<hbm>>) target(%dma_start3A_29 : memref<512xi32, #tpu.memory_space<vmem>>) target_semaphore(%run_scoped3A : memref<!tpu.dma_semaphore, #tpu.memory_space<semaphore_mem>>)
      %dma_wait3A_31 = arith.constant 0 : i32
      %dma_wait3A_32 = tpu.memref_slice %arg10[%dma_wait3A_31] : memref<528xi32, #tpu.memory_space<vmem>> -> memref<512xi32, #tpu.memory_space<vmem>>
      %dma_wait3A_33 = tpu.memref_slice %arg5[%mul3A_2] : memref<16384xi32, #tpu.memory_space<hbm>> -> memref<512xi32, #tpu.memory_space<hbm>>
      %dma_wait3A_34 = arith.constant 0 : i32
      %dma_wait3A_35 = tpu.memref_slice %arg10[%dma_wait3A_34] : memref<528xi32, #tpu.memory_space<vmem>> -> memref<512xi32, #tpu.memory_space<vmem>>
      %dma_wait3A_36 = tpu.memref_slice %arg5[%mul3A_2] : memref<16384xi32, #tpu.memory_space<hbm>> -> memref<512xi32, #tpu.memory_space<hbm>>
      tpu.wait_dma2 semaphore(%run_scoped3A : memref<!tpu.dma_semaphore, #tpu.memory_space<semaphore_mem>>) src(%dma_wait3A_36 : memref<512xi32, #tpu.memory_space<hbm>>) dst(%dma_wait3A_35 : memref<512xi32, #tpu.memory_space<vmem>>)
      tpu.yield
    }) : () -> ()
    %broadcast_in_dim3A = arith.constant 0 : i32
    %broadcast_in_dim3A_3 = vector.broadcast %broadcast_in_dim3A : i32 to vector<16xi32>
    %swap3A = arith.constant 512 : index
    %swap3A_4 = tpu.vector_load %arg9[%swap3A] {strides = array<i32>} : memref<528xi32, #tpu.memory_space<vmem>>, vector<16xi32>,
    tpu.vector_store %arg9[%swap3A], %broadcast_in_dim3A_3 {strides = array<i32>} : memref<528xi32, #tpu.memory_space<vmem>>, vector<16xi32>,
    %swap3A_5 = arith.constant 512 : index
    %swap3A_6 = tpu.vector_load %arg10[%swap3A_5] {strides = array<i32>} : memref<528xi32, #tpu.memory_space<vmem>>, vector<16xi32>,
    tpu.vector_store %arg10[%swap3A_5], %broadcast_in_dim3A_3 {strides = array<i32>} : memref<528xi32, #tpu.memory_space<vmem>>, vector<16xi32>,
    %dma_start3A = arith.constant 0 : i32
    %dma_start3A_7 = tpu.memref_slice %arg6[%dma_start3A] : memref<1000000xf32, #tpu.memory_space<hbm>> -> memref<1000000xf32, #tpu.memory_space<hbm>>
    tpu.enqueue_indirect_dma source(%dma_start3A_7 : memref<1000000xf32, #tpu.memory_space<hbm>>) target(%arg11 : memref<528xf32, #tpu.memory_space<vmem>>) offsets(%arg9 : memref<528xi32, #tpu.memory_space<vmem>>) semaphore(%arg16 : memref<!tpu.dma_semaphore, #tpu.memory_space<semaphore_mem>>)
    %dma_wait3A = arith.constant 0 : i32
    %dma_wait3A_8 = tpu.memref_slice %arg6[%dma_wait3A] : memref<1000000xf32, #tpu.memory_space<hbm>> -> memref<1000000xf32, #tpu.memory_space<hbm>>
    tpu.wait_indirect_dma semaphore(%arg16 : memref<!tpu.dma_semaphore, #tpu.memory_space<semaphore_mem>>) src(%dma_wait3A_8 : memref<1000000xf32, #tpu.memory_space<hbm>>) dst(%arg11 : memref<528xf32, #tpu.memory_space<vmem>>)
    %dma_start3A_9 = arith.constant 0 : i32
    %dma_start3A_10 = tpu.memref_slice %arg7[%dma_start3A_9] : memref<1000000xf32, #tpu.memory_space<hbm>> -> memref<1000000xf32, #tpu.memory_space<hbm>>
    tpu.enqueue_indirect_dma source(%dma_start3A_10 : memref<1000000xf32, #tpu.memory_space<hbm>>) target(%arg12 : memref<528xf32, #tpu.memory_space<vmem>>) offsets(%arg10 : memref<528xi32, #tpu.memory_space<vmem>>) semaphore(%arg16 : memref<!tpu.dma_semaphore, #tpu.memory_space<semaphore_mem>>)
    %dma_wait3A_11 = arith.constant 0 : i32
    %dma_wait3A_12 = tpu.memref_slice %arg7[%dma_wait3A_11] : memref<1000000xf32, #tpu.memory_space<hbm>> -> memref<1000000xf32, #tpu.memory_space<hbm>>
    tpu.wait_indirect_dma semaphore(%arg16 : memref<!tpu.dma_semaphore, #tpu.memory_space<semaphore_mem>>) src(%dma_wait3A_12 : memref<1000000xf32, #tpu.memory_space<hbm>>) dst(%arg12 : memref<528xf32, #tpu.memory_space<vmem>>)
    %mul3A_13 = arith.constant 64 : i32
    %mul3A_14 = arith.muli %mul3A_2, %mul3A_13 : i32
    "tpu.region"() ({
      %run_scoped3A = tpu.sem_alloc : memref<!tpu.dma_semaphore, #tpu.memory_space<semaphore_mem>>
      %dma_start3A_25 = tpu.memref_slice %arg2[%mul3A_14] : memref<1048576xf32, #tpu.memory_space<hbm>> -> memref<32768xf32, #tpu.memory_space<hbm>>
      %dma_start3A_26 = tpu.memref_slice %arg2[%mul3A_14] : memref<1048576xf32, #tpu.memory_space<hbm>> -> memref<32768xf32, #tpu.memory_space<hbm>>
      tpu.enqueue_dma source(%dma_start3A_26 : memref<32768xf32, #tpu.memory_space<hbm>>) target(%arg13 : memref<32768xf32, #tpu.memory_space<vmem>>) target_semaphore(%run_scoped3A : memref<!tpu.dma_semaphore, #tpu.memory_space<semaphore_mem>>)
      %dma_wait3A_27 = tpu.memref_slice %arg2[%mul3A_14] : memref<1048576xf32, #tpu.memory_space<hbm>> -> memref<32768xf32, #tpu.memory_space<hbm>>
      %dma_wait3A_28 = tpu.memref_slice %arg2[%mul3A_14] : memref<1048576xf32, #tpu.memory_space<hbm>> -> memref<32768xf32, #tpu.memory_space<hbm>>
      tpu.wait_dma2 semaphore(%run_scoped3A : memref<!tpu.dma_semaphore, #tpu.memory_space<semaphore_mem>>) src(%dma_wait3A_28 : memref<32768xf32, #tpu.memory_space<hbm>>) dst(%arg13 : memref<32768xf32, #tpu.memory_space<vmem>>)
      tpu.yield
    }) : () -> ()
    %mul3A_15 = arith.constant 64 : i32
    %mul3A_16 = arith.muli %mul3A_2, %mul3A_15 : i32
    "tpu.region"() ({
      %run_scoped3A = tpu.sem_alloc : memref<!tpu.dma_semaphore, #tpu.memory_space<semaphore_mem>>
      %dma_start3A_25 = tpu.memref_slice %arg3[%mul3A_16] : memref<1048576xf32, #tpu.memory_space<hbm>> -> memref<32768xf32, #tpu.memory_space<hbm>>
      %dma_start3A_26 = tpu.memref_slice %arg3[%mul3A_16] : memref<1048576xf32, #tpu.memory_space<hbm>> -> memref<32768xf32, #tpu.memory_space<hbm>>
      tpu.enqueue_dma source(%dma_start3A_26 : memref<32768xf32, #tpu.memory_space<hbm>>) target(%arg14 : memref<32768xf32, #tpu.memory_space<vmem>>) target_semaphore(%run_scoped3A : memref<!tpu.dma_semaphore, #tpu.memory_space<semaphore_mem>>)
      %dma_wait3A_27 = tpu.memref_slice %arg3[%mul3A_16] : memref<1048576xf32, #tpu.memory_space<hbm>> -> memref<32768xf32, #tpu.memory_space<hbm>>
      %dma_wait3A_28 = tpu.memref_slice %arg3[%mul3A_16] : memref<1048576xf32, #tpu.memory_space<hbm>> -> memref<32768xf32, #tpu.memory_space<hbm>>
      tpu.wait_dma2 semaphore(%run_scoped3A : memref<!tpu.dma_semaphore, #tpu.memory_space<semaphore_mem>>) src(%dma_wait3A_28 : memref<32768xf32, #tpu.memory_space<hbm>>) dst(%arg14 : memref<32768xf32, #tpu.memory_space<vmem>>)
      tpu.yield
    }) : () -> ()
    %iota3A = tpu.iota {dimensions = array<i32: 0>} : vector<16xi32>
    %scan3A = arith.constant 0 : i32
    %scan3A_17 = arith.constant 0 : i32
    %scan3A_18 = arith.constant 512 : i32
    %scan3A_19 = arith.addi %scan3A_17, %scan3A_18 : i32
    %scan3A_20 = arith.constant 1 : i32
    %scan3A_21 = scf.for %scan3A_25 = %scan3A_17 to %scan3A_19 step %scan3A_20 iter_args(%scan3A_26 = %scan3A) -> (i32)  : i32 {
      %broadcast_in_dim3A_27 = arith.constant 0.000000e+00 : f32
      %broadcast_in_dim3A_28 = vector.broadcast %broadcast_in_dim3A_27 : f32 to vector<16xf32>
      %mul3A_29 = arith.constant 64 : i32
      %mul3A_30 = arith.muli %scan3A_25, %mul3A_29 : i32
      %add3A_31 = arith.constant 0 : i32
      %add3A_32 = arith.addi %mul3A_30, %add3A_31 : i32
      %get3A = arith.index_cast %add3A_32 : i32 to index
      %get3A_33 = tpu.vector_load %arg13[%get3A] {strides = array<i32>} : memref<32768xf32, #tpu.memory_space<vmem>>, vector<16xf32>,
      %mul3A_34 = arith.constant 64 : i32
      %mul3A_35 = arith.muli %scan3A_25, %mul3A_34 : i32
      %add3A_36 = arith.constant 0 : i32
      %add3A_37 = arith.addi %mul3A_35, %add3A_36 : i32
      %get3A_38 = arith.index_cast %add3A_37 : i32 to index
      %get3A_39 = tpu.vector_load %arg14[%get3A_38] {strides = array<i32>} : memref<32768xf32, #tpu.memory_space<vmem>>, vector<16xf32>,
      %mul3A_40 = arith.mulf %get3A_33, %get3A_39 : vector<16xf32>
      %add3A_41 = arith.addf %broadcast_in_dim3A_28, %mul3A_40 : vector<16xf32>
      %mul3A_42 = arith.constant 64 : i32
      %mul3A_43 = arith.muli %scan3A_25, %mul3A_42 : i32
      %add3A_44 = arith.constant 16 : i32
      %add3A_45 = arith.addi %mul3A_43, %add3A_44 : i32
      %get3A_46 = arith.index_cast %add3A_45 : i32 to index
      %get3A_47 = tpu.vector_load %arg13[%get3A_46] {strides = array<i32>} : memref<32768xf32, #tpu.memory_space<vmem>>, vector<16xf32>,
      %mul3A_48 = arith.constant 64 : i32
      %mul3A_49 = arith.muli %scan3A_25, %mul3A_48 : i32
      %add3A_50 = arith.constant 16 : i32
      %add3A_51 = arith.addi %mul3A_49, %add3A_50 : i32
      %get3A_52 = arith.index_cast %add3A_51 : i32 to index
      %get3A_53 = tpu.vector_load %arg14[%get3A_52] {strides = array<i32>} : memref<32768xf32, #tpu.memory_space<vmem>>, vector<16xf32>,
      %mul3A_54 = arith.mulf %get3A_47, %get3A_53 : vector<16xf32>
      %add3A_55 = arith.addf %add3A_41, %mul3A_54 : vector<16xf32>
      %mul3A_56 = arith.constant 64 : i32
      %mul3A_57 = arith.muli %scan3A_25, %mul3A_56 : i32
      %add3A_58 = arith.constant 32 : i32
      %add3A_59 = arith.addi %mul3A_57, %add3A_58 : i32
      %get3A_60 = arith.index_cast %add3A_59 : i32 to index
      %get3A_61 = tpu.vector_load %arg13[%get3A_60] {strides = array<i32>} : memref<32768xf32, #tpu.memory_space<vmem>>, vector<16xf32>,
      %mul3A_62 = arith.constant 64 : i32
      %mul3A_63 = arith.muli %scan3A_25, %mul3A_62 : i32
      %add3A_64 = arith.constant 32 : i32
      %add3A_65 = arith.addi %mul3A_63, %add3A_64 : i32
      %get3A_66 = arith.index_cast %add3A_65 : i32 to index
      %get3A_67 = tpu.vector_load %arg14[%get3A_66] {strides = array<i32>} : memref<32768xf32, #tpu.memory_space<vmem>>, vector<16xf32>,
      %mul3A_68 = arith.mulf %get3A_61, %get3A_67 : vector<16xf32>
      %add3A_69 = arith.addf %add3A_55, %mul3A_68 : vector<16xf32>
      %mul3A_70 = arith.constant 64 : i32
      %mul3A_71 = arith.muli %scan3A_25, %mul3A_70 : i32
      %add3A_72 = arith.constant 48 : i32
      %add3A_73 = arith.addi %mul3A_71, %add3A_72 : i32
      %get3A_74 = arith.index_cast %add3A_73 : i32 to index
      %get3A_75 = tpu.vector_load %arg13[%get3A_74] {strides = array<i32>} : memref<32768xf32, #tpu.memory_space<vmem>>, vector<16xf32>,
      %mul3A_76 = arith.constant 64 : i32
      %mul3A_77 = arith.muli %scan3A_25, %mul3A_76 : i32
      %add3A_78 = arith.constant 48 : i32
      %add3A_79 = arith.addi %mul3A_77, %add3A_78 : i32
      %get3A_80 = arith.index_cast %add3A_79 : i32 to index
      %get3A_81 = tpu.vector_load %arg14[%get3A_80] {strides = array<i32>} : memref<32768xf32, #tpu.memory_space<vmem>>, vector<16xf32>,
      %mul3A_82 = arith.mulf %get3A_75, %get3A_81 : vector<16xf32>
      %add3A_83 = arith.addf %add3A_69, %mul3A_82 : vector<16xf32>
      %get3A_84 = arith.index_cast %scan3A_25 : i32 to index
      %get3A_85 = tpu.vector_load %arg11[%get3A_84] {strides = array<i32>} : memref<528xf32, #tpu.memory_space<vmem>>, vector<16xf32>,
      %slice3A = vector.extract_strided_slice %get3A_85 {offsets = [0], sizes = [1], strides = [1]} : vector<16xf32> to vector<1xf32>
      %squeeze3A = vector.extract %slice3A[0] : f32 from vector<1xf32>
      %get3A_86 = arith.index_cast %scan3A_25 : i32 to index
      %get3A_87 = tpu.vector_load %arg12[%get3A_86] {strides = array<i32>} : memref<528xf32, #tpu.memory_space<vmem>>, vector<16xf32>,
      %slice3A_88 = vector.extract_strided_slice %get3A_87 {offsets = [0], sizes = [1], strides = [1]} : vector<16xf32> to vector<1xf32>
      %squeeze3A_89 = vector.extract %slice3A_88[0] : f32 from vector<1xf32>
      %add3A_90 = arith.addf %squeeze3A, %squeeze3A_89 : f32
      %eq3A = arith.constant 0 : i32
      %eq3A_91 = vector.broadcast %eq3A : i32 to vector<16xi32>
      %eq3A_92 = arith.cmpi eq, %iota3A, %eq3A_91 : vector<16xi32>
      %add3A_93 = vector.broadcast %add3A_90 : f32 to vector<16xf32>
      %add3A_94 = arith.addf %add3A_83, %add3A_93 : vector<16xf32>
      %select_n3A = arith.select %eq3A_92, %add3A_94, %add3A_83 : vector<16xi1>, vector<16xf32>
      %shift_right_arithmetic3A = arith.constant 3 : i32
      %shift_right_arithmetic3A_95 = arith.shrsi %scan3A_25, %shift_right_arithmetic3A : i32
      %and3A = arith.constant 7 : i32
      %and3A_96 = arith.andi %scan3A_25, %and3A : i32
      %mul3A_97 = arith.constant 16 : i32
      %mul3A_98 = arith.muli %and3A_96, %mul3A_97 : i32
      %swap3A_99 = arith.index_cast %shift_right_arithmetic3A_95 : i32 to index
      %swap3A_100 = arith.index_cast %mul3A_98 : i32 to index
      %swap3A_101 = tpu.vector_load %arg15[%swap3A_99, %swap3A_100] {strides = array<i32>} : memref<64x128xf32, #tpu.memory_space<vmem>>, vector<16xf32>,
      tpu.vector_store %arg15[%swap3A_99, %swap3A_100], %select_n3A {strides = array<i32>} : memref<64x128xf32, #tpu.memory_space<vmem>>, vector<16xf32>,
      %scan3A_102 = arith.constant 0 : i32
      scf.yield %scan3A_102 : i32
    }
    %scan3A_22 = arith.constant 512 : i32
    %mul3A_23 = arith.constant 64 : i32
    %mul3A_24 = arith.muli %add3A, %mul3A_23 : i32
    "tpu.region"() ({
      %run_scoped3A = tpu.sem_alloc : memref<!tpu.dma_semaphore, #tpu.memory_space<semaphore_mem>>
      %dma_start3A_25 = arith.constant 0 : i32
      %dma_start3A_26 = tpu.memref_slice %arg8[%mul3A_24, %dma_start3A_25] : memref<2048x128xf32, #tpu.memory_space<hbm>> -> memref<64x128xf32, #tpu.memory_space<hbm>>
      %dma_start3A_27 = arith.constant 0 : i32
      %dma_start3A_28 = tpu.memref_slice %arg8[%mul3A_24, %dma_start3A_27] : memref<2048x128xf32, #tpu.memory_space<hbm>> -> memref<64x128xf32, #tpu.memory_space<hbm>>
      tpu.enqueue_dma source(%arg15 : memref<64x128xf32, #tpu.memory_space<vmem>>) target(%dma_start3A_28 : memref<64x128xf32, #tpu.memory_space<hbm>>) target_semaphore(%run_scoped3A : memref<!tpu.dma_semaphore, #tpu.memory_space<semaphore_mem>>)
      %dma_wait3A_29 = arith.constant 0 : i32
      %dma_wait3A_30 = tpu.memref_slice %arg8[%mul3A_24, %dma_wait3A_29] : memref<2048x128xf32, #tpu.memory_space<hbm>> -> memref<64x128xf32, #tpu.memory_space<hbm>>
      %dma_wait3A_31 = arith.constant 0 : i32
      %dma_wait3A_32 = tpu.memref_slice %arg8[%mul3A_24, %dma_wait3A_31] : memref<2048x128xf32, #tpu.memory_space<hbm>> -> memref<64x128xf32, #tpu.memory_space<hbm>>
      tpu.wait_dma2 semaphore(%run_scoped3A : memref<!tpu.dma_semaphore, #tpu.memory_space<semaphore_mem>>) src(%arg15 : memref<64x128xf32, #tpu.memory_space<vmem>>) dst(%dma_wait3A_32 : memref<64x128xf32, #tpu.memory_space<hbm>>)
      tpu.yield
    }) : () -> ()
    return
  }
}

module attributes {stable_mosaic.version = 14 : i64} {
  func.func @_tc_loss_body(%arg0: memref<2048x128xf32, #tpu.memory_space<vmem>>, %arg1: memref<2048x8xf32, #tpu.memory_space<vmem>>, %arg2: memref<1x1xf32, #tpu.memory_space<smem>>) attributes {dimension_semantics = [], scalar_prefetch = 0 : i64, scratch_operands = 0 : i64, tpu.core_type = #tpu.core_type<tc>} {
    %get3A = arith.constant 0 : index
    %get3A_0 = arith.constant 0 : index
    %get3A_1 = vector.load %arg0[%get3A, %get3A_0] : memref<2048x128xf32, #tpu.memory_space<vmem>>, vector<2048x128xf32>
    %get3A_2 = arith.constant 0 : index
    %get3A_3 = arith.constant 0 : index
    %get3A_4 = vector.load %arg1[%get3A_2, %get3A_3] : memref<2048x8xf32, #tpu.memory_space<vmem>>, vector<2048x8xf32>
    %iota3A = tpu.iota {dimensions = array<i32: 0>} : vector<128x8xi32>
    %iota3A_5 = tpu.iota {dimensions = array<i32: 1>} : vector<128x8xi32>
    %jit3A = arith.constant 16 : i32
    %div3A = vector.broadcast %jit3A : i32 to vector<128x8xi32>
    %div3A_6 = arith.divsi %iota3A, %div3A : vector<128x8xi32>
    %sign3A = arith.constant 0 : i32
    %sign3A_7 = vector.broadcast %sign3A : i32 to vector<128x8xi32>
    %sign3A_8 = arith.cmpi sgt, %iota3A, %sign3A_7 : vector<128x8xi32>
    %sign3A_9 = arith.extui %sign3A_8 : vector<128x8xi1> to vector<128x8xi32>
    %sign3A_10 = arith.constant 0 : i32
    %sign3A_11 = vector.broadcast %sign3A_10 : i32 to vector<128x8xi32>
    %sign3A_12 = arith.cmpi slt, %iota3A, %sign3A_11 : vector<128x8xi32>
    %sign3A_13 = arith.extui %sign3A_12 : vector<128x8xi1> to vector<128x8xi32>
    %sign3A_14 = arith.subi %sign3A_9, %sign3A_13 : vector<128x8xi32>
    %sign3A_15 = arith.constant 0 : i32
    %sign3A_16 = arith.cmpi sgt, %jit3A, %sign3A_15 : i32
    %sign3A_17 = arith.extui %sign3A_16 : i1 to i32
    %sign3A_18 = arith.constant 0 : i32
    %sign3A_19 = arith.cmpi slt, %jit3A, %sign3A_18 : i32
    %sign3A_20 = arith.extui %sign3A_19 : i1 to i32
    %sign3A_21 = arith.subi %sign3A_17, %sign3A_20 : i32
    %ne3A = vector.broadcast %sign3A_21 : i32 to vector<128x8xi32>
    %ne3A_22 = arith.cmpi ne, %sign3A_14, %ne3A : vector<128x8xi32>
    %rem3A = vector.broadcast %jit3A : i32 to vector<128x8xi32>
    %rem3A_23 = arith.remsi %iota3A, %rem3A : vector<128x8xi32>
    %ne3A_24 = arith.constant 0 : i32
    %ne3A_25 = vector.broadcast %ne3A_24 : i32 to vector<128x8xi32>
    %ne3A_26 = arith.cmpi ne, %rem3A_23, %ne3A_25 : vector<128x8xi32>
    %and3A = arith.andi %ne3A_22, %ne3A_26 : vector<128x8xi1>
    %sub3A = arith.constant 1 : i32
    %sub3A_27 = vector.broadcast %sub3A : i32 to vector<128x8xi32>
    %sub3A_28 = arith.subi %div3A_6, %sub3A_27 : vector<128x8xi32>
    %select_n3A = arith.select %and3A, %sub3A_28, %div3A_6 : vector<128x8xi1>, vector<128x8xi32>
    %eq3A = arith.cmpi eq, %select_n3A, %iota3A_5 : vector<128x8xi32>
    %jit3A_29 = arith.constant 1.000000e+00 : f32
    %jit3A_30 = arith.constant 0.000000e+00 : f32
    %broadcast_in_dim3A = vector.broadcast %jit3A_29 : f32 to vector<128x8xf32>
    %broadcast_in_dim3A_31 = vector.broadcast %jit3A_30 : f32 to vector<128x8xf32>
    %select_n3A_32 = arith.select %eq3A, %broadcast_in_dim3A, %broadcast_in_dim3A_31 : vector<128x8xi1>, vector<128x8xf32>
    %dot_general3A = arith.constant dense<0.000000e+00> : vector<2048x8xf32>
    %dot_general3A_33 = tpu.matmul %get3A_1, %select_n3A_32, %dot_general3A {dimension_numbers = #tpu.dot_dimension_numbers<[1], [0], [0], [1], [0, 0, 1, 1], [], []>, precision = #tpu.contract_precision<fp32>, transpose_lhs_hint = false} : vector<2048x128xf32>, vector<128x8xf32>, vector<2048x8xf32> -> vector<2048x8xf32>
    %log3A = math.log %get3A_4 : vector<2048x8xf32>
    %sub3A_34 = arith.subf %dot_general3A_33, %log3A : vector<2048x8xf32>
    %mul3A = arith.constant 0.00999999977 : f32
    %mul3A_35 = vector.broadcast %mul3A : f32 to vector<2048x8xf32>
    %mul3A_36 = arith.mulf %get3A_4, %mul3A_35 : vector<2048x8xf32>
    %pow3A = arith.constant 7.500000e-01 : f32
    %pow3A_37 = vector.broadcast %pow3A : f32 to vector<2048x8xf32>
    %pow3A_38 = math.powf %mul3A_36, %pow3A_37 : vector<2048x8xf32>
    %jit3A_39 = arith.constant 0.000000e+00 : f32
    %jit3A_40 = arith.constant 1.000000e+00 : f32
    %max3A = vector.broadcast %jit3A_39 : f32 to vector<2048x8xf32>
    %max3A_41 = arith.maximumf %max3A, %pow3A_38 : vector<2048x8xf32>
    %min3A = vector.broadcast %jit3A_40 : f32 to vector<2048x8xf32>
    %min3A_42 = arith.minimumf %min3A, %max3A_41 : vector<2048x8xf32>
    %mul3A_43 = arith.mulf %min3A_42, %sub3A_34 : vector<2048x8xf32>
    %mul3A_44 = arith.mulf %mul3A_43, %sub3A_34 : vector<2048x8xf32>
    %reduce_sum3A = vector.shape_cast %mul3A_44 : vector<2048x8xf32> to vector<1x2048x8xf32>
    %reduce_sum3A_45 = arith.constant dense<0.000000e+00> : vector<1xf32>
    %reduce_sum3A_46 = vector.multi_reduction <add>, %reduce_sum3A, %reduce_sum3A_45 [1, 2] : vector<1x2048x8xf32> to vector<1xf32>
    %reduce_sum3A_47 = vector.shape_cast %reduce_sum3A_46 : vector<1xf32> to vector<1x1x1xf32>
    %reduce_sum3A_48 = vector.extract %reduce_sum3A_47[0, 0, 0] : f32 from vector<1x1x1xf32>
    %mul3A_49 = arith.constant 6.10351563E-5 : f32
    %mul3A_50 = arith.mulf %reduce_sum3A_48, %mul3A_49 : f32
    %swap3A = arith.constant 0 : index
    %swap3A_51 = arith.constant 0 : index
    %swap3A_52 = memref.load %arg2[%swap3A, %swap3A_51] : memref<1x1xf32, #tpu.memory_space<smem>>
    memref.store %mul3A_50, %arg2[%swap3A, %swap3A_51] : memref<1x1xf32, #tpu.memory_space<smem>>
    return
  }
}

</mosaic_0001>

<sc_bundles>
// kernel: kernel.5.cloned.1.call-start
scs
__scs_entry_jumppad:
0x0: {  	(pc) =	sbr.rel $0x88, $3  }
0x1: {  	(tag) =	ssettag $0x0;
	lr =	simm.s32 $0x1  }
0x2: {  	[smem:$0x3F9A] =	sst lr;
	_ =	strace $0xD0000000  }
0x3: {  	_ = 	snop  }
0x4: {  	_ = 	snop  }
0x5: {  	_ = 	snop  }
0x6: {  	_ = 	snop  }
0x7: {  	_ = 	snop  }
__scs_overlays_trampoline_lowered:
0x8: {  	[smem:$0x3FA9] =	sst s0  }
0x9: {  	[smem:$0x3FAA] =	sst s1  }
0xa: {  	[smem:$0x3FAB] =	sst s2  }
0xb: {  	[smem:$0x3FAC] =	sst s3  }
0xc: {  	[smem:$0x3FAD] =	sst s4  }
0xd: {  	[smem:$0x3FAE] =	sst s5  }
0xe: {  	[smem:$0x3FAF] =	sst s6  }
0xf: {  	[smem:$0x3FB0] =	sst s7  }
0x10: {  	[smem:$0x3FB1] =	sst s8  }
0x11: {  	[smem:$0x3FB2] =	sst s9;
	s0 =	simm.s32 @!p0 $0x0  }
0x12: {  	s1 =	sld [smem:$0x3F98];
	s0 =	simm.s32 @p0 $0x1  }
0x13: {  	[smem:$0x3FB3] =	sst s0;
	s0 =	simm.s32 @!p1 $0x0  }
0x14: {  	s2 =	sld [smem:$0x3F97];
	s0 =	simm.s32 @p1 $0x1  }
0x15: {  	[smem:$0x3FB4] =	sst s0;
	s0 =	simm.s32 @!p2 $0x0  }
0x16: {  	s3 =	sld [smem:$0x3FDB];
	s0 =	simm.s32 @p2 $0x1  }
0x17: {  	s4 =	simm.s32 $0x1BF5;
	[smem:$0x3FB6] =	sst s0  }
0x18: {  	s0 =	sld [smem:$0x3F99];
	_ =	swait.ge [sflag:s4], $0x0  }
0x19: {  	s7 =	sld [smem:$0x3F9A]  }
0x1a: {  	s8 =	sadd.s32 $0xFFFFE003, lr  }
0x1b: {  	s9 =	sadd.s32 $0xFFFFFEF7, lr;
	s5 =	simm.s32 $0xFFFFFFFF;
	p2 =	slt.u32 s8, $0xFFFFF086  }
0x1c: {  	p1 =	slt.u32 s9, $0xF7A;
	s5 =	simm.s32 @!p2 $0x0  }
0x1d: {  	s5 =	simm.s32 @p1 $0x1;
	p0 =	seq.s32 s7, s2  }
0x1e: {  	s7 =	smul.u32 @!p0 $0xF7A, s2;
	p2 =	seq.s32 @!p0 s5, $0x0  }
0x1f: {  	s9 =	smul.u32 $0xF7A, s1;
	s8 =	simm.s32 @!p0 $0x1BF5;
	p2 =	por !p2, p0  }
0x20: {  	[sflag:s8] =	ssyncset.s32 @!p0 $0xFFFFF086;
	s6 =	sadd.s32 @!p0 s3, s7;
	s7 =	simm.s32 @!p0 $0x108  }
0x21: {  	s3 =	sadd.s32 s3, s9;
	s6 =	sadd.s32 @!p0 $0x88, s6;
	s7 =	simm.s32 @p2 $0x1082  }
0x22: {  	[simem:s7], [sflag:s8] =	dma.local @!p0 [hbm:s6], $0xF7A  }
0x23: {  	s9 =	sor.u32 $0xD0000000, s2;
	s6 =	simm.s32 $0x108;
	_ =	swait.ge @!p0 [sflag:s8], $0x0  }
0x24: {  	s3 =	sadd.s32 $0x88, s3;
	s6 =	simm.s32 @!p1 $0x1082;
	[sflag:s4] =	ssyncset.s32 $0xFFFFF086  }
0x25: {  	[simem:s6], [sflag:s4] =	dma.local [hbm:s3], $0xF7A  }
0x26: {  	[smem:$0x3F9A] =	sst s1;
	(tag) =	ssettag s2;
	_ =	strace s9  }
0x27: {  	s1 =	sld [smem:$0x3FAA]  }
0x28: {  	s2 =	sld [smem:$0x3FAB]  }
0x29: {  	s4 =	sld [smem:$0x3FAD]  }
0x2a: {  	p0 =	seq.s32 s5, $0x0;
	s5 =	sld [smem:$0x3FAE]  }
0x2b: {  	s6 =	sld [smem:$0x3FAF]  }
0x2c: {  	s7 =	sld [smem:$0x3FB0]  }
0x2d: {  	s3 =	simm.s32 $0x108;
	s8 =	sld [smem:$0x3FB1]  }
0x2e: {  	s3 =	simm.s32 @!p0 $0x1082;
	s9 =	sld [smem:$0x3FB2]  }
0x2f: {  	lr =	sadd.s32 s0, s3;
	s0 =	sld [smem:$0x3FA9]  }
0x30: {  	s3 =	sld [smem:$0x3FAC]  }
0x31: {  	[smem:$0x3FB5] =	sst s10  }
0x32: {  	s10 =	sld [smem:$0x3FB3];
	_ =	sdelay $0x3  }
0x33: {  	p0 =	seq.s32 s10, $0x1;
	s10 =	sld [smem:$0x3FB5];
	_ =	sdelay $0x3  }
0x34: {  	[smem:$0x3FB5] =	sst s10  }
0x35: {  	s10 =	sld [smem:$0x3FB4];
	_ =	sdelay $0x3  }
0x36: {  	p1 =	seq.s32 s10, $0x1;
	s10 =	sld [smem:$0x3FB5];
	_ =	sdelay $0x3  }
0x37: {  	[smem:$0x3FB5] =	sst s10  }
0x38: {  	s10 =	sld [smem:$0x3FB6]  }
0x39: {  	_ = 	snop;
	(pc) =	sbr.ind lr, $3  }
0x3a: {  	_ = 	snop  }
0x3b: {  	_ = 	snop  }
0x3c: {  	p2 =	seq.s32 s10, $0x1;
	s10 =	sld [smem:$0x3FB5]  }
0x3d: {  	_ =	shalt  }
0x3e: {  	_ =	shalt  }
0x3f: {  	_ =	shalt  }
0x40: {  	_ =	shalt  }
0x41: {  	_ =	shalt  }
0x42: {  	_ =	shalt  }
0x43: {  	_ =	shalt  }
0x44: {  	_ =	shalt  }
0x45: {  	_ =	shalt  }
0x46: {  	_ =	shalt  }
0x47: {  	_ =	shalt  }
0x48: {  	_ =	shalt  }
0x49: {  	_ =	shalt  }
0x4a: {  	_ =	shalt  }
0x4b: {  	_ =	shalt  }
0x4c: {  	_ =	shalt  }
0x4d: {  	_ =	shalt  }
0x4e: {  	_ =	shalt  }
0x4f: {  	_ =	shalt  }
0x50: {  	_ =	shalt  }
0x51: {  	_ =	shalt  }
0x52: {  	_ =	shalt  }
0x53: {  	_ =	shalt  }
0x54: {  	_ =	shalt  }
0x55: {  	_ =	shalt  }
0x56: {  	_ =	shalt  }
0x57: {  	_ =	shalt  }
0x58: {  	_ =	shalt  }
0x59: {  	_ =	shalt  }
0x5a: {  	_ =	shalt  }
0x5b: {  	_ =	shalt  }
0x5c: {  	_ =	shalt  }
0x5d: {  	_ =	shalt  }
0x5e: {  	_ =	shalt  }
0x5f: {  	_ =	shalt  }
0x60: {  	_ =	shalt  }
0x61: {  	_ =	shalt  }
0x62: {  	_ =	shalt  }
0x63: {  	_ =	shalt  }
0x64: {  	_ =	shalt  }
0x65: {  	_ =	shalt  }
0x66: {  	_ =	shalt  }
0x67: {  	_ =	shalt  }
0x68: {  	_ =	shalt  }
0x69: {  	_ =	shalt  }
0x6a: {  	_ =	shalt  }
0x6b: {  	_ =	shalt  }
0x6c: {  	_ =	shalt  }
0x6d: {  	_ =	shalt  }
0x6e: {  	_ =	shalt  }
0x6f: {  	_ =	shalt  }
0x70: {  	_ =	shalt  }
0x71: {  	_ =	shalt  }
0x72: {  	_ =	shalt  }
0x73: {  	_ =	shalt  }
0x74: {  	_ =	shalt  }
0x75: {  	_ =	shalt  }
0x76: {  	_ =	shalt  }
0x77: {  	_ =	shalt  }
0x78: {  	_ =	shalt  }
0x79: {  	_ =	shalt  }
0x7a: {  	_ =	shalt  }
0x7b: {  	_ =	shalt  }
0x7c: {  	_ =	shalt  }
0x7d: {  	_ =	shalt  }
0x7e: {  	_ =	shalt  }
0x7f: {  	_ =	shalt  }
0x80: {  	_ =	shalt  }
0x81: {  	_ =	shalt  }
0x82: {  	_ =	shalt  }
0x83: {  	_ =	shalt  }
0x84: {  	_ =	shalt  }
0x85: {  	_ =	shalt  }
0x86: {  	_ =	shalt  }
0x87: {  	_ =	shalt  }
.Lfunc_end0:
.L_simem_size_0:
called_computation_lowered:
.L_overlay_start_0:
0x88: {  	s2 =	sld [smem:$0x3FD9]  }
0x89: {  	s3 =	sld [smem:$0x3FFE];
	_ =	sdelay $0x1  }
0x8a: {  	s1 =	srdreg.scid  }
0x8b: {  	s0 =	sand.u32 $0x1, s1  }
0x8c: {  	s17 =	sshll.u32 s0, $0xA;
	s2 =	sadd.s32 s3, s2  }
0x8d: {  	s2 =	sadd.s32 s2, s17  }
0x8e: {  	[smem:$0x3FC1] =	sst s2  }
0x8f: {  	_ = 	snop  }
0x90: {  	s2 =	sld [smem:$0x3FC9]  }
0x91: {  	s18 =	sld [smem:$0x3FC8]  }
0x92: {  	s4 =	sld [smem:$0x3FC6]  }
0x93: {  	s5 =	sld [smem:$0x3FC5];
	(tm) =	ssettm $0x1  }
0x94: {  	s6 =	sld [smem:$0x3FFB];
	_ =	sdelay $0x3  }
0x95: {  	_ =	strace s6  }
0x96: {  	s6 =	sld [smem:$0x3FFC];
	_ =	sdelay $0x3  }
0x97: {  	_ =	strace s6  }
0x98: {  	s6 =	sld [smem:$0x3FFD];
	_ =	sdelay $0x3  }
0x99: {  	_ =	strace s6  }
0x9a: {  	_ =	strace $0x8FFFFFFF  }
0x9b: {  	s19 =	sld [smem:$0x3FDB];
	_ =	sdelay $0x1  }
0x9c: {  	s7 =	simm.s32 $_scs_section_size  }
0x9d: {  	s8 =	simm.s32 $_size__tile_overlayer_lowered;
	s9 =	simm.s32 $_tile_overlayer_lowered  }
0x9e: {  	s22 =	simm.s32 $0x1BFF;
	s21 =	sshll.u32 s9, $0x1;
	s6 =	sadd.s32 s7, s19  }
0x9f: {  	s10 =	simm.s32 $0x0;
	s20 =	sshll.u32 s8, $0x1;
	s8 =	sadd.s32 s21, s6  }
0xa0: {  	[timem:s10], [sflag:s22] =	dma.local [hbm:s8], s20  }
0xa1: {  	_ =	swait.ge [sflag:s22], s20  }
0xa2: {  	s7 =	ssub.s32 $0x0, s20;
	[sflag:s22] =	ssyncset.done $0x0  }
0xa3: {  	[sflag:s22] =	ssyncadd.s32 s7;
	_ =	sdelay $0x1  }
0xa4: {  	s23 =	simm.s32 $0x1B8B  }
0xa5: {  	_ =	swait.ge [sflag:s23], $0x1  }
0xa6: {  	[sflag:s23] =	ssyncset.done $0x0  }
0xa7: {  	s25 =	simm.s32 $0x1B8E;
	s24 =	sld [smem:$0x3FFE];
	[sflag:s23] =	ssyncadd.s32 $0xFFFFFFFF  }
0xa8: {  	s26 =	simm.s32 $execute0_lowered;
	[smem:$0x3FD2] =	sst s25  }
0xa9: {  	s8 =	sshll.u32 s26, $0x1;
	_ =	strace $0x80000046;
	[dreg:$0x1] =	wrdreg $0xFFFFFFFF  }
0xaa: {  	s28 =	simm.s32 $_size_execute0_lowered;
	s6 =	sadd.s32 s6, s8;
	[dreg:$0x0] =	wrdreg $0x0  }
0xab: {  	s8 =	sshll.u32 s28, $0x1;
	[dreg:$0x2] =	wrdreg s6  }
0xac: {  	[dreg:$0x3] =	wrdreg s8  }
0xad: {  	[dreg:$0x4] =	wrdreg $0xC0  }
0xae: {  	_ =	task [dreg:s10], $0x5FFFF  }
0xaf: {  	[dreg:$0x1] =	wrdreg $0xFFFFFFFF  }
0xb0: {  	[dreg:$0x0] =	wrdreg $0x60  }
0xb1: {  	[dreg:$0x2] =	wrdreg s4  }
0xb2: {  	[dreg:$0x3] =	wrdreg s5  }
0xb3: {  	[dreg:$0x4] =	wrdreg s2  }
0xb4: {  	[dreg:$0x5] =	wrdreg s18  }
0xb5: {  	[dreg:$0x6] =	wrdreg s24  }
0xb6: {  	[dreg:$0x7] =	wrdreg $0x9  }
0xb7: {  	_ =	task.clear_ibuf [dreg:s10], $0x8FFFF;
	_ =	strace $0x90000046  }
0xb8: {  	s29 =	simm.s32 $0x9;
	_ =	strace $0x80000048  }
0xb9: {  	_ =	swait.ge [sflag:s29], $0x1  }
0xba: {  	[sflag:s29] =	ssyncadd.s32 $0xFFFFFFFF  }
0xbb: {  	_ =	strace $0x90000048  }
0xbc: {  	_ =	sfence  }
0xbd: {  	s30 =	sld [smem:$0x0];
	_ =	sdelay $0x2  }
0xbe: {  	s31 =	sshll.u32 s1, $0xD;
	s1 =	sshrl.u32 s1, $0x2  }
0xbf: {  	s3 =	sand.u32 $0x4000, s31;
	s1 =	sadd.s32 s1, s30  }
0xc0: {  	s0 =	sor.u32 s3, s0;
	s1 =	sshll.u32 s1, $0x11  }
0xc1: {  	s0 =	sor.u32 s1, s0  }
0xc2: {  	s0 =	sadd.s32 $0x8F2B, s0  }
0xc3: {  	[sflag:s0] =	ssyncadd.remote.s32 $0x1  }
0xc4: {  	_ =	sfence.sel $0xFFFF  }
0xc5: {  	[dreg:$0x0] =	wrdreg $0xFFFFFFFF;
	(pc) =	sbr.abs _section_cstart, $3  }
0xc6: {  	[dreg:$0x1] =	wrdreg $0xFFFFFFFF  }
0xc7: {  	_ =	task.clear_ibuf [dreg:s10], $0x2FFFF;
	_ =	strace $0x9FFFFFFF  }
0xc8: {  	(tm) =	ssettm $0x7FFFFFFF  }
0xc9: {  	_ =	shalt  }
tec
execute0_lowered:
.L_overlay_start_1:
0x0: {  	(tag) =	ssettag $0x1  }
0x1: {  	v0 =	vimm.s32 $0x1380;
	vm14 =	vcmask $0x300;
	vm13 =	vcmask $0x704  }
0x2: {  	vm12 =	vcmask $0xB08;
	vm11 =	vcmask $0xF0C;
	vm10 =	vcmask $0x1310  }
0x3: {  	vm9 =	vcmask $0x1714;
	vm7 =	vcmask $0x1B18;
	vm8 =	vcmask $0x1F1C  }
0x4: {  	vm6 =	vcmask $0x2320;
	vm5 =	vcmask $0x2724;
	vm4 =	vcmask $0x2B28  }
0x5: {  	vm3 =	vcmask $0x2F2C;
	vm2 =	vcmask $0x3330;
	vm1 =	vcmask $0x3734  }
0x6: {  	vm0 =	vcmask $0x3B38;
	v5 =	vimm.s32 $0x3380;
	v6 =	vimm.s32 $0x5380  }
0x7: {  	v7 =	vimm.s32 $0x7380;
	v0 =	vsel vm14, $0x0, v0;
	v5 =	vsel vm14, $0x2000, v5  }
0x8: {  	v6 =	vsel vm14, $0x4000, v6;
	v7 =	vsel vm14, $0x6000, v7;
	v0 =	vsel vm13, $0x80, v0  }
0x9: {  	v5 =	vsel vm13, $0x2080, v5;
	v6 =	vsel vm13, $0x4080, v6;
	v7 =	vsel vm13, $0x6080, v7  }
0xa: {  	v0 =	vsel vm12, $0x100, v0;
	v5 =	vsel vm12, $0x2100, v5;
	v6 =	vsel vm12, $0x4100, v6  }
0xb: {  	v7 =	vsel vm12, $0x6100, v7;
	v0 =	vsel vm11, $0x180, v0;
	v5 =	vsel vm11, $0x2180, v5  }
0xc: {  	v6 =	vsel vm11, $0x4180, v6;
	v7 =	vsel vm11, $0x6180, v7;
	v0 =	vsel vm10, $0x200, v0  }
0xd: {  	v5 =	vsel vm10, $0x2200, v5;
	v6 =	vsel vm10, $0x4200, v6;
	v7 =	vsel vm10, $0x6200, v7  }
0xe: {  	s0 =	srdreg.scid;
	s2 =	rddreg [dreg:$0x1];
	v0 =	vsel vm9, $0x280, v0;
	v5 =	vsel vm9, $0x2280, v5;
	v6 =	vsel vm9, $0x4280, v6  }
0xf: {  	s1 =	stileid.u32;
	s3 =	rddreg [dreg:$0x2];
	v7 =	vsel vm9, $0x6280, v7;
	v0 =	vsel vm7, $0x300, v0;
	v5 =	vsel vm7, $0x2300, v5  }
0x10: {  	s4 =	rddreg [dreg:$0x3];
	s7 =	sand.u32 $0x1, s0;
	s26 =	sshll.u32 s1, $0x1;
	v6 =	vsel vm7, $0x4300, v6;
	v7 =	vsel vm7, $0x6300, v7;
	v0 =	vsel vm8, $0x380, v0  }
0x11: {  	s8 =	rddreg [dreg:$0x4];
	s6 =	simm.s32 $0x0;
	s5 =	sor.u32 s7, s26;
	v5 =	vsel vm8, $0x2380, v5;
	v6 =	vsel vm8, $0x4380, v6;
	v7 =	vsel vm8, $0x6380, v7  }
0x12: {  	s16 =	simm.s32 $0x19100;
	s17 =	simm.s32 $0x1000;
	s0 =	smul.u32 $0x7A00, s5;
	v0 =	vsel vm6, $0x1000, v0;
	v5 =	vsel vm6, $0x3000, v5;
	v6 =	vsel vm6, $0x5000, v6  }
0x13: {  	s18 =	simm.s32 $0x5;
	s19 =	simm.s32 $0x7A1400;
	s20 =	simm.s32 $0x9100;
	v7 =	vsel vm6, $0x7000, v7;
	v0 =	vsel vm5, $0x1080, v0;
	v5 =	vsel vm5, $0x3080, v5  }
0x14: {  	s21 =	simm.s32 $0x1;
	p0 =	seq.s32 s5, $0x1F;
	s1 =	sadd.s32 $0x7A00, s0;
	v6 =	vsel vm5, $0x5080, v6;
	v7 =	vsel vm5, $0x7080, v7;
	v1 =	vsel vm4, $0x1100, v0  }
0x15: {  	s22 =	simm.s32 $0x11100;
	s23 =	simm.s32 $0x2;
	s1 =	simm.s32 @p0 $0xF4240;
	v0 =	vmov s0;
	v5 =	vsel vm4, $0x3100, v5;
	v6 =	vsel vm4, $0x5100, v6  }
0x16: {  	s24 =	simm.s32 $0x4;
	s25 =	simm.s32 $0x3;
	s7 =	ssub.s32 $0x2, s7;
	v7 =	vsel vm4, $0x7100, v7;
	v2 =	vsel vm3, $0x1180, v1;
	v1 =	vmov s1  }
0x17: {  	[smem:$0x7FF] =	sst s6;
	s9 =	sadd.s32 $0x1000, s8;
	s12 =	sshrl.u32 s7, $0x1;
	v5 =	vsel vm3, $0x3180, v5;
	v6 =	vsel vm3, $0x5180, v6;
	v7 =	vsel vm3, $0x7180, v7  }
0x18: {  	s28 =	sadd.s32 $0x1400, s8;
	s29 =	ssub.s32 s7, s12;
	s1 =	rddreg [dreg:$0x0];
	v3 =	vsel vm2, $0x1200, v2;
	v2 =	vlaneseq.u32;
	v5 =	vsel vm2, $0x3200, v5  }
.Ltmp0:
0x19: {  	_ =	strace $0x80000047;
	[dreg:$0x6] =	wrdreg s9;
	v4 =	vsel vm1, $0x1280, v3;
	v3 =	vmul.u32 $0x8000, v2;
	v8 =	vsel vm1, $0x3280, v5;
	(pc) =	sbr.rel .LBB2_1-.Ltmp0, $4  }
0x1a: {  	s10 =	sadd.s32 $0x1800, s8;
	s31 =	smax.u32 s29, $0x1;
	[dreg:$0x7] =	wrdreg s28;
	v5 =	vsel vm2, $0x5200, v6;
	v6 =	vsel vm2, $0x7200, v7;
	v4 =	vsel vm0, $0x1300, v4  }
0x1b: {  	s9 =	smul.u32 $0x3D000, s5;
	[dreg:$0xa] =	wrdreg s31;
	s30 =	sadd.s32 s1, s0;
	v7 =	vsel vm1, $0x5280, v5;
	v9 =	vsel vm1, $0x7280, v6;
	v5 =	vmul.u32 $0x80, v2  }
0x1c: {  	s11 =	sadd.s32 $0x21800, s8;
	s0 =	sadd.s32 s2, s0;
	[dreg:$0x8] =	wrdreg s30;
	v6 =	vsel vm0, $0x3300, v8;
	v7 =	vsel vm0, $0x5300, v7;
	v8 =	vsel vm0, $0x7300, v9  }
0x1d: {  	s5 =	simm.s32 $0x0;
	s13 =	sadd.s32 $0x2000, s9;
	[dreg:$0x9] =	wrdreg s0;
	v9 =	vor.u32 $0x800, v5;
	v10 =	vor.u32 $0x1000, v5;
	v11 =	vor.u32 $0x1800, v5  }
.LBB2_60:
0x1e: {  	[sflag:s24] =	ssyncadd.s32 $0xFFFFFFC0  }
.LBB2_61:
0x1f: {  	s5 =	sadd.s32 $0x1, s5;
	s0 =	rddreg [dreg:$0xa]  }
0x20: {  	p0 =	sne.s32 s5, s0  }
.Ltmp1:
0x21: {  	_ = 	snop;
	(pc) =	sbr.rel @!p0 .LBB2_62-.Ltmp1, $1  }
0x22: {  	_ =	sdelay $0x3  }
.LBB2_1:
0x23: {  	[dreg:$0xb] =	wrdreg s5;
	s5 =	simm.s32 $0x0;
	s7 =	simm.s32 $0x0  }
.LBB2_2:
0x24: {  	s0 =	sshll.u32 s7, $0x9  }
0x25: {  	s8 =	simm.s32 $0x0;
	s0 =	sadd.s32 s3, s0  }
0x26: {  	[tilespmem:s8], [sflag:$0x5] =	stream.linear.gather [hbm4b:s0+s8], $0x1000, $0x38;
	[tilespmem:$0x1C180] =	vst v63  }
0x27: {  	_ =	swait.ge [sflag:s18], $0x1000  }
0x28: {  	[sflag:s18] =	ssyncset.done $0x0  }
0x29: {  	[sflag:s18] =	ssyncadd.s32 $0xFFFFF000  }
0x2a: {  	v12 =	vld [tilespmem:s8+$0x0];
	_ =	sdelay $0x4  }
0x2b: {  	vm0 =	vge.s32 v12, v0;
	vm1 =	vlt.s32 v12, v1  }
0x2c: {  	vm0 =	vmand vm0, vm1  }
0x2d: {  	v14 =	vmpcnt.ones.xlane vm0;
	_ =	sdelay $0x1  }
0x2e: {  	s0 =	sshll.u32 s7, $0xC;
	(v2sf) =	vpush v14, $0x0  }
0x2f: {  	s8 =	sor.u32 s0, s8  }
0x30: {  	v13 =	vmov s8  }
0x31: {  	v13 =	vshll.u32 v13, $0xF  }
0x32: {  	v13 =	vor.u32 v3, v13;
	v12 =	vsub.s32 v12, v0  }
0x33: {  	v12 =	vor.u32 v13, v12  }
0x34: {  	s8 =	simm.s32 $0x10;
	[tilespmem:s5+$0x1000] =	vst.msk vm0, v12  }
0x35: {  	s12 =	simm.s32 $0x20;
	s28 =	simm.s32 $0x10;
	v12 =	vld [tilespmem:s8+$0x0]  }
.LBB2_3:
0x36: {  	p0 =	sne.s32 s12, $0xFF0;
	_ =	sdelay $0x3  }
0x37: {  	s14 =	sor.u32 s0, s8;
	s8 =	smov.u32 s12;
	vm0 =	vge.s32 v12, v0;
	vm1 =	vlt.s32 v12, v1;
	v12 =	vsub.s32 v12, v0  }
0x38: {  	v13 =	vmov s14;
	vm0 =	vmand vm0, vm1  }
0x39: {  	v13 =	vshll.u32 v13, $0xF;
	v14 =	vmpcnt.ones.xlane vm0  }
0x3a: {  	v13 =	vor.u32 v3, v13;
	s14 =	spop (v2sf)  }
0x3b: {  	v12 =	vor.u32 v13, v12;
	(v2sf) =	vpush v14, $0x0;
	s5 =	sadd.s32 s5, s14  }
0x3c: {  	[tilespmem:s5+$0x1000] =	vst.msk vm0, v12;
	_ =	sdelay $0x1  }
.Ltmp2:
0x3d: {  	(pc) =	sbr.rel @p0 .LBB2_3-.Ltmp2, $3  }
0x3e: {  	_ =	sdelay $0x1  }
0x3f: {  	s28 =	sadd.s32 $0x10, s28  }
0x40: {  	s12 =	sadd.s32 $0x10, s12;
	v12 =	vld [tilespmem:s28+$0x0]  }
0x41: {  	_ =	sdelay $0x3  }
0x42: {  	vm0 =	vge.s32 v12, v0;
	vm1 =	vlt.s32 v12, v1  }
0x43: {  	vm0 =	vmand vm0, vm1  }
0x44: {  	v13 =	vmpcnt.ones.xlane vm0;
	_ =	sdelay $0x1  }
0x45: {  	(v2sf) =	vpush v13, $0x0;
	_ =	sdelay $0x9  }
0x46: {  	s7 =	sadd.s32 $0x1, s7  }
0x47: {  	s0 =	sor.u32 s0, s8;
	p0 =	sne.s32 s7, $0x4  }
.Ltmp3:
0x48: {  	v62 =	vmov s0;
	(pc) =	sbr.rel @p0 .LBB2_2-.Ltmp3, $4  }
0x49: {  	v13 =	vshll.u32 v62, $0xF  }
0x4a: {  	v63 =	vsub.s32 v12, v0;
	s30 =	spop (v2sf);
	v13 =	vor.u32 v3, v13  }
0x4b: {  	s0 =	sadd.s32 s5, s30;
	v12 =	vor.u32 v13, v63;
	s31 =	spop (v2sf)  }
0x4c: {  	[tilespmem:s0+$0x1000] =	vst.msk vm0, v12;
	s5 =	sadd.s32 s0, s31;
	s0 =	simm.s32 $0x0  }
0x4d: {  	s28 =	simm.s32 $0x0;
	s7 =	simm.s32 $0x0  }
.LBB2_6:
0x4e: {  	s8 =	sshll.u32 s7, $0x9  }
0x4f: {  	s8 =	sadd.s32 s4, s8  }
0x50: {  	[tilespmem:s0], [sflag:$0x5] =	stream.linear.gather [hbm4b:s8+s0], $0x1000, $0x38;
	[tilespmem:$0x1C180] =	vst v63  }
0x51: {  	_ =	swait.ge [sflag:s18], $0x1000  }
0x52: {  	[sflag:s18] =	ssyncset.done $0x0  }
0x53: {  	[sflag:s18] =	ssyncadd.s32 $0xFFFFF000  }
0x54: {  	v12 =	vld [tilespmem:s0+$0x0];
	_ =	sdelay $0x4  }
0x55: {  	vm0 =	vge.s32 v12, v0;
	vm1 =	vlt.s32 v12, v1  }
0x56: {  	vm0 =	vmand vm0, vm1  }
0x57: {  	v14 =	vmpcnt.ones.xlane vm0;
	_ =	sdelay $0x1  }
0x58: {  	s8 =	sshll.u32 s7, $0xC;
	(v2sf) =	vpush v14, $0x0  }
0x59: {  	s12 =	sor.u32 s8, s0  }
0x5a: {  	v13 =	vmov s12  }
0x5b: {  	v13 =	vshll.u32 v13, $0xF  }
0x5c: {  	v13 =	vor.u32 v3, v13;
	v12 =	vsub.s32 v12, v0  }
0x5d: {  	v12 =	vor.u32 v13, v12  }
0x5e: {  	s12 =	simm.s32 $0x10;
	[tilespmem:s28+$0x5080] =	vst.msk vm0, v12  }
0x5f: {  	s29 =	simm.s32 $0x20;
	s30 =	simm.s32 $0x10;
	v12 =	vld [tilespmem:s12+$0x0]  }
.LBB2_7:
0x60: {  	p0 =	sne.s32 s29, $0xFF0;
	_ =	sdelay $0x3  }
0x61: {  	s14 =	sor.u32 s8, s12;
	s12 =	smov.u32 s29;
	vm0 =	vge.s32 v12, v0;
	vm1 =	vlt.s32 v12, v1;
	v12 =	vsub.s32 v12, v0  }
0x62: {  	v13 =	vmov s14;
	vm0 =	vmand vm0, vm1  }
0x63: {  	v13 =	vshll.u32 v13, $0xF;
	v14 =	vmpcnt.ones.xlane vm0  }
0x64: {  	v13 =	vor.u32 v3, v13;
	s14 =	spop (v2sf)  }
0x65: {  	v12 =	vor.u32 v13, v12;
	(v2sf) =	vpush v14, $0x0;
	s28 =	sadd.s32 s28, s14  }
0x66: {  	[tilespmem:s28+$0x5080] =	vst.msk vm0, v12;
	_ =	sdelay $0x1  }
.Ltmp4:
0x67: {  	(pc) =	sbr.rel @p0 .LBB2_7-.Ltmp4, $3  }
0x68: {  	_ =	sdelay $0x1  }
0x69: {  	s30 =	sadd.s32 $0x10, s30  }
0x6a: {  	s29 =	sadd.s32 $0x10, s29;
	v12 =	vld [tilespmem:s30+$0x0]  }
0x6b: {  	_ =	sdelay $0x3  }
0x6c: {  	vm0 =	vge.s32 v12, v0;
	vm1 =	vlt.s32 v12, v1  }
0x6d: {  	vm0 =	vmand vm0, vm1  }
0x6e: {  	v13 =	vmpcnt.ones.xlane vm0;
	_ =	sdelay $0x1  }
0x6f: {  	(v2sf) =	vpush v13, $0x0;
	_ =	sdelay $0x9  }
0x70: {  	s7 =	sadd.s32 $0x1, s7  }
0x71: {  	s8 =	sor.u32 s8, s12;
	p0 =	sne.s32 s7, $0x4  }
.Ltmp5:
0x72: {  	v62 =	vmov s8;
	(pc) =	sbr.rel @p0 .LBB2_6-.Ltmp5, $4  }
0x73: {  	v13 =	vshll.u32 v62, $0xF  }
0x74: {  	v63 =	vsub.s32 v12, v0;
	s30 =	spop (v2sf);
	v13 =	vor.u32 v3, v13  }
0x75: {  	s8 =	sadd.s32 s28, s30;
	v12 =	vor.u32 v13, v63;
	s31 =	spop (v2sf)  }
0x76: {  	[tilespmem:s8+$0x5080] =	vst.msk vm0, v12;
	s28 =	sadd.s32 s8, s31  }
0x77: {  	s29 =	simm.s32 $0x0;
	s0 =	rddreg [dreg:$0x6]  }
0x78: {  	[tilespmem:s16], [sflag:$0x5] =	stream.linear.gather [hbm4b:s0+s29], $0x2000, $0x38;
	[tilespmem:$0x1C180] =	vst v63  }
.Ltmp6:
0x79: {  	_ = 	snop;
	(pc) =	sbr.rel .LBB2_10-.Ltmp6, $4  }
0x7a: {  	s26 =	sadd.s32 $0xF, s5;
	_ =	swait.ge [sflag:s18], $0x2000  }
0x7b: {  	s31 =	simm.s32 $0x0;
	s30 =	sshra.s32 s26, $0x4;
	[sflag:s18] =	ssyncset.done $0x0  }
0x7c: {  	p0 =	slt.s32 s30, $0x1;
	s15 =	rddreg [dreg:$0x8];
	[sflag:s18] =	ssyncadd.s32 $0xFFFFE000  }
0x7d: {  	v12 =	vmov s5;
	[tilespmem:s20], [sflag:$0x1] =	stream.strided.gather [hbm4b:s15+s17], $0x8000, s19, s17, $0x38;
	[tilespmem:$0x1C180] =	vst v63  }
.LBB2_24:
0x7e: {  	s31 =	sadd.s32 $0x1, s31  }
0x7f: {  	p1 =	seq.s32 s31, $0x1F  }
.Ltmp7:
0x80: {  	_ = 	snop;
	(pc) =	sbr.rel @p1 .LBB2_25-.Ltmp7, $1  }
0x81: {  	_ =	sdelay $0x3  }
.LBB2_10:
0x82: {  	s5 =	sshllo.u32 s31, $0x1  }
.Ltmp8:
0x83: {  	s0 =	sshll.u32 s5, $0xC;
	(pc) =	sbr.rel @p0 .LBB2_17-.Ltmp8, $4  }
0x84: {  	_ =	swait.ge [sflag:s21], $0x8000;
	s0 =	sadd.s32 s9, s0  }
0x85: {  	[sflag:s21] =	ssyncset.done $0x0;
	s0 =	sshrl.u32 s0, $0x3  }
0x86: {  	[sflag:s21] =	ssyncadd.s32 $0xFFFF8000;
	s0 =	sadd.s32 s1, s0  }
0x87: {  	[tilespmem:s22], [sflag:$0x2] =	stream.strided.gather [hbm4b:s0+s17], $0x8000, s19, s17, $0x38;
	[tilespmem:$0x1C180] =	vst v63  }
.Ltmp9:
0x88: {  	(pc) =	sbr.rel .LBB2_12-.Ltmp9, $3  }
0x89: {  	_ =	sdelay $0x1  }
0x8a: {  	s0 =	sshll.u32 s31, $0x1  }
0x8b: {  	s7 =	simm.s32 $0x0;
	v13 =	vmov s0;
	s0 =	sshll.u32 s31, $0xA  }
.LBB2_15:
0x8c: {  	[sflag:s14] =	ssyncset.done @!p2 $0x0  }
0x8d: {  	s29 =	sadd.s32 $0x1, s29;
	[sflag:s14] =	ssyncadd.s32 @!p2 $0xFFFFFC00  }
.LBB2_16:
0x8e: {  	s7 =	sadd.s32 $0x1, s7  }
0x8f: {  	p1 =	sne.s32 s7, s30  }
.Ltmp10:
0x90: {  	_ = 	snop;
	(pc) =	sbr.rel @!p1 .LBB2_17-.Ltmp10, $1  }
0x91: {  	_ =	sdelay $0x3  }
.LBB2_12:
0x92: {  	s8 =	sshll.u32 s7, $0x4  }
0x93: {  	v14 =	vld [tilespmem:s8+$0x1000];
	_ =	sdelay $0x4  }
0x94: {  	v15 =	vshrl.u32 v14, $0x9  }
0x95: {  	v16 =	vor.u32 s8, v2;
	v15 =	vand.u32 $0x3F, v15  }
0x96: {  	vm1 =	vlt.s32 v16, v12;
	vm0 =	veq.s32 v15, v13  }
0x97: {  	vm0 =	vmand vm1, vm0  }
0x98: {  	v15 =	vmpcnt.ones.xlane vm0;
	_ =	sdelay $0x1  }
0x99: {  	(v2sf) =	vpush v15, $0x0;
	_ =	sdelay $0xe  }
0x9a: {  	s8 =	spop (v2sf)  }
0x9b: {  	p1 =	slt.s32 s8, $0x1  }
.Ltmp11:
0x9c: {  	_ = 	snop;
	(pc) =	sbr.rel @p1 .LBB2_16-.Ltmp11, $3  }
0x9d: {  	_ =	sdelay $0x1  }
0x9e: {  	s12 =	simm.s32 $0x1C100  }
0x9f: {  	[tilespmem:s12+$0x0] =	vst.msk vm0, v14  }
0xa0: {  	v14 =	vld [tilespmem:s12+$0x0];
	_ =	sdelay $0x4  }
0xa1: {  	(v2sf) =	vpush v14, $0x0;
	_ =	sdelay $0xe  }
0xa2: {  	s14 =	spop (v2sf)  }
0xa3: {  	s15 =	sand.u32 $0x7FFF, s14  }
0xa4: {  	s15 =	ssub.s32 s15, s0  }
0xa5: {  	v14 =	vmov s15  }
0xa6: {  	v15 =	vshll.u32 v14, $0x3  }
0xa7: {  	v14 =	vand.u32 $0x7F, v14;
	v15 =	vand.u32 $0xFFFFFC00, v15  }
0xa8: {  	v14 =	vor.u32 v14, v15  }
0xa9: {  	v15 =	vadd.s32 v4, v14;
	_ =	sdelay $0x4  }
0xaa: {  	v15 =	vld.idx.msk [tilespmem:v15+s20+$0x0], $0xffff  }
0xab: {  	v16 =	vadd.s32 v6, v14;
	_ =	sdelay $0x1  }
0xac: {  	s15 =	sand.u32 $0xF, s29  }
0xad: {  	s26 =	sshll.u32 s15, $0x7  }
0xae: {  	[tilespmem:s26+$0x1B100] =	vst v15  }
0xaf: {  	v15 =	vld.idx.msk [tilespmem:v16+s20+$0x0], $0xffff  }
0xb0: {  	v63 =	vadd.s32 v7, v14;
	_ =	sdelay $0x3  }
0xb1: {  	[tilespmem:s26+$0x1B110] =	vst v15  }
0xb2: {  	v15 =	vld.idx.msk [tilespmem:v63+s20+$0x0], $0xffff  }
0xb3: {  	v14 =	vadd.s32 v8, v14;
	_ =	sdelay $0x3  }
0xb4: {  	[tilespmem:s26+$0x1B120] =	vst v15  }
0xb5: {  	v14 =	vld.idx.msk [tilespmem:v14+s20+$0x0], $0xffff;
	_ =	sdelay $0x1  }
0xb6: {  	s8 =	sadd.s32 $0xFFFFFFFF, s8  }
0xb7: {  	p1 =	sne.s32 s8, $0x0;
	s14 =	sshra.s32 s14, $0xC  }
.Ltmp12:
0xb8: {  	s14 =	sand.u32 $0x1FFFFFF8, s14;
	(pc) =	sbr.rel @!p1 .LBB2_15-.Ltmp12, $4  }
0xb9: {  	s14 =	sadd.s32 s10, s14;
	p2 =	sne.s32 s15, $0xF;
	s3 =	sadd.s32 $0x1B100, s26;
	[tilespmem:s26+$0x1B130] =	vst v14  }
0xba: {  	[hbm4b:s14+s6] =	stream.linear.scatter [tilespmem:s3], [sflag:$0x3], $0x40, $0x38;
	[tilespmem:$0x1C180] =	vst v63  }
0xbb: {  	s14 =	simm.s32 @!p2 $0x3  }
0xbc: {  	s12 =	sadd.s32 $0x1, s12;
	_ =	swait.ge @!p2 [sflag:s14], $0x400  }
.LBB2_14:
0xbd: {  	s8 =	sadd.s32 $0xFFFFFFFF, s8;
	[sflag:s14] =	ssyncset.done @!p2 $0x0;
	s29 =	sadd.s32 $0x1, s29  }
0xbe: {  	p1 =	sne.s32 s8, $0x0;
	[sflag:s14] =	ssyncadd.s32 @!p2 $0xFFFFFC00  }
0xbf: {  	v14 =	vld [tilespmem:s12+$0x0];
	_ =	sdelay $0x4  }
0xc0: {  	(v2sf) =	vpush v14, $0x0;
	_ =	sdelay $0xe  }
0xc1: {  	s3 =	spop (v2sf)  }
0xc2: {  	s14 =	sand.u32 $0x7FFF, s3;
	s3 =	sshra.s32 s3, $0xC  }
0xc3: {  	s14 =	ssub.s32 s14, s0  }
0xc4: {  	v14 =	vmov s14  }
0xc5: {  	v15 =	vand.u32 $0x7F, v14;
	v14 =	vshll.u32 v14, $0x3  }
0xc6: {  	v14 =	vand.u32 $0xFFFFFC00, v14  }
0xc7: {  	v14 =	vor.u32 v15, v14  }
0xc8: {  	v15 =	vadd.s32 v4, v14;
	_ =	sdelay $0x4  }
0xc9: {  	v15 =	vld.idx.msk [tilespmem:v15+s20+$0x0], $0xffff  }
0xca: {  	v16 =	vadd.s32 v6, v14;
	_ =	sdelay $0x1  }
0xcb: {  	s14 =	sand.u32 $0xF, s29  }
0xcc: {  	s15 =	sshll.u32 s14, $0x7;
	_ =	sdelay $0x1  }
0xcd: {  	[tilespmem:s15+$0x1B100] =	vst v15  }
0xce: {  	v15 =	vld.idx.msk [tilespmem:v16+s20+$0x0], $0xffff  }
0xcf: {  	v16 =	vadd.s32 v7, v14;
	_ =	sdelay $0x4  }
0xd0: {  	[tilespmem:s15+$0x1B110] =	vst v15  }
0xd1: {  	v15 =	vld.idx.msk [tilespmem:v16+s20+$0x0], $0xffff  }
0xd2: {  	v14 =	vadd.s32 v8, v14;
	_ =	sdelay $0x4  }
0xd3: {  	[tilespmem:s15+$0x1B120] =	vst v15  }
0xd4: {  	v14 =	vld.idx.msk [tilespmem:v14+s20+$0x0], $0xffff;
	_ =	sdelay $0x3  }
.Ltmp13:
0xd5: {  	s3 =	sand.u32 $0x1FFFFFF8, s3;
	(pc) =	sbr.rel @p1 .LBB2_14-.Ltmp13, $4  }
0xd6: {  	s3 =	sadd.s32 s10, s3;
	p2 =	sne.s32 s14, $0xF;
	s26 =	sadd.s32 $0x1B100, s15  }
0xd7: {  	s14 =	simm.s32 @!p2 $0x3;
	[tilespmem:s15+$0x1B130] =	vst v14  }
0xd8: {  	[hbm4b:s3+s6] =	stream.linear.scatter [tilespmem:s26], [sflag:$0x3], $0x40, $0x38;
	[tilespmem:$0x1C180] =	vst v63  }
0xd9: {  	s12 =	sadd.s32 $0x1, s12;
	_ =	swait.ge @!p2 [sflag:s14], $0x400  }
.Ltmp14:
0xda: {  	_ = 	snop;
	(pc) =	sbr.rel .LBB2_15-.Ltmp14, $1  }
0xdb: {  	_ =	sdelay $0x3  }
.LBB2_17:
0xdc: {  	p1 =	seq.s32 s31, $0x1E  }
.Ltmp15:
0xdd: {  	_ =	swait.ge [sflag:s23], $0x8000;
	s0 =	sshll.u32 @!p1 s31, $0xD;
	(pc) =	sbr.rel @p0 .LBB2_63-.Ltmp15, $4  }
0xde: {  	[sflag:s23] =	ssyncset.done $0x0;
	s0 =	sadd.s32 @!p1 s0, s13  }
0xdf: {  	s3 =	simm.s32 @!p1 $0x1000;
	s7 =	simm.s32 @!p1 $0x7A1400;
	s0 =	sshrl.u32 @!p1 s0, $0x3  }
0xe0: {  	s8 =	simm.s32 @!p1 $0x9100;
	[sflag:s23] =	ssyncadd.s32 $0xFFFF8000;
	s0 =	sadd.s32 @!p1 s1, s0  }
0xe1: {  	[tilespmem:s8], [sflag:$0x1] =	stream.strided.gather @!p1 [hbm4b:s0+s3], $0x8000, s7, s3, $0x38;
	[tilespmem:$0x1C180] =	vst v63  }
.Ltmp16:
0xe2: {  	(pc) =	sbr.rel .LBB2_19-.Ltmp16, $2  }
0xe3: {  	_ =	sdelay $0x2  }
0xe4: {  	v13 =	vmov s5;
	s0 =	sshll.u32 s5, $0x9;
	s5 =	simm.s32 $0x0  }
.LBB2_22:
0xe5: {  	[sflag:s12] =	ssyncset.done @!p2 $0x0  }
0xe6: {  	s29 =	sadd.s32 $0x1, s29;
	[sflag:s12] =	ssyncadd.s32 @!p2 $0xFFFFFC00  }
.LBB2_23:
0xe7: {  	s5 =	sadd.s32 $0x1, s5  }
0xe8: {  	p1 =	sne.s32 s5, s30  }
.Ltmp17:
0xe9: {  	_ = 	snop;
	(pc) =	sbr.rel @!p1 .LBB2_24-.Ltmp17, $1  }
0xea: {  	_ =	sdelay $0x3  }
.LBB2_19:
0xeb: {  	s3 =	sshll.u32 s5, $0x4  }
0xec: {  	v14 =	vld [tilespmem:s3+$0x1000];
	_ =	sdelay $0x4  }
0xed: {  	v15 =	vshrl.u32 v14, $0x9  }
0xee: {  	v16 =	vor.u32 s3, v2;
	v15 =	vand.u32 $0x3F, v15  }
0xef: {  	vm1 =	vlt.s32 v16, v12;
	vm0 =	veq.s32 v15, v13  }
0xf0: {  	vm0 =	vmand vm1, vm0  }
0xf1: {  	v15 =	vmpcnt.ones.xlane vm0;
	_ =	sdelay $0x1  }
0xf2: {  	(v2sf) =	vpush v15, $0x0;
	_ =	sdelay $0xe  }
0xf3: {  	s7 =	spop (v2sf)  }
0xf4: {  	p1 =	slt.s32 s7, $0x1  }
.Ltmp18:
0xf5: {  	_ = 	snop;
	(pc) =	sbr.rel @p1 .LBB2_23-.Ltmp18, $3  }
0xf6: {  	_ =	sdelay $0x1  }
0xf7: {  	s8 =	simm.s32 $0x1C100  }
0xf8: {  	[tilespmem:s8+$0x0] =	vst.msk vm0, v14  }
0xf9: {  	v14 =	vld [tilespmem:s8+$0x0];
	_ =	sdelay $0x4  }
0xfa: {  	(v2sf) =	vpush v14, $0x0;
	_ =	sdelay $0xe  }
0xfb: {  	s3 =	spop (v2sf)  }
0xfc: {  	s12 =	sand.u32 $0x7FFF, s3  }
0xfd: {  	s12 =	ssub.s32 s12, s0  }
0xfe: {  	v14 =	vmov s12  }
0xff: {  	v15 =	vshll.u32 v14, $0x3  }
0x100: {  	v14 =	vand.u32 $0x7F, v14;
	v15 =	vand.u32 $0xFFFFFC00, v15  }
0x101: {  	v14 =	vor.u32 v14, v15  }
0x102: {  	v15 =	vadd.s32 v4, v14;
	_ =	sdelay $0x4  }
0x103: {  	v15 =	vld.idx.msk [tilespmem:v15+s22+$0x0], $0xffff  }
0x104: {  	v16 =	vadd.s32 v6, v14;
	_ =	sdelay $0x1  }
0x105: {  	s26 =	sand.u32 $0xF, s29  }
0x106: {  	s14 =	sshll.u32 s26, $0x7  }
0x107: {  	[tilespmem:s14+$0x1B100] =	vst v15  }
0x108: {  	v15 =	vld.idx.msk [tilespmem:v16+s22+$0x0], $0xffff  }
0x109: {  	v63 =	vadd.s32 v7, v14;
	_ =	sdelay $0x3  }
0x10a: {  	[tilespmem:s14+$0x1B110] =	vst v15  }
0x10b: {  	v15 =	vld.idx.msk [tilespmem:v63+s22+$0x0], $0xffff  }
0x10c: {  	v14 =	vadd.s32 v8, v14;
	_ =	sdelay $0x3  }
0x10d: {  	[tilespmem:s14+$0x1B120] =	vst v15  }
0x10e: {  	v14 =	vld.idx.msk [tilespmem:v14+s22+$0x0], $0xffff  }
0x10f: {  	s7 =	sadd.s32 $0xFFFFFFFF, s7  }
0x110: {  	p1 =	sne.s32 s7, $0x0  }
.Ltmp19:
0x111: {  	s3 =	sshra.s32 s3, $0xC;
	(pc) =	sbr.rel @!p1 .LBB2_22-.Ltmp19, $4  }
0x112: {  	p2 =	sne.s32 s26, $0xF;
	s3 =	sand.u32 $0x1FFFFFF8, s3  }
0x113: {  	s15 =	sadd.s32 $0x1B100, s14;
	s3 =	sadd.s32 s10, s3;
	s12 =	simm.s32 @!p2 $0x3;
	[tilespmem:s14+$0x1B130] =	vst v14  }
0x114: {  	[hbm4b:s3+s6] =	stream.linear.scatter [tilespmem:s15], [sflag:$0x3], $0x40, $0x38;
	[tilespmem:$0x1C180] =	vst v63  }
0x115: {  	s8 =	sadd.s32 $0x1, s8;
	_ =	swait.ge @!p2 [sflag:s12], $0x400  }
.LBB2_21:
0x116: {  	s7 =	sadd.s32 $0xFFFFFFFF, s7;
	[sflag:s12] =	ssyncset.done @!p2 $0x0;
	s29 =	sadd.s32 $0x1, s29  }
0x117: {  	p1 =	sne.s32 s7, $0x0;
	[sflag:s12] =	ssyncadd.s32 @!p2 $0xFFFFFC00  }
0x118: {  	v14 =	vld [tilespmem:s8+$0x0];
	_ =	sdelay $0x4  }
0x119: {  	(v2sf) =	vpush v14, $0x0;
	_ =	sdelay $0xe  }
0x11a: {  	s3 =	spop (v2sf)  }
0x11b: {  	s12 =	sand.u32 $0x7FFF, s3;
	s3 =	sshra.s32 s3, $0xC  }
0x11c: {  	s12 =	ssub.s32 s12, s0  }
0x11d: {  	v14 =	vmov s12  }
0x11e: {  	v15 =	vand.u32 $0x7F, v14;
	v14 =	vshll.u32 v14, $0x3  }
0x11f: {  	v14 =	vand.u32 $0xFFFFFC00, v14  }
0x120: {  	v14 =	vor.u32 v15, v14  }
0x121: {  	v15 =	vadd.s32 v4, v14;
	_ =	sdelay $0x4  }
0x122: {  	v15 =	vld.idx.msk [tilespmem:v15+s22+$0x0], $0xffff  }
0x123: {  	v16 =	vadd.s32 v6, v14;
	_ =	sdelay $0x1  }
0x124: {  	s12 =	sand.u32 $0xF, s29  }
0x125: {  	s14 =	sshll.u32 s12, $0x7;
	_ =	sdelay $0x1  }
0x126: {  	[tilespmem:s14+$0x1B100] =	vst v15  }
0x127: {  	v15 =	vld.idx.msk [tilespmem:v16+s22+$0x0], $0xffff  }
0x128: {  	v16 =	vadd.s32 v7, v14;
	_ =	sdelay $0x4  }
0x129: {  	[tilespmem:s14+$0x1B110] =	vst v15  }
0x12a: {  	v15 =	vld.idx.msk [tilespmem:v16+s22+$0x0], $0xffff  }
0x12b: {  	v14 =	vadd.s32 v8, v14;
	_ =	sdelay $0x4  }
0x12c: {  	[tilespmem:s14+$0x1B120] =	vst v15  }
0x12d: {  	v14 =	vld.idx.msk [tilespmem:v14+s22+$0x0], $0xffff;
	_ =	sdelay $0x3  }
.Ltmp20:
0x12e: {  	s3 =	sand.u32 $0x1FFFFFF8, s3;
	(pc) =	sbr.rel @p1 .LBB2_21-.Ltmp20, $4  }
0x12f: {  	s3 =	sadd.s32 s10, s3;
	p2 =	sne.s32 s12, $0xF;
	s15 =	sadd.s32 $0x1B100, s14  }
0x130: {  	s12 =	simm.s32 @!p2 $0x3;
	[tilespmem:s14+$0x1B130] =	vst v14  }
0x131: {  	[hbm4b:s3+s6] =	stream.linear.scatter [tilespmem:s15], [sflag:$0x3], $0x40, $0x38;
	[tilespmem:$0x1C180] =	vst v63  }
0x132: {  	s8 =	sadd.s32 $0x1, s8;
	_ =	swait.ge @!p2 [sflag:s12], $0x400  }
.Ltmp21:
0x133: {  	_ = 	snop;
	(pc) =	sbr.rel .LBB2_22-.Ltmp21, $1  }
0x134: {  	_ =	sdelay $0x3  }
.LBB2_63:
0x135: {  	s31 =	sadd.s32 $0x1, s31  }
0x136: {  	p1 =	seq.s32 s31, $0x1F  }
.Ltmp22:
0x137: {  	_ = 	snop;
	(pc) =	sbr.rel @!p1 .LBB2_10-.Ltmp22, $1  }
0x138: {  	_ =	sdelay $0x3  }
.LBB2_31:
0x139: {  	s0 =	sand.u32 $0xF, s29  }
0x13a: {  	p0 =	seq.s32 s0, $0x0  }
.Ltmp23:
0x13b: {  	_ = 	snop;
	(pc) =	sbr.rel @p0 .LBB2_35-.Ltmp23, $1  }
0x13c: {  	_ =	sdelay $0x3  }
0x13d: {  	p0 =	sne.s32 s0, $0x1  }
.Ltmp24:
0x13e: {  	_ = 	snop;
	(pc) =	sbr.rel @!p0 .LBB2_34-.Ltmp24, $3  }
0x13f: {  	_ =	sdelay $0x1  }
0x140: {  	_ =	swait.ge [sflag:s25], $0x40  }
0x141: {  	s0 =	sadd.s32 $0xFFFFFFFF, s0;
	[sflag:s25] =	ssyncset.done $0x0  }
.LBB2_33:
0x142: {  	p0 =	sne.s32 s0, $0x1;
	s0 =	sadd.s32 $0xFFFFFFFF, s0;
	[sflag:s25] =	ssyncadd.s32 $0xFFFFFFC0  }
.Ltmp25:
0x143: {  	(pc) =	sbr.rel @p0 .LBB2_33-.Ltmp25, $3  }
0x144: {  	_ =	sdelay $0x1  }
0x145: {  	_ =	swait.ge [sflag:s25], $0x40  }
0x146: {  	[sflag:s25] =	ssyncset.done $0x0  }
.LBB2_34:
0x147: {  	[sflag:s25] =	ssyncadd.s32 $0xFFFFFFC0  }
.LBB2_35:
0x148: {  	s29 =	simm.s32 $0x0;
	s0 =	rddreg [dreg:$0x7]  }
0x149: {  	[tilespmem:s16], [sflag:$0x5] =	stream.linear.gather [hbm4b:s0+s29], $0x2000, $0x38;
	[tilespmem:$0x1C180] =	vst v63  }
.Ltmp26:
0x14a: {  	_ = 	snop;
	(pc) =	sbr.rel .LBB2_36-.Ltmp26, $4  }
0x14b: {  	s31 =	sadd.s32 $0xF, s28;
	_ =	swait.ge [sflag:s18], $0x2000  }
0x14c: {  	v12 =	vmov s28;
	s28 =	simm.s32 $0x0;
	s30 =	sshra.s32 s31, $0x4;
	[sflag:s18] =	ssyncset.done $0x0  }
0x14d: {  	p0 =	slt.s32 s30, $0x1;
	s26 =	rddreg [dreg:$0x9];
	[sflag:s18] =	ssyncadd.s32 $0xFFFFE000  }
0x14e: {  	[tilespmem:s20], [sflag:$0x1] =	stream.strided.gather [hbm4b:s26+s17], $0x8000, s19, s17, $0x38;
	[tilespmem:$0x1C180] =	vst v63  }
.LBB2_50:
0x14f: {  	s28 =	sadd.s32 $0x1, s28  }
0x150: {  	p1 =	seq.s32 s28, $0x1F  }
.Ltmp27:
0x151: {  	_ = 	snop;
	(pc) =	sbr.rel @p1 .LBB2_51-.Ltmp27, $1  }
0x152: {  	_ =	sdelay $0x3  }
.LBB2_36:
0x153: {  	s5 =	sshllo.u32 s28, $0x1  }
.Ltmp28:
0x154: {  	s0 =	sshll.u32 s5, $0xC;
	(pc) =	sbr.rel @p0 .LBB2_43-.Ltmp28, $4  }
0x155: {  	_ =	swait.ge [sflag:s21], $0x8000;
	s0 =	sadd.s32 s9, s0  }
0x156: {  	[sflag:s21] =	ssyncset.done $0x0;
	s0 =	sshrl.u32 s0, $0x3  }
0x157: {  	[sflag:s21] =	ssyncadd.s32 $0xFFFF8000;
	s0 =	sadd.s32 s2, s0  }
0x158: {  	[tilespmem:s22], [sflag:$0x2] =	stream.strided.gather [hbm4b:s0+s17], $0x8000, s19, s17, $0x38;
	[tilespmem:$0x1C180] =	vst v63  }
.Ltmp29:
0x159: {  	(pc) =	sbr.rel .LBB2_38-.Ltmp29, $3  }
0x15a: {  	_ =	sdelay $0x1  }
0x15b: {  	s0 =	sshll.u32 s28, $0x1  }
0x15c: {  	s7 =	simm.s32 $0x0;
	v13 =	vmov s0;
	s0 =	sshll.u32 s28, $0xA  }
.LBB2_41:
0x15d: {  	[sflag:s14] =	ssyncset.done @!p2 $0x0  }
0x15e: {  	s29 =	sadd.s32 $0x1, s29;
	[sflag:s14] =	ssyncadd.s32 @!p2 $0xFFFFFC00  }
.LBB2_42:
0x15f: {  	s7 =	sadd.s32 $0x1, s7  }
0x160: {  	p1 =	sne.s32 s7, s30  }
.Ltmp30:
0x161: {  	_ = 	snop;
	(pc) =	sbr.rel @!p1 .LBB2_43-.Ltmp30, $1  }
0x162: {  	_ =	sdelay $0x3  }
.LBB2_38:
0x163: {  	s3 =	sshll.u32 s7, $0x4  }
0x164: {  	v14 =	vld [tilespmem:s3+$0x5080];
	_ =	sdelay $0x4  }
0x165: {  	v15 =	vshrl.u32 v14, $0x9  }
0x166: {  	v16 =	vor.u32 s3, v2;
	v15 =	vand.u32 $0x3F, v15  }
0x167: {  	vm1 =	vlt.s32 v16, v12;
	vm0 =	veq.s32 v15, v13  }
0x168: {  	vm0 =	vmand vm1, vm0  }
0x169: {  	v15 =	vmpcnt.ones.xlane vm0;
	_ =	sdelay $0x1  }
0x16a: {  	(v2sf) =	vpush v15, $0x0;
	_ =	sdelay $0xe  }
0x16b: {  	s8 =	spop (v2sf)  }
0x16c: {  	p1 =	slt.s32 s8, $0x1  }
.Ltmp31:
0x16d: {  	_ = 	snop;
	(pc) =	sbr.rel @p1 .LBB2_42-.Ltmp31, $3  }
0x16e: {  	_ =	sdelay $0x1  }
0x16f: {  	s12 =	simm.s32 $0x1C100  }
0x170: {  	[tilespmem:s12+$0x0] =	vst.msk vm0, v14  }
0x171: {  	v14 =	vld [tilespmem:s12+$0x0];
	_ =	sdelay $0x4  }
0x172: {  	(v2sf) =	vpush v14, $0x0;
	_ =	sdelay $0xe  }
0x173: {  	s3 =	spop (v2sf)  }
0x174: {  	s14 =	sand.u32 $0x7FFF, s3  }
0x175: {  	s14 =	ssub.s32 s14, s0  }
0x176: {  	v14 =	vmov s14  }
0x177: {  	v15 =	vshll.u32 v14, $0x3  }
0x178: {  	v14 =	vand.u32 $0x7F, v14;
	v15 =	vand.u32 $0xFFFFFC00, v15  }
0x179: {  	v14 =	vor.u32 v14, v15  }
0x17a: {  	v15 =	vadd.s32 v4, v14;
	_ =	sdelay $0x4  }
0x17b: {  	v15 =	vld.idx.msk [tilespmem:v15+s20+$0x0], $0xffff  }
0x17c: {  	v16 =	vadd.s32 v6, v14;
	_ =	sdelay $0x1  }
0x17d: {  	s31 =	sand.u32 $0xF, s29  }
0x17e: {  	s15 =	sshll.u32 s31, $0x7  }
0x17f: {  	[tilespmem:s15+$0x1B900] =	vst v15  }
0x180: {  	v15 =	vld.idx.msk [tilespmem:v16+s20+$0x0], $0xffff  }
0x181: {  	v63 =	vadd.s32 v7, v14;
	_ =	sdelay $0x3  }
0x182: {  	[tilespmem:s15+$0x1B910] =	vst v15  }
0x183: {  	v15 =	vld.idx.msk [tilespmem:v63+s20+$0x0], $0xffff  }
0x184: {  	v14 =	vadd.s32 v8, v14;
	_ =	sdelay $0x3  }
0x185: {  	[tilespmem:s15+$0x1B920] =	vst v15  }
0x186: {  	v14 =	vld.idx.msk [tilespmem:v14+s20+$0x0], $0xffff  }
0x187: {  	s8 =	sadd.s32 $0xFFFFFFFF, s8  }
0x188: {  	p1 =	sne.s32 s8, $0x0  }
.Ltmp32:
0x189: {  	s3 =	sshra.s32 s3, $0xC;
	(pc) =	sbr.rel @!p1 .LBB2_41-.Ltmp32, $4  }
0x18a: {  	p2 =	sne.s32 s31, $0xF;
	s3 =	sand.u32 $0x1FFFFFF8, s3  }
0x18b: {  	s26 =	sadd.s32 $0x1B900, s15;
	s3 =	sadd.s32 s11, s3;
	s14 =	simm.s32 @!p2 $0x4;
	[tilespmem:s15+$0x1B930] =	vst v14  }
0x18c: {  	[hbm4b:s3+s6] =	stream.linear.scatter [tilespmem:s26], [sflag:$0x4], $0x40, $0x38;
	[tilespmem:$0x1C180] =	vst v63  }
0x18d: {  	s12 =	sadd.s32 $0x1, s12;
	_ =	swait.ge @!p2 [sflag:s14], $0x400  }
.LBB2_40:
0x18e: {  	s8 =	sadd.s32 $0xFFFFFFFF, s8;
	[sflag:s14] =	ssyncset.done @!p2 $0x0;
	s29 =	sadd.s32 $0x1, s29  }
0x18f: {  	p1 =	sne.s32 s8, $0x0;
	[sflag:s14] =	ssyncadd.s32 @!p2 $0xFFFFFC00  }
0x190: {  	v14 =	vld [tilespmem:s12+$0x0];
	_ =	sdelay $0x4  }
0x191: {  	(v2sf) =	vpush v14, $0x0;
	_ =	sdelay $0xe  }
0x192: {  	s3 =	spop (v2sf)  }
0x193: {  	s14 =	sand.u32 $0x7FFF, s3;
	s3 =	sshra.s32 s3, $0xC  }
0x194: {  	s14 =	ssub.s32 s14, s0  }
0x195: {  	v14 =	vmov s14  }
0x196: {  	v15 =	vand.u32 $0x7F, v14;
	v14 =	vshll.u32 v14, $0x3  }
0x197: {  	v14 =	vand.u32 $0xFFFFFC00, v14  }
0x198: {  	v14 =	vor.u32 v15, v14  }
0x199: {  	v15 =	vadd.s32 v4, v14;
	_ =	sdelay $0x4  }
0x19a: {  	v15 =	vld.idx.msk [tilespmem:v15+s20+$0x0], $0xffff  }
0x19b: {  	v16 =	vadd.s32 v6, v14;
	_ =	sdelay $0x1  }
0x19c: {  	s14 =	sand.u32 $0xF, s29  }
0x19d: {  	s15 =	sshll.u32 s14, $0x7;
	_ =	sdelay $0x1  }
0x19e: {  	[tilespmem:s15+$0x1B900] =	vst v15  }
0x19f: {  	v15 =	vld.idx.msk [tilespmem:v16+s20+$0x0], $0xffff  }
0x1a0: {  	v16 =	vadd.s32 v7, v14;
	_ =	sdelay $0x4  }
0x1a1: {  	[tilespmem:s15+$0x1B910] =	vst v15  }
0x1a2: {  	v15 =	vld.idx.msk [tilespmem:v16+s20+$0x0], $0xffff  }
0x1a3: {  	v14 =	vadd.s32 v8, v14;
	_ =	sdelay $0x4  }
0x1a4: {  	[tilespmem:s15+$0x1B920] =	vst v15  }
0x1a5: {  	v14 =	vld.idx.msk [tilespmem:v14+s20+$0x0], $0xffff;
	_ =	sdelay $0x3  }
.Ltmp33:
0x1a6: {  	s3 =	sand.u32 $0x1FFFFFF8, s3;
	(pc) =	sbr.rel @p1 .LBB2_40-.Ltmp33, $4  }
0x1a7: {  	s3 =	sadd.s32 s11, s3;
	p2 =	sne.s32 s14, $0xF;
	s26 =	sadd.s32 $0x1B900, s15  }
0x1a8: {  	s14 =	simm.s32 @!p2 $0x4;
	[tilespmem:s15+$0x1B930] =	vst v14  }
0x1a9: {  	[hbm4b:s3+s6] =	stream.linear.scatter [tilespmem:s26], [sflag:$0x4], $0x40, $0x38;
	[tilespmem:$0x1C180] =	vst v63  }
0x1aa: {  	s12 =	sadd.s32 $0x1, s12;
	_ =	swait.ge @!p2 [sflag:s14], $0x400  }
.Ltmp34:
0x1ab: {  	_ = 	snop;
	(pc) =	sbr.rel .LBB2_41-.Ltmp34, $1  }
0x1ac: {  	_ =	sdelay $0x3  }
.LBB2_43:
0x1ad: {  	p1 =	seq.s32 s28, $0x1E  }
.Ltmp35:
0x1ae: {  	_ =	swait.ge [sflag:s23], $0x8000;
	s0 =	sshll.u32 @!p1 s28, $0xD;
	(pc) =	sbr.rel @p0 .LBB2_64-.Ltmp35, $4  }
0x1af: {  	[sflag:s23] =	ssyncset.done $0x0;
	s0 =	sadd.s32 @!p1 s0, s13  }
0x1b0: {  	s3 =	simm.s32 @!p1 $0x1000;
	s7 =	simm.s32 @!p1 $0x7A1400;
	s0 =	sshrl.u32 @!p1 s0, $0x3  }
0x1b1: {  	s8 =	simm.s32 @!p1 $0x9100;
	[sflag:s23] =	ssyncadd.s32 $0xFFFF8000;
	s0 =	sadd.s32 @!p1 s2, s0  }
0x1b2: {  	[tilespmem:s8], [sflag:$0x1] =	stream.strided.gather @!p1 [hbm4b:s0+s3], $0x8000, s7, s3, $0x38;
	[tilespmem:$0x1C180] =	vst v63  }
.Ltmp36:
0x1b3: {  	(pc) =	sbr.rel .LBB2_45-.Ltmp36, $2  }
0x1b4: {  	_ =	sdelay $0x2  }
0x1b5: {  	v13 =	vmov s5;
	s0 =	sshll.u32 s5, $0x9;
	s5 =	simm.s32 $0x0  }
.LBB2_48:
0x1b6: {  	[sflag:s12] =	ssyncset.done @!p2 $0x0  }
0x1b7: {  	s29 =	sadd.s32 $0x1, s29;
	[sflag:s12] =	ssyncadd.s32 @!p2 $0xFFFFFC00  }
.LBB2_49:
0x1b8: {  	s5 =	sadd.s32 $0x1, s5  }
0x1b9: {  	p1 =	sne.s32 s5, s30  }
.Ltmp37:
0x1ba: {  	_ = 	snop;
	(pc) =	sbr.rel @!p1 .LBB2_50-.Ltmp37, $1  }
0x1bb: {  	_ =	sdelay $0x3  }
.LBB2_45:
0x1bc: {  	s3 =	sshll.u32 s5, $0x4  }
0x1bd: {  	v14 =	vld [tilespmem:s3+$0x5080];
	_ =	sdelay $0x4  }
0x1be: {  	v15 =	vshrl.u32 v14, $0x9  }
0x1bf: {  	v16 =	vor.u32 s3, v2;
	v15 =	vand.u32 $0x3F, v15  }
0x1c0: {  	vm1 =	vlt.s32 v16, v12;
	vm0 =	veq.s32 v15, v13  }
0x1c1: {  	vm0 =	vmand vm1, vm0  }
0x1c2: {  	v15 =	vmpcnt.ones.xlane vm0;
	_ =	sdelay $0x1  }
0x1c3: {  	(v2sf) =	vpush v15, $0x0;
	_ =	sdelay $0xe  }
0x1c4: {  	s7 =	spop (v2sf)  }
0x1c5: {  	p1 =	slt.s32 s7, $0x1  }
.Ltmp38:
0x1c6: {  	_ = 	snop;
	(pc) =	sbr.rel @p1 .LBB2_49-.Ltmp38, $3  }
0x1c7: {  	_ =	sdelay $0x1  }
0x1c8: {  	s8 =	simm.s32 $0x1C100  }
0x1c9: {  	[tilespmem:s8+$0x0] =	vst.msk vm0, v14  }
0x1ca: {  	v14 =	vld [tilespmem:s8+$0x0];
	_ =	sdelay $0x4  }
0x1cb: {  	(v2sf) =	vpush v14, $0x0;
	_ =	sdelay $0xe  }
0x1cc: {  	s3 =	spop (v2sf)  }
0x1cd: {  	s12 =	sand.u32 $0x7FFF, s3  }
0x1ce: {  	s12 =	ssub.s32 s12, s0  }
0x1cf: {  	v14 =	vmov s12  }
0x1d0: {  	v15 =	vshll.u32 v14, $0x3  }
0x1d1: {  	v14 =	vand.u32 $0x7F, v14;
	v15 =	vand.u32 $0xFFFFFC00, v15  }
0x1d2: {  	v14 =	vor.u32 v14, v15  }
0x1d3: {  	v15 =	vadd.s32 v4, v14;
	_ =	sdelay $0x4  }
0x1d4: {  	v15 =	vld.idx.msk [tilespmem:v15+s22+$0x0], $0xffff  }
0x1d5: {  	v16 =	vadd.s32 v6, v14;
	_ =	sdelay $0x1  }
0x1d6: {  	s31 =	sand.u32 $0xF, s29  }
0x1d7: {  	s14 =	sshll.u32 s31, $0x7  }
0x1d8: {  	[tilespmem:s14+$0x1B900] =	vst v15  }
0x1d9: {  	v15 =	vld.idx.msk [tilespmem:v16+s22+$0x0], $0xffff  }
0x1da: {  	v63 =	vadd.s32 v7, v14;
	_ =	sdelay $0x3  }
0x1db: {  	[tilespmem:s14+$0x1B910] =	vst v15  }
0x1dc: {  	v15 =	vld.idx.msk [tilespmem:v63+s22+$0x0], $0xffff  }
0x1dd: {  	v14 =	vadd.s32 v8, v14;
	_ =	sdelay $0x3  }
0x1de: {  	[tilespmem:s14+$0x1B920] =	vst v15  }
0x1df: {  	v14 =	vld.idx.msk [tilespmem:v14+s22+$0x0], $0xffff  }
0x1e0: {  	s7 =	sadd.s32 $0xFFFFFFFF, s7  }
0x1e1: {  	p1 =	sne.s32 s7, $0x0  }
.Ltmp39:
0x1e2: {  	s3 =	sshra.s32 s3, $0xC;
	(pc) =	sbr.rel @!p1 .LBB2_48-.Ltmp39, $4  }
0x1e3: {  	p2 =	sne.s32 s31, $0xF;
	s3 =	sand.u32 $0x1FFFFFF8, s3  }
0x1e4: {  	s15 =	sadd.s32 $0x1B900, s14;
	s3 =	sadd.s32 s11, s3;
	s12 =	simm.s32 @!p2 $0x4;
	[tilespmem:s14+$0x1B930] =	vst v14  }
0x1e5: {  	[hbm4b:s3+s6] =	stream.linear.scatter [tilespmem:s15], [sflag:$0x4], $0x40, $0x38;
	[tilespmem:$0x1C180] =	vst v63  }
0x1e6: {  	s8 =	sadd.s32 $0x1, s8;
	_ =	swait.ge @!p2 [sflag:s12], $0x400  }
.LBB2_47:
0x1e7: {  	s7 =	sadd.s32 $0xFFFFFFFF, s7;
	[sflag:s12] =	ssyncset.done @!p2 $0x0;
	s29 =	sadd.s32 $0x1, s29  }
0x1e8: {  	p1 =	sne.s32 s7, $0x0;
	[sflag:s12] =	ssyncadd.s32 @!p2 $0xFFFFFC00  }
0x1e9: {  	v14 =	vld [tilespmem:s8+$0x0];
	_ =	sdelay $0x4  }
0x1ea: {  	(v2sf) =	vpush v14, $0x0;
	_ =	sdelay $0xe  }
0x1eb: {  	s3 =	spop (v2sf)  }
0x1ec: {  	s12 =	sand.u32 $0x7FFF, s3;
	s3 =	sshra.s32 s3, $0xC  }
0x1ed: {  	s12 =	ssub.s32 s12, s0  }
0x1ee: {  	v14 =	vmov s12  }
0x1ef: {  	v15 =	vand.u32 $0x7F, v14;
	v14 =	vshll.u32 v14, $0x3  }
0x1f0: {  	v14 =	vand.u32 $0xFFFFFC00, v14  }
0x1f1: {  	v14 =	vor.u32 v15, v14  }
0x1f2: {  	v15 =	vadd.s32 v4, v14;
	_ =	sdelay $0x4  }
0x1f3: {  	v15 =	vld.idx.msk [tilespmem:v15+s22+$0x0], $0xffff  }
0x1f4: {  	v16 =	vadd.s32 v6, v14;
	_ =	sdelay $0x1  }
0x1f5: {  	s12 =	sand.u32 $0xF, s29  }
0x1f6: {  	s14 =	sshll.u32 s12, $0x7;
	_ =	sdelay $0x1  }
0x1f7: {  	[tilespmem:s14+$0x1B900] =	vst v15  }
0x1f8: {  	v15 =	vld.idx.msk [tilespmem:v16+s22+$0x0], $0xffff  }
0x1f9: {  	v16 =	vadd.s32 v7, v14;
	_ =	sdelay $0x4  }
0x1fa: {  	[tilespmem:s14+$0x1B910] =	vst v15  }
0x1fb: {  	v15 =	vld.idx.msk [tilespmem:v16+s22+$0x0], $0xffff  }
0x1fc: {  	v14 =	vadd.s32 v8, v14;
	_ =	sdelay $0x4  }
0x1fd: {  	[tilespmem:s14+$0x1B920] =	vst v15  }
0x1fe: {  	v14 =	vld.idx.msk [tilespmem:v14+s22+$0x0], $0xffff;
	_ =	sdelay $0x3  }
.Ltmp40:
0x1ff: {  	s3 =	sand.u32 $0x1FFFFFF8, s3;
	(pc) =	sbr.rel @p1 .LBB2_47-.Ltmp40, $4  }
0x200: {  	s3 =	sadd.s32 s11, s3;
	p2 =	sne.s32 s12, $0xF;
	s15 =	sadd.s32 $0x1B900, s14  }
0x201: {  	s12 =	simm.s32 @!p2 $0x4;
	[tilespmem:s14+$0x1B930] =	vst v14  }
0x202: {  	[hbm4b:s3+s6] =	stream.linear.scatter [tilespmem:s15], [sflag:$0x4], $0x40, $0x38;
	[tilespmem:$0x1C180] =	vst v63  }
0x203: {  	s8 =	sadd.s32 $0x1, s8;
	_ =	swait.ge @!p2 [sflag:s12], $0x400  }
.Ltmp41:
0x204: {  	_ = 	snop;
	(pc) =	sbr.rel .LBB2_48-.Ltmp41, $1  }
0x205: {  	_ =	sdelay $0x3  }
.LBB2_64:
0x206: {  	s28 =	sadd.s32 $0x1, s28  }
0x207: {  	p1 =	seq.s32 s28, $0x1F  }
.Ltmp42:
0x208: {  	_ = 	snop;
	(pc) =	sbr.rel @!p1 .LBB2_36-.Ltmp42, $1  }
0x209: {  	_ =	sdelay $0x3  }
.LBB2_57:
0x20a: {  	s0 =	sand.u32 $0xF, s29  }
0x20b: {  	p0 =	seq.s32 s0, $0x0  }
.Ltmp43:
0x20c: {  	_ = 	snop;
	(pc) =	sbr.rel @p0 .LBB2_61-.Ltmp43, $3  }
0x20d: {  	_ =	sdelay $0x1  }
0x20e: {  	s3 =	rddreg [dreg:$0x2]  }
0x20f: {  	s5 =	rddreg [dreg:$0xb]  }
0x210: {  	p0 =	sne.s32 s0, $0x1  }
.Ltmp44:
0x211: {  	_ = 	snop;
	(pc) =	sbr.rel @!p0 .LBB2_60-.Ltmp44, $3  }
0x212: {  	_ =	sdelay $0x1  }
0x213: {  	_ =	swait.ge [sflag:s24], $0x40  }
0x214: {  	s0 =	sadd.s32 $0xFFFFFFFF, s0;
	[sflag:s24] =	ssyncset.done $0x0  }
.LBB2_59:
0x215: {  	p0 =	sne.s32 s0, $0x1;
	s0 =	sadd.s32 $0xFFFFFFFF, s0;
	[sflag:s24] =	ssyncadd.s32 $0xFFFFFFC0  }
.Ltmp45:
0x216: {  	(pc) =	sbr.rel @p0 .LBB2_59-.Ltmp45, $3  }
0x217: {  	_ =	sdelay $0x1  }
0x218: {  	_ =	swait.ge [sflag:s24], $0x40  }
0x219: {  	[sflag:s24] =	ssyncset.done $0x0  }
.Ltmp46:
0x21a: {  	_ = 	snop;
	(pc) =	sbr.rel .LBB2_60-.Ltmp46, $1  }
0x21b: {  	_ =	sdelay $0x3  }
.LBB2_25:
.Ltmp47:
0x21c: {  	(pc) =	sbr.rel .LBB2_26-.Ltmp47, $2  }
0x21d: {  	_ =	sdelay $0x2  }
0x21e: {  	s0 =	simm.s32 $0x0  }
.LBB2_29:
0x21f: {  	[sflag:s8] =	ssyncset.done @!p1 $0x0  }
0x220: {  	s29 =	sadd.s32 $0x1, s29;
	[sflag:s8] =	ssyncadd.s32 @!p1 $0xFFFFFC00  }
.LBB2_30:
0x221: {  	s0 =	sadd.s32 $0x1, s0  }
0x222: {  	p0 =	sne.s32 s0, s30  }
.Ltmp48:
0x223: {  	_ = 	snop;
	(pc) =	sbr.rel @!p0 .LBB2_31-.Ltmp48, $1  }
0x224: {  	_ =	sdelay $0x3  }
.LBB2_26:
0x225: {  	s3 =	sshll.u32 s0, $0x4  }
0x226: {  	v13 =	vld [tilespmem:s3+$0x1000];
	_ =	sdelay $0x4  }
0x227: {  	v15 =	vor.u32 s3, v2;
	v14 =	vand.u32 $0x7E00, v13  }
0x228: {  	vm1 =	vlt.s32 v15, v12;
	vm0 =	veq.s32 v14, $0x7C00  }
0x229: {  	vm0 =	vmand vm1, vm0  }
0x22a: {  	v14 =	vmpcnt.ones.xlane vm0;
	_ =	sdelay $0x1  }
0x22b: {  	(v2sf) =	vpush v14, $0x0;
	_ =	sdelay $0xe  }
0x22c: {  	s5 =	spop (v2sf)  }
0x22d: {  	p0 =	slt.s32 s5, $0x1  }
.Ltmp49:
0x22e: {  	_ = 	snop;
	(pc) =	sbr.rel @p0 .LBB2_30-.Ltmp49, $3  }
0x22f: {  	_ =	sdelay $0x1  }
0x230: {  	s7 =	simm.s32 $0x1C100  }
0x231: {  	[tilespmem:s7+$0x0] =	vst.msk vm0, v13  }
0x232: {  	v13 =	vld [tilespmem:s7+$0x0];
	_ =	sdelay $0x4  }
0x233: {  	(v2sf) =	vpush v13, $0x0;
	_ =	sdelay $0xe  }
0x234: {  	s3 =	spop (v2sf)  }
0x235: {  	s8 =	sand.u32 $0x7FFF, s3  }
0x236: {  	s8 =	sadd.s32 $0xFFFF8400, s8  }
0x237: {  	v13 =	vadd.s32 s8, v5;
	_ =	sdelay $0x4  }
0x238: {  	v13 =	vld.idx.msk [tilespmem:v13+s16+$0x0], $0xffff  }
0x239: {  	v14 =	vadd.s32 s8, v9;
	_ =	sdelay $0x1  }
0x23a: {  	s12 =	sand.u32 $0xF, s29  }
0x23b: {  	s14 =	sshll.u32 s12, $0x7  }
0x23c: {  	[tilespmem:s14+$0x1B100] =	vst v13  }
0x23d: {  	v13 =	vld.idx.msk [tilespmem:v14+s16+$0x0], $0xffff  }
0x23e: {  	v14 =	vadd.s32 s8, v10;
	_ =	sdelay $0x3  }
0x23f: {  	[tilespmem:s14+$0x1B110] =	vst v13  }
0x240: {  	v13 =	vld.idx.msk [tilespmem:v14+s16+$0x0], $0xffff  }
0x241: {  	v14 =	vadd.s32 s8, v11;
	_ =	sdelay $0x3  }
0x242: {  	[tilespmem:s14+$0x1B120] =	vst v13  }
0x243: {  	v13 =	vld.idx.msk [tilespmem:v14+s16+$0x0], $0xffff  }
0x244: {  	s5 =	sadd.s32 $0xFFFFFFFF, s5  }
0x245: {  	p0 =	sne.s32 s5, $0x0  }
.Ltmp50:
0x246: {  	s3 =	sshra.s32 s3, $0xC;
	(pc) =	sbr.rel @!p0 .LBB2_29-.Ltmp50, $4  }
0x247: {  	p1 =	sne.s32 s12, $0xF;
	s3 =	sand.u32 $0x1FFFFFF8, s3  }
0x248: {  	s31 =	sadd.s32 $0x1B100, s14;
	s3 =	sadd.s32 s10, s3;
	s8 =	simm.s32 @!p1 $0x3;
	[tilespmem:s14+$0x1B130] =	vst v13  }
0x249: {  	[hbm4b:s3+s6] =	stream.linear.scatter [tilespmem:s31], [sflag:$0x3], $0x40, $0x38;
	[tilespmem:$0x1C180] =	vst v63  }
0x24a: {  	s7 =	sadd.s32 $0x1, s7;
	_ =	swait.ge @!p1 [sflag:s8], $0x400  }
.LBB2_28:
0x24b: {  	s5 =	sadd.s32 $0xFFFFFFFF, s5;
	[sflag:s8] =	ssyncset.done @!p1 $0x0;
	s29 =	sadd.s32 $0x1, s29  }
0x24c: {  	p0 =	sne.s32 s5, $0x0;
	[sflag:s8] =	ssyncadd.s32 @!p1 $0xFFFFFC00  }
0x24d: {  	v13 =	vld [tilespmem:s7+$0x0];
	_ =	sdelay $0x4  }
0x24e: {  	(v2sf) =	vpush v13, $0x0;
	_ =	sdelay $0xe  }
0x24f: {  	s3 =	spop (v2sf)  }
0x250: {  	s8 =	sand.u32 $0x7FFF, s3;
	s3 =	sshra.s32 s3, $0xC  }
0x251: {  	s8 =	sadd.s32 $0xFFFF8400, s8  }
0x252: {  	v13 =	vadd.s32 s8, v5;
	_ =	sdelay $0x4  }
0x253: {  	v13 =	vld.idx.msk [tilespmem:v13+s16+$0x0], $0xffff  }
0x254: {  	v14 =	vadd.s32 s8, v9;
	_ =	sdelay $0x1  }
0x255: {  	s12 =	sand.u32 $0xF, s29  }
0x256: {  	s14 =	sshll.u32 s12, $0x7;
	_ =	sdelay $0x1  }
0x257: {  	[tilespmem:s14+$0x1B100] =	vst v13  }
0x258: {  	v13 =	vld.idx.msk [tilespmem:v14+s16+$0x0], $0xffff  }
0x259: {  	v14 =	vadd.s32 s8, v10;
	_ =	sdelay $0x4  }
0x25a: {  	[tilespmem:s14+$0x1B110] =	vst v13  }
0x25b: {  	v13 =	vld.idx.msk [tilespmem:v14+s16+$0x0], $0xffff  }
0x25c: {  	v14 =	vadd.s32 s8, v11;
	_ =	sdelay $0x4  }
0x25d: {  	[tilespmem:s14+$0x1B120] =	vst v13  }
0x25e: {  	v13 =	vld.idx.msk [tilespmem:v14+s16+$0x0], $0xffff;
	_ =	sdelay $0x3  }
.Ltmp51:
0x25f: {  	s3 =	sand.u32 $0x1FFFFFF8, s3;
	(pc) =	sbr.rel @p0 .LBB2_28-.Ltmp51, $4  }
0x260: {  	p1 =	sne.s32 s12, $0xF;
	s15 =	sadd.s32 $0x1B100, s14;
	s3 =	sadd.s32 s10, s3  }
0x261: {  	s8 =	simm.s32 @!p1 $0x3;
	[tilespmem:s14+$0x1B130] =	vst v13  }
0x262: {  	[hbm4b:s3+s6] =	stream.linear.scatter [tilespmem:s15], [sflag:$0x3], $0x40, $0x38;
	[tilespmem:$0x1C180] =	vst v63  }
0x263: {  	s7 =	sadd.s32 $0x1, s7;
	_ =	swait.ge @!p1 [sflag:s8], $0x400  }
.Ltmp52:
0x264: {  	_ = 	snop;
	(pc) =	sbr.rel .LBB2_29-.Ltmp52, $1  }
0x265: {  	_ =	sdelay $0x3  }
.LBB2_51:
.Ltmp53:
0x266: {  	(pc) =	sbr.rel .LBB2_52-.Ltmp53, $2  }
0x267: {  	_ =	sdelay $0x2  }
0x268: {  	s0 =	simm.s32 $0x0  }
.LBB2_55:
0x269: {  	[sflag:s8] =	ssyncset.done @!p1 $0x0  }
0x26a: {  	s29 =	sadd.s32 $0x1, s29;
	[sflag:s8] =	ssyncadd.s32 @!p1 $0xFFFFFC00  }
.LBB2_56:
0x26b: {  	s0 =	sadd.s32 $0x1, s0  }
0x26c: {  	p0 =	sne.s32 s0, s30  }
.Ltmp54:
0x26d: {  	_ = 	snop;
	(pc) =	sbr.rel @!p0 .LBB2_57-.Ltmp54, $1  }
0x26e: {  	_ =	sdelay $0x3  }
.LBB2_52:
0x26f: {  	s3 =	sshll.u32 s0, $0x4  }
0x270: {  	v13 =	vld [tilespmem:s3+$0x5080];
	_ =	sdelay $0x4  }
0x271: {  	v15 =	vor.u32 s3, v2;
	v14 =	vand.u32 $0x7E00, v13  }
0x272: {  	vm1 =	vlt.s32 v15, v12;
	vm0 =	veq.s32 v14, $0x7C00  }
0x273: {  	vm0 =	vmand vm1, vm0  }
0x274: {  	v14 =	vmpcnt.ones.xlane vm0;
	_ =	sdelay $0x1  }
0x275: {  	(v2sf) =	vpush v14, $0x0;
	_ =	sdelay $0xe  }
0x276: {  	s5 =	spop (v2sf)  }
0x277: {  	p0 =	slt.s32 s5, $0x1  }
.Ltmp55:
0x278: {  	_ = 	snop;
	(pc) =	sbr.rel @p0 .LBB2_56-.Ltmp55, $3  }
0x279: {  	_ =	sdelay $0x1  }
0x27a: {  	s7 =	simm.s32 $0x1C100  }
0x27b: {  	[tilespmem:s7+$0x0] =	vst.msk vm0, v13  }
0x27c: {  	v13 =	vld [tilespmem:s7+$0x0];
	_ =	sdelay $0x4  }
0x27d: {  	(v2sf) =	vpush v13, $0x0;
	_ =	sdelay $0xe  }
0x27e: {  	s3 =	spop (v2sf)  }
0x27f: {  	s8 =	sand.u32 $0x7FFF, s3  }
0x280: {  	s8 =	sadd.s32 $0xFFFF8400, s8  }
0x281: {  	v13 =	vadd.s32 s8, v5;
	_ =	sdelay $0x4  }
0x282: {  	v13 =	vld.idx.msk [tilespmem:v13+s16+$0x0], $0xffff  }
0x283: {  	v14 =	vadd.s32 s8, v9;
	_ =	sdelay $0x1  }
0x284: {  	s12 =	sand.u32 $0xF, s29  }
0x285: {  	s14 =	sshll.u32 s12, $0x7  }
0x286: {  	[tilespmem:s14+$0x1B900] =	vst v13  }
0x287: {  	v13 =	vld.idx.msk [tilespmem:v14+s16+$0x0], $0xffff  }
0x288: {  	v14 =	vadd.s32 s8, v10;
	_ =	sdelay $0x3  }
0x289: {  	[tilespmem:s14+$0x1B910] =	vst v13  }
0x28a: {  	v13 =	vld.idx.msk [tilespmem:v14+s16+$0x0], $0xffff  }
0x28b: {  	v14 =	vadd.s32 s8, v11;
	_ =	sdelay $0x3  }
0x28c: {  	[tilespmem:s14+$0x1B920] =	vst v13  }
0x28d: {  	v13 =	vld.idx.msk [tilespmem:v14+s16+$0x0], $0xffff  }
0x28e: {  	s5 =	sadd.s32 $0xFFFFFFFF, s5  }
0x28f: {  	p0 =	sne.s32 s5, $0x0  }
.Ltmp56:
0x290: {  	s3 =	sshra.s32 s3, $0xC;
	(pc) =	sbr.rel @!p0 .LBB2_55-.Ltmp56, $4  }
0x291: {  	p1 =	sne.s32 s12, $0xF;
	s3 =	sand.u32 $0x1FFFFFF8, s3  }
0x292: {  	s31 =	sadd.s32 $0x1B900, s14;
	s3 =	sadd.s32 s11, s3;
	s8 =	simm.s32 @!p1 $0x4;
	[tilespmem:s14+$0x1B930] =	vst v13  }
0x293: {  	[hbm4b:s3+s6] =	stream.linear.scatter [tilespmem:s31], [sflag:$0x4], $0x40, $0x38;
	[tilespmem:$0x1C180] =	vst v63  }
0x294: {  	s7 =	sadd.s32 $0x1, s7;
	_ =	swait.ge @!p1 [sflag:s8], $0x400  }
.LBB2_54:
0x295: {  	s5 =	sadd.s32 $0xFFFFFFFF, s5;
	[sflag:s8] =	ssyncset.done @!p1 $0x0;
	s29 =	sadd.s32 $0x1, s29  }
0x296: {  	p0 =	sne.s32 s5, $0x0;
	[sflag:s8] =	ssyncadd.s32 @!p1 $0xFFFFFC00  }
0x297: {  	v13 =	vld [tilespmem:s7+$0x0];
	_ =	sdelay $0x4  }
0x298: {  	(v2sf) =	vpush v13, $0x0;
	_ =	sdelay $0xe  }
0x299: {  	s3 =	spop (v2sf)  }
0x29a: {  	s8 =	sand.u32 $0x7FFF, s3;
	s3 =	sshra.s32 s3, $0xC  }
0x29b: {  	s8 =	sadd.s32 $0xFFFF8400, s8  }
0x29c: {  	v13 =	vadd.s32 s8, v5;
	_ =	sdelay $0x4  }
0x29d: {  	v13 =	vld.idx.msk [tilespmem:v13+s16+$0x0], $0xffff  }
0x29e: {  	v14 =	vadd.s32 s8, v9;
	_ =	sdelay $0x1  }
0x29f: {  	s12 =	sand.u32 $0xF, s29  }
0x2a0: {  	s14 =	sshll.u32 s12, $0x7;
	_ =	sdelay $0x1  }
0x2a1: {  	[tilespmem:s14+$0x1B900] =	vst v13  }
0x2a2: {  	v13 =	vld.idx.msk [tilespmem:v14+s16+$0x0], $0xffff  }
0x2a3: {  	v14 =	vadd.s32 s8, v10;
	_ =	sdelay $0x4  }
0x2a4: {  	[tilespmem:s14+$0x1B910] =	vst v13  }
0x2a5: {  	v13 =	vld.idx.msk [tilespmem:v14+s16+$0x0], $0xffff  }
0x2a6: {  	v14 =	vadd.s32 s8, v11;
	_ =	sdelay $0x4  }
0x2a7: {  	[tilespmem:s14+$0x1B920] =	vst v13  }
0x2a8: {  	v13 =	vld.idx.msk [tilespmem:v14+s16+$0x0], $0xffff;
	_ =	sdelay $0x3  }
.Ltmp57:
0x2a9: {  	s3 =	sand.u32 $0x1FFFFFF8, s3;
	(pc) =	sbr.rel @p0 .LBB2_54-.Ltmp57, $4  }
0x2aa: {  	p1 =	sne.s32 s12, $0xF;
	s15 =	sadd.s32 $0x1B900, s14;
	s3 =	sadd.s32 s11, s3  }
0x2ab: {  	s8 =	simm.s32 @!p1 $0x4;
	[tilespmem:s14+$0x1B930] =	vst v13  }
0x2ac: {  	[hbm4b:s3+s6] =	stream.linear.scatter [tilespmem:s15], [sflag:$0x4], $0x40, $0x38;
	[tilespmem:$0x1C180] =	vst v63  }
0x2ad: {  	s7 =	sadd.s32 $0x1, s7;
	_ =	swait.ge @!p1 [sflag:s8], $0x400  }
.Ltmp58:
0x2ae: {  	_ = 	snop;
	(pc) =	sbr.rel .LBB2_55-.Ltmp58, $1  }
0x2af: {  	_ =	sdelay $0x3  }
.LBB2_62:
0x2b0: {  	_ =	sfence.sel $0x180000  }
0x2b1: {  	[bflag:$0x0] =	sbarrier.arrive $0xFFFF  }
0x2b2: {  	_ =	strace $0x90000047  }
0x2b3: {  	s0 =	stileid.u32;
	[bflag:$0x2] =	sbarrier.arrive $0xFFFF  }
0x2b4: {  	p0 =	sne.s32 s0, $0x0;
	s0 =	rddreg [dreg:$0x5]  }
0x2b5: {  	s0 =	sadd.s32 @!p0 $0x100000, s0  }
0x2b6: {  	[sflag:s0] =	ssyncadd.tile.s32 @!p0 $0x1;
	_ =	shalt  }
.Lfunc_end2:
_tile_overlayer_lowered:
.L_overlay_start_2:
0x2b7: {  	(tag) =	ssettag $0x2  }
0x2b8: {  	s0 =	rddreg [dreg:$0x0];
	s2 =	stileid.u32  }
0x2b9: {  	s1 =	rddreg [dreg:$0x1];
	p0 =	sne.s32 s2, $0x0  }
0x2ba: {  	s3 =	rddreg [dreg:$0x2];
	[bflag:$0x3] =	sbarrier.arrive $0xFFFF;
	s2 =	simm.s32 @!p0 $0x1C05  }
0x2bb: {  	[timem:s3], [sflag:s2] =	dma.local @!p0 [hbm:s0], s1  }
0x2bc: {  	s0 =	simm.s32 @!p0 $0x5  }
0x2bd: {  	_ =	swait.ge @!p0 [sflag:s0], s1  }
0x2be: {  	s1 =	ssub.s32 @!p0 $0x0, s1;
	[sflag:s0] =	ssyncset.done @!p0 $0x0  }
0x2bf: {  	[sflag:s0] =	ssyncadd.s32 @!p0 s1  }
0x2c0: {  	[bflag:$0x3] =	sbarrier.arrive $0xFFFF  }
0x2c1: {  	_ =	shalt  }

// kernel: kernel.8.cloned.1.call-start
scs
__scs_entry_jumppad:
0x0: {  	(pc) =	sbr.rel $0x88, $3  }
0x1: {  	(tag) =	ssettag $0x0;
	lr =	simm.s32 $0x1  }
0x2: {  	[smem:$0x3F9A] =	sst lr;
	_ =	strace $0xD0000000  }
0x3: {  	_ = 	snop  }
0x4: {  	_ = 	snop  }
0x5: {  	_ = 	snop  }
0x6: {  	_ = 	snop  }
0x7: {  	_ = 	snop  }
__scs_overlays_trampoline_lowered:
0x8: {  	[smem:$0x3FA9] =	sst s0  }
0x9: {  	[smem:$0x3FAA] =	sst s1  }
0xa: {  	[smem:$0x3FAB] =	sst s2  }
0xb: {  	[smem:$0x3FAC] =	sst s3  }
0xc: {  	[smem:$0x3FAD] =	sst s4  }
0xd: {  	[smem:$0x3FAE] =	sst s5  }
0xe: {  	[smem:$0x3FAF] =	sst s6  }
0xf: {  	[smem:$0x3FB0] =	sst s7  }
0x10: {  	[smem:$0x3FB1] =	sst s8  }
0x11: {  	[smem:$0x3FB2] =	sst s9;
	s0 =	simm.s32 @!p0 $0x0  }
0x12: {  	s1 =	sld [smem:$0x3F98];
	s0 =	simm.s32 @p0 $0x1  }
0x13: {  	[smem:$0x3FB3] =	sst s0;
	s0 =	simm.s32 @!p1 $0x0  }
0x14: {  	s2 =	sld [smem:$0x3F97];
	s0 =	simm.s32 @p1 $0x1  }
0x15: {  	[smem:$0x3FB4] =	sst s0;
	s0 =	simm.s32 @!p2 $0x0  }
0x16: {  	s3 =	sld [smem:$0x3FDB];
	s0 =	simm.s32 @p2 $0x1  }
0x17: {  	s4 =	simm.s32 $0x1BF5;
	[smem:$0x3FB6] =	sst s0  }
0x18: {  	s0 =	sld [smem:$0x3F99];
	_ =	swait.ge [sflag:s4], $0x0  }
0x19: {  	s7 =	sld [smem:$0x3F9A]  }
0x1a: {  	s8 =	sadd.s32 $0xFFFFE003, lr  }
0x1b: {  	s9 =	sadd.s32 $0xFFFFFEF7, lr;
	s5 =	simm.s32 $0xFFFFFFFF;
	p2 =	slt.u32 s8, $0xFFFFF086  }
0x1c: {  	p1 =	slt.u32 s9, $0xF7A;
	s5 =	simm.s32 @!p2 $0x0  }
0x1d: {  	s5 =	simm.s32 @p1 $0x1;
	p0 =	seq.s32 s7, s2  }
0x1e: {  	s7 =	smul.u32 @!p0 $0xF7A, s2;
	p2 =	seq.s32 @!p0 s5, $0x0  }
0x1f: {  	s9 =	smul.u32 $0xF7A, s1;
	s8 =	simm.s32 @!p0 $0x1BF5;
	p2 =	por !p2, p0  }
0x20: {  	[sflag:s8] =	ssyncset.s32 @!p0 $0xFFFFF086;
	s6 =	sadd.s32 @!p0 s3, s7;
	s7 =	simm.s32 @!p0 $0x108  }
0x21: {  	s3 =	sadd.s32 s3, s9;
	s6 =	sadd.s32 @!p0 $0x88, s6;
	s7 =	simm.s32 @p2 $0x1082  }
0x22: {  	[simem:s7], [sflag:s8] =	dma.local @!p0 [hbm:s6], $0xF7A  }
0x23: {  	s9 =	sor.u32 $0xD0000000, s2;
	s6 =	simm.s32 $0x108;
	_ =	swait.ge @!p0 [sflag:s8], $0x0  }
0x24: {  	s3 =	sadd.s32 $0x88, s3;
	s6 =	simm.s32 @!p1 $0x1082;
	[sflag:s4] =	ssyncset.s32 $0xFFFFF086  }
0x25: {  	[simem:s6], [sflag:s4] =	dma.local [hbm:s3], $0xF7A  }
0x26: {  	[smem:$0x3F9A] =	sst s1;
	(tag) =	ssettag s2;
	_ =	strace s9  }
0x27: {  	s1 =	sld [smem:$0x3FAA]  }
0x28: {  	s2 =	sld [smem:$0x3FAB]  }
0x29: {  	s4 =	sld [smem:$0x3FAD]  }
0x2a: {  	p0 =	seq.s32 s5, $0x0;
	s5 =	sld [smem:$0x3FAE]  }
0x2b: {  	s6 =	sld [smem:$0x3FAF]  }
0x2c: {  	s7 =	sld [smem:$0x3FB0]  }
0x2d: {  	s3 =	simm.s32 $0x108;
	s8 =	sld [smem:$0x3FB1]  }
0x2e: {  	s3 =	simm.s32 @!p0 $0x1082;
	s9 =	sld [smem:$0x3FB2]  }
0x2f: {  	lr =	sadd.s32 s0, s3;
	s0 =	sld [smem:$0x3FA9]  }
0x30: {  	s3 =	sld [smem:$0x3FAC]  }
0x31: {  	[smem:$0x3FB5] =	sst s10  }
0x32: {  	s10 =	sld [smem:$0x3FB3];
	_ =	sdelay $0x3  }
0x33: {  	p0 =	seq.s32 s10, $0x1;
	s10 =	sld [smem:$0x3FB5];
	_ =	sdelay $0x3  }
0x34: {  	[smem:$0x3FB5] =	sst s10  }
0x35: {  	s10 =	sld [smem:$0x3FB4];
	_ =	sdelay $0x3  }
0x36: {  	p1 =	seq.s32 s10, $0x1;
	s10 =	sld [smem:$0x3FB5];
	_ =	sdelay $0x3  }
0x37: {  	[smem:$0x3FB5] =	sst s10  }
0x38: {  	s10 =	sld [smem:$0x3FB6]  }
0x39: {  	_ = 	snop;
	(pc) =	sbr.ind lr, $3  }
0x3a: {  	_ = 	snop  }
0x3b: {  	_ = 	snop  }
0x3c: {  	p2 =	seq.s32 s10, $0x1;
	s10 =	sld [smem:$0x3FB5]  }
0x3d: {  	_ =	shalt  }
0x3e: {  	_ =	shalt  }
0x3f: {  	_ =	shalt  }
0x40: {  	_ =	shalt  }
0x41: {  	_ =	shalt  }
0x42: {  	_ =	shalt  }
0x43: {  	_ =	shalt  }
0x44: {  	_ =	shalt  }
0x45: {  	_ =	shalt  }
0x46: {  	_ =	shalt  }
0x47: {  	_ =	shalt  }
0x48: {  	_ =	shalt  }
0x49: {  	_ =	shalt  }
0x4a: {  	_ =	shalt  }
0x4b: {  	_ =	shalt  }
0x4c: {  	_ =	shalt  }
0x4d: {  	_ =	shalt  }
0x4e: {  	_ =	shalt  }
0x4f: {  	_ =	shalt  }
0x50: {  	_ =	shalt  }
0x51: {  	_ =	shalt  }
0x52: {  	_ =	shalt  }
0x53: {  	_ =	shalt  }
0x54: {  	_ =	shalt  }
0x55: {  	_ =	shalt  }
0x56: {  	_ =	shalt  }
0x57: {  	_ =	shalt  }
0x58: {  	_ =	shalt  }
0x59: {  	_ =	shalt  }
0x5a: {  	_ =	shalt  }
0x5b: {  	_ =	shalt  }
0x5c: {  	_ =	shalt  }
0x5d: {  	_ =	shalt  }
0x5e: {  	_ =	shalt  }
0x5f: {  	_ =	shalt  }
0x60: {  	_ =	shalt  }
0x61: {  	_ =	shalt  }
0x62: {  	_ =	shalt  }
0x63: {  	_ =	shalt  }
0x64: {  	_ =	shalt  }
0x65: {  	_ =	shalt  }
0x66: {  	_ =	shalt  }
0x67: {  	_ =	shalt  }
0x68: {  	_ =	shalt  }
0x69: {  	_ =	shalt  }
0x6a: {  	_ =	shalt  }
0x6b: {  	_ =	shalt  }
0x6c: {  	_ =	shalt  }
0x6d: {  	_ =	shalt  }
0x6e: {  	_ =	shalt  }
0x6f: {  	_ =	shalt  }
0x70: {  	_ =	shalt  }
0x71: {  	_ =	shalt  }
0x72: {  	_ =	shalt  }
0x73: {  	_ =	shalt  }
0x74: {  	_ =	shalt  }
0x75: {  	_ =	shalt  }
0x76: {  	_ =	shalt  }
0x77: {  	_ =	shalt  }
0x78: {  	_ =	shalt  }
0x79: {  	_ =	shalt  }
0x7a: {  	_ =	shalt  }
0x7b: {  	_ =	shalt  }
0x7c: {  	_ =	shalt  }
0x7d: {  	_ =	shalt  }
0x7e: {  	_ =	shalt  }
0x7f: {  	_ =	shalt  }
0x80: {  	_ =	shalt  }
0x81: {  	_ =	shalt  }
0x82: {  	_ =	shalt  }
0x83: {  	_ =	shalt  }
0x84: {  	_ =	shalt  }
0x85: {  	_ =	shalt  }
0x86: {  	_ =	shalt  }
0x87: {  	_ =	shalt  }
.Lfunc_end0:
.L_simem_size_0:
called_computation.1_lowered:
.L_overlay_start_0:
0x88: {  	s2 =	sld [smem:$0x3FD9]  }
0x89: {  	s3 =	sld [smem:$0x3FFE];
	_ =	sdelay $0x1  }
0x8a: {  	s1 =	srdreg.scid  }
0x8b: {  	s0 =	sand.u32 $0x1, s1  }
0x8c: {  	s17 =	sshll.u32 s0, $0xA;
	s2 =	sadd.s32 s3, s2  }
0x8d: {  	s2 =	sadd.s32 s2, s17  }
0x8e: {  	[smem:$0x3FC1] =	sst s2  }
0x8f: {  	_ = 	snop  }
0x90: {  	s2 =	sld [smem:$0x3FC9]  }
0x91: {  	s18 =	sld [smem:$0x3FC8]  }
0x92: {  	s4 =	sld [smem:$0x3FC4]  }
0x93: {  	s5 =	sld [smem:$0x3FC3];
	(tm) =	ssettm $0x1  }
0x94: {  	s6 =	sld [smem:$0x3FFB];
	_ =	sdelay $0x3  }
0x95: {  	_ =	strace s6  }
0x96: {  	s6 =	sld [smem:$0x3FFC];
	_ =	sdelay $0x3  }
0x97: {  	_ =	strace s6  }
0x98: {  	s6 =	sld [smem:$0x3FFD];
	_ =	sdelay $0x3  }
0x99: {  	_ =	strace s6  }
0x9a: {  	_ =	strace $0x8FFFFFFF  }
0x9b: {  	s19 =	sld [smem:$0x3FDB];
	_ =	sdelay $0x1  }
0x9c: {  	s7 =	simm.s32 $_scs_section_size  }
0x9d: {  	s8 =	simm.s32 $_size__tile_overlayer_lowered;
	s9 =	simm.s32 $_tile_overlayer_lowered  }
0x9e: {  	s22 =	simm.s32 $0x1BFF;
	s21 =	sshll.u32 s9, $0x1;
	s6 =	sadd.s32 s7, s19  }
0x9f: {  	s10 =	simm.s32 $0x0;
	s20 =	sshll.u32 s8, $0x1;
	s8 =	sadd.s32 s21, s6  }
0xa0: {  	[timem:s10], [sflag:s22] =	dma.local [hbm:s8], s20  }
0xa1: {  	_ =	swait.ge [sflag:s22], s20  }
0xa2: {  	s7 =	ssub.s32 $0x0, s20;
	[sflag:s22] =	ssyncset.done $0x0  }
0xa3: {  	[sflag:s22] =	ssyncadd.s32 s7;
	_ =	sdelay $0x1  }
0xa4: {  	s23 =	simm.s32 $0x1B8B  }
0xa5: {  	_ =	swait.ge [sflag:s23], $0x1  }
0xa6: {  	[sflag:s23] =	ssyncset.done $0x0  }
0xa7: {  	s25 =	simm.s32 $0x1B8E;
	s24 =	sld [smem:$0x3FFE];
	[sflag:s23] =	ssyncadd.s32 $0xFFFFFFFF  }
0xa8: {  	s26 =	simm.s32 $execute0_lowered;
	[smem:$0x3FD2] =	sst s25  }
0xa9: {  	s8 =	sshll.u32 s26, $0x1;
	_ =	strace $0x80000049;
	[dreg:$0x1] =	wrdreg $0xFFFFFFFF  }
0xaa: {  	s28 =	simm.s32 $_size_execute0_lowered;
	s6 =	sadd.s32 s6, s8;
	[dreg:$0x0] =	wrdreg $0x0  }
0xab: {  	s8 =	sshll.u32 s28, $0x1;
	[dreg:$0x2] =	wrdreg s6  }
0xac: {  	[dreg:$0x3] =	wrdreg s8  }
0xad: {  	[dreg:$0x4] =	wrdreg $0xC0  }
0xae: {  	_ =	task [dreg:s10], $0x5FFFF  }
0xaf: {  	[dreg:$0x1] =	wrdreg $0xFFFFFFFF  }
0xb0: {  	[dreg:$0x0] =	wrdreg $0x60  }
0xb1: {  	[dreg:$0x2] =	wrdreg s24  }
0xb2: {  	[dreg:$0x3] =	wrdreg s2  }
0xb3: {  	[dreg:$0x4] =	wrdreg s18  }
0xb4: {  	[dreg:$0x5] =	wrdreg s4  }
0xb5: {  	[dreg:$0x6] =	wrdreg s5  }
0xb6: {  	[dreg:$0x7] =	wrdreg $0x9  }
0xb7: {  	_ =	task.clear_ibuf [dreg:s10], $0x8FFFF;
	_ =	strace $0x90000049  }
0xb8: {  	s29 =	simm.s32 $0x9;
	_ =	strace $0x8000004B  }
0xb9: {  	_ =	swait.ge [sflag:s29], $0x1  }
0xba: {  	[sflag:s29] =	ssyncadd.s32 $0xFFFFFFFF  }
0xbb: {  	_ =	strace $0x9000004B  }
0xbc: {  	_ =	sfence  }
0xbd: {  	s30 =	sld [smem:$0x0];
	_ =	sdelay $0x2  }
0xbe: {  	s31 =	sshll.u32 s1, $0xD;
	s1 =	sshrl.u32 s1, $0x2  }
0xbf: {  	s3 =	sand.u32 $0x4000, s31;
	s1 =	sadd.s32 s1, s30  }
0xc0: {  	s0 =	sor.u32 s3, s0;
	s1 =	sshll.u32 s1, $0x11  }
0xc1: {  	s0 =	sor.u32 s1, s0  }
0xc2: {  	s0 =	sadd.s32 $0x8F2B, s0  }
0xc3: {  	[sflag:s0] =	ssyncadd.remote.s32 $0x1  }
0xc4: {  	_ =	sfence.sel $0xFFFF  }
0xc5: {  	[dreg:$0x0] =	wrdreg $0xFFFFFFFF;
	(pc) =	sbr.abs _section_cstart, $3  }
0xc6: {  	[dreg:$0x1] =	wrdreg $0xFFFFFFFF  }
0xc7: {  	_ =	task.clear_ibuf [dreg:s10], $0x2FFFF;
	_ =	strace $0x9FFFFFFF  }
0xc8: {  	(tm) =	ssettm $0x7FFFFFFF  }
0xc9: {  	_ =	shalt  }
tec
execute0_lowered:
.L_overlay_start_1:
0x0: {  	(tag) =	ssettag $0x1  }
0x1: {  	s5 =	rddreg [dreg:$0x0]  }
0x2: {  	s6 =	rddreg [dreg:$0x1]  }
0x3: {  	s7 =	rddreg [dreg:$0x2]  }
0x4: {  	s2 =	rddreg [dreg:$0x3];
	s1 =	srdreg.scid  }
0x5: {  	s0 =	stileid.u32;
	s3 =	rddreg [dreg:$0x4];
	s4 =	simm.s32 $0x0  }
0x6: {  	s13 =	simm.s32 $0x1;
	s14 =	simm.s32 $0x840;
	s15 =	simm.s32 $0x8840  }
0x7: {  	s16 =	simm.s32 $0x10840;
	s8 =	sand.u32 $0x1, s1;
	s1 =	rddreg [dreg:$0x5]  }
0x8: {  	s17 =	simm.s32 $0x0;
	s9 =	sshll.u32 s0, $0x1;
	[smem:$0x7FF] =	sst s4  }
0x9: {  	s9 =	sor.u32 s8, s9;
	_ =	strace $0x8000004A;
	s8 =	ssub.s32 $0x2, s8  }
0xa: {  	s10 =	sshll.u32 s9, $0xC;
	s11 =	sshll.u32 s9, $0xA;
	s12 =	sshrl.u32 s8, $0x1  }
0xb: {  	s9 =	sshll.u32 s9, $0x6;
	s10 =	sadd.s32 s10, s5;
	s11 =	sadd.s32 s11, s5  }
0xc: {  	s12 =	ssub.s32 s8, s12;
	s5 =	sadd.s32 s6, s9;
	s6 =	sadd.s32 s7, s9  }
0xd: {  	s7 =	sadd.s32 $0x1800, s10;
	s8 =	sadd.s32 $0x21800, s10;
	s9 =	sadd.s32 $0x41800, s11  }
0xe: {  	v0 =	vimm.s32 $0x0;
	vm0 =	vmmov $0x1;
	s10 =	smax.u32 s12, $0x1;
	s11 =	simm.s32 $0x2;
	s12 =	simm.s32 $0x210  }
.LBB2_1:
0xf: {  	[tilespmem:s4], [sflag:$0x2] =	stream.linear.gather [hbm4b:s5+s4], $0x200, $0x38;
	[tilespmem:$0x12840] =	vst v63  }
0x10: {  	_ =	swait.ge [sflag:s11], $0x200  }
0x11: {  	[sflag:s11] =	ssyncset.done $0x0  }
0x12: {  	[sflag:s11] =	ssyncadd.s32 $0xFFFFFE00  }
0x13: {  	[tilespmem:s12], [sflag:$0x2] =	stream.linear.gather [hbm4b:s6+s4], $0x200, $0x38;
	[tilespmem:$0x12840] =	vst v63  }
0x14: {  	_ =	swait.ge [sflag:s11], $0x200  }
0x15: {  	[sflag:s11] =	ssyncset.done $0x0  }
0x16: {  	[sflag:s11] =	ssyncadd.s32 $0xFFFFFE00  }
0x17: {  	[tilespmem:$0x200] =	vst v0  }
0x18: {  	s18 =	simm.s32 $0x420;
	[tilespmem:$0x410] =	vst v0  }
0x19: {  	[tilespmem:s18], [sflag:$0x1] =	stream.indirect.gather [hbm4b:s2+s12], $0x1, s4, s12, $0xb8;
	[tilespmem:$0x12840] =	vst v63  }
0x1a: {  	_ =	swait.ge [sflag:s13], $0x210  }
0x1b: {  	[sflag:s13] =	ssyncset.done $0x0  }
0x1c: {  	s19 =	simm.s32 $0x630;
	[sflag:s13] =	ssyncadd.s32 $0xFFFFFDF0  }
0x1d: {  	[tilespmem:s19], [sflag:$0x1] =	stream.indirect.gather [hbm4b:s3+s12], $0x1, s12, s12, $0xb8;
	[tilespmem:$0x12840] =	vst v63  }
0x1e: {  	_ =	swait.ge [sflag:s13], $0x210  }
0x1f: {  	[sflag:s13] =	ssyncset.done $0x0  }
0x20: {  	[sflag:s13] =	ssyncadd.s32 $0xFFFFFDF0  }
0x21: {  	[tilespmem:s14], [sflag:$0x2] =	stream.linear.gather [hbm4b:s7+s4], $0x8000, $0x38;
	[tilespmem:$0x12840] =	vst v63  }
0x22: {  	_ =	swait.ge [sflag:s11], $0x8000  }
0x23: {  	[sflag:s11] =	ssyncset.done $0x0  }
0x24: {  	[sflag:s11] =	ssyncadd.s32 $0xFFFF8000  }
0x25: {  	[tilespmem:s15], [sflag:$0x2] =	stream.linear.gather [hbm4b:s8+s4], $0x8000, $0x38;
	[tilespmem:$0x12840] =	vst v63  }
0x26: {  	_ =	swait.ge [sflag:s11], $0x8000  }
0x27: {  	[sflag:s11] =	ssyncset.done $0x0  }
0x28: {  	[sflag:s11] =	ssyncadd.s32 $0xFFFF8000  }
0x29: {  	v1 =	vld [tilespmem:s18+$0x0]  }
0x2a: {  	v2 =	vld [tilespmem:s19+$0x0];
	_ =	sdelay $0x3  }
0x2b: {  	(v2sf) =	vpush v1, $0x0  }
0x2c: {  	(v2sf) =	vpush v2, $0x0  }
0x2d: {  	s19 =	simm.s32 $0x8860  }
0x2e: {  	s18 =	simm.s32 $0x860;
	v1 =	vld [tilespmem:s19+$0xFFFFFFE0]  }
0x2f: {  	v2 =	vld [tilespmem:s18+$0xFFFFFFE0]  }
0x30: {  	v3 =	vld [tilespmem:s18+$0xFFFFFFF0]  }
0x31: {  	v4 =	vld [tilespmem:s19+$0xFFFFFFF0]  }
0x32: {  	v5 =	vld [tilespmem:s18+$0x0]  }
0x33: {  	v6 =	vld [tilespmem:s19+$0x0]  }
0x34: {  	v7 =	vld [tilespmem:s19+$0x10];
	v1 =	vmul.f32 v1, v2  }
0x35: {  	v2 =	vld [tilespmem:s18+$0x10]  }
0x36: {  	v3 =	vmul.f32 v4, v3;
	v1 =	vadd.f32 $0.0e+00, v1;
	_ =	sdelay $0x1  }
0x37: {  	v1 =	vadd.f32 v3, v1;
	v3 =	vmul.f32 v6, v5;
	_ =	sdelay $0x1  }
0x38: {  	v2 =	vmul.f32 v7, v2;
	v1 =	vadd.f32 v3, v1;
	s20 =	spop (v2sf)  }
0x39: {  	s21 =	spop (v2sf)  }
0x3a: {  	v1 =	vadd.f32 v2, v1;
	s20 =	sadd.f32 s21, s20;
	_ =	sdelay $0x1  }
0x3b: {  	v2 =	vadd.f32 s20, v1;
	_ =	sdelay $0x1  }
0x3c: {  	s31 =	sand.u32 $0x1FF0, s4;
	v1 =	vsel vm0, v2, v1  }
0x3d: {  	s21 =	simm.s32 $0x421;
	[tilespmem:s31+$0x10840] =	vst v1  }
0x3e: {  	s22 =	simm.s32 $0x631;
	v1 =	vld [tilespmem:s21+$0x0]  }
0x3f: {  	s23 =	simm.s32 $0x20;
	s20 =	simm.s32 $0x10;
	v2 =	vld [tilespmem:s22+$0x0]  }
.LBB2_2:
0x40: {  	p0 =	sne.s32 s23, $0x1FF0;
	_ =	sdelay $0x2  }
0x41: {  	(v2sf) =	vpush v1, $0x0  }
0x42: {  	(v2sf) =	vpush v2, $0x0  }
0x43: {  	s19 =	sadd.s32 $0x40, s19  }
0x44: {  	s18 =	sadd.s32 $0x40, s18;
	v1 =	vld [tilespmem:s19+$0xFFFFFFE0]  }
0x45: {  	v2 =	vld [tilespmem:s18+$0xFFFFFFE0]  }
0x46: {  	v3 =	vld [tilespmem:s18+$0xFFFFFFF0]  }
0x47: {  	v4 =	vld [tilespmem:s19+$0xFFFFFFF0]  }
0x48: {  	v5 =	vld [tilespmem:s18+$0x0]  }
0x49: {  	v6 =	vld [tilespmem:s19+$0x0]  }
0x4a: {  	v1 =	vmul.f32 v1, v2;
	v2 =	vld [tilespmem:s18+$0x10]  }
0x4b: {  	v7 =	vld [tilespmem:s19+$0x10]  }
0x4c: {  	v1 =	vadd.f32 $0.0e+00, v1;
	v3 =	vmul.f32 v4, v3;
	_ =	sdelay $0x1  }
0x4d: {  	v1 =	vadd.f32 v3, v1;
	v3 =	vmul.f32 v6, v5;
	_ =	sdelay $0x1  }
0x4e: {  	v1 =	vadd.f32 v3, v1;
	v2 =	vmul.f32 v7, v2;
	s24 =	spop (v2sf)  }
0x4f: {  	s25 =	spop (v2sf)  }
0x50: {  	v1 =	vadd.f32 v2, v1;
	s24 =	sadd.f32 s25, s24;
	_ =	sdelay $0x1  }
0x51: {  	v2 =	vadd.f32 s24, v1  }
.Ltmp0:
0x52: {  	(pc) =	sbr.rel @p0 .LBB2_2-.Ltmp0, $4  }
0x53: {  	s24 =	sand.u32 $0x1FF0, s20;
	s20 =	smov.u32 s23;
	v1 =	vsel vm0, v2, v1  }
0x54: {  	s21 =	sadd.s32 $0x1, s21;
	[tilespmem:s24+$0x10840] =	vst v1  }
0x55: {  	s22 =	sadd.s32 $0x1, s22;
	v1 =	vld [tilespmem:s21+$0x0]  }
0x56: {  	s23 =	sadd.s32 $0x10, s23;
	v2 =	vld [tilespmem:s22+$0x0]  }
0x57: {  	_ =	sdelay $0x2  }
0x58: {  	(v2sf) =	vpush v1, $0x0  }
0x59: {  	(v2sf) =	vpush v2, $0x0  }
0x5a: {  	s19 =	sadd.s32 $0x40, s19  }
0x5b: {  	s18 =	sadd.s32 $0x40, s18;
	v1 =	vld [tilespmem:s19+$0xFFFFFFE0]  }
0x5c: {  	v2 =	vld [tilespmem:s18+$0xFFFFFFE0]  }
0x5d: {  	v3 =	vld [tilespmem:s18+$0xFFFFFFF0]  }
0x5e: {  	v4 =	vld [tilespmem:s19+$0xFFFFFFF0]  }
0x5f: {  	v5 =	vld [tilespmem:s18+$0x0]  }
0x60: {  	v6 =	vld [tilespmem:s19+$0x0]  }
0x61: {  	v7 =	vld [tilespmem:s19+$0x10];
	v1 =	vmul.f32 v1, v2  }
0x62: {  	v2 =	vld [tilespmem:s18+$0x10]  }
0x63: {  	v3 =	vmul.f32 v4, v3;
	v1 =	vadd.f32 $0.0e+00, v1;
	_ =	sdelay $0x1  }
0x64: {  	v1 =	vadd.f32 v3, v1;
	v3 =	vmul.f32 v6, v5;
	_ =	sdelay $0x1  }
0x65: {  	v2 =	vmul.f32 v7, v2;
	v1 =	vadd.f32 v3, v1;
	s29 =	spop (v2sf)  }
0x66: {  	s30 =	spop (v2sf)  }
0x67: {  	v1 =	vadd.f32 v2, v1;
	s18 =	sadd.f32 s30, s29;
	_ =	sdelay $0x1  }
0x68: {  	v2 =	vadd.f32 s18, v1  }
0x69: {  	s17 =	sadd.s32 $0x1, s17  }
0x6a: {  	s31 =	sand.u32 $0x1FF0, s20;
	p0 =	sne.s32 s17, s10;
	v1 =	vsel vm0, v2, v1  }
.Ltmp1:
0x6b: {  	[tilespmem:s31+$0x10840] =	vst v1;
	(pc) =	sbr.rel @p0 .LBB2_1-.Ltmp1, $4  }
0x6c: {  	[hbm4b:s9+s4] =	stream.linear.scatter [tilespmem:s16], [sflag:$0x2], $0x2000, $0x38;
	[tilespmem:$0x12840] =	vst v63  }
0x6d: {  	_ =	swait.ge [sflag:s11], $0x2000  }
0x6e: {  	[sflag:s11] =	ssyncset.done $0x0  }
0x6f: {  	[sflag:s11] =	ssyncadd.s32 $0xFFFFE000  }
0x70: {  	_ =	sfence.sel $0x180000  }
0x71: {  	[bflag:$0x0] =	sbarrier.arrive $0xFFFF  }
0x72: {  	p0 =	sne.s32 s0, $0x0;
	_ =	strace $0x9000004A  }
0x73: {  	s0 =	sadd.s32 @!p0 $0x100000, s1;
	[bflag:$0x2] =	sbarrier.arrive $0xFFFF  }
0x74: {  	[sflag:s0] =	ssyncadd.tile.s32 @!p0 $0x1;
	_ =	shalt  }
.Lfunc_end2:
_tile_overlayer_lowered:
.L_overlay_start_2:
0x75: {  	(tag) =	ssettag $0x2  }
0x76: {  	s0 =	rddreg [dreg:$0x0];
	s2 =	stileid.u32  }
0x77: {  	s1 =	rddreg [dreg:$0x1];
	p0 =	sne.s32 s2, $0x0  }
0x78: {  	s3 =	rddreg [dreg:$0x2];
	[bflag:$0x3] =	sbarrier.arrive $0xFFFF;
	s2 =	simm.s32 @!p0 $0x1C02  }
0x79: {  	[timem:s3], [sflag:s2] =	dma.local @!p0 [hbm:s0], s1  }
0x7a: {  	s0 =	simm.s32 @!p0 $0x2  }
0x7b: {  	_ =	swait.ge @!p0 [sflag:s0], s1  }
0x7c: {  	s1 =	ssub.s32 @!p0 $0x0, s1;
	[sflag:s0] =	ssyncset.done @!p0 $0x0  }
0x7d: {  	[sflag:s0] =	ssyncadd.s32 @!p0 s1  }
0x7e: {  	[bflag:$0x3] =	sbarrier.arrive $0xFFFF  }
0x7f: {  	_ =	shalt  }

</sc_bundles>
